<compile_context>
chip_gen: v7x
topology: tpu7x:2x2x1
jax: 0.10.2.dev20260603
libtpu: 0.0.44.dev20260713+nightly
codegen_flags: <defaults>
</compile_context>

<pallas_src>
import functools

import jax
import jax.numpy as jnp
from jax import lax
from jax.experimental import pallas as pl
from jax.experimental.pallas import tpu as pltpu
from jax.experimental.pallas import tpu_sc as plsc

_N = 10000
_E = 320000
_G = 64
_FIN = 128
_NC = 2
_NS = 16
_NW = _NC * _NS
_CH = 128
_F = 128

_NR = 5056
_ACC = 5120
_ZROWS = 64
_CPT = 312

_EPW = _E // _NW
_NCH_E = -(-_EPW // _CH)
_EPS = _E // _NS
_NCH_C = -(-_EPS // _CH)
_NCH_P = 3
_PB = 312
_HP = 10112

_BR = 1000


def _vsmesh():
    return plsc.VectorSubcoreMesh(core_axis_name="c", subcore_axis_name="s",
                                  num_cores=_NC, num_subcores=_NS)


def _fill(buf, rows, width, value):
    @pl.loop(0, rows)
    def _(i):
        @pl.loop(0, width // 16)
        def _(j):
            buf[i, pl.ds(j * 16, 16)] = jnp.full((16,), value, jnp.float32)


def _zero_slice(acc, zbuf, base, nrows):
    nfull, rem = nrows // _ZROWS, nrows % _ZROWS
    if nfull:
        @pl.loop(0, nfull)
        def _(k):
            pltpu.sync_copy(zbuf, acc.at[pl.ds(base + k * _ZROWS, _ZROWS)])
    if rem:
        pltpu.sync_copy(zbuf.at[pl.ds(0, rem)],
                        acc.at[pl.ds(base + nfull * _ZROWS, rem)])


def _copy_out(acc, zbuf, out, src_base, dst_base, nrows):
    nfull, rem = nrows // _ZROWS, nrows % _ZROWS
    if nfull:
        @pl.loop(0, nfull)
        def _(k):
            pltpu.sync_copy(acc.at[pl.ds(src_base + k * _ZROWS, _ZROWS)], zbuf)
            pltpu.sync_copy(zbuf, out.at[pl.ds(dst_base + k * _ZROWS, _ZROWS)])
    if rem:
        b = nfull * _ZROWS
        pltpu.sync_copy(acc.at[pl.ds(src_base + b, rem)],
                        zbuf.at[pl.ds(0, rem)])
        pltpu.sync_copy(zbuf.at[pl.ds(0, rem)],
                        out.at[pl.ds(dst_base + b, rem)])


@functools.cache
def _make_agg(nph):

    @functools.partial(
        pl.kernel,
        out_type=jax.ShapeDtypeStruct((nph * _HP, _F), jnp.float32),
        mesh=_vsmesh(),
        scratch_types=[
            pltpu.VMEM((_NCH_C, _CH), jnp.int32),
            pltpu.VMEM((_NCH_C, _CH), jnp.int32),
            pltpu.VMEM((_CH, _F), jnp.float32),
            pltpu.VMEM((_CH, _F), jnp.float32),
            pltpu.VMEM((_ZROWS, _F), jnp.float32),
            pltpu.VMEM((_ZROWS, _F), jnp.float32),
            pltpu.VMEM_SHARED((_ACC, _F), jnp.float32),
            pltpu.SemaphoreType.DMA,
            pltpu.SemaphoreType.DMA,
        ],
    )
    def agg(table, src_idx, dst_idx, out, sidx, didx, buf0, buf1,
            zbuf, cobuf, acc, sem0, sem1):
        c = lax.axis_index("c")
        s = lax.axis_index("s")
        wid = s * _NC + c
        pltpu.sync_copy(src_idx.at[wid], sidx)
        pltpu.sync_copy(dst_idx.at[wid], didx)
        _fill(zbuf, _ZROWS, _F, 0.0)

        lo = c * _NR

        @pl.loop(0, _NCH_C)
        def _(r):
            @pl.loop(0, _CH // 16)
            def _(q):
                sl = pl.ds(q * 16, 16)
                d = didx[r, sl]
                t = d - lo
                ok = (t >= 0) & (t < _NR)
                didx[r, sl] = jnp.where(ok, t, _NR + (d & 63))

        for p in range(nph):
            if p:
                @pl.loop(0, _NCH_C)
                def _(r):
                    @pl.loop(0, _CH // 16)
                    def _(q):
                        sl = pl.ds(q * 16, 16)
                        sidx[r, sl] = sidx[r, sl] + _N

            _zero_slice(acc, zbuf, s * (_ACC // _NS), _ACC // _NS)
            plsc.subcore_barrier()

            pltpu.async_copy(table.at[sidx.at[0]], buf0, sem0)

            @pl.loop(0, (_NCH_C - 1) // 2)
            def _(k):
                j0 = 2 * k
                pltpu.async_copy(table.at[sidx.at[j0 + 1]], buf1, sem1)
                pltpu.make_async_copy(
                    table.at[sidx.at[j0]], buf0, sem0).wait()
                pltpu.sync_copy(buf0, acc.at[didx.at[j0]], add=True)
                pltpu.async_copy(table.at[sidx.at[j0 + 2]], buf0, sem0)
                pltpu.make_async_copy(
                    table.at[sidx.at[j0 + 1]], buf1, sem1).wait()
                pltpu.sync_copy(buf1, acc.at[didx.at[j0 + 1]], add=True)

            pltpu.make_async_copy(
                table.at[sidx.at[_NCH_C - 1]], buf0, sem0).wait()
            pltpu.sync_copy(buf0, acc.at[didx.at[_NCH_C - 1]], add=True)

            plsc.subcore_barrier()
            base = p * _HP + c * _NR
            _copy_out(acc, cobuf, out, s * _CPT, base + s * _CPT, _CPT)

            @pl.when(s == _NS - 1)
            def _():
                _copy_out(acc, cobuf, out, _NS * _CPT, base + _NS * _CPT, 64)

            if p + 1 < nph:
                plsc.subcore_barrier()

    return agg


def _make_deg():
    @functools.partial(
        pl.kernel,
        out_type=jax.ShapeDtypeStruct((_HP, _F), jnp.float32),
        mesh=_vsmesh(),
        scratch_types=[
            pltpu.VMEM((_NCH_C, _CH), jnp.int32),
            pltpu.VMEM((_CH, _F), jnp.float32),
            pltpu.VMEM((_ZROWS, _F), jnp.float32),
            pltpu.VMEM_SHARED((_ACC, _F), jnp.float32),
        ],
    )
    def deg(dst_idx, out, didx, ones, zbuf, acc):
        c = lax.axis_index("c")
        s = lax.axis_index("s")
        wid = s * _NC + c
        pltpu.sync_copy(dst_idx.at[wid], didx)
        _fill(ones, _CH, _F, 1.0)
        _fill(zbuf, _ZROWS, _F, 0.0)

        lo = c * _NR

        @pl.loop(0, _NCH_C)
        def _(r):
            @pl.loop(0, _CH // 16)
            def _(q):
                sl = pl.ds(q * 16, 16)
                d = didx[r, sl]
                t = d - lo
                ok = (t >= 0) & (t < _NR)
                didx[r, sl] = jnp.where(ok, t, _NR + (d & 63))

        _zero_slice(acc, zbuf, s * (_ACC // _NS), _ACC // _NS)
        plsc.subcore_barrier()

        @pl.loop(0, _NCH_C)
        def _(j):
            pltpu.sync_copy(ones, acc.at[didx.at[j]], add=True)

        plsc.subcore_barrier()
        _copy_out(acc, zbuf, out, s * _CPT, c * _NR + s * _CPT, _CPT)

        @pl.when(s == _NS - 1)
        def _():
            _copy_out(acc, zbuf, out, _NS * _CPT, c * _NR + _NS * _CPT, 64)

    return deg


def _make_pool():
    pacc = 128

    @functools.partial(
        pl.kernel,
        out_type=(jax.ShapeDtypeStruct((_NC * _G, _F), jnp.float32),
                  jax.ShapeDtypeStruct((_NC * _G, _F), jnp.float32)),
        mesh=_vsmesh(),
        scratch_types=[
            pltpu.VMEM((_NCH_P, _CH), jnp.int32),
            pltpu.VMEM((_CH, _F), jnp.float32),
            pltpu.VMEM((_CH, _F), jnp.float32),
            pltpu.VMEM((_ZROWS, _F), jnp.float32),
            pltpu.VMEM_SHARED((pacc, _F), jnp.float32),
            pltpu.VMEM_SHARED((pacc, _F), jnp.float32),
        ],
    )
    def pool(h, bidx_in, sums_out, cnt_out, bidx, buf, ones, zbuf, sacc, cacc):
        c = lax.axis_index("c")
        s = lax.axis_index("s")
        wid = s * _NC + c
        pltpu.sync_copy(bidx_in.at[wid], bidx)
        _fill(ones, _CH, _F, 1.0)
        _fill(zbuf, _ZROWS, _F, 0.0)
        _zero_slice(sacc, zbuf, s * (pacc // _NS), pacc // _NS)
        _zero_slice(cacc, zbuf, s * (pacc // _NS), pacc // _NS)
        plsc.subcore_barrier()

        r0 = wid * _PB

        @pl.loop(0, _NCH_P)
        def _(j):
            pltpu.sync_copy(h.at[pl.ds(r0 + j * _CH, _CH)], buf)
            pltpu.sync_copy(buf, sacc.at[bidx.at[j]], add=True)
            pltpu.sync_copy(ones, cacc.at[bidx.at[j]], add=True)

        plsc.subcore_barrier()

        @pl.when(s == 0)
        def _():
            pltpu.sync_copy(sacc.at[pl.ds(0, _G)], zbuf)
            pltpu.sync_copy(zbuf, sums_out.at[pl.ds(c * _G, _G)])
            pltpu.sync_copy(cacc.at[pl.ds(0, _G)], zbuf)
            pltpu.sync_copy(zbuf, cnt_out.at[pl.ds(c * _G, _G)])

    return pool


_deg_call = _make_deg()
_pool_call = _make_pool()


def _rowspec(width=_F):
    return pl.BlockSpec((_BR, width), lambda i: (i, 0))


def _fullspec(shape):
    nd = len(shape)
    return pl.BlockSpec(shape, lambda i: (0,) * nd)


def _pairspec():
    return pl.BlockSpec((_NC, _BR, _F), lambda i: (0, i, 0))


def _tc_mm(x, W1, Wlin, blin):
    def body(xr, w1, wl, bl, xw_o, id_o):
        xv = xr[...]
        xw_o[...] = jnp.dot(xv, w1[...], preferred_element_type=jnp.float32)
        id_o[...] = (jnp.dot(xv, wl[...], preferred_element_type=jnp.float32)
                     + bl[...])

    return pl.pallas_call(
        body,
        grid=(_N // _BR,),
        in_specs=[_rowspec(), _fullspec((_FIN, _F)), _fullspec((_FIN, _F)),
                  _fullspec((1, _F))],
        out_specs=[_rowspec(), _rowspec()],
        out_shape=[jax.ShapeDtypeStruct((_N, _F), jnp.float32)] * 2,
    )(x, W1, Wlin, blin.reshape(1, _F))


def _tc_scale(degp, xw1):
    def body(dp, xw, s_o, xs_o):
        dv = dp[...][:_N, 0:1] + 1.0
        sv = lax.rsqrt(dv)
        s_o[...] = jnp.broadcast_to(sv, (_N, 16))
        xs_o[...] = sv * xw[...]

    return pl.pallas_call(
        body,
        out_shape=[jax.ShapeDtypeStruct((_N, 16), jnp.float32),
                   jax.ShapeDtypeStruct((_N, _F), jnp.float32)],
    )(degp, xw1)


def _tc_layer(agg, xs, s, b, W, fout):
    def body(a, xsr, sr, br, wr, o):
        sc = sr[:, 0:1]
        h = jnp.maximum(sc * (a[...] + xsr[...]) + br[...], 0.0)
        xw = sc * jnp.dot(h, wr[...], preferred_element_type=jnp.float32)
        if fout == _F:
            o[...] = xw
        else:
            o[0] = xw[:, :_F]
            o[1] = xw[:, _F:]

    out_spec = _rowspec() if fout == _F else _pairspec()
    out_shape = (jax.ShapeDtypeStruct((_N, _F), jnp.float32) if fout == _F
                 else jax.ShapeDtypeStruct((_NC, _N, _F), jnp.float32))
    return pl.pallas_call(
        body,
        grid=(_N // _BR,),
        in_specs=[_rowspec(), _rowspec(), _rowspec(16),
                  _fullspec((1, _F)), _fullspec((_F, fout))],
        out_specs=out_spec,
        out_shape=out_shape,
    )(agg, xs, s, b.reshape(1, _F), W)


def _tc_layer_cs(agg, xs, s, b, W):
    def body(a, xsr, sr, br, wr, o):
        sc = sr[:, 0:1]
        pre = jnp.concatenate([a[0] + xsr[0], a[1] + xsr[1]], axis=1)
        h = jnp.maximum(sc * pre + br[...], 0.0)
        o[...] = sc * jnp.dot(h, wr[...], preferred_element_type=jnp.float32)

    return pl.pallas_call(
        body,
        grid=(_N // _BR,),
        in_specs=[_pairspec(), _pairspec(), _rowspec(16),
                  _fullspec((1, 2 * _F)), _fullspec((2 * _F, _F))],
        out_specs=_rowspec(),
        out_shape=jax.ShapeDtypeStruct((_N, _F), jnp.float32),
    )(agg, xs, s, b.reshape(1, 2 * _F), W)


def _tc_final(agg, xs, s, b, idt):
    def body(a, xsr, sr, br, idr, o):
        sc = sr[:, 0:1]
        o[...] = sc * (a[...] + xsr[...]) + br[...] + idr[...]

    return pl.pallas_call(
        body,
        grid=(_N // _BR,),
        in_specs=[_rowspec(), _rowspec(), _rowspec(16),
                  _fullspec((1, _F)), _rowspec()],
        out_specs=_rowspec(),
        out_shape=jax.ShapeDtypeStruct((_HP, _F), jnp.float32),
    )(agg, xs, s, b.reshape(1, _F), idt)


def _tc_div(sums, cnts):
    def body(sa, ca, o):
        tot = sa[0] + sa[1]
        cnt = (ca[0] + ca[1])[:, 0:1]
        o[...] = tot / jnp.maximum(cnt, 1.0)

    return pl.pallas_call(
        body,
        out_shape=jax.ShapeDtypeStruct((_G, _F), jnp.float32),
    )(sums, cnts)


def kernel(x, edge_index, batch, W1, b1, W2, b2, W3, b3, W4, b4, Wlin, blin):
    i32 = jnp.int32
    src = edge_index[0].astype(i32)
    dst = edge_index[1].astype(i32)

    pad_c = _NCH_C * _CH - _EPS
    s16 = jnp.concatenate(
        [src.reshape(_NS, _EPS), jnp.zeros((_NS, pad_c), i32)], axis=1)
    d16 = jnp.concatenate(
        [dst.reshape(_NS, _EPS), jnp.full((_NS, pad_c), _N, i32)], axis=1)
    sw2 = jnp.stack([s16, s16], axis=1).reshape(_NW, _NCH_C, _CH)
    dw2 = jnp.stack([d16, d16], axis=1).reshape(_NW, _NCH_C, _CH)

    w = jnp.arange(_NW, dtype=i32)
    base = w * _PB
    cnt = jnp.where(w == _NW - 1, _N - (_NW - 1) * _PB, _PB)
    k = jnp.arange(_NCH_P * _CH, dtype=i32)
    pos = base[:, None] + k[None, :]
    bp = jnp.where(k[None, :] < cnt[:, None],
                   batch.astype(i32)[jnp.clip(pos, 0, _N - 1)],
                   _G).reshape(_NW, _NCH_P, _CH)

    agg1 = _make_agg(1)
    agg2 = _make_agg(2)

    degp = _deg_call(dw2)
    xw1, idt = _tc_mm(x, W1, Wlin, blin)
    sN, xs1 = _tc_scale(degp, xw1)

    a1 = agg1(xs1, sw2, dw2)
    xs2 = _tc_layer(a1, xs1, sN, b1, W2, _F)
    a2 = agg1(xs2, sw2, dw2)
    xs3 = _tc_layer(a2, xs2, sN, b2, W3, 2 * _F)
    a3 = agg2(xs3.reshape(2 * _N, _F), sw2, dw2).reshape(_NC, _HP, _F)
    xs4 = _tc_layer_cs(a3, xs3, sN, b3, W4)
    a4 = agg1(xs4, sw2, dw2)
    hp = _tc_final(a4, xs4, sN, b4, idt)

    sums, cnts = _pool_call(hp, bp)
    return _tc_div(sums.reshape(_NC, _G, _F), cnts.reshape(_NC, _G, _F))

# --- scband reference (transcript-rebuilt; emitter-appended) ---
"""Pipeline reference for scband-encoder-64020782514980 (READ-ONLY COPY).

The authoritative reference and input builder live on the scoring server;
editing this copy changes nothing except your own understanding.
"""

import jax, jax.numpy as jnp
import numpy as np

N = 10000
E = 320000
F_IN = 128
H = 128
G = 64


def setup_inputs(seed: int = 0) -> dict:
    key = jax.random.key(seed)
    ks = [jax.random.fold_in(key, i) for i in range(16)]
    x = jax.random.normal(ks[0], (N, F_IN), dtype=jnp.float32)
    edge_index = jax.random.randint(ks[1], (2, E), 0, N, dtype=jnp.int32)
    batch = jnp.sort(jax.random.randint(ks[2], (N,), 0, G, dtype=jnp.int32))
    def lin_w(k, fin, fout):
        return jax.random.normal(k, (fin, fout), dtype=jnp.float32) * (1.0 / np.sqrt(fin))
    W1 = lin_w(ks[3], F_IN, H); b1 = jnp.zeros((H,), jnp.float32)
    W2 = lin_w(ks[4], H, H); b2 = jnp.zeros((H,), jnp.float32)
    W3 = lin_w(ks[5], H, 2 * H); b3 = jnp.zeros((2 * H,), jnp.float32)
    W4 = lin_w(ks[6], 2 * H, H); b4 = jnp.zeros((H,), jnp.float32)
    Wlin = lin_w(ks[7], F_IN, H); blin = jnp.zeros((H,), jnp.float32)
    return {"x": x, "edge_index": edge_index, "batch": batch,
            "W1": W1, "b1": b1, "W2": W2, "b2": b2,
            "W3": W3, "b3": b3, "W4": W4, "b4": b4,
            "Wlin": Wlin, "blin": blin}


def _gcn_conv(x, src, dst, W, b, num_nodes):
    # PyG GCNConv: x' = D^{-1/2} (A + I) D^{-1/2} (x W) + b  (self-loops already in src/dst)
    xw = x @ W
    deg = jax.ops.segment_sum(jnp.ones(src.shape[0], dtype=x.dtype), dst, num_segments=num_nodes)
    dinv = jnp.where(deg > 0, deg ** -0.5, 0.0)
    norm = dinv[src] * dinv[dst]
    msg = norm[:, None] * xw[src]
    out = jax.ops.segment_sum(msg, dst, num_segments=num_nodes)
    return out + b


def reference(x, edge_index, batch, W1, b1, W2, b2, W3, b3, W4, b4, Wlin, blin):
    num_nodes = x.shape[0]
    loop = jnp.arange(num_nodes, dtype=edge_index.dtype)
    src = jnp.concatenate([edge_index[0], loop])
    dst = jnp.concatenate([edge_index[1], loop])
    identity = x
    h = jax.nn.relu(_gcn_conv(x, src, dst, W1, b1, num_nodes))
    h = jax.nn.relu(_gcn_conv(h, src, dst, W2, b2, num_nodes))
    h = jax.nn.relu(_gcn_conv(h, src, dst, W3, b3, num_nodes))
    h = _gcn_conv(h, src, dst, W4, b4, num_nodes)
    identity = identity @ Wlin + blin
    h = h + identity
    # global_mean_pool over batch ids
    sums = jax.ops.segment_sum(h, batch, num_segments=G)
    counts = jax.ops.segment_sum(jnp.ones((num_nodes,), dtype=h.dtype), batch, num_segments=G)
    pooled = sums / jnp.clip(counts, 1.0)[:, None]
    return pooled

if __name__ == "__main__":
    import jax
    _d = setup_inputs()
    print(jax.jit(kernel)(*tuple(_d.values())))

</pallas_src>

<mosaic_0001>
#map = affine_map<(d0, d1) -> (0, 0)>
#map1 = affine_map<(d0, d1) -> (0, 0, 0)>
module attributes {stable_mosaic.version = 14 : i64} {
  func.func @agg(%arg0: i32, %arg1: i32, %arg2: memref<20000x128xf32, #tpu.memory_space<hbm>>, %arg3: memref<32x157x128xi32, #tpu.memory_space<hbm>>, %arg4: memref<32x157x128xi32, #tpu.memory_space<hbm>>, %arg5: memref<20224x128xf32, #tpu.memory_space<hbm>>, %arg6: memref<157x128xi32, #tpu.memory_space<vmem>>, %arg7: memref<157x128xi32, #tpu.memory_space<vmem>>, %arg8: memref<128x128xf32, #tpu.memory_space<vmem>>, %arg9: memref<128x128xf32, #tpu.memory_space<vmem>>, %arg10: memref<64x128xf32, #tpu.memory_space<vmem>>, %arg11: memref<64x128xf32, #tpu.memory_space<vmem>>, %arg12: memref<5120x128xf32, #tpu.memory_space<vmem_shared>>, %arg13: memref<!tpu.dma_semaphore, #tpu.memory_space<semaphore_mem>>, %arg14: memref<!tpu.dma_semaphore, #tpu.memory_space<semaphore_mem>>) attributes {dimension_semantics = [#tpu.dimension_semantics<core_parallel>, #tpu.dimension_semantics<subcore_parallel>], iteration_bounds = array<i64: 2, 16>, scalar_prefetch = 0 : i64, scratch_operands = 9 : i64, tpu.core_type = #tpu.core_type<sc_vector_subcore>, window_params = [{transform_indices = #map}, {transform_indices = #map1}, {transform_indices = #map1}, {transform_indices = #map}]} {
    %mul3A = arith.constant 2 : i32
    %mul3A_0 = arith.muli %arg1, %mul3A : i32
    %add3A = arith.addi %mul3A_0, %arg0 : i32
    "tpu.region"() ({
      %run_scoped3A_115 = tpu.sem_alloc : memref<!tpu.dma_semaphore, #tpu.memory_space<semaphore_mem>>
      %dma_start3A_116 = arith.constant 0 : i32
      %dma_start3A_117 = arith.constant 0 : i32
      %dma_start3A_118 = tpu.memref_slice %arg3[%add3A, %dma_start3A_116, %dma_start3A_117] : memref<32x157x128xi32, #tpu.memory_space<hbm>> -> memref<1x157x128xi32, #tpu.memory_space<hbm>>
      %dma_start3A_119 = tpu.memref_squeeze %dma_start3A_118 : memref<1x157x128xi32, #tpu.memory_space<hbm>> -> memref<157x128xi32, #tpu.memory_space<hbm>>
      %dma_start3A_120 = arith.constant 0 : i32
      %dma_start3A_121 = arith.constant 0 : i32
      %dma_start3A_122 = tpu.memref_slice %arg3[%add3A, %dma_start3A_120, %dma_start3A_121] : memref<32x157x128xi32, #tpu.memory_space<hbm>> -> memref<1x157x128xi32, #tpu.memory_space<hbm>>
      %dma_start3A_123 = tpu.memref_squeeze %dma_start3A_122 : memref<1x157x128xi32, #tpu.memory_space<hbm>> -> memref<157x128xi32, #tpu.memory_space<hbm>>
      tpu.enqueue_dma source(%dma_start3A_123 : memref<157x128xi32, #tpu.memory_space<hbm>>) target(%arg6 : memref<157x128xi32, #tpu.memory_space<vmem>>) target_semaphore(%run_scoped3A_115 : memref<!tpu.dma_semaphore, #tpu.memory_space<semaphore_mem>>)
      %dma_wait3A_124 = arith.constant 0 : i32
      %dma_wait3A_125 = arith.constant 0 : i32
      %dma_wait3A_126 = tpu.memref_slice %arg3[%add3A, %dma_wait3A_124, %dma_wait3A_125] : memref<32x157x128xi32, #tpu.memory_space<hbm>> -> memref<1x157x128xi32, #tpu.memory_space<hbm>>
      %dma_wait3A_127 = tpu.memref_squeeze %dma_wait3A_126 : memref<1x157x128xi32, #tpu.memory_space<hbm>> -> memref<157x128xi32, #tpu.memory_space<hbm>>
      %dma_wait3A_128 = arith.constant 0 : i32
      %dma_wait3A_129 = arith.constant 0 : i32
      %dma_wait3A_130 = tpu.memref_slice %arg3[%add3A, %dma_wait3A_128, %dma_wait3A_129] : memref<32x157x128xi32, #tpu.memory_space<hbm>> -> memref<1x157x128xi32, #tpu.memory_space<hbm>>
      %dma_wait3A_131 = tpu.memref_squeeze %dma_wait3A_130 : memref<1x157x128xi32, #tpu.memory_space<hbm>> -> memref<157x128xi32, #tpu.memory_space<hbm>>
      tpu.wait_dma2 semaphore(%run_scoped3A_115 : memref<!tpu.dma_semaphore, #tpu.memory_space<semaphore_mem>>) src(%dma_wait3A_131 : memref<157x128xi32, #tpu.memory_space<hbm>>) dst(%arg6 : memref<157x128xi32, #tpu.memory_space<vmem>>)
      tpu.yield
    }) : () -> ()
    "tpu.region"() ({
      %run_scoped3A_115 = tpu.sem_alloc : memref<!tpu.dma_semaphore, #tpu.memory_space<semaphore_mem>>
      %dma_start3A_116 = arith.constant 0 : i32
      %dma_start3A_117 = arith.constant 0 : i32
      %dma_start3A_118 = tpu.memref_slice %arg4[%add3A, %dma_start3A_116, %dma_start3A_117] : memref<32x157x128xi32, #tpu.memory_space<hbm>> -> memref<1x157x128xi32, #tpu.memory_space<hbm>>
      %dma_start3A_119 = tpu.memref_squeeze %dma_start3A_118 : memref<1x157x128xi32, #tpu.memory_space<hbm>> -> memref<157x128xi32, #tpu.memory_space<hbm>>
      %dma_start3A_120 = arith.constant 0 : i32
      %dma_start3A_121 = arith.constant 0 : i32
      %dma_start3A_122 = tpu.memref_slice %arg4[%add3A, %dma_start3A_120, %dma_start3A_121] : memref<32x157x128xi32, #tpu.memory_space<hbm>> -> memref<1x157x128xi32, #tpu.memory_space<hbm>>
      %dma_start3A_123 = tpu.memref_squeeze %dma_start3A_122 : memref<1x157x128xi32, #tpu.memory_space<hbm>> -> memref<157x128xi32, #tpu.memory_space<hbm>>
      tpu.enqueue_dma source(%dma_start3A_123 : memref<157x128xi32, #tpu.memory_space<hbm>>) target(%arg7 : memref<157x128xi32, #tpu.memory_space<vmem>>) target_semaphore(%run_scoped3A_115 : memref<!tpu.dma_semaphore, #tpu.memory_space<semaphore_mem>>)
      %dma_wait3A_124 = arith.constant 0 : i32
      %dma_wait3A_125 = arith.constant 0 : i32
      %dma_wait3A_126 = tpu.memref_slice %arg4[%add3A, %dma_wait3A_124, %dma_wait3A_125] : memref<32x157x128xi32, #tpu.memory_space<hbm>> -> memref<1x157x128xi32, #tpu.memory_space<hbm>>
      %dma_wait3A_127 = tpu.memref_squeeze %dma_wait3A_126 : memref<1x157x128xi32, #tpu.memory_space<hbm>> -> memref<157x128xi32, #tpu.memory_space<hbm>>
      %dma_wait3A_128 = arith.constant 0 : i32
      %dma_wait3A_129 = arith.constant 0 : i32
      %dma_wait3A_130 = tpu.memref_slice %arg4[%add3A, %dma_wait3A_128, %dma_wait3A_129] : memref<32x157x128xi32, #tpu.memory_space<hbm>> -> memref<1x157x128xi32, #tpu.memory_space<hbm>>
      %dma_wait3A_131 = tpu.memref_squeeze %dma_wait3A_130 : memref<1x157x128xi32, #tpu.memory_space<hbm>> -> memref<157x128xi32, #tpu.memory_space<hbm>>
      tpu.wait_dma2 semaphore(%run_scoped3A_115 : memref<!tpu.dma_semaphore, #tpu.memory_space<semaphore_mem>>) src(%dma_wait3A_131 : memref<157x128xi32, #tpu.memory_space<hbm>>) dst(%arg7 : memref<157x128xi32, #tpu.memory_space<vmem>>)
      tpu.yield
    }) : () -> ()
    %scan3A = arith.constant 0 : i32
    %scan3A_1 = arith.constant 64 : i32
    %scan3A_2 = arith.addi %scan3A, %scan3A_1 : i32
    %scan3A_3 = arith.constant 1 : i32
    scf.for %scan3A_115 = %scan3A to %scan3A_2 step %scan3A_3  : i32 {
      %mul3A_116 = arith.constant 1 : i32
      %mul3A_117 = arith.muli %scan3A_115, %mul3A_116 : i32
      %add3A_118 = arith.constant 0 : i32
      %add3A_119 = arith.addi %add3A_118, %mul3A_117 : i32
      %scan3A_120 = arith.constant 0 : i32
      %scan3A_121 = arith.constant 8 : i32
      %scan3A_122 = arith.addi %scan3A_120, %scan3A_121 : i32
      %scan3A_123 = arith.constant 1 : i32
      scf.for %scan3A_125 = %scan3A_120 to %scan3A_122 step %scan3A_123  : i32 {
        %mul3A_126 = arith.constant 1 : i32
        %mul3A_127 = arith.muli %scan3A_125, %mul3A_126 : i32
        %add3A_128 = arith.constant 0 : i32
        %add3A_129 = arith.addi %add3A_128, %mul3A_127 : i32
        %broadcast_in_dim3A = arith.constant 0.000000e+00 : f32
        %broadcast_in_dim3A_130 = vector.broadcast %broadcast_in_dim3A : f32 to vector<16xf32>
        %mul3A_131 = arith.constant 16 : i32
        %mul3A_132 = arith.muli %add3A_129, %mul3A_131 : i32
        %swap3A = arith.index_cast %add3A_119 : i32 to index
        %swap3A_133 = arith.index_cast %mul3A_132 : i32 to index
        %swap3A_134 = tpu.vector_load %arg10[%swap3A, %swap3A_133] {strides = array<i32>} : memref<64x128xf32, #tpu.memory_space<vmem>>, vector<1x16xf32>,
        %swap3A_135 = vector.shape_cast %swap3A_134 : vector<1x16xf32> to vector<16xf32>
        %swap3A_136 = vector.shape_cast %broadcast_in_dim3A_130 : vector<16xf32> to vector<1x16xf32>
        tpu.vector_store %arg10[%swap3A, %swap3A_133], %swap3A_136 {strides = array<i32>} : memref<64x128xf32, #tpu.memory_space<vmem>>, vector<1x16xf32>,
      }
      %scan3A_124 = arith.constant 8 : i32
    }
    %scan3A_4 = arith.constant 64 : i32
    %mul3A_5 = arith.constant 5056 : i32
    %mul3A_6 = arith.muli %arg0, %mul3A_5 : i32
    %scan3A_7 = arith.constant 0 : i32
    %scan3A_8 = arith.constant 157 : i32
    %scan3A_9 = arith.addi %scan3A_7, %scan3A_8 : i32
    %scan3A_10 = arith.constant 1 : i32
    scf.for %scan3A_115 = %scan3A_7 to %scan3A_9 step %scan3A_10  : i32 {
      %mul3A_116 = arith.constant 1 : i32
      %mul3A_117 = arith.muli %scan3A_115, %mul3A_116 : i32
      %add3A_118 = arith.constant 0 : i32
      %add3A_119 = arith.addi %add3A_118, %mul3A_117 : i32
      %scan3A_120 = arith.constant 0 : i32
      %scan3A_121 = arith.constant 8 : i32
      %scan3A_122 = arith.addi %scan3A_120, %scan3A_121 : i32
      %scan3A_123 = arith.constant 1 : i32
      scf.for %scan3A_125 = %scan3A_120 to %scan3A_122 step %scan3A_123  : i32 {
        %mul3A_126 = arith.constant 1 : i32
        %mul3A_127 = arith.muli %scan3A_125, %mul3A_126 : i32
        %add3A_128 = arith.constant 0 : i32
        %add3A_129 = arith.addi %add3A_128, %mul3A_127 : i32
        %mul3A_130 = arith.constant 16 : i32
        %mul3A_131 = arith.muli %add3A_129, %mul3A_130 : i32
        %get3A = arith.index_cast %add3A_119 : i32 to index
        %get3A_132 = arith.index_cast %mul3A_131 : i32 to index
        %get3A_133 = tpu.vector_load %arg7[%get3A, %get3A_132] {strides = array<i32>} : memref<157x128xi32, #tpu.memory_space<vmem>>, vector<1x16xi32>,
        %get3A_134 = vector.shape_cast %get3A_133 : vector<1x16xi32> to vector<16xi32>
        %sub3A = vector.broadcast %mul3A_6 : i32 to vector<16xi32>
        %sub3A_135 = arith.subi %get3A_134, %sub3A : vector<16xi32>
        %ge3A = arith.constant 0 : i32
        %ge3A_136 = vector.broadcast %ge3A : i32 to vector<16xi32>
        %ge3A_137 = arith.cmpi sge, %sub3A_135, %ge3A_136 : vector<16xi32>
        %lt3A = arith.constant 5056 : i32
        %lt3A_138 = vector.broadcast %lt3A : i32 to vector<16xi32>
        %lt3A_139 = arith.cmpi slt, %sub3A_135, %lt3A_138 : vector<16xi32>
        %and3A = arith.andi %ge3A_137, %lt3A_139 : vector<16xi1>
        %and3A_140 = arith.constant 63 : i32
        %and3A_141 = vector.broadcast %and3A_140 : i32 to vector<16xi32>
        %and3A_142 = arith.andi %get3A_134, %and3A_141 : vector<16xi32>
        %add3A_143 = arith.constant 5056 : i32
        %add3A_144 = vector.broadcast %add3A_143 : i32 to vector<16xi32>
        %add3A_145 = arith.addi %add3A_144, %and3A_142 : vector<16xi32>
        %select_n3A = arith.select %and3A, %sub3A_135, %add3A_145 : vector<16xi1>, vector<16xi32>
        %swap3A = arith.index_cast %add3A_119 : i32 to index
        %swap3A_146 = arith.index_cast %mul3A_131 : i32 to index
        %swap3A_147 = tpu.vector_load %arg7[%swap3A, %swap3A_146] {strides = array<i32>} : memref<157x128xi32, #tpu.memory_space<vmem>>, vector<1x16xi32>,
        %swap3A_148 = vector.shape_cast %swap3A_147 : vector<1x16xi32> to vector<16xi32>
        %swap3A_149 = vector.shape_cast %select_n3A : vector<16xi32> to vector<1x16xi32>
        tpu.vector_store %arg7[%swap3A, %swap3A_146], %swap3A_149 {strides = array<i32>} : memref<157x128xi32, #tpu.memory_space<vmem>>, vector<1x16xi32>,
      }
      %scan3A_124 = arith.constant 8 : i32
    }
    %scan3A_11 = arith.constant 157 : i32
    %mul3A_12 = arith.constant 320 : i32
    %mul3A_13 = arith.muli %arg1, %mul3A_12 : i32
    %scan3A_14 = arith.constant 0 : i32
    %scan3A_15 = arith.constant 5 : i32
    %scan3A_16 = arith.addi %scan3A_14, %scan3A_15 : i32
    %scan3A_17 = arith.constant 1 : i32
    scf.for %scan3A_115 = %scan3A_14 to %scan3A_16 step %scan3A_17  : i32 {
      %mul3A_116 = arith.constant 1 : i32
      %mul3A_117 = arith.muli %scan3A_115, %mul3A_116 : i32
      %add3A_118 = arith.constant 0 : i32
      %add3A_119 = arith.addi %add3A_118, %mul3A_117 : i32
      %mul3A_120 = arith.constant 64 : i32
      %mul3A_121 = arith.muli %add3A_119, %mul3A_120 : i32
      %add3A_122 = arith.addi %mul3A_13, %mul3A_121 : i32
      "tpu.region"() ({
        %run_scoped3A_123 = tpu.sem_alloc : memref<!tpu.dma_semaphore, #tpu.memory_space<semaphore_mem>>
        %dma_start3A_124 = arith.constant 0 : i32
        %dma_start3A_125 = tpu.memref_slice %arg12[%add3A_122, %dma_start3A_124] : memref<5120x128xf32, #tpu.memory_space<vmem_shared>> -> memref<64x128xf32, #tpu.memory_space<vmem_shared>>
        %dma_start3A_126 = arith.constant 0 : i32
        %dma_start3A_127 = tpu.memref_slice %arg12[%add3A_122, %dma_start3A_126] : memref<5120x128xf32, #tpu.memory_space<vmem_shared>> -> memref<64x128xf32, #tpu.memory_space<vmem_shared>>
        tpu.enqueue_dma source(%arg10 : memref<64x128xf32, #tpu.memory_space<vmem>>) target(%dma_start3A_127 : memref<64x128xf32, #tpu.memory_space<vmem_shared>>) target_semaphore(%run_scoped3A_123 : memref<!tpu.dma_semaphore, #tpu.memory_space<semaphore_mem>>)
        %dma_wait3A_128 = arith.constant 0 : i32
        %dma_wait3A_129 = tpu.memref_slice %arg12[%add3A_122, %dma_wait3A_128] : memref<5120x128xf32, #tpu.memory_space<vmem_shared>> -> memref<64x128xf32, #tpu.memory_space<vmem_shared>>
        %dma_wait3A_130 = arith.constant 0 : i32
        %dma_wait3A_131 = tpu.memref_slice %arg12[%add3A_122, %dma_wait3A_130] : memref<5120x128xf32, #tpu.memory_space<vmem_shared>> -> memref<64x128xf32, #tpu.memory_space<vmem_shared>>
        tpu.wait_dma2 semaphore(%run_scoped3A_123 : memref<!tpu.dma_semaphore, #tpu.memory_space<semaphore_mem>>) src(%arg10 : memref<64x128xf32, #tpu.memory_space<vmem>>) dst(%dma_wait3A_131 : memref<64x128xf32, #tpu.memory_space<vmem_shared>>)
        tpu.yield
      }) : () -> ()
    }
    %scan3A_18 = arith.constant 5 : i32
    %barrier3A = arith.constant 0 : index
    tpu.barrier barrier_id(%barrier3A)
    %dma_start3A = arith.constant 0 : i32
    %dma_start3A_19 = arith.constant 0 : i32
    %dma_start3A_20 = tpu.memref_slice %arg6[%dma_start3A, %dma_start3A_19] : memref<157x128xi32, #tpu.memory_space<vmem>> -> memref<1x128xi32, #tpu.memory_space<vmem>>
    %dma_start3A_21 = tpu.memref_squeeze %dma_start3A_20 : memref<1x128xi32, #tpu.memory_space<vmem>> -> memref<128xi32, #tpu.memory_space<vmem>>
    %dma_start3A_22 = arith.constant 0 : i32
    %dma_start3A_23 = arith.constant 0 : i32
    %dma_start3A_24 = tpu.memref_slice %arg2[%dma_start3A_22, %dma_start3A_23] : memref<20000x128xf32, #tpu.memory_space<hbm>> -> memref<20000x128xf32, #tpu.memory_space<hbm>>
    tpu.enqueue_indirect_dma source(%dma_start3A_24 : memref<20000x128xf32, #tpu.memory_space<hbm>>) target(%arg8 : memref<128x128xf32, #tpu.memory_space<vmem>>) offsets(%dma_start3A_21 : memref<128xi32, #tpu.memory_space<vmem>>) semaphore(%arg13 : memref<!tpu.dma_semaphore, #tpu.memory_space<semaphore_mem>>)
    %scan3A_25 = arith.constant 0 : i32
    %scan3A_26 = arith.constant 78 : i32
    %scan3A_27 = arith.addi %scan3A_25, %scan3A_26 : i32
    %scan3A_28 = arith.constant 1 : i32
    scf.for %scan3A_115 = %scan3A_25 to %scan3A_27 step %scan3A_28  : i32 {
      %mul3A_116 = arith.constant 1 : i32
      %mul3A_117 = arith.muli %scan3A_115, %mul3A_116 : i32
      %add3A_118 = arith.constant 0 : i32
      %add3A_119 = arith.addi %add3A_118, %mul3A_117 : i32
      %mul3A_120 = arith.constant 2 : i32
      %mul3A_121 = arith.muli %mul3A_120, %add3A_119 : i32
      %add3A_122 = arith.constant 1 : i32
      %add3A_123 = arith.addi %mul3A_121, %add3A_122 : i32
      %dma_start3A_124 = arith.constant 0 : i32
      %dma_start3A_125 = tpu.memref_slice %arg6[%add3A_123, %dma_start3A_124] : memref<157x128xi32, #tpu.memory_space<vmem>> -> memref<1x128xi32, #tpu.memory_space<vmem>>
      %dma_start3A_126 = tpu.memref_squeeze %dma_start3A_125 : memref<1x128xi32, #tpu.memory_space<vmem>> -> memref<128xi32, #tpu.memory_space<vmem>>
      %dma_start3A_127 = arith.constant 0 : i32
      %dma_start3A_128 = arith.constant 0 : i32
      %dma_start3A_129 = tpu.memref_slice %arg2[%dma_start3A_127, %dma_start3A_128] : memref<20000x128xf32, #tpu.memory_space<hbm>> -> memref<20000x128xf32, #tpu.memory_space<hbm>>
      tpu.enqueue_indirect_dma source(%dma_start3A_129 : memref<20000x128xf32, #tpu.memory_space<hbm>>) target(%arg9 : memref<128x128xf32, #tpu.memory_space<vmem>>) offsets(%dma_start3A_126 : memref<128xi32, #tpu.memory_space<vmem>>) semaphore(%arg14 : memref<!tpu.dma_semaphore, #tpu.memory_space<semaphore_mem>>)
      %dma_wait3A_130 = arith.constant 0 : i32
      %dma_wait3A_131 = tpu.memref_slice %arg6[%mul3A_121, %dma_wait3A_130] : memref<157x128xi32, #tpu.memory_space<vmem>> -> memref<1x128xi32, #tpu.memory_space<vmem>>
      %dma_wait3A_132 = tpu.memref_squeeze %dma_wait3A_131 : memref<1x128xi32, #tpu.memory_space<vmem>> -> memref<128xi32, #tpu.memory_space<vmem>>
      %dma_wait3A_133 = arith.constant 0 : i32
      %dma_wait3A_134 = arith.constant 0 : i32
      %dma_wait3A_135 = tpu.memref_slice %arg2[%dma_wait3A_133, %dma_wait3A_134] : memref<20000x128xf32, #tpu.memory_space<hbm>> -> memref<20000x128xf32, #tpu.memory_space<hbm>>
      tpu.wait_indirect_dma semaphore(%arg13 : memref<!tpu.dma_semaphore, #tpu.memory_space<semaphore_mem>>) src(%dma_wait3A_135 : memref<20000x128xf32, #tpu.memory_space<hbm>>) dst(%arg8 : memref<128x128xf32, #tpu.memory_space<vmem>>)
      "tpu.region"() ({
        %run_scoped3A_154 = tpu.sem_alloc : memref<!tpu.dma_semaphore, #tpu.memory_space<semaphore_mem>>
        %dma_start3A_155 = arith.constant 0 : i32
        %dma_start3A_156 = tpu.memref_slice %arg7[%mul3A_121, %dma_start3A_155] : memref<157x128xi32, #tpu.memory_space<vmem>> -> memref<1x128xi32, #tpu.memory_space<vmem>>
        %dma_start3A_157 = tpu.memref_squeeze %dma_start3A_156 : memref<1x128xi32, #tpu.memory_space<vmem>> -> memref<128xi32, #tpu.memory_space<vmem>>
        %dma_start3A_158 = arith.constant 0 : i32
        %dma_start3A_159 = arith.constant 0 : i32
        %dma_start3A_160 = tpu.memref_slice %arg12[%dma_start3A_158, %dma_start3A_159] : memref<5120x128xf32, #tpu.memory_space<vmem_shared>> -> memref<5120x128xf32, #tpu.memory_space<vmem_shared>>
        tpu.enqueue_indirect_dma source(%arg8 : memref<128x128xf32, #tpu.memory_space<vmem>>) target(%dma_start3A_160 : memref<5120x128xf32, #tpu.memory_space<vmem_shared>>) offsets(%dma_start3A_157 : memref<128xi32, #tpu.memory_space<vmem>>) semaphore(%run_scoped3A_154 : memref<!tpu.dma_semaphore, #tpu.memory_space<semaphore_mem>>) {add = true}
        %dma_wait3A_161 = arith.constant 0 : i32
        %dma_wait3A_162 = tpu.memref_slice %arg7[%mul3A_121, %dma_wait3A_161] : memref<157x128xi32, #tpu.memory_space<vmem>> -> memref<1x128xi32, #tpu.memory_space<vmem>>
        %dma_wait3A_163 = tpu.memref_squeeze %dma_wait3A_162 : memref<1x128xi32, #tpu.memory_space<vmem>> -> memref<128xi32, #tpu.memory_space<vmem>>
        %dma_wait3A_164 = arith.constant 0 : i32
        %dma_wait3A_165 = arith.constant 0 : i32
        %dma_wait3A_166 = tpu.memref_slice %arg12[%dma_wait3A_164, %dma_wait3A_165] : memref<5120x128xf32, #tpu.memory_space<vmem_shared>> -> memref<5120x128xf32, #tpu.memory_space<vmem_shared>>
        tpu.wait_indirect_dma semaphore(%run_scoped3A_154 : memref<!tpu.dma_semaphore, #tpu.memory_space<semaphore_mem>>) src(%arg8 : memref<128x128xf32, #tpu.memory_space<vmem>>) dst(%dma_wait3A_166 : memref<5120x128xf32, #tpu.memory_space<vmem_shared>>)
        tpu.yield
      }) : () -> ()
      %add3A_136 = arith.constant 2 : i32
      %add3A_137 = arith.addi %mul3A_121, %add3A_136 : i32
      %dma_start3A_138 = arith.constant 0 : i32
      %dma_start3A_139 = tpu.memref_slice %arg6[%add3A_137, %dma_start3A_138] : memref<157x128xi32, #tpu.memory_space<vmem>> -> memref<1x128xi32, #tpu.memory_space<vmem>>
      %dma_start3A_140 = tpu.memref_squeeze %dma_start3A_139 : memref<1x128xi32, #tpu.memory_space<vmem>> -> memref<128xi32, #tpu.memory_space<vmem>>
      %dma_start3A_141 = arith.constant 0 : i32
      %dma_start3A_142 = arith.constant 0 : i32
      %dma_start3A_143 = tpu.memref_slice %arg2[%dma_start3A_141, %dma_start3A_142] : memref<20000x128xf32, #tpu.memory_space<hbm>> -> memref<20000x128xf32, #tpu.memory_space<hbm>>
      tpu.enqueue_indirect_dma source(%dma_start3A_143 : memref<20000x128xf32, #tpu.memory_space<hbm>>) target(%arg8 : memref<128x128xf32, #tpu.memory_space<vmem>>) offsets(%dma_start3A_140 : memref<128xi32, #tpu.memory_space<vmem>>) semaphore(%arg13 : memref<!tpu.dma_semaphore, #tpu.memory_space<semaphore_mem>>)
      %add3A_144 = arith.constant 1 : i32
      %add3A_145 = arith.addi %mul3A_121, %add3A_144 : i32
      %dma_wait3A_146 = arith.constant 0 : i32
      %dma_wait3A_147 = tpu.memref_slice %arg6[%add3A_145, %dma_wait3A_146] : memref<157x128xi32, #tpu.memory_space<vmem>> -> memref<1x128xi32, #tpu.memory_space<vmem>>
      %dma_wait3A_148 = tpu.memref_squeeze %dma_wait3A_147 : memref<1x128xi32, #tpu.memory_space<vmem>> -> memref<128xi32, #tpu.memory_space<vmem>>
      %dma_wait3A_149 = arith.constant 0 : i32
      %dma_wait3A_150 = arith.constant 0 : i32
      %dma_wait3A_151 = tpu.memref_slice %arg2[%dma_wait3A_149, %dma_wait3A_150] : memref<20000x128xf32, #tpu.memory_space<hbm>> -> memref<20000x128xf32, #tpu.memory_space<hbm>>
      tpu.wait_indirect_dma semaphore(%arg14 : memref<!tpu.dma_semaphore, #tpu.memory_space<semaphore_mem>>) src(%dma_wait3A_151 : memref<20000x128xf32, #tpu.memory_space<hbm>>) dst(%arg9 : memref<128x128xf32, #tpu.memory_space<vmem>>)
      %add3A_152 = arith.constant 1 : i32
      %add3A_153 = arith.addi %mul3A_121, %add3A_152 : i32
      "tpu.region"() ({
        %run_scoped3A_154 = tpu.sem_alloc : memref<!tpu.dma_semaphore, #tpu.memory_space<semaphore_mem>>
        %dma_start3A_155 = arith.constant 0 : i32
        %dma_start3A_156 = tpu.memref_slice %arg7[%add3A_153, %dma_start3A_155] : memref<157x128xi32, #tpu.memory_space<vmem>> -> memref<1x128xi32, #tpu.memory_space<vmem>>
        %dma_start3A_157 = tpu.memref_squeeze %dma_start3A_156 : memref<1x128xi32, #tpu.memory_space<vmem>> -> memref<128xi32, #tpu.memory_space<vmem>>
        %dma_start3A_158 = arith.constant 0 : i32
        %dma_start3A_159 = arith.constant 0 : i32
        %dma_start3A_160 = tpu.memref_slice %arg12[%dma_start3A_158, %dma_start3A_159] : memref<5120x128xf32, #tpu.memory_space<vmem_shared>> -> memref<5120x128xf32, #tpu.memory_space<vmem_shared>>
        tpu.enqueue_indirect_dma source(%arg9 : memref<128x128xf32, #tpu.memory_space<vmem>>) target(%dma_start3A_160 : memref<5120x128xf32, #tpu.memory_space<vmem_shared>>) offsets(%dma_start3A_157 : memref<128xi32, #tpu.memory_space<vmem>>) semaphore(%run_scoped3A_154 : memref<!tpu.dma_semaphore, #tpu.memory_space<semaphore_mem>>) {add = true}
        %dma_wait3A_161 = arith.constant 0 : i32
        %dma_wait3A_162 = tpu.memref_slice %arg7[%add3A_153, %dma_wait3A_161] : memref<157x128xi32, #tpu.memory_space<vmem>> -> memref<1x128xi32, #tpu.memory_space<vmem>>
        %dma_wait3A_163 = tpu.memref_squeeze %dma_wait3A_162 : memref<1x128xi32, #tpu.memory_space<vmem>> -> memref<128xi32, #tpu.memory_space<vmem>>
        %dma_wait3A_164 = arith.constant 0 : i32
        %dma_wait3A_165 = arith.constant 0 : i32
        %dma_wait3A_166 = tpu.memref_slice %arg12[%dma_wait3A_164, %dma_wait3A_165] : memref<5120x128xf32, #tpu.memory_space<vmem_shared>> -> memref<5120x128xf32, #tpu.memory_space<vmem_shared>>
        tpu.wait_indirect_dma semaphore(%run_scoped3A_154 : memref<!tpu.dma_semaphore, #tpu.memory_space<semaphore_mem>>) src(%arg9 : memref<128x128xf32, #tpu.memory_space<vmem>>) dst(%dma_wait3A_166 : memref<5120x128xf32, #tpu.memory_space<vmem_shared>>)
        tpu.yield
      }) : () -> ()
    }
    %scan3A_29 = arith.constant 78 : i32
    %dma_wait3A = arith.constant 156 : i32
    %dma_wait3A_30 = arith.constant 0 : i32
    %dma_wait3A_31 = tpu.memref_slice %arg6[%dma_wait3A, %dma_wait3A_30] : memref<157x128xi32, #tpu.memory_space<vmem>> -> memref<1x128xi32, #tpu.memory_space<vmem>>
    %dma_wait3A_32 = tpu.memref_squeeze %dma_wait3A_31 : memref<1x128xi32, #tpu.memory_space<vmem>> -> memref<128xi32, #tpu.memory_space<vmem>>
    %dma_wait3A_33 = arith.constant 0 : i32
    %dma_wait3A_34 = arith.constant 0 : i32
    %dma_wait3A_35 = tpu.memref_slice %arg2[%dma_wait3A_33, %dma_wait3A_34] : memref<20000x128xf32, #tpu.memory_space<hbm>> -> memref<20000x128xf32, #tpu.memory_space<hbm>>
    tpu.wait_indirect_dma semaphore(%arg13 : memref<!tpu.dma_semaphore, #tpu.memory_space<semaphore_mem>>) src(%dma_wait3A_35 : memref<20000x128xf32, #tpu.memory_space<hbm>>) dst(%arg8 : memref<128x128xf32, #tpu.memory_space<vmem>>)
    %run_scoped3A = arith.constant 156 : i32
    "tpu.region"() ({
      %run_scoped3A_115 = tpu.sem_alloc : memref<!tpu.dma_semaphore, #tpu.memory_space<semaphore_mem>>
      %dma_start3A_116 = arith.constant 0 : i32
      %dma_start3A_117 = tpu.memref_slice %arg7[%run_scoped3A, %dma_start3A_116] : memref<157x128xi32, #tpu.memory_space<vmem>> -> memref<1x128xi32, #tpu.memory_space<vmem>>
      %dma_start3A_118 = tpu.memref_squeeze %dma_start3A_117 : memref<1x128xi32, #tpu.memory_space<vmem>> -> memref<128xi32, #tpu.memory_space<vmem>>
      %dma_start3A_119 = arith.constant 0 : i32
      %dma_start3A_120 = arith.constant 0 : i32
      %dma_start3A_121 = tpu.memref_slice %arg12[%dma_start3A_119, %dma_start3A_120] : memref<5120x128xf32, #tpu.memory_space<vmem_shared>> -> memref<5120x128xf32, #tpu.memory_space<vmem_shared>>
      tpu.enqueue_indirect_dma source(%arg8 : memref<128x128xf32, #tpu.memory_space<vmem>>) target(%dma_start3A_121 : memref<5120x128xf32, #tpu.memory_space<vmem_shared>>) offsets(%dma_start3A_118 : memref<128xi32, #tpu.memory_space<vmem>>) semaphore(%run_scoped3A_115 : memref<!tpu.dma_semaphore, #tpu.memory_space<semaphore_mem>>) {add = true}
      %dma_wait3A_122 = arith.constant 0 : i32
      %dma_wait3A_123 = tpu.memref_slice %arg7[%run_scoped3A, %dma_wait3A_122] : memref<157x128xi32, #tpu.memory_space<vmem>> -> memref<1x128xi32, #tpu.memory_space<vmem>>
      %dma_wait3A_124 = tpu.memref_squeeze %dma_wait3A_123 : memref<1x128xi32, #tpu.memory_space<vmem>> -> memref<128xi32, #tpu.memory_space<vmem>>
      %dma_wait3A_125 = arith.constant 0 : i32
      %dma_wait3A_126 = arith.constant 0 : i32
      %dma_wait3A_127 = tpu.memref_slice %arg12[%dma_wait3A_125, %dma_wait3A_126] : memref<5120x128xf32, #tpu.memory_space<vmem_shared>> -> memref<5120x128xf32, #tpu.memory_space<vmem_shared>>
      tpu.wait_indirect_dma semaphore(%run_scoped3A_115 : memref<!tpu.dma_semaphore, #tpu.memory_space<semaphore_mem>>) src(%arg8 : memref<128x128xf32, #tpu.memory_space<vmem>>) dst(%dma_wait3A_127 : memref<5120x128xf32, #tpu.memory_space<vmem_shared>>)
      tpu.yield
    }) : () -> ()
    %barrier3A_36 = arith.constant 0 : index
    tpu.barrier barrier_id(%barrier3A_36)
    %mul3A_37 = arith.constant 5056 : i32
    %mul3A_38 = arith.muli %arg0, %mul3A_37 : i32
    %add3A_39 = arith.constant 0 : i32
    %add3A_40 = arith.addi %add3A_39, %mul3A_38 : i32
    %mul3A_41 = arith.constant 312 : i32
    %mul3A_42 = arith.muli %arg1, %mul3A_41 : i32
    %mul3A_43 = arith.constant 312 : i32
    %mul3A_44 = arith.muli %arg1, %mul3A_43 : i32
    %add3A_45 = arith.addi %add3A_40, %mul3A_44 : i32
    %scan3A_46 = arith.constant 0 : i32
    %scan3A_47 = arith.constant 4 : i32
    %scan3A_48 = arith.addi %scan3A_46, %scan3A_47 : i32
    %scan3A_49 = arith.constant 1 : i32
    scf.for %scan3A_115 = %scan3A_46 to %scan3A_48 step %scan3A_49  : i32 {
      %mul3A_116 = arith.constant 1 : i32
      %mul3A_117 = arith.muli %scan3A_115, %mul3A_116 : i32
      %add3A_118 = arith.constant 0 : i32
      %add3A_119 = arith.addi %add3A_118, %mul3A_117 : i32
      %mul3A_120 = arith.constant 64 : i32
      %mul3A_121 = arith.muli %add3A_119, %mul3A_120 : i32
      %add3A_122 = arith.addi %mul3A_42, %mul3A_121 : i32
      "tpu.region"() ({
        %run_scoped3A_126 = tpu.sem_alloc : memref<!tpu.dma_semaphore, #tpu.memory_space<semaphore_mem>>
        %dma_start3A_127 = arith.constant 0 : i32
        %dma_start3A_128 = tpu.memref_slice %arg12[%add3A_122, %dma_start3A_127] : memref<5120x128xf32, #tpu.memory_space<vmem_shared>> -> memref<64x128xf32, #tpu.memory_space<vmem_shared>>
        %dma_start3A_129 = arith.constant 0 : i32
        %dma_start3A_130 = tpu.memref_slice %arg12[%add3A_122, %dma_start3A_129] : memref<5120x128xf32, #tpu.memory_space<vmem_shared>> -> memref<64x128xf32, #tpu.memory_space<vmem_shared>>
        tpu.enqueue_dma source(%dma_start3A_130 : memref<64x128xf32, #tpu.memory_space<vmem_shared>>) target(%arg11 : memref<64x128xf32, #tpu.memory_space<vmem>>) target_semaphore(%run_scoped3A_126 : memref<!tpu.dma_semaphore, #tpu.memory_space<semaphore_mem>>)
        %dma_wait3A_131 = arith.constant 0 : i32
        %dma_wait3A_132 = tpu.memref_slice %arg12[%add3A_122, %dma_wait3A_131] : memref<5120x128xf32, #tpu.memory_space<vmem_shared>> -> memref<64x128xf32, #tpu.memory_space<vmem_shared>>
        %dma_wait3A_133 = arith.constant 0 : i32
        %dma_wait3A_134 = tpu.memref_slice %arg12[%add3A_122, %dma_wait3A_133] : memref<5120x128xf32, #tpu.memory_space<vmem_shared>> -> memref<64x128xf32, #tpu.memory_space<vmem_shared>>
        tpu.wait_dma2 semaphore(%run_scoped3A_126 : memref<!tpu.dma_semaphore, #tpu.memory_space<semaphore_mem>>) src(%dma_wait3A_134 : memref<64x128xf32, #tpu.memory_space<vmem_shared>>) dst(%arg11 : memref<64x128xf32, #tpu.memory_space<vmem>>)
        tpu.yield
      }) : () -> ()
      %mul3A_123 = arith.constant 64 : i32
      %mul3A_124 = arith.muli %add3A_119, %mul3A_123 : i32
      %add3A_125 = arith.addi %add3A_45, %mul3A_124 : i32
      "tpu.region"() ({
        %run_scoped3A_126 = tpu.sem_alloc : memref<!tpu.dma_semaphore, #tpu.memory_space<semaphore_mem>>
        %dma_start3A_127 = arith.constant 0 : i32
        %dma_start3A_128 = tpu.memref_slice %arg5[%add3A_125, %dma_start3A_127] : memref<20224x128xf32, #tpu.memory_space<hbm>> -> memref<64x128xf32, #tpu.memory_space<hbm>>
        %dma_start3A_129 = arith.constant 0 : i32
        %dma_start3A_130 = tpu.memref_slice %arg5[%add3A_125, %dma_start3A_129] : memref<20224x128xf32, #tpu.memory_space<hbm>> -> memref<64x128xf32, #tpu.memory_space<hbm>>
        tpu.enqueue_dma source(%arg11 : memref<64x128xf32, #tpu.memory_space<vmem>>) target(%dma_start3A_130 : memref<64x128xf32, #tpu.memory_space<hbm>>) target_semaphore(%run_scoped3A_126 : memref<!tpu.dma_semaphore, #tpu.memory_space<semaphore_mem>>)
        %dma_wait3A_131 = arith.constant 0 : i32
        %dma_wait3A_132 = tpu.memref_slice %arg5[%add3A_125, %dma_wait3A_131] : memref<20224x128xf32, #tpu.memory_space<hbm>> -> memref<64x128xf32, #tpu.memory_space<hbm>>
        %dma_wait3A_133 = arith.constant 0 : i32
        %dma_wait3A_134 = tpu.memref_slice %arg5[%add3A_125, %dma_wait3A_133] : memref<20224x128xf32, #tpu.memory_space<hbm>> -> memref<64x128xf32, #tpu.memory_space<hbm>>
        tpu.wait_dma2 semaphore(%run_scoped3A_126 : memref<!tpu.dma_semaphore, #tpu.memory_space<semaphore_mem>>) src(%arg11 : memref<64x128xf32, #tpu.memory_space<vmem>>) dst(%dma_wait3A_134 : memref<64x128xf32, #tpu.memory_space<hbm>>)
        tpu.yield
      }) : () -> ()
    }
    %scan3A_50 = arith.constant 4 : i32
    %add3A_51 = arith.constant 256 : i32
    %add3A_52 = arith.addi %mul3A_42, %add3A_51 : i32
    "tpu.region"() ({
      %run_scoped3A_115 = tpu.sem_alloc : memref<!tpu.dma_semaphore, #tpu.memory_space<semaphore_mem>>
      %dma_start3A_116 = arith.constant 0 : i32
      %dma_start3A_117 = arith.constant 0 : i32
      %dma_start3A_118 = tpu.memref_slice %arg11[%dma_start3A_116, %dma_start3A_117] : memref<64x128xf32, #tpu.memory_space<vmem>> -> memref<56x128xf32, #tpu.memory_space<vmem>>
      %dma_start3A_119 = arith.constant 0 : i32
      %dma_start3A_120 = tpu.memref_slice %arg12[%add3A_52, %dma_start3A_119] : memref<5120x128xf32, #tpu.memory_space<vmem_shared>> -> memref<56x128xf32, #tpu.memory_space<vmem_shared>>
      %dma_start3A_121 = arith.constant 0 : i32
      %dma_start3A_122 = arith.constant 0 : i32
      %dma_start3A_123 = tpu.memref_slice %arg11[%dma_start3A_121, %dma_start3A_122] : memref<64x128xf32, #tpu.memory_space<vmem>> -> memref<56x128xf32, #tpu.memory_space<vmem>>
      %dma_start3A_124 = arith.constant 0 : i32
      %dma_start3A_125 = tpu.memref_slice %arg12[%add3A_52, %dma_start3A_124] : memref<5120x128xf32, #tpu.memory_space<vmem_shared>> -> memref<56x128xf32, #tpu.memory_space<vmem_shared>>
      tpu.enqueue_dma source(%dma_start3A_125 : memref<56x128xf32, #tpu.memory_space<vmem_shared>>) target(%dma_start3A_123 : memref<56x128xf32, #tpu.memory_space<vmem>>) target_semaphore(%run_scoped3A_115 : memref<!tpu.dma_semaphore, #tpu.memory_space<semaphore_mem>>)
      %dma_wait3A_126 = arith.constant 0 : i32
      %dma_wait3A_127 = arith.constant 0 : i32
      %dma_wait3A_128 = tpu.memref_slice %arg11[%dma_wait3A_126, %dma_wait3A_127] : memref<64x128xf32, #tpu.memory_space<vmem>> -> memref<56x128xf32, #tpu.memory_space<vmem>>
      %dma_wait3A_129 = arith.constant 0 : i32
      %dma_wait3A_130 = tpu.memref_slice %arg12[%add3A_52, %dma_wait3A_129] : memref<5120x128xf32, #tpu.memory_space<vmem_shared>> -> memref<56x128xf32, #tpu.memory_space<vmem_shared>>
      %dma_wait3A_131 = arith.constant 0 : i32
      %dma_wait3A_132 = arith.constant 0 : i32
      %dma_wait3A_133 = tpu.memref_slice %arg11[%dma_wait3A_131, %dma_wait3A_132] : memref<64x128xf32, #tpu.memory_space<vmem>> -> memref<56x128xf32, #tpu.memory_space<vmem>>
      %dma_wait3A_134 = arith.constant 0 : i32
      %dma_wait3A_135 = tpu.memref_slice %arg12[%add3A_52, %dma_wait3A_134] : memref<5120x128xf32, #tpu.memory_space<vmem_shared>> -> memref<56x128xf32, #tpu.memory_space<vmem_shared>>
      tpu.wait_dma2 semaphore(%run_scoped3A_115 : memref<!tpu.dma_semaphore, #tpu.memory_space<semaphore_mem>>) src(%dma_wait3A_135 : memref<56x128xf32, #tpu.memory_space<vmem_shared>>) dst(%dma_wait3A_133 : memref<56x128xf32, #tpu.memory_space<vmem>>)
      tpu.yield
    }) : () -> ()
    %add3A_53 = arith.constant 256 : i32
    %add3A_54 = arith.addi %add3A_45, %add3A_53 : i32
    "tpu.region"() ({
      %run_scoped3A_115 = tpu.sem_alloc : memref<!tpu.dma_semaphore, #tpu.memory_space<semaphore_mem>>
      %dma_start3A_116 = arith.constant 0 : i32
      %dma_start3A_117 = arith.constant 0 : i32
      %dma_start3A_118 = tpu.memref_slice %arg11[%dma_start3A_116, %dma_start3A_117] : memref<64x128xf32, #tpu.memory_space<vmem>> -> memref<56x128xf32, #tpu.memory_space<vmem>>
      %dma_start3A_119 = arith.constant 0 : i32
      %dma_start3A_120 = tpu.memref_slice %arg5[%add3A_54, %dma_start3A_119] : memref<20224x128xf32, #tpu.memory_space<hbm>> -> memref<56x128xf32, #tpu.memory_space<hbm>>
      %dma_start3A_121 = arith.constant 0 : i32
      %dma_start3A_122 = tpu.memref_slice %arg5[%add3A_54, %dma_start3A_121] : memref<20224x128xf32, #tpu.memory_space<hbm>> -> memref<56x128xf32, #tpu.memory_space<hbm>>
      %dma_start3A_123 = arith.constant 0 : i32
      %dma_start3A_124 = arith.constant 0 : i32
      %dma_start3A_125 = tpu.memref_slice %arg11[%dma_start3A_123, %dma_start3A_124] : memref<64x128xf32, #tpu.memory_space<vmem>> -> memref<56x128xf32, #tpu.memory_space<vmem>>
      tpu.enqueue_dma source(%dma_start3A_125 : memref<56x128xf32, #tpu.memory_space<vmem>>) target(%dma_start3A_122 : memref<56x128xf32, #tpu.memory_space<hbm>>) target_semaphore(%run_scoped3A_115 : memref<!tpu.dma_semaphore, #tpu.memory_space<semaphore_mem>>)
      %dma_wait3A_126 = arith.constant 0 : i32
      %dma_wait3A_127 = arith.constant 0 : i32
      %dma_wait3A_128 = tpu.memref_slice %arg11[%dma_wait3A_126, %dma_wait3A_127] : memref<64x128xf32, #tpu.memory_space<vmem>> -> memref<56x128xf32, #tpu.memory_space<vmem>>
      %dma_wait3A_129 = arith.constant 0 : i32
      %dma_wait3A_130 = tpu.memref_slice %arg5[%add3A_54, %dma_wait3A_129] : memref<20224x128xf32, #tpu.memory_space<hbm>> -> memref<56x128xf32, #tpu.memory_space<hbm>>
      %dma_wait3A_131 = arith.constant 0 : i32
      %dma_wait3A_132 = tpu.memref_slice %arg5[%add3A_54, %dma_wait3A_131] : memref<20224x128xf32, #tpu.memory_space<hbm>> -> memref<56x128xf32, #tpu.memory_space<hbm>>
      %dma_wait3A_133 = arith.constant 0 : i32
      %dma_wait3A_134 = arith.constant 0 : i32
      %dma_wait3A_135 = tpu.memref_slice %arg11[%dma_wait3A_133, %dma_wait3A_134] : memref<64x128xf32, #tpu.memory_space<vmem>> -> memref<56x128xf32, #tpu.memory_space<vmem>>
      tpu.wait_dma2 semaphore(%run_scoped3A_115 : memref<!tpu.dma_semaphore, #tpu.memory_space<semaphore_mem>>) src(%dma_wait3A_135 : memref<56x128xf32, #tpu.memory_space<vmem>>) dst(%dma_wait3A_132 : memref<56x128xf32, #tpu.memory_space<hbm>>)
      tpu.yield
    }) : () -> ()
    %eq3A = arith.constant 15 : i32
    %eq3A_55 = arith.cmpi eq, %arg1, %eq3A : i32
    %convert_element_type3A = arith.extui %eq3A_55 : i1 to i32
    %cond3A = arith.constant 0 : i32
    %cond3A_56 = arith.cmpi ne, %convert_element_type3A, %cond3A : i32
    scf.if %cond3A_56 {
      %add3A_115 = arith.constant 4992 : i32
      %add3A_116 = arith.addi %add3A_40, %add3A_115 : i32
      %scan3A_117 = arith.constant 0 : i32
      %mul3A_118 = arith.constant 1 : i32
      %mul3A_119 = arith.muli %scan3A_117, %mul3A_118 : i32
      %add3A_120 = arith.constant 0 : i32
      %add3A_121 = arith.addi %add3A_120, %mul3A_119 : i32
      %mul3A_122 = arith.constant 64 : i32
      %mul3A_123 = arith.muli %add3A_121, %mul3A_122 : i32
      %add3A_124 = arith.constant 4992 : i32
      %add3A_125 = arith.addi %add3A_124, %mul3A_123 : i32
      "tpu.region"() ({
        %run_scoped3A_130 = tpu.sem_alloc : memref<!tpu.dma_semaphore, #tpu.memory_space<semaphore_mem>>
        %dma_start3A_131 = arith.constant 0 : i32
        %dma_start3A_132 = tpu.memref_slice %arg12[%add3A_125, %dma_start3A_131] : memref<5120x128xf32, #tpu.memory_space<vmem_shared>> -> memref<64x128xf32, #tpu.memory_space<vmem_shared>>
        %dma_start3A_133 = arith.constant 0 : i32
        %dma_start3A_134 = tpu.memref_slice %arg12[%add3A_125, %dma_start3A_133] : memref<5120x128xf32, #tpu.memory_space<vmem_shared>> -> memref<64x128xf32, #tpu.memory_space<vmem_shared>>
        tpu.enqueue_dma source(%dma_start3A_134 : memref<64x128xf32, #tpu.memory_space<vmem_shared>>) target(%arg11 : memref<64x128xf32, #tpu.memory_space<vmem>>) target_semaphore(%run_scoped3A_130 : memref<!tpu.dma_semaphore, #tpu.memory_space<semaphore_mem>>)
        %dma_wait3A_135 = arith.constant 0 : i32
        %dma_wait3A_136 = tpu.memref_slice %arg12[%add3A_125, %dma_wait3A_135] : memref<5120x128xf32, #tpu.memory_space<vmem_shared>> -> memref<64x128xf32, #tpu.memory_space<vmem_shared>>
        %dma_wait3A_137 = arith.constant 0 : i32
        %dma_wait3A_138 = tpu.memref_slice %arg12[%add3A_125, %dma_wait3A_137] : memref<5120x128xf32, #tpu.memory_space<vmem_shared>> -> memref<64x128xf32, #tpu.memory_space<vmem_shared>>
        tpu.wait_dma2 semaphore(%run_scoped3A_130 : memref<!tpu.dma_semaphore, #tpu.memory_space<semaphore_mem>>) src(%dma_wait3A_138 : memref<64x128xf32, #tpu.memory_space<vmem_shared>>) dst(%arg11 : memref<64x128xf32, #tpu.memory_space<vmem>>)
        tpu.yield
      }) : () -> ()
      %mul3A_126 = arith.constant 64 : i32
      %mul3A_127 = arith.muli %add3A_121, %mul3A_126 : i32
      %add3A_128 = arith.addi %add3A_116, %mul3A_127 : i32
      "tpu.region"() ({
        %run_scoped3A_130 = tpu.sem_alloc : memref<!tpu.dma_semaphore, #tpu.memory_space<semaphore_mem>>
        %dma_start3A_131 = arith.constant 0 : i32
        %dma_start3A_132 = tpu.memref_slice %arg5[%add3A_128, %dma_start3A_131] : memref<20224x128xf32, #tpu.memory_space<hbm>> -> memref<64x128xf32, #tpu.memory_space<hbm>>
        %dma_start3A_133 = arith.constant 0 : i32
        %dma_start3A_134 = tpu.memref_slice %arg5[%add3A_128, %dma_start3A_133] : memref<20224x128xf32, #tpu.memory_space<hbm>> -> memref<64x128xf32, #tpu.memory_space<hbm>>
        tpu.enqueue_dma source(%arg11 : memref<64x128xf32, #tpu.memory_space<vmem>>) target(%dma_start3A_134 : memref<64x128xf32, #tpu.memory_space<hbm>>) target_semaphore(%run_scoped3A_130 : memref<!tpu.dma_semaphore, #tpu.memory_space<semaphore_mem>>)
        %dma_wait3A_135 = arith.constant 0 : i32
        %dma_wait3A_136 = tpu.memref_slice %arg5[%add3A_128, %dma_wait3A_135] : memref<20224x128xf32, #tpu.memory_space<hbm>> -> memref<64x128xf32, #tpu.memory_space<hbm>>
        %dma_wait3A_137 = arith.constant 0 : i32
        %dma_wait3A_138 = tpu.memref_slice %arg5[%add3A_128, %dma_wait3A_137] : memref<20224x128xf32, #tpu.memory_space<hbm>> -> memref<64x128xf32, #tpu.memory_space<hbm>>
        tpu.wait_dma2 semaphore(%run_scoped3A_130 : memref<!tpu.dma_semaphore, #tpu.memory_space<semaphore_mem>>) src(%arg11 : memref<64x128xf32, #tpu.memory_space<vmem>>) dst(%dma_wait3A_138 : memref<64x128xf32, #tpu.memory_space<hbm>>)
        tpu.yield
      }) : () -> ()
      %scan3A_129 = arith.constant 1 : i32
    } else {
    }
    %barrier3A_57 = arith.constant 0 : index
    tpu.barrier barrier_id(%barrier3A_57)
    %scan3A_58 = arith.constant 0 : i32
    %scan3A_59 = arith.constant 157 : i32
    %scan3A_60 = arith.addi %scan3A_58, %scan3A_59 : i32
    %scan3A_61 = arith.constant 1 : i32
    scf.for %scan3A_115 = %scan3A_58 to %scan3A_60 step %scan3A_61  : i32 {
      %mul3A_116 = arith.constant 1 : i32
      %mul3A_117 = arith.muli %scan3A_115, %mul3A_116 : i32
      %add3A_118 = arith.constant 0 : i32
      %add3A_119 = arith.addi %add3A_118, %mul3A_117 : i32
      %scan3A_120 = arith.constant 0 : i32
      %scan3A_121 = arith.constant 8 : i32
      %scan3A_122 = arith.addi %scan3A_120, %scan3A_121 : i32
      %scan3A_123 = arith.constant 1 : i32
      scf.for %scan3A_125 = %scan3A_120 to %scan3A_122 step %scan3A_123  : i32 {
        %mul3A_126 = arith.constant 1 : i32
        %mul3A_127 = arith.muli %scan3A_125, %mul3A_126 : i32
        %add3A_128 = arith.constant 0 : i32
        %add3A_129 = arith.addi %add3A_128, %mul3A_127 : i32
        %mul3A_130 = arith.constant 16 : i32
        %mul3A_131 = arith.muli %add3A_129, %mul3A_130 : i32
        %get3A = arith.index_cast %add3A_119 : i32 to index
        %get3A_132 = arith.index_cast %mul3A_131 : i32 to index
        %get3A_133 = tpu.vector_load %arg6[%get3A, %get3A_132] {strides = array<i32>} : memref<157x128xi32, #tpu.memory_space<vmem>>, vector<1x16xi32>,
        %get3A_134 = vector.shape_cast %get3A_133 : vector<1x16xi32> to vector<16xi32>
        %add3A_135 = arith.constant 10000 : i32
        %add3A_136 = vector.broadcast %add3A_135 : i32 to vector<16xi32>
        %add3A_137 = arith.addi %get3A_134, %add3A_136 : vector<16xi32>
        %swap3A = arith.index_cast %add3A_119 : i32 to index
        %swap3A_138 = arith.index_cast %mul3A_131 : i32 to index
        %swap3A_139 = tpu.vector_load %arg6[%swap3A, %swap3A_138] {strides = array<i32>} : memref<157x128xi32, #tpu.memory_space<vmem>>, vector<1x16xi32>,
        %swap3A_140 = vector.shape_cast %swap3A_139 : vector<1x16xi32> to vector<16xi32>
        %swap3A_141 = vector.shape_cast %add3A_137 : vector<16xi32> to vector<1x16xi32>
        tpu.vector_store %arg6[%swap3A, %swap3A_138], %swap3A_141 {strides = array<i32>} : memref<157x128xi32, #tpu.memory_space<vmem>>, vector<1x16xi32>,
      }
      %scan3A_124 = arith.constant 8 : i32
    }
    %scan3A_62 = arith.constant 157 : i32
    %mul3A_63 = arith.constant 320 : i32
    %mul3A_64 = arith.muli %arg1, %mul3A_63 : i32
    %scan3A_65 = arith.constant 0 : i32
    %scan3A_66 = arith.constant 5 : i32
    %scan3A_67 = arith.addi %scan3A_65, %scan3A_66 : i32
    %scan3A_68 = arith.constant 1 : i32
    scf.for %scan3A_115 = %scan3A_65 to %scan3A_67 step %scan3A_68  : i32 {
      %mul3A_116 = arith.constant 1 : i32
      %mul3A_117 = arith.muli %scan3A_115, %mul3A_116 : i32
      %add3A_118 = arith.constant 0 : i32
      %add3A_119 = arith.addi %add3A_118, %mul3A_117 : i32
      %mul3A_120 = arith.constant 64 : i32
      %mul3A_121 = arith.muli %add3A_119, %mul3A_120 : i32
      %add3A_122 = arith.addi %mul3A_64, %mul3A_121 : i32
      "tpu.region"() ({
        %run_scoped3A_123 = tpu.sem_alloc : memref<!tpu.dma_semaphore, #tpu.memory_space<semaphore_mem>>
        %dma_start3A_124 = arith.constant 0 : i32
        %dma_start3A_125 = tpu.memref_slice %arg12[%add3A_122, %dma_start3A_124] : memref<5120x128xf32, #tpu.memory_space<vmem_shared>> -> memref<64x128xf32, #tpu.memory_space<vmem_shared>>
        %dma_start3A_126 = arith.constant 0 : i32
        %dma_start3A_127 = tpu.memref_slice %arg12[%add3A_122, %dma_start3A_126] : memref<5120x128xf32, #tpu.memory_space<vmem_shared>> -> memref<64x128xf32, #tpu.memory_space<vmem_shared>>
        tpu.enqueue_dma source(%arg10 : memref<64x128xf32, #tpu.memory_space<vmem>>) target(%dma_start3A_127 : memref<64x128xf32, #tpu.memory_space<vmem_shared>>) target_semaphore(%run_scoped3A_123 : memref<!tpu.dma_semaphore, #tpu.memory_space<semaphore_mem>>)
        %dma_wait3A_128 = arith.constant 0 : i32
        %dma_wait3A_129 = tpu.memref_slice %arg12[%add3A_122, %dma_wait3A_128] : memref<5120x128xf32, #tpu.memory_space<vmem_shared>> -> memref<64x128xf32, #tpu.memory_space<vmem_shared>>
        %dma_wait3A_130 = arith.constant 0 : i32
        %dma_wait3A_131 = tpu.memref_slice %arg12[%add3A_122, %dma_wait3A_130] : memref<5120x128xf32, #tpu.memory_space<vmem_shared>> -> memref<64x128xf32, #tpu.memory_space<vmem_shared>>
        tpu.wait_dma2 semaphore(%run_scoped3A_123 : memref<!tpu.dma_semaphore, #tpu.memory_space<semaphore_mem>>) src(%arg10 : memref<64x128xf32, #tpu.memory_space<vmem>>) dst(%dma_wait3A_131 : memref<64x128xf32, #tpu.memory_space<vmem_shared>>)
        tpu.yield
      }) : () -> ()
    }
    %scan3A_69 = arith.constant 5 : i32
    %barrier3A_70 = arith.constant 0 : index
    tpu.barrier barrier_id(%barrier3A_70)
    %dma_start3A_71 = arith.constant 0 : i32
    %dma_start3A_72 = arith.constant 0 : i32
    %dma_start3A_73 = tpu.memref_slice %arg6[%dma_start3A_71, %dma_start3A_72] : memref<157x128xi32, #tpu.memory_space<vmem>> -> memref<1x128xi32, #tpu.memory_space<vmem>>
    %dma_start3A_74 = tpu.memref_squeeze %dma_start3A_73 : memref<1x128xi32, #tpu.memory_space<vmem>> -> memref<128xi32, #tpu.memory_space<vmem>>
    %dma_start3A_75 = arith.constant 0 : i32
    %dma_start3A_76 = arith.constant 0 : i32
    %dma_start3A_77 = tpu.memref_slice %arg2[%dma_start3A_75, %dma_start3A_76] : memref<20000x128xf32, #tpu.memory_space<hbm>> -> memref<20000x128xf32, #tpu.memory_space<hbm>>
    tpu.enqueue_indirect_dma source(%dma_start3A_77 : memref<20000x128xf32, #tpu.memory_space<hbm>>) target(%arg8 : memref<128x128xf32, #tpu.memory_space<vmem>>) offsets(%dma_start3A_74 : memref<128xi32, #tpu.memory_space<vmem>>) semaphore(%arg13 : memref<!tpu.dma_semaphore, #tpu.memory_space<semaphore_mem>>)
    %scan3A_78 = arith.constant 0 : i32
    %scan3A_79 = arith.constant 78 : i32
    %scan3A_80 = arith.addi %scan3A_78, %scan3A_79 : i32
    %scan3A_81 = arith.constant 1 : i32
    scf.for %scan3A_115 = %scan3A_78 to %scan3A_80 step %scan3A_81  : i32 {
      %mul3A_116 = arith.constant 1 : i32
      %mul3A_117 = arith.muli %scan3A_115, %mul3A_116 : i32
      %add3A_118 = arith.constant 0 : i32
      %add3A_119 = arith.addi %add3A_118, %mul3A_117 : i32
      %mul3A_120 = arith.constant 2 : i32
      %mul3A_121 = arith.muli %mul3A_120, %add3A_119 : i32
      %add3A_122 = arith.constant 1 : i32
      %add3A_123 = arith.addi %mul3A_121, %add3A_122 : i32
      %dma_start3A_124 = arith.constant 0 : i32
      %dma_start3A_125 = tpu.memref_slice %arg6[%add3A_123, %dma_start3A_124] : memref<157x128xi32, #tpu.memory_space<vmem>> -> memref<1x128xi32, #tpu.memory_space<vmem>>
      %dma_start3A_126 = tpu.memref_squeeze %dma_start3A_125 : memref<1x128xi32, #tpu.memory_space<vmem>> -> memref<128xi32, #tpu.memory_space<vmem>>
      %dma_start3A_127 = arith.constant 0 : i32
      %dma_start3A_128 = arith.constant 0 : i32
      %dma_start3A_129 = tpu.memref_slice %arg2[%dma_start3A_127, %dma_start3A_128] : memref<20000x128xf32, #tpu.memory_space<hbm>> -> memref<20000x128xf32, #tpu.memory_space<hbm>>
      tpu.enqueue_indirect_dma source(%dma_start3A_129 : memref<20000x128xf32, #tpu.memory_space<hbm>>) target(%arg9 : memref<128x128xf32, #tpu.memory_space<vmem>>) offsets(%dma_start3A_126 : memref<128xi32, #tpu.memory_space<vmem>>) semaphore(%arg14 : memref<!tpu.dma_semaphore, #tpu.memory_space<semaphore_mem>>)
      %dma_wait3A_130 = arith.constant 0 : i32
      %dma_wait3A_131 = tpu.memref_slice %arg6[%mul3A_121, %dma_wait3A_130] : memref<157x128xi32, #tpu.memory_space<vmem>> -> memref<1x128xi32, #tpu.memory_space<vmem>>
      %dma_wait3A_132 = tpu.memref_squeeze %dma_wait3A_131 : memref<1x128xi32, #tpu.memory_space<vmem>> -> memref<128xi32, #tpu.memory_space<vmem>>
      %dma_wait3A_133 = arith.constant 0 : i32
      %dma_wait3A_134 = arith.constant 0 : i32
      %dma_wait3A_135 = tpu.memref_slice %arg2[%dma_wait3A_133, %dma_wait3A_134] : memref<20000x128xf32, #tpu.memory_space<hbm>> -> memref<20000x128xf32, #tpu.memory_space<hbm>>
      tpu.wait_indirect_dma semaphore(%arg13 : memref<!tpu.dma_semaphore, #tpu.memory_space<semaphore_mem>>) src(%dma_wait3A_135 : memref<20000x128xf32, #tpu.memory_space<hbm>>) dst(%arg8 : memref<128x128xf32, #tpu.memory_space<vmem>>)
      "tpu.region"() ({
        %run_scoped3A_154 = tpu.sem_alloc : memref<!tpu.dma_semaphore, #tpu.memory_space<semaphore_mem>>
        %dma_start3A_155 = arith.constant 0 : i32
        %dma_start3A_156 = tpu.memref_slice %arg7[%mul3A_121, %dma_start3A_155] : memref<157x128xi32, #tpu.memory_space<vmem>> -> memref<1x128xi32, #tpu.memory_space<vmem>>
        %dma_start3A_157 = tpu.memref_squeeze %dma_start3A_156 : memref<1x128xi32, #tpu.memory_space<vmem>> -> memref<128xi32, #tpu.memory_space<vmem>>
        %dma_start3A_158 = arith.constant 0 : i32
        %dma_start3A_159 = arith.constant 0 : i32
        %dma_start3A_160 = tpu.memref_slice %arg12[%dma_start3A_158, %dma_start3A_159] : memref<5120x128xf32, #tpu.memory_space<vmem_shared>> -> memref<5120x128xf32, #tpu.memory_space<vmem_shared>>
        tpu.enqueue_indirect_dma source(%arg8 : memref<128x128xf32, #tpu.memory_space<vmem>>) target(%dma_start3A_160 : memref<5120x128xf32, #tpu.memory_space<vmem_shared>>) offsets(%dma_start3A_157 : memref<128xi32, #tpu.memory_space<vmem>>) semaphore(%run_scoped3A_154 : memref<!tpu.dma_semaphore, #tpu.memory_space<semaphore_mem>>) {add = true}
        %dma_wait3A_161 = arith.constant 0 : i32
        %dma_wait3A_162 = tpu.memref_slice %arg7[%mul3A_121, %dma_wait3A_161] : memref<157x128xi32, #tpu.memory_space<vmem>> -> memref<1x128xi32, #tpu.memory_space<vmem>>
        %dma_wait3A_163 = tpu.memref_squeeze %dma_wait3A_162 : memref<1x128xi32, #tpu.memory_space<vmem>> -> memref<128xi32, #tpu.memory_space<vmem>>
        %dma_wait3A_164 = arith.constant 0 : i32
        %dma_wait3A_165 = arith.constant 0 : i32
        %dma_wait3A_166 = tpu.memref_slice %arg12[%dma_wait3A_164, %dma_wait3A_165] : memref<5120x128xf32, #tpu.memory_space<vmem_shared>> -> memref<5120x128xf32, #tpu.memory_space<vmem_shared>>
        tpu.wait_indirect_dma semaphore(%run_scoped3A_154 : memref<!tpu.dma_semaphore, #tpu.memory_space<semaphore_mem>>) src(%arg8 : memref<128x128xf32, #tpu.memory_space<vmem>>) dst(%dma_wait3A_166 : memref<5120x128xf32, #tpu.memory_space<vmem_shared>>)
        tpu.yield
      }) : () -> ()
      %add3A_136 = arith.constant 2 : i32
      %add3A_137 = arith.addi %mul3A_121, %add3A_136 : i32
      %dma_start3A_138 = arith.constant 0 : i32
      %dma_start3A_139 = tpu.memref_slice %arg6[%add3A_137, %dma_start3A_138] : memref<157x128xi32, #tpu.memory_space<vmem>> -> memref<1x128xi32, #tpu.memory_space<vmem>>
      %dma_start3A_140 = tpu.memref_squeeze %dma_start3A_139 : memref<1x128xi32, #tpu.memory_space<vmem>> -> memref<128xi32, #tpu.memory_space<vmem>>
      %dma_start3A_141 = arith.constant 0 : i32
      %dma_start3A_142 = arith.constant 0 : i32
      %dma_start3A_143 = tpu.memref_slice %arg2[%dma_start3A_141, %dma_start3A_142] : memref<20000x128xf32, #tpu.memory_space<hbm>> -> memref<20000x128xf32, #tpu.memory_space<hbm>>
      tpu.enqueue_indirect_dma source(%dma_start3A_143 : memref<20000x128xf32, #tpu.memory_space<hbm>>) target(%arg8 : memref<128x128xf32, #tpu.memory_space<vmem>>) offsets(%dma_start3A_140 : memref<128xi32, #tpu.memory_space<vmem>>) semaphore(%arg13 : memref<!tpu.dma_semaphore, #tpu.memory_space<semaphore_mem>>)
      %add3A_144 = arith.constant 1 : i32
      %add3A_145 = arith.addi %mul3A_121, %add3A_144 : i32
      %dma_wait3A_146 = arith.constant 0 : i32
      %dma_wait3A_147 = tpu.memref_slice %arg6[%add3A_145, %dma_wait3A_146] : memref<157x128xi32, #tpu.memory_space<vmem>> -> memref<1x128xi32, #tpu.memory_space<vmem>>
      %dma_wait3A_148 = tpu.memref_squeeze %dma_wait3A_147 : memref<1x128xi32, #tpu.memory_space<vmem>> -> memref<128xi32, #tpu.memory_space<vmem>>
      %dma_wait3A_149 = arith.constant 0 : i32
      %dma_wait3A_150 = arith.constant 0 : i32
      %dma_wait3A_151 = tpu.memref_slice %arg2[%dma_wait3A_149, %dma_wait3A_150] : memref<20000x128xf32, #tpu.memory_space<hbm>> -> memref<20000x128xf32, #tpu.memory_space<hbm>>
      tpu.wait_indirect_dma semaphore(%arg14 : memref<!tpu.dma_semaphore, #tpu.memory_space<semaphore_mem>>) src(%dma_wait3A_151 : memref<20000x128xf32, #tpu.memory_space<hbm>>) dst(%arg9 : memref<128x128xf32, #tpu.memory_space<vmem>>)
      %add3A_152 = arith.constant 1 : i32
      %add3A_153 = arith.addi %mul3A_121, %add3A_152 : i32
      "tpu.region"() ({
        %run_scoped3A_154 = tpu.sem_alloc : memref<!tpu.dma_semaphore, #tpu.memory_space<semaphore_mem>>
        %dma_start3A_155 = arith.constant 0 : i32
        %dma_start3A_156 = tpu.memref_slice %arg7[%add3A_153, %dma_start3A_155] : memref<157x128xi32, #tpu.memory_space<vmem>> -> memref<1x128xi32, #tpu.memory_space<vmem>>
        %dma_start3A_157 = tpu.memref_squeeze %dma_start3A_156 : memref<1x128xi32, #tpu.memory_space<vmem>> -> memref<128xi32, #tpu.memory_space<vmem>>
        %dma_start3A_158 = arith.constant 0 : i32
        %dma_start3A_159 = arith.constant 0 : i32
        %dma_start3A_160 = tpu.memref_slice %arg12[%dma_start3A_158, %dma_start3A_159] : memref<5120x128xf32, #tpu.memory_space<vmem_shared>> -> memref<5120x128xf32, #tpu.memory_space<vmem_shared>>
        tpu.enqueue_indirect_dma source(%arg9 : memref<128x128xf32, #tpu.memory_space<vmem>>) target(%dma_start3A_160 : memref<5120x128xf32, #tpu.memory_space<vmem_shared>>) offsets(%dma_start3A_157 : memref<128xi32, #tpu.memory_space<vmem>>) semaphore(%run_scoped3A_154 : memref<!tpu.dma_semaphore, #tpu.memory_space<semaphore_mem>>) {add = true}
        %dma_wait3A_161 = arith.constant 0 : i32
        %dma_wait3A_162 = tpu.memref_slice %arg7[%add3A_153, %dma_wait3A_161] : memref<157x128xi32, #tpu.memory_space<vmem>> -> memref<1x128xi32, #tpu.memory_space<vmem>>
        %dma_wait3A_163 = tpu.memref_squeeze %dma_wait3A_162 : memref<1x128xi32, #tpu.memory_space<vmem>> -> memref<128xi32, #tpu.memory_space<vmem>>
        %dma_wait3A_164 = arith.constant 0 : i32
        %dma_wait3A_165 = arith.constant 0 : i32
        %dma_wait3A_166 = tpu.memref_slice %arg12[%dma_wait3A_164, %dma_wait3A_165] : memref<5120x128xf32, #tpu.memory_space<vmem_shared>> -> memref<5120x128xf32, #tpu.memory_space<vmem_shared>>
        tpu.wait_indirect_dma semaphore(%run_scoped3A_154 : memref<!tpu.dma_semaphore, #tpu.memory_space<semaphore_mem>>) src(%arg9 : memref<128x128xf32, #tpu.memory_space<vmem>>) dst(%dma_wait3A_166 : memref<5120x128xf32, #tpu.memory_space<vmem_shared>>)
        tpu.yield
      }) : () -> ()
    }
    %scan3A_82 = arith.constant 78 : i32
    %dma_wait3A_83 = arith.constant 156 : i32
    %dma_wait3A_84 = arith.constant 0 : i32
    %dma_wait3A_85 = tpu.memref_slice %arg6[%dma_wait3A_83, %dma_wait3A_84] : memref<157x128xi32, #tpu.memory_space<vmem>> -> memref<1x128xi32, #tpu.memory_space<vmem>>
    %dma_wait3A_86 = tpu.memref_squeeze %dma_wait3A_85 : memref<1x128xi32, #tpu.memory_space<vmem>> -> memref<128xi32, #tpu.memory_space<vmem>>
    %dma_wait3A_87 = arith.constant 0 : i32
    %dma_wait3A_88 = arith.constant 0 : i32
    %dma_wait3A_89 = tpu.memref_slice %arg2[%dma_wait3A_87, %dma_wait3A_88] : memref<20000x128xf32, #tpu.memory_space<hbm>> -> memref<20000x128xf32, #tpu.memory_space<hbm>>
    tpu.wait_indirect_dma semaphore(%arg13 : memref<!tpu.dma_semaphore, #tpu.memory_space<semaphore_mem>>) src(%dma_wait3A_89 : memref<20000x128xf32, #tpu.memory_space<hbm>>) dst(%arg8 : memref<128x128xf32, #tpu.memory_space<vmem>>)
    %run_scoped3A_90 = arith.constant 156 : i32
    "tpu.region"() ({
      %run_scoped3A_115 = tpu.sem_alloc : memref<!tpu.dma_semaphore, #tpu.memory_space<semaphore_mem>>
      %dma_start3A_116 = arith.constant 0 : i32
      %dma_start3A_117 = tpu.memref_slice %arg7[%run_scoped3A_90, %dma_start3A_116] : memref<157x128xi32, #tpu.memory_space<vmem>> -> memref<1x128xi32, #tpu.memory_space<vmem>>
      %dma_start3A_118 = tpu.memref_squeeze %dma_start3A_117 : memref<1x128xi32, #tpu.memory_space<vmem>> -> memref<128xi32, #tpu.memory_space<vmem>>
      %dma_start3A_119 = arith.constant 0 : i32
      %dma_start3A_120 = arith.constant 0 : i32
      %dma_start3A_121 = tpu.memref_slice %arg12[%dma_start3A_119, %dma_start3A_120] : memref<5120x128xf32, #tpu.memory_space<vmem_shared>> -> memref<5120x128xf32, #tpu.memory_space<vmem_shared>>
      tpu.enqueue_indirect_dma source(%arg8 : memref<128x128xf32, #tpu.memory_space<vmem>>) target(%dma_start3A_121 : memref<5120x128xf32, #tpu.memory_space<vmem_shared>>) offsets(%dma_start3A_118 : memref<128xi32, #tpu.memory_space<vmem>>) semaphore(%run_scoped3A_115 : memref<!tpu.dma_semaphore, #tpu.memory_space<semaphore_mem>>) {add = true}
      %dma_wait3A_122 = arith.constant 0 : i32
      %dma_wait3A_123 = tpu.memref_slice %arg7[%run_scoped3A_90, %dma_wait3A_122] : memref<157x128xi32, #tpu.memory_space<vmem>> -> memref<1x128xi32, #tpu.memory_space<vmem>>
      %dma_wait3A_124 = tpu.memref_squeeze %dma_wait3A_123 : memref<1x128xi32, #tpu.memory_space<vmem>> -> memref<128xi32, #tpu.memory_space<vmem>>
      %dma_wait3A_125 = arith.constant 0 : i32
      %dma_wait3A_126 = arith.constant 0 : i32
      %dma_wait3A_127 = tpu.memref_slice %arg12[%dma_wait3A_125, %dma_wait3A_126] : memref<5120x128xf32, #tpu.memory_space<vmem_shared>> -> memref<5120x128xf32, #tpu.memory_space<vmem_shared>>
      tpu.wait_indirect_dma semaphore(%run_scoped3A_115 : memref<!tpu.dma_semaphore, #tpu.memory_space<semaphore_mem>>) src(%arg8 : memref<128x128xf32, #tpu.memory_space<vmem>>) dst(%dma_wait3A_127 : memref<5120x128xf32, #tpu.memory_space<vmem_shared>>)
      tpu.yield
    }) : () -> ()
    %barrier3A_91 = arith.constant 0 : index
    tpu.barrier barrier_id(%barrier3A_91)
    %mul3A_92 = arith.constant 5056 : i32
    %mul3A_93 = arith.muli %arg0, %mul3A_92 : i32
    %add3A_94 = arith.constant 10112 : i32
    %add3A_95 = arith.addi %add3A_94, %mul3A_93 : i32
    %mul3A_96 = arith.constant 312 : i32
    %mul3A_97 = arith.muli %arg1, %mul3A_96 : i32
    %mul3A_98 = arith.constant 312 : i32
    %mul3A_99 = arith.muli %arg1, %mul3A_98 : i32
    %add3A_100 = arith.addi %add3A_95, %mul3A_99 : i32
    %scan3A_101 = arith.constant 0 : i32
    %scan3A_102 = arith.constant 4 : i32
    %scan3A_103 = arith.addi %scan3A_101, %scan3A_102 : i32
    %scan3A_104 = arith.constant 1 : i32
    scf.for %scan3A_115 = %scan3A_101 to %scan3A_103 step %scan3A_104  : i32 {
      %mul3A_116 = arith.constant 1 : i32
      %mul3A_117 = arith.muli %scan3A_115, %mul3A_116 : i32
      %add3A_118 = arith.constant 0 : i32
      %add3A_119 = arith.addi %add3A_118, %mul3A_117 : i32
      %mul3A_120 = arith.constant 64 : i32
      %mul3A_121 = arith.muli %add3A_119, %mul3A_120 : i32
      %add3A_122 = arith.addi %mul3A_97, %mul3A_121 : i32
      "tpu.region"() ({
        %run_scoped3A_126 = tpu.sem_alloc : memref<!tpu.dma_semaphore, #tpu.memory_space<semaphore_mem>>
        %dma_start3A_127 = arith.constant 0 : i32
        %dma_start3A_128 = tpu.memref_slice %arg12[%add3A_122, %dma_start3A_127] : memref<5120x128xf32, #tpu.memory_space<vmem_shared>> -> memref<64x128xf32, #tpu.memory_space<vmem_shared>>
        %dma_start3A_129 = arith.constant 0 : i32
        %dma_start3A_130 = tpu.memref_slice %arg12[%add3A_122, %dma_start3A_129] : memref<5120x128xf32, #tpu.memory_space<vmem_shared>> -> memref<64x128xf32, #tpu.memory_space<vmem_shared>>
        tpu.enqueue_dma source(%dma_start3A_130 : memref<64x128xf32, #tpu.memory_space<vmem_shared>>) target(%arg11 : memref<64x128xf32, #tpu.memory_space<vmem>>) target_semaphore(%run_scoped3A_126 : memref<!tpu.dma_semaphore, #tpu.memory_space<semaphore_mem>>)
        %dma_wait3A_131 = arith.constant 0 : i32
        %dma_wait3A_132 = tpu.memref_slice %arg12[%add3A_122, %dma_wait3A_131] : memref<5120x128xf32, #tpu.memory_space<vmem_shared>> -> memref<64x128xf32, #tpu.memory_space<vmem_shared>>
        %dma_wait3A_133 = arith.constant 0 : i32
        %dma_wait3A_134 = tpu.memref_slice %arg12[%add3A_122, %dma_wait3A_133] : memref<5120x128xf32, #tpu.memory_space<vmem_shared>> -> memref<64x128xf32, #tpu.memory_space<vmem_shared>>
        tpu.wait_dma2 semaphore(%run_scoped3A_126 : memref<!tpu.dma_semaphore, #tpu.memory_space<semaphore_mem>>) src(%dma_wait3A_134 : memref<64x128xf32, #tpu.memory_space<vmem_shared>>) dst(%arg11 : memref<64x128xf32, #tpu.memory_space<vmem>>)
        tpu.yield
      }) : () -> ()
      %mul3A_123 = arith.constant 64 : i32
      %mul3A_124 = arith.muli %add3A_119, %mul3A_123 : i32
      %add3A_125 = arith.addi %add3A_100, %mul3A_124 : i32
      "tpu.region"() ({
        %run_scoped3A_126 = tpu.sem_alloc : memref<!tpu.dma_semaphore, #tpu.memory_space<semaphore_mem>>
        %dma_start3A_127 = arith.constant 0 : i32
        %dma_start3A_128 = tpu.memref_slice %arg5[%add3A_125, %dma_start3A_127] : memref<20224x128xf32, #tpu.memory_space<hbm>> -> memref<64x128xf32, #tpu.memory_space<hbm>>
        %dma_start3A_129 = arith.constant 0 : i32
        %dma_start3A_130 = tpu.memref_slice %arg5[%add3A_125, %dma_start3A_129] : memref<20224x128xf32, #tpu.memory_space<hbm>> -> memref<64x128xf32, #tpu.memory_space<hbm>>
        tpu.enqueue_dma source(%arg11 : memref<64x128xf32, #tpu.memory_space<vmem>>) target(%dma_start3A_130 : memref<64x128xf32, #tpu.memory_space<hbm>>) target_semaphore(%run_scoped3A_126 : memref<!tpu.dma_semaphore, #tpu.memory_space<semaphore_mem>>)
        %dma_wait3A_131 = arith.constant 0 : i32
        %dma_wait3A_132 = tpu.memref_slice %arg5[%add3A_125, %dma_wait3A_131] : memref<20224x128xf32, #tpu.memory_space<hbm>> -> memref<64x128xf32, #tpu.memory_space<hbm>>
        %dma_wait3A_133 = arith.constant 0 : i32
        %dma_wait3A_134 = tpu.memref_slice %arg5[%add3A_125, %dma_wait3A_133] : memref<20224x128xf32, #tpu.memory_space<hbm>> -> memref<64x128xf32, #tpu.memory_space<hbm>>
        tpu.wait_dma2 semaphore(%run_scoped3A_126 : memref<!tpu.dma_semaphore, #tpu.memory_space<semaphore_mem>>) src(%arg11 : memref<64x128xf32, #tpu.memory_space<vmem>>) dst(%dma_wait3A_134 : memref<64x128xf32, #tpu.memory_space<hbm>>)
        tpu.yield
      }) : () -> ()
    }
    %scan3A_105 = arith.constant 4 : i32
    %add3A_106 = arith.constant 256 : i32
    %add3A_107 = arith.addi %mul3A_97, %add3A_106 : i32
    "tpu.region"() ({
      %run_scoped3A_115 = tpu.sem_alloc : memref<!tpu.dma_semaphore, #tpu.memory_space<semaphore_mem>>
      %dma_start3A_116 = arith.constant 0 : i32
      %dma_start3A_117 = arith.constant 0 : i32
      %dma_start3A_118 = tpu.memref_slice %arg11[%dma_start3A_116, %dma_start3A_117] : memref<64x128xf32, #tpu.memory_space<vmem>> -> memref<56x128xf32, #tpu.memory_space<vmem>>
      %dma_start3A_119 = arith.constant 0 : i32
      %dma_start3A_120 = tpu.memref_slice %arg12[%add3A_107, %dma_start3A_119] : memref<5120x128xf32, #tpu.memory_space<vmem_shared>> -> memref<56x128xf32, #tpu.memory_space<vmem_shared>>
      %dma_start3A_121 = arith.constant 0 : i32
      %dma_start3A_122 = arith.constant 0 : i32
      %dma_start3A_123 = tpu.memref_slice %arg11[%dma_start3A_121, %dma_start3A_122] : memref<64x128xf32, #tpu.memory_space<vmem>> -> memref<56x128xf32, #tpu.memory_space<vmem>>
      %dma_start3A_124 = arith.constant 0 : i32
      %dma_start3A_125 = tpu.memref_slice %arg12[%add3A_107, %dma_start3A_124] : memref<5120x128xf32, #tpu.memory_space<vmem_shared>> -> memref<56x128xf32, #tpu.memory_space<vmem_shared>>
      tpu.enqueue_dma source(%dma_start3A_125 : memref<56x128xf32, #tpu.memory_space<vmem_shared>>) target(%dma_start3A_123 : memref<56x128xf32, #tpu.memory_space<vmem>>) target_semaphore(%run_scoped3A_115 : memref<!tpu.dma_semaphore, #tpu.memory_space<semaphore_mem>>)
      %dma_wait3A_126 = arith.constant 0 : i32
      %dma_wait3A_127 = arith.constant 0 : i32
      %dma_wait3A_128 = tpu.memref_slice %arg11[%dma_wait3A_126, %dma_wait3A_127] : memref<64x128xf32, #tpu.memory_space<vmem>> -> memref<56x128xf32, #tpu.memory_space<vmem>>
      %dma_wait3A_129 = arith.constant 0 : i32
      %dma_wait3A_130 = tpu.memref_slice %arg12[%add3A_107, %dma_wait3A_129] : memref<5120x128xf32, #tpu.memory_space<vmem_shared>> -> memref<56x128xf32, #tpu.memory_space<vmem_shared>>
      %dma_wait3A_131 = arith.constant 0 : i32
      %dma_wait3A_132 = arith.constant 0 : i32
      %dma_wait3A_133 = tpu.memref_slice %arg11[%dma_wait3A_131, %dma_wait3A_132] : memref<64x128xf32, #tpu.memory_space<vmem>> -> memref<56x128xf32, #tpu.memory_space<vmem>>
      %dma_wait3A_134 = arith.constant 0 : i32
      %dma_wait3A_135 = tpu.memref_slice %arg12[%add3A_107, %dma_wait3A_134] : memref<5120x128xf32, #tpu.memory_space<vmem_shared>> -> memref<56x128xf32, #tpu.memory_space<vmem_shared>>
      tpu.wait_dma2 semaphore(%run_scoped3A_115 : memref<!tpu.dma_semaphore, #tpu.memory_space<semaphore_mem>>) src(%dma_wait3A_135 : memref<56x128xf32, #tpu.memory_space<vmem_shared>>) dst(%dma_wait3A_133 : memref<56x128xf32, #tpu.memory_space<vmem>>)
      tpu.yield
    }) : () -> ()
    %add3A_108 = arith.constant 256 : i32
    %add3A_109 = arith.addi %add3A_100, %add3A_108 : i32
    "tpu.region"() ({
      %run_scoped3A_115 = tpu.sem_alloc : memref<!tpu.dma_semaphore, #tpu.memory_space<semaphore_mem>>
      %dma_start3A_116 = arith.constant 0 : i32
      %dma_start3A_117 = arith.constant 0 : i32
      %dma_start3A_118 = tpu.memref_slice %arg11[%dma_start3A_116, %dma_start3A_117] : memref<64x128xf32, #tpu.memory_space<vmem>> -> memref<56x128xf32, #tpu.memory_space<vmem>>
      %dma_start3A_119 = arith.constant 0 : i32
      %dma_start3A_120 = tpu.memref_slice %arg5[%add3A_109, %dma_start3A_119] : memref<20224x128xf32, #tpu.memory_space<hbm>> -> memref<56x128xf32, #tpu.memory_space<hbm>>
      %dma_start3A_121 = arith.constant 0 : i32
      %dma_start3A_122 = tpu.memref_slice %arg5[%add3A_109, %dma_start3A_121] : memref<20224x128xf32, #tpu.memory_space<hbm>> -> memref<56x128xf32, #tpu.memory_space<hbm>>
      %dma_start3A_123 = arith.constant 0 : i32
      %dma_start3A_124 = arith.constant 0 : i32
      %dma_start3A_125 = tpu.memref_slice %arg11[%dma_start3A_123, %dma_start3A_124] : memref<64x128xf32, #tpu.memory_space<vmem>> -> memref<56x128xf32, #tpu.memory_space<vmem>>
      tpu.enqueue_dma source(%dma_start3A_125 : memref<56x128xf32, #tpu.memory_space<vmem>>) target(%dma_start3A_122 : memref<56x128xf32, #tpu.memory_space<hbm>>) target_semaphore(%run_scoped3A_115 : memref<!tpu.dma_semaphore, #tpu.memory_space<semaphore_mem>>)
      %dma_wait3A_126 = arith.constant 0 : i32
      %dma_wait3A_127 = arith.constant 0 : i32
      %dma_wait3A_128 = tpu.memref_slice %arg11[%dma_wait3A_126, %dma_wait3A_127] : memref<64x128xf32, #tpu.memory_space<vmem>> -> memref<56x128xf32, #tpu.memory_space<vmem>>
      %dma_wait3A_129 = arith.constant 0 : i32
      %dma_wait3A_130 = tpu.memref_slice %arg5[%add3A_109, %dma_wait3A_129] : memref<20224x128xf32, #tpu.memory_space<hbm>> -> memref<56x128xf32, #tpu.memory_space<hbm>>
      %dma_wait3A_131 = arith.constant 0 : i32
      %dma_wait3A_132 = tpu.memref_slice %arg5[%add3A_109, %dma_wait3A_131] : memref<20224x128xf32, #tpu.memory_space<hbm>> -> memref<56x128xf32, #tpu.memory_space<hbm>>
      %dma_wait3A_133 = arith.constant 0 : i32
      %dma_wait3A_134 = arith.constant 0 : i32
      %dma_wait3A_135 = tpu.memref_slice %arg11[%dma_wait3A_133, %dma_wait3A_134] : memref<64x128xf32, #tpu.memory_space<vmem>> -> memref<56x128xf32, #tpu.memory_space<vmem>>
      tpu.wait_dma2 semaphore(%run_scoped3A_115 : memref<!tpu.dma_semaphore, #tpu.memory_space<semaphore_mem>>) src(%dma_wait3A_135 : memref<56x128xf32, #tpu.memory_space<vmem>>) dst(%dma_wait3A_132 : memref<56x128xf32, #tpu.memory_space<hbm>>)
      tpu.yield
    }) : () -> ()
    %eq3A_110 = arith.constant 15 : i32
    %eq3A_111 = arith.cmpi eq, %arg1, %eq3A_110 : i32
    %convert_element_type3A_112 = arith.extui %eq3A_111 : i1 to i32
    %cond3A_113 = arith.constant 0 : i32
    %cond3A_114 = arith.cmpi ne, %convert_element_type3A_112, %cond3A_113 : i32
    scf.if %cond3A_114 {
      %add3A_115 = arith.constant 4992 : i32
      %add3A_116 = arith.addi %add3A_95, %add3A_115 : i32
      %scan3A_117 = arith.constant 0 : i32
      %mul3A_118 = arith.constant 1 : i32
      %mul3A_119 = arith.muli %scan3A_117, %mul3A_118 : i32
      %add3A_120 = arith.constant 0 : i32
      %add3A_121 = arith.addi %add3A_120, %mul3A_119 : i32
      %mul3A_122 = arith.constant 64 : i32
      %mul3A_123 = arith.muli %add3A_121, %mul3A_122 : i32
      %add3A_124 = arith.constant 4992 : i32
      %add3A_125 = arith.addi %add3A_124, %mul3A_123 : i32
      "tpu.region"() ({
        %run_scoped3A_130 = tpu.sem_alloc : memref<!tpu.dma_semaphore, #tpu.memory_space<semaphore_mem>>
        %dma_start3A_131 = arith.constant 0 : i32
        %dma_start3A_132 = tpu.memref_slice %arg12[%add3A_125, %dma_start3A_131] : memref<5120x128xf32, #tpu.memory_space<vmem_shared>> -> memref<64x128xf32, #tpu.memory_space<vmem_shared>>
        %dma_start3A_133 = arith.constant 0 : i32
        %dma_start3A_134 = tpu.memref_slice %arg12[%add3A_125, %dma_start3A_133] : memref<5120x128xf32, #tpu.memory_space<vmem_shared>> -> memref<64x128xf32, #tpu.memory_space<vmem_shared>>
        tpu.enqueue_dma source(%dma_start3A_134 : memref<64x128xf32, #tpu.memory_space<vmem_shared>>) target(%arg11 : memref<64x128xf32, #tpu.memory_space<vmem>>) target_semaphore(%run_scoped3A_130 : memref<!tpu.dma_semaphore, #tpu.memory_space<semaphore_mem>>)
        %dma_wait3A_135 = arith.constant 0 : i32
        %dma_wait3A_136 = tpu.memref_slice %arg12[%add3A_125, %dma_wait3A_135] : memref<5120x128xf32, #tpu.memory_space<vmem_shared>> -> memref<64x128xf32, #tpu.memory_space<vmem_shared>>
        %dma_wait3A_137 = arith.constant 0 : i32
        %dma_wait3A_138 = tpu.memref_slice %arg12[%add3A_125, %dma_wait3A_137] : memref<5120x128xf32, #tpu.memory_space<vmem_shared>> -> memref<64x128xf32, #tpu.memory_space<vmem_shared>>
        tpu.wait_dma2 semaphore(%run_scoped3A_130 : memref<!tpu.dma_semaphore, #tpu.memory_space<semaphore_mem>>) src(%dma_wait3A_138 : memref<64x128xf32, #tpu.memory_space<vmem_shared>>) dst(%arg11 : memref<64x128xf32, #tpu.memory_space<vmem>>)
        tpu.yield
      }) : () -> ()
      %mul3A_126 = arith.constant 64 : i32
      %mul3A_127 = arith.muli %add3A_121, %mul3A_126 : i32
      %add3A_128 = arith.addi %add3A_116, %mul3A_127 : i32
      "tpu.region"() ({
        %run_scoped3A_130 = tpu.sem_alloc : memref<!tpu.dma_semaphore, #tpu.memory_space<semaphore_mem>>
        %dma_start3A_131 = arith.constant 0 : i32
        %dma_start3A_132 = tpu.memref_slice %arg5[%add3A_128, %dma_start3A_131] : memref<20224x128xf32, #tpu.memory_space<hbm>> -> memref<64x128xf32, #tpu.memory_space<hbm>>
        %dma_start3A_133 = arith.constant 0 : i32
        %dma_start3A_134 = tpu.memref_slice %arg5[%add3A_128, %dma_start3A_133] : memref<20224x128xf32, #tpu.memory_space<hbm>> -> memref<64x128xf32, #tpu.memory_space<hbm>>
        tpu.enqueue_dma source(%arg11 : memref<64x128xf32, #tpu.memory_space<vmem>>) target(%dma_start3A_134 : memref<64x128xf32, #tpu.memory_space<hbm>>) target_semaphore(%run_scoped3A_130 : memref<!tpu.dma_semaphore, #tpu.memory_space<semaphore_mem>>)
        %dma_wait3A_135 = arith.constant 0 : i32
        %dma_wait3A_136 = tpu.memref_slice %arg5[%add3A_128, %dma_wait3A_135] : memref<20224x128xf32, #tpu.memory_space<hbm>> -> memref<64x128xf32, #tpu.memory_space<hbm>>
        %dma_wait3A_137 = arith.constant 0 : i32
        %dma_wait3A_138 = tpu.memref_slice %arg5[%add3A_128, %dma_wait3A_137] : memref<20224x128xf32, #tpu.memory_space<hbm>> -> memref<64x128xf32, #tpu.memory_space<hbm>>
        tpu.wait_dma2 semaphore(%run_scoped3A_130 : memref<!tpu.dma_semaphore, #tpu.memory_space<semaphore_mem>>) src(%arg11 : memref<64x128xf32, #tpu.memory_space<vmem>>) dst(%dma_wait3A_138 : memref<64x128xf32, #tpu.memory_space<hbm>>)
        tpu.yield
      }) : () -> ()
      %scan3A_129 = arith.constant 1 : i32
    } else {
    }
    return
  }
}

#map = affine_map<(d0, d1) -> (0, 0)>
#map1 = affine_map<(d0, d1) -> (0, 0, 0)>
module attributes {stable_mosaic.version = 14 : i64} {
  func.func @agg(%arg0: i32, %arg1: i32, %arg2: memref<10000x128xf32, #tpu.memory_space<hbm>>, %arg3: memref<32x157x128xi32, #tpu.memory_space<hbm>>, %arg4: memref<32x157x128xi32, #tpu.memory_space<hbm>>, %arg5: memref<10112x128xf32, #tpu.memory_space<hbm>>, %arg6: memref<157x128xi32, #tpu.memory_space<vmem>>, %arg7: memref<157x128xi32, #tpu.memory_space<vmem>>, %arg8: memref<128x128xf32, #tpu.memory_space<vmem>>, %arg9: memref<128x128xf32, #tpu.memory_space<vmem>>, %arg10: memref<64x128xf32, #tpu.memory_space<vmem>>, %arg11: memref<64x128xf32, #tpu.memory_space<vmem>>, %arg12: memref<5120x128xf32, #tpu.memory_space<vmem_shared>>, %arg13: memref<!tpu.dma_semaphore, #tpu.memory_space<semaphore_mem>>, %arg14: memref<!tpu.dma_semaphore, #tpu.memory_space<semaphore_mem>>) attributes {dimension_semantics = [#tpu.dimension_semantics<core_parallel>, #tpu.dimension_semantics<subcore_parallel>], iteration_bounds = array<i64: 2, 16>, scalar_prefetch = 0 : i64, scratch_operands = 9 : i64, tpu.core_type = #tpu.core_type<sc_vector_subcore>, window_params = [{transform_indices = #map}, {transform_indices = #map1}, {transform_indices = #map1}, {transform_indices = #map}]} {
    %mul3A = arith.constant 2 : i32
    %mul3A_0 = arith.muli %arg1, %mul3A : i32
    %add3A = arith.addi %mul3A_0, %arg0 : i32
    "tpu.region"() ({
      %run_scoped3A_57 = tpu.sem_alloc : memref<!tpu.dma_semaphore, #tpu.memory_space<semaphore_mem>>
      %dma_start3A_58 = arith.constant 0 : i32
      %dma_start3A_59 = arith.constant 0 : i32
      %dma_start3A_60 = tpu.memref_slice %arg3[%add3A, %dma_start3A_58, %dma_start3A_59] : memref<32x157x128xi32, #tpu.memory_space<hbm>> -> memref<1x157x128xi32, #tpu.memory_space<hbm>>
      %dma_start3A_61 = tpu.memref_squeeze %dma_start3A_60 : memref<1x157x128xi32, #tpu.memory_space<hbm>> -> memref<157x128xi32, #tpu.memory_space<hbm>>
      %dma_start3A_62 = arith.constant 0 : i32
      %dma_start3A_63 = arith.constant 0 : i32
      %dma_start3A_64 = tpu.memref_slice %arg3[%add3A, %dma_start3A_62, %dma_start3A_63] : memref<32x157x128xi32, #tpu.memory_space<hbm>> -> memref<1x157x128xi32, #tpu.memory_space<hbm>>
      %dma_start3A_65 = tpu.memref_squeeze %dma_start3A_64 : memref<1x157x128xi32, #tpu.memory_space<hbm>> -> memref<157x128xi32, #tpu.memory_space<hbm>>
      tpu.enqueue_dma source(%dma_start3A_65 : memref<157x128xi32, #tpu.memory_space<hbm>>) target(%arg6 : memref<157x128xi32, #tpu.memory_space<vmem>>) target_semaphore(%run_scoped3A_57 : memref<!tpu.dma_semaphore, #tpu.memory_space<semaphore_mem>>)
      %dma_wait3A_66 = arith.constant 0 : i32
      %dma_wait3A_67 = arith.constant 0 : i32
      %dma_wait3A_68 = tpu.memref_slice %arg3[%add3A, %dma_wait3A_66, %dma_wait3A_67] : memref<32x157x128xi32, #tpu.memory_space<hbm>> -> memref<1x157x128xi32, #tpu.memory_space<hbm>>
      %dma_wait3A_69 = tpu.memref_squeeze %dma_wait3A_68 : memref<1x157x128xi32, #tpu.memory_space<hbm>> -> memref<157x128xi32, #tpu.memory_space<hbm>>
      %dma_wait3A_70 = arith.constant 0 : i32
      %dma_wait3A_71 = arith.constant 0 : i32
      %dma_wait3A_72 = tpu.memref_slice %arg3[%add3A, %dma_wait3A_70, %dma_wait3A_71] : memref<32x157x128xi32, #tpu.memory_space<hbm>> -> memref<1x157x128xi32, #tpu.memory_space<hbm>>
      %dma_wait3A_73 = tpu.memref_squeeze %dma_wait3A_72 : memref<1x157x128xi32, #tpu.memory_space<hbm>> -> memref<157x128xi32, #tpu.memory_space<hbm>>
      tpu.wait_dma2 semaphore(%run_scoped3A_57 : memref<!tpu.dma_semaphore, #tpu.memory_space<semaphore_mem>>) src(%dma_wait3A_73 : memref<157x128xi32, #tpu.memory_space<hbm>>) dst(%arg6 : memref<157x128xi32, #tpu.memory_space<vmem>>)
      tpu.yield
    }) : () -> ()
    "tpu.region"() ({
      %run_scoped3A_57 = tpu.sem_alloc : memref<!tpu.dma_semaphore, #tpu.memory_space<semaphore_mem>>
      %dma_start3A_58 = arith.constant 0 : i32
      %dma_start3A_59 = arith.constant 0 : i32
      %dma_start3A_60 = tpu.memref_slice %arg4[%add3A, %dma_start3A_58, %dma_start3A_59] : memref<32x157x128xi32, #tpu.memory_space<hbm>> -> memref<1x157x128xi32, #tpu.memory_space<hbm>>
      %dma_start3A_61 = tpu.memref_squeeze %dma_start3A_60 : memref<1x157x128xi32, #tpu.memory_space<hbm>> -> memref<157x128xi32, #tpu.memory_space<hbm>>
      %dma_start3A_62 = arith.constant 0 : i32
      %dma_start3A_63 = arith.constant 0 : i32
      %dma_start3A_64 = tpu.memref_slice %arg4[%add3A, %dma_start3A_62, %dma_start3A_63] : memref<32x157x128xi32, #tpu.memory_space<hbm>> -> memref<1x157x128xi32, #tpu.memory_space<hbm>>
      %dma_start3A_65 = tpu.memref_squeeze %dma_start3A_64 : memref<1x157x128xi32, #tpu.memory_space<hbm>> -> memref<157x128xi32, #tpu.memory_space<hbm>>
      tpu.enqueue_dma source(%dma_start3A_65 : memref<157x128xi32, #tpu.memory_space<hbm>>) target(%arg7 : memref<157x128xi32, #tpu.memory_space<vmem>>) target_semaphore(%run_scoped3A_57 : memref<!tpu.dma_semaphore, #tpu.memory_space<semaphore_mem>>)
      %dma_wait3A_66 = arith.constant 0 : i32
      %dma_wait3A_67 = arith.constant 0 : i32
      %dma_wait3A_68 = tpu.memref_slice %arg4[%add3A, %dma_wait3A_66, %dma_wait3A_67] : memref<32x157x128xi32, #tpu.memory_space<hbm>> -> memref<1x157x128xi32, #tpu.memory_space<hbm>>
      %dma_wait3A_69 = tpu.memref_squeeze %dma_wait3A_68 : memref<1x157x128xi32, #tpu.memory_space<hbm>> -> memref<157x128xi32, #tpu.memory_space<hbm>>
      %dma_wait3A_70 = arith.constant 0 : i32
      %dma_wait3A_71 = arith.constant 0 : i32
      %dma_wait3A_72 = tpu.memref_slice %arg4[%add3A, %dma_wait3A_70, %dma_wait3A_71] : memref<32x157x128xi32, #tpu.memory_space<hbm>> -> memref<1x157x128xi32, #tpu.memory_space<hbm>>
      %dma_wait3A_73 = tpu.memref_squeeze %dma_wait3A_72 : memref<1x157x128xi32, #tpu.memory_space<hbm>> -> memref<157x128xi32, #tpu.memory_space<hbm>>
      tpu.wait_dma2 semaphore(%run_scoped3A_57 : memref<!tpu.dma_semaphore, #tpu.memory_space<semaphore_mem>>) src(%dma_wait3A_73 : memref<157x128xi32, #tpu.memory_space<hbm>>) dst(%arg7 : memref<157x128xi32, #tpu.memory_space<vmem>>)
      tpu.yield
    }) : () -> ()
    %scan3A = arith.constant 0 : i32
    %scan3A_1 = arith.constant 64 : i32
    %scan3A_2 = arith.addi %scan3A, %scan3A_1 : i32
    %scan3A_3 = arith.constant 1 : i32
    scf.for %scan3A_57 = %scan3A to %scan3A_2 step %scan3A_3  : i32 {
      %mul3A_58 = arith.constant 1 : i32
      %mul3A_59 = arith.muli %scan3A_57, %mul3A_58 : i32
      %add3A_60 = arith.constant 0 : i32
      %add3A_61 = arith.addi %add3A_60, %mul3A_59 : i32
      %scan3A_62 = arith.constant 0 : i32
      %scan3A_63 = arith.constant 8 : i32
      %scan3A_64 = arith.addi %scan3A_62, %scan3A_63 : i32
      %scan3A_65 = arith.constant 1 : i32
      scf.for %scan3A_67 = %scan3A_62 to %scan3A_64 step %scan3A_65  : i32 {
        %mul3A_68 = arith.constant 1 : i32
        %mul3A_69 = arith.muli %scan3A_67, %mul3A_68 : i32
        %add3A_70 = arith.constant 0 : i32
        %add3A_71 = arith.addi %add3A_70, %mul3A_69 : i32
        %broadcast_in_dim3A = arith.constant 0.000000e+00 : f32
        %broadcast_in_dim3A_72 = vector.broadcast %broadcast_in_dim3A : f32 to vector<16xf32>
        %mul3A_73 = arith.constant 16 : i32
        %mul3A_74 = arith.muli %add3A_71, %mul3A_73 : i32
        %swap3A = arith.index_cast %add3A_61 : i32 to index
        %swap3A_75 = arith.index_cast %mul3A_74 : i32 to index
        %swap3A_76 = tpu.vector_load %arg10[%swap3A, %swap3A_75] {strides = array<i32>} : memref<64x128xf32, #tpu.memory_space<vmem>>, vector<1x16xf32>,
        %swap3A_77 = vector.shape_cast %swap3A_76 : vector<1x16xf32> to vector<16xf32>
        %swap3A_78 = vector.shape_cast %broadcast_in_dim3A_72 : vector<16xf32> to vector<1x16xf32>
        tpu.vector_store %arg10[%swap3A, %swap3A_75], %swap3A_78 {strides = array<i32>} : memref<64x128xf32, #tpu.memory_space<vmem>>, vector<1x16xf32>,
      }
      %scan3A_66 = arith.constant 8 : i32
    }
    %scan3A_4 = arith.constant 64 : i32
    %mul3A_5 = arith.constant 5056 : i32
    %mul3A_6 = arith.muli %arg0, %mul3A_5 : i32
    %scan3A_7 = arith.constant 0 : i32
    %scan3A_8 = arith.constant 157 : i32
    %scan3A_9 = arith.addi %scan3A_7, %scan3A_8 : i32
    %scan3A_10 = arith.constant 1 : i32
    scf.for %scan3A_57 = %scan3A_7 to %scan3A_9 step %scan3A_10  : i32 {
      %mul3A_58 = arith.constant 1 : i32
      %mul3A_59 = arith.muli %scan3A_57, %mul3A_58 : i32
      %add3A_60 = arith.constant 0 : i32
      %add3A_61 = arith.addi %add3A_60, %mul3A_59 : i32
      %scan3A_62 = arith.constant 0 : i32
      %scan3A_63 = arith.constant 8 : i32
      %scan3A_64 = arith.addi %scan3A_62, %scan3A_63 : i32
      %scan3A_65 = arith.constant 1 : i32
      scf.for %scan3A_67 = %scan3A_62 to %scan3A_64 step %scan3A_65  : i32 {
        %mul3A_68 = arith.constant 1 : i32
        %mul3A_69 = arith.muli %scan3A_67, %mul3A_68 : i32
        %add3A_70 = arith.constant 0 : i32
        %add3A_71 = arith.addi %add3A_70, %mul3A_69 : i32
        %mul3A_72 = arith.constant 16 : i32
        %mul3A_73 = arith.muli %add3A_71, %mul3A_72 : i32
        %get3A = arith.index_cast %add3A_61 : i32 to index
        %get3A_74 = arith.index_cast %mul3A_73 : i32 to index
        %get3A_75 = tpu.vector_load %arg7[%get3A, %get3A_74] {strides = array<i32>} : memref<157x128xi32, #tpu.memory_space<vmem>>, vector<1x16xi32>,
        %get3A_76 = vector.shape_cast %get3A_75 : vector<1x16xi32> to vector<16xi32>
        %sub3A = vector.broadcast %mul3A_6 : i32 to vector<16xi32>
        %sub3A_77 = arith.subi %get3A_76, %sub3A : vector<16xi32>
        %ge3A = arith.constant 0 : i32
        %ge3A_78 = vector.broadcast %ge3A : i32 to vector<16xi32>
        %ge3A_79 = arith.cmpi sge, %sub3A_77, %ge3A_78 : vector<16xi32>
        %lt3A = arith.constant 5056 : i32
        %lt3A_80 = vector.broadcast %lt3A : i32 to vector<16xi32>
        %lt3A_81 = arith.cmpi slt, %sub3A_77, %lt3A_80 : vector<16xi32>
        %and3A = arith.andi %ge3A_79, %lt3A_81 : vector<16xi1>
        %and3A_82 = arith.constant 63 : i32
        %and3A_83 = vector.broadcast %and3A_82 : i32 to vector<16xi32>
        %and3A_84 = arith.andi %get3A_76, %and3A_83 : vector<16xi32>
        %add3A_85 = arith.constant 5056 : i32
        %add3A_86 = vector.broadcast %add3A_85 : i32 to vector<16xi32>
        %add3A_87 = arith.addi %add3A_86, %and3A_84 : vector<16xi32>
        %select_n3A = arith.select %and3A, %sub3A_77, %add3A_87 : vector<16xi1>, vector<16xi32>
        %swap3A = arith.index_cast %add3A_61 : i32 to index
        %swap3A_88 = arith.index_cast %mul3A_73 : i32 to index
        %swap3A_89 = tpu.vector_load %arg7[%swap3A, %swap3A_88] {strides = array<i32>} : memref<157x128xi32, #tpu.memory_space<vmem>>, vector<1x16xi32>,
        %swap3A_90 = vector.shape_cast %swap3A_89 : vector<1x16xi32> to vector<16xi32>
        %swap3A_91 = vector.shape_cast %select_n3A : vector<16xi32> to vector<1x16xi32>
        tpu.vector_store %arg7[%swap3A, %swap3A_88], %swap3A_91 {strides = array<i32>} : memref<157x128xi32, #tpu.memory_space<vmem>>, vector<1x16xi32>,
      }
      %scan3A_66 = arith.constant 8 : i32
    }
    %scan3A_11 = arith.constant 157 : i32
    %mul3A_12 = arith.constant 320 : i32
    %mul3A_13 = arith.muli %arg1, %mul3A_12 : i32
    %scan3A_14 = arith.constant 0 : i32
    %scan3A_15 = arith.constant 5 : i32
    %scan3A_16 = arith.addi %scan3A_14, %scan3A_15 : i32
    %scan3A_17 = arith.constant 1 : i32
    scf.for %scan3A_57 = %scan3A_14 to %scan3A_16 step %scan3A_17  : i32 {
      %mul3A_58 = arith.constant 1 : i32
      %mul3A_59 = arith.muli %scan3A_57, %mul3A_58 : i32
      %add3A_60 = arith.constant 0 : i32
      %add3A_61 = arith.addi %add3A_60, %mul3A_59 : i32
      %mul3A_62 = arith.constant 64 : i32
      %mul3A_63 = arith.muli %add3A_61, %mul3A_62 : i32
      %add3A_64 = arith.addi %mul3A_13, %mul3A_63 : i32
      "tpu.region"() ({
        %run_scoped3A_65 = tpu.sem_alloc : memref<!tpu.dma_semaphore, #tpu.memory_space<semaphore_mem>>
        %dma_start3A_66 = arith.constant 0 : i32
        %dma_start3A_67 = tpu.memref_slice %arg12[%add3A_64, %dma_start3A_66] : memref<5120x128xf32, #tpu.memory_space<vmem_shared>> -> memref<64x128xf32, #tpu.memory_space<vmem_shared>>
        %dma_start3A_68 = arith.constant 0 : i32
        %dma_start3A_69 = tpu.memref_slice %arg12[%add3A_64, %dma_start3A_68] : memref<5120x128xf32, #tpu.memory_space<vmem_shared>> -> memref<64x128xf32, #tpu.memory_space<vmem_shared>>
        tpu.enqueue_dma source(%arg10 : memref<64x128xf32, #tpu.memory_space<vmem>>) target(%dma_start3A_69 : memref<64x128xf32, #tpu.memory_space<vmem_shared>>) target_semaphore(%run_scoped3A_65 : memref<!tpu.dma_semaphore, #tpu.memory_space<semaphore_mem>>)
        %dma_wait3A_70 = arith.constant 0 : i32
        %dma_wait3A_71 = tpu.memref_slice %arg12[%add3A_64, %dma_wait3A_70] : memref<5120x128xf32, #tpu.memory_space<vmem_shared>> -> memref<64x128xf32, #tpu.memory_space<vmem_shared>>
        %dma_wait3A_72 = arith.constant 0 : i32
        %dma_wait3A_73 = tpu.memref_slice %arg12[%add3A_64, %dma_wait3A_72] : memref<5120x128xf32, #tpu.memory_space<vmem_shared>> -> memref<64x128xf32, #tpu.memory_space<vmem_shared>>
        tpu.wait_dma2 semaphore(%run_scoped3A_65 : memref<!tpu.dma_semaphore, #tpu.memory_space<semaphore_mem>>) src(%arg10 : memref<64x128xf32, #tpu.memory_space<vmem>>) dst(%dma_wait3A_73 : memref<64x128xf32, #tpu.memory_space<vmem_shared>>)
        tpu.yield
      }) : () -> ()
    }
    %scan3A_18 = arith.constant 5 : i32
    %barrier3A = arith.constant 0 : index
    tpu.barrier barrier_id(%barrier3A)
    %dma_start3A = arith.constant 0 : i32
    %dma_start3A_19 = arith.constant 0 : i32
    %dma_start3A_20 = tpu.memref_slice %arg6[%dma_start3A, %dma_start3A_19] : memref<157x128xi32, #tpu.memory_space<vmem>> -> memref<1x128xi32, #tpu.memory_space<vmem>>
    %dma_start3A_21 = tpu.memref_squeeze %dma_start3A_20 : memref<1x128xi32, #tpu.memory_space<vmem>> -> memref<128xi32, #tpu.memory_space<vmem>>
    %dma_start3A_22 = arith.constant 0 : i32
    %dma_start3A_23 = arith.constant 0 : i32
    %dma_start3A_24 = tpu.memref_slice %arg2[%dma_start3A_22, %dma_start3A_23] : memref<10000x128xf32, #tpu.memory_space<hbm>> -> memref<10000x128xf32, #tpu.memory_space<hbm>>
    tpu.enqueue_indirect_dma source(%dma_start3A_24 : memref<10000x128xf32, #tpu.memory_space<hbm>>) target(%arg8 : memref<128x128xf32, #tpu.memory_space<vmem>>) offsets(%dma_start3A_21 : memref<128xi32, #tpu.memory_space<vmem>>) semaphore(%arg13 : memref<!tpu.dma_semaphore, #tpu.memory_space<semaphore_mem>>)
    %scan3A_25 = arith.constant 0 : i32
    %scan3A_26 = arith.constant 78 : i32
    %scan3A_27 = arith.addi %scan3A_25, %scan3A_26 : i32
    %scan3A_28 = arith.constant 1 : i32
    scf.for %scan3A_57 = %scan3A_25 to %scan3A_27 step %scan3A_28  : i32 {
      %mul3A_58 = arith.constant 1 : i32
      %mul3A_59 = arith.muli %scan3A_57, %mul3A_58 : i32
      %add3A_60 = arith.constant 0 : i32
      %add3A_61 = arith.addi %add3A_60, %mul3A_59 : i32
      %mul3A_62 = arith.constant 2 : i32
      %mul3A_63 = arith.muli %mul3A_62, %add3A_61 : i32
      %add3A_64 = arith.constant 1 : i32
      %add3A_65 = arith.addi %mul3A_63, %add3A_64 : i32
      %dma_start3A_66 = arith.constant 0 : i32
      %dma_start3A_67 = tpu.memref_slice %arg6[%add3A_65, %dma_start3A_66] : memref<157x128xi32, #tpu.memory_space<vmem>> -> memref<1x128xi32, #tpu.memory_space<vmem>>
      %dma_start3A_68 = tpu.memref_squeeze %dma_start3A_67 : memref<1x128xi32, #tpu.memory_space<vmem>> -> memref<128xi32, #tpu.memory_space<vmem>>
      %dma_start3A_69 = arith.constant 0 : i32
      %dma_start3A_70 = arith.constant 0 : i32
      %dma_start3A_71 = tpu.memref_slice %arg2[%dma_start3A_69, %dma_start3A_70] : memref<10000x128xf32, #tpu.memory_space<hbm>> -> memref<10000x128xf32, #tpu.memory_space<hbm>>
      tpu.enqueue_indirect_dma source(%dma_start3A_71 : memref<10000x128xf32, #tpu.memory_space<hbm>>) target(%arg9 : memref<128x128xf32, #tpu.memory_space<vmem>>) offsets(%dma_start3A_68 : memref<128xi32, #tpu.memory_space<vmem>>) semaphore(%arg14 : memref<!tpu.dma_semaphore, #tpu.memory_space<semaphore_mem>>)
      %dma_wait3A_72 = arith.constant 0 : i32
      %dma_wait3A_73 = tpu.memref_slice %arg6[%mul3A_63, %dma_wait3A_72] : memref<157x128xi32, #tpu.memory_space<vmem>> -> memref<1x128xi32, #tpu.memory_space<vmem>>
      %dma_wait3A_74 = tpu.memref_squeeze %dma_wait3A_73 : memref<1x128xi32, #tpu.memory_space<vmem>> -> memref<128xi32, #tpu.memory_space<vmem>>
      %dma_wait3A_75 = arith.constant 0 : i32
      %dma_wait3A_76 = arith.constant 0 : i32
      %dma_wait3A_77 = tpu.memref_slice %arg2[%dma_wait3A_75, %dma_wait3A_76] : memref<10000x128xf32, #tpu.memory_space<hbm>> -> memref<10000x128xf32, #tpu.memory_space<hbm>>
      tpu.wait_indirect_dma semaphore(%arg13 : memref<!tpu.dma_semaphore, #tpu.memory_space<semaphore_mem>>) src(%dma_wait3A_77 : memref<10000x128xf32, #tpu.memory_space<hbm>>) dst(%arg8 : memref<128x128xf32, #tpu.memory_space<vmem>>)
      "tpu.region"() ({
        %run_scoped3A_96 = tpu.sem_alloc : memref<!tpu.dma_semaphore, #tpu.memory_space<semaphore_mem>>
        %dma_start3A_97 = arith.constant 0 : i32
        %dma_start3A_98 = tpu.memref_slice %arg7[%mul3A_63, %dma_start3A_97] : memref<157x128xi32, #tpu.memory_space<vmem>> -> memref<1x128xi32, #tpu.memory_space<vmem>>
        %dma_start3A_99 = tpu.memref_squeeze %dma_start3A_98 : memref<1x128xi32, #tpu.memory_space<vmem>> -> memref<128xi32, #tpu.memory_space<vmem>>
        %dma_start3A_100 = arith.constant 0 : i32
        %dma_start3A_101 = arith.constant 0 : i32
        %dma_start3A_102 = tpu.memref_slice %arg12[%dma_start3A_100, %dma_start3A_101] : memref<5120x128xf32, #tpu.memory_space<vmem_shared>> -> memref<5120x128xf32, #tpu.memory_space<vmem_shared>>
        tpu.enqueue_indirect_dma source(%arg8 : memref<128x128xf32, #tpu.memory_space<vmem>>) target(%dma_start3A_102 : memref<5120x128xf32, #tpu.memory_space<vmem_shared>>) offsets(%dma_start3A_99 : memref<128xi32, #tpu.memory_space<vmem>>) semaphore(%run_scoped3A_96 : memref<!tpu.dma_semaphore, #tpu.memory_space<semaphore_mem>>) {add = true}
        %dma_wait3A_103 = arith.constant 0 : i32
        %dma_wait3A_104 = tpu.memref_slice %arg7[%mul3A_63, %dma_wait3A_103] : memref<157x128xi32, #tpu.memory_space<vmem>> -> memref<1x128xi32, #tpu.memory_space<vmem>>
        %dma_wait3A_105 = tpu.memref_squeeze %dma_wait3A_104 : memref<1x128xi32, #tpu.memory_space<vmem>> -> memref<128xi32, #tpu.memory_space<vmem>>
        %dma_wait3A_106 = arith.constant 0 : i32
        %dma_wait3A_107 = arith.constant 0 : i32
        %dma_wait3A_108 = tpu.memref_slice %arg12[%dma_wait3A_106, %dma_wait3A_107] : memref<5120x128xf32, #tpu.memory_space<vmem_shared>> -> memref<5120x128xf32, #tpu.memory_space<vmem_shared>>
        tpu.wait_indirect_dma semaphore(%run_scoped3A_96 : memref<!tpu.dma_semaphore, #tpu.memory_space<semaphore_mem>>) src(%arg8 : memref<128x128xf32, #tpu.memory_space<vmem>>) dst(%dma_wait3A_108 : memref<5120x128xf32, #tpu.memory_space<vmem_shared>>)
        tpu.yield
      }) : () -> ()
      %add3A_78 = arith.constant 2 : i32
      %add3A_79 = arith.addi %mul3A_63, %add3A_78 : i32
      %dma_start3A_80 = arith.constant 0 : i32
      %dma_start3A_81 = tpu.memref_slice %arg6[%add3A_79, %dma_start3A_80] : memref<157x128xi32, #tpu.memory_space<vmem>> -> memref<1x128xi32, #tpu.memory_space<vmem>>
      %dma_start3A_82 = tpu.memref_squeeze %dma_start3A_81 : memref<1x128xi32, #tpu.memory_space<vmem>> -> memref<128xi32, #tpu.memory_space<vmem>>
      %dma_start3A_83 = arith.constant 0 : i32
      %dma_start3A_84 = arith.constant 0 : i32
      %dma_start3A_85 = tpu.memref_slice %arg2[%dma_start3A_83, %dma_start3A_84] : memref<10000x128xf32, #tpu.memory_space<hbm>> -> memref<10000x128xf32, #tpu.memory_space<hbm>>
      tpu.enqueue_indirect_dma source(%dma_start3A_85 : memref<10000x128xf32, #tpu.memory_space<hbm>>) target(%arg8 : memref<128x128xf32, #tpu.memory_space<vmem>>) offsets(%dma_start3A_82 : memref<128xi32, #tpu.memory_space<vmem>>) semaphore(%arg13 : memref<!tpu.dma_semaphore, #tpu.memory_space<semaphore_mem>>)
      %add3A_86 = arith.constant 1 : i32
      %add3A_87 = arith.addi %mul3A_63, %add3A_86 : i32
      %dma_wait3A_88 = arith.constant 0 : i32
      %dma_wait3A_89 = tpu.memref_slice %arg6[%add3A_87, %dma_wait3A_88] : memref<157x128xi32, #tpu.memory_space<vmem>> -> memref<1x128xi32, #tpu.memory_space<vmem>>
      %dma_wait3A_90 = tpu.memref_squeeze %dma_wait3A_89 : memref<1x128xi32, #tpu.memory_space<vmem>> -> memref<128xi32, #tpu.memory_space<vmem>>
      %dma_wait3A_91 = arith.constant 0 : i32
      %dma_wait3A_92 = arith.constant 0 : i32
      %dma_wait3A_93 = tpu.memref_slice %arg2[%dma_wait3A_91, %dma_wait3A_92] : memref<10000x128xf32, #tpu.memory_space<hbm>> -> memref<10000x128xf32, #tpu.memory_space<hbm>>
      tpu.wait_indirect_dma semaphore(%arg14 : memref<!tpu.dma_semaphore, #tpu.memory_space<semaphore_mem>>) src(%dma_wait3A_93 : memref<10000x128xf32, #tpu.memory_space<hbm>>) dst(%arg9 : memref<128x128xf32, #tpu.memory_space<vmem>>)
      %add3A_94 = arith.constant 1 : i32
      %add3A_95 = arith.addi %mul3A_63, %add3A_94 : i32
      "tpu.region"() ({
        %run_scoped3A_96 = tpu.sem_alloc : memref<!tpu.dma_semaphore, #tpu.memory_space<semaphore_mem>>
        %dma_start3A_97 = arith.constant 0 : i32
        %dma_start3A_98 = tpu.memref_slice %arg7[%add3A_95, %dma_start3A_97] : memref<157x128xi32, #tpu.memory_space<vmem>> -> memref<1x128xi32, #tpu.memory_space<vmem>>
        %dma_start3A_99 = tpu.memref_squeeze %dma_start3A_98 : memref<1x128xi32, #tpu.memory_space<vmem>> -> memref<128xi32, #tpu.memory_space<vmem>>
        %dma_start3A_100 = arith.constant 0 : i32
        %dma_start3A_101 = arith.constant 0 : i32
        %dma_start3A_102 = tpu.memref_slice %arg12[%dma_start3A_100, %dma_start3A_101] : memref<5120x128xf32, #tpu.memory_space<vmem_shared>> -> memref<5120x128xf32, #tpu.memory_space<vmem_shared>>
        tpu.enqueue_indirect_dma source(%arg9 : memref<128x128xf32, #tpu.memory_space<vmem>>) target(%dma_start3A_102 : memref<5120x128xf32, #tpu.memory_space<vmem_shared>>) offsets(%dma_start3A_99 : memref<128xi32, #tpu.memory_space<vmem>>) semaphore(%run_scoped3A_96 : memref<!tpu.dma_semaphore, #tpu.memory_space<semaphore_mem>>) {add = true}
        %dma_wait3A_103 = arith.constant 0 : i32
        %dma_wait3A_104 = tpu.memref_slice %arg7[%add3A_95, %dma_wait3A_103] : memref<157x128xi32, #tpu.memory_space<vmem>> -> memref<1x128xi32, #tpu.memory_space<vmem>>
        %dma_wait3A_105 = tpu.memref_squeeze %dma_wait3A_104 : memref<1x128xi32, #tpu.memory_space<vmem>> -> memref<128xi32, #tpu.memory_space<vmem>>
        %dma_wait3A_106 = arith.constant 0 : i32
        %dma_wait3A_107 = arith.constant 0 : i32
        %dma_wait3A_108 = tpu.memref_slice %arg12[%dma_wait3A_106, %dma_wait3A_107] : memref<5120x128xf32, #tpu.memory_space<vmem_shared>> -> memref<5120x128xf32, #tpu.memory_space<vmem_shared>>
        tpu.wait_indirect_dma semaphore(%run_scoped3A_96 : memref<!tpu.dma_semaphore, #tpu.memory_space<semaphore_mem>>) src(%arg9 : memref<128x128xf32, #tpu.memory_space<vmem>>) dst(%dma_wait3A_108 : memref<5120x128xf32, #tpu.memory_space<vmem_shared>>)
        tpu.yield
      }) : () -> ()
    }
    %scan3A_29 = arith.constant 78 : i32
    %dma_wait3A = arith.constant 156 : i32
    %dma_wait3A_30 = arith.constant 0 : i32
    %dma_wait3A_31 = tpu.memref_slice %arg6[%dma_wait3A, %dma_wait3A_30] : memref<157x128xi32, #tpu.memory_space<vmem>> -> memref<1x128xi32, #tpu.memory_space<vmem>>
    %dma_wait3A_32 = tpu.memref_squeeze %dma_wait3A_31 : memref<1x128xi32, #tpu.memory_space<vmem>> -> memref<128xi32, #tpu.memory_space<vmem>>
    %dma_wait3A_33 = arith.constant 0 : i32
    %dma_wait3A_34 = arith.constant 0 : i32
    %dma_wait3A_35 = tpu.memref_slice %arg2[%dma_wait3A_33, %dma_wait3A_34] : memref<10000x128xf32, #tpu.memory_space<hbm>> -> memref<10000x128xf32, #tpu.memory_space<hbm>>
    tpu.wait_indirect_dma semaphore(%arg13 : memref<!tpu.dma_semaphore, #tpu.memory_space<semaphore_mem>>) src(%dma_wait3A_35 : memref<10000x128xf32, #tpu.memory_space<hbm>>) dst(%arg8 : memref<128x128xf32, #tpu.memory_space<vmem>>)
    %run_scoped3A = arith.constant 156 : i32
    "tpu.region"() ({
      %run_scoped3A_57 = tpu.sem_alloc : memref<!tpu.dma_semaphore, #tpu.memory_space<semaphore_mem>>
      %dma_start3A_58 = arith.constant 0 : i32
      %dma_start3A_59 = tpu.memref_slice %arg7[%run_scoped3A, %dma_start3A_58] : memref<157x128xi32, #tpu.memory_space<vmem>> -> memref<1x128xi32, #tpu.memory_space<vmem>>
      %dma_start3A_60 = tpu.memref_squeeze %dma_start3A_59 : memref<1x128xi32, #tpu.memory_space<vmem>> -> memref<128xi32, #tpu.memory_space<vmem>>
      %dma_start3A_61 = arith.constant 0 : i32
      %dma_start3A_62 = arith.constant 0 : i32
      %dma_start3A_63 = tpu.memref_slice %arg12[%dma_start3A_61, %dma_start3A_62] : memref<5120x128xf32, #tpu.memory_space<vmem_shared>> -> memref<5120x128xf32, #tpu.memory_space<vmem_shared>>
      tpu.enqueue_indirect_dma source(%arg8 : memref<128x128xf32, #tpu.memory_space<vmem>>) target(%dma_start3A_63 : memref<5120x128xf32, #tpu.memory_space<vmem_shared>>) offsets(%dma_start3A_60 : memref<128xi32, #tpu.memory_space<vmem>>) semaphore(%run_scoped3A_57 : memref<!tpu.dma_semaphore, #tpu.memory_space<semaphore_mem>>) {add = true}
      %dma_wait3A_64 = arith.constant 0 : i32
      %dma_wait3A_65 = tpu.memref_slice %arg7[%run_scoped3A, %dma_wait3A_64] : memref<157x128xi32, #tpu.memory_space<vmem>> -> memref<1x128xi32, #tpu.memory_space<vmem>>
      %dma_wait3A_66 = tpu.memref_squeeze %dma_wait3A_65 : memref<1x128xi32, #tpu.memory_space<vmem>> -> memref<128xi32, #tpu.memory_space<vmem>>
      %dma_wait3A_67 = arith.constant 0 : i32
      %dma_wait3A_68 = arith.constant 0 : i32
      %dma_wait3A_69 = tpu.memref_slice %arg12[%dma_wait3A_67, %dma_wait3A_68] : memref<5120x128xf32, #tpu.memory_space<vmem_shared>> -> memref<5120x128xf32, #tpu.memory_space<vmem_shared>>
      tpu.wait_indirect_dma semaphore(%run_scoped3A_57 : memref<!tpu.dma_semaphore, #tpu.memory_space<semaphore_mem>>) src(%arg8 : memref<128x128xf32, #tpu.memory_space<vmem>>) dst(%dma_wait3A_69 : memref<5120x128xf32, #tpu.memory_space<vmem_shared>>)
      tpu.yield
    }) : () -> ()
    %barrier3A_36 = arith.constant 0 : index
    tpu.barrier barrier_id(%barrier3A_36)
    %mul3A_37 = arith.constant 5056 : i32
    %mul3A_38 = arith.muli %arg0, %mul3A_37 : i32
    %add3A_39 = arith.constant 0 : i32
    %add3A_40 = arith.addi %add3A_39, %mul3A_38 : i32
    %mul3A_41 = arith.constant 312 : i32
    %mul3A_42 = arith.muli %arg1, %mul3A_41 : i32
    %mul3A_43 = arith.constant 312 : i32
    %mul3A_44 = arith.muli %arg1, %mul3A_43 : i32
    %add3A_45 = arith.addi %add3A_40, %mul3A_44 : i32
    %scan3A_46 = arith.constant 0 : i32
    %scan3A_47 = arith.constant 4 : i32
    %scan3A_48 = arith.addi %scan3A_46, %scan3A_47 : i32
    %scan3A_49 = arith.constant 1 : i32
    scf.for %scan3A_57 = %scan3A_46 to %scan3A_48 step %scan3A_49  : i32 {
      %mul3A_58 = arith.constant 1 : i32
      %mul3A_59 = arith.muli %scan3A_57, %mul3A_58 : i32
      %add3A_60 = arith.constant 0 : i32
      %add3A_61 = arith.addi %add3A_60, %mul3A_59 : i32
      %mul3A_62 = arith.constant 64 : i32
      %mul3A_63 = arith.muli %add3A_61, %mul3A_62 : i32
      %add3A_64 = arith.addi %mul3A_42, %mul3A_63 : i32
      "tpu.region"() ({
        %run_scoped3A_68 = tpu.sem_alloc : memref<!tpu.dma_semaphore, #tpu.memory_space<semaphore_mem>>
        %dma_start3A_69 = arith.constant 0 : i32
        %dma_start3A_70 = tpu.memref_slice %arg12[%add3A_64, %dma_start3A_69] : memref<5120x128xf32, #tpu.memory_space<vmem_shared>> -> memref<64x128xf32, #tpu.memory_space<vmem_shared>>
        %dma_start3A_71 = arith.constant 0 : i32
        %dma_start3A_72 = tpu.memref_slice %arg12[%add3A_64, %dma_start3A_71] : memref<5120x128xf32, #tpu.memory_space<vmem_shared>> -> memref<64x128xf32, #tpu.memory_space<vmem_shared>>
        tpu.enqueue_dma source(%dma_start3A_72 : memref<64x128xf32, #tpu.memory_space<vmem_shared>>) target(%arg11 : memref<64x128xf32, #tpu.memory_space<vmem>>) target_semaphore(%run_scoped3A_68 : memref<!tpu.dma_semaphore, #tpu.memory_space<semaphore_mem>>)
        %dma_wait3A_73 = arith.constant 0 : i32
        %dma_wait3A_74 = tpu.memref_slice %arg12[%add3A_64, %dma_wait3A_73] : memref<5120x128xf32, #tpu.memory_space<vmem_shared>> -> memref<64x128xf32, #tpu.memory_space<vmem_shared>>
        %dma_wait3A_75 = arith.constant 0 : i32
        %dma_wait3A_76 = tpu.memref_slice %arg12[%add3A_64, %dma_wait3A_75] : memref<5120x128xf32, #tpu.memory_space<vmem_shared>> -> memref<64x128xf32, #tpu.memory_space<vmem_shared>>
        tpu.wait_dma2 semaphore(%run_scoped3A_68 : memref<!tpu.dma_semaphore, #tpu.memory_space<semaphore_mem>>) src(%dma_wait3A_76 : memref<64x128xf32, #tpu.memory_space<vmem_shared>>) dst(%arg11 : memref<64x128xf32, #tpu.memory_space<vmem>>)
        tpu.yield
      }) : () -> ()
      %mul3A_65 = arith.constant 64 : i32
      %mul3A_66 = arith.muli %add3A_61, %mul3A_65 : i32
      %add3A_67 = arith.addi %add3A_45, %mul3A_66 : i32
      "tpu.region"() ({
        %run_scoped3A_68 = tpu.sem_alloc : memref<!tpu.dma_semaphore, #tpu.memory_space<semaphore_mem>>
        %dma_start3A_69 = arith.constant 0 : i32
        %dma_start3A_70 = tpu.memref_slice %arg5[%add3A_67, %dma_start3A_69] : memref<10112x128xf32, #tpu.memory_space<hbm>> -> memref<64x128xf32, #tpu.memory_space<hbm>>
        %dma_start3A_71 = arith.constant 0 : i32
        %dma_start3A_72 = tpu.memref_slice %arg5[%add3A_67, %dma_start3A_71] : memref<10112x128xf32, #tpu.memory_space<hbm>> -> memref<64x128xf32, #tpu.memory_space<hbm>>
        tpu.enqueue_dma source(%arg11 : memref<64x128xf32, #tpu.memory_space<vmem>>) target(%dma_start3A_72 : memref<64x128xf32, #tpu.memory_space<hbm>>) target_semaphore(%run_scoped3A_68 : memref<!tpu.dma_semaphore, #tpu.memory_space<semaphore_mem>>)
        %dma_wait3A_73 = arith.constant 0 : i32
        %dma_wait3A_74 = tpu.memref_slice %arg5[%add3A_67, %dma_wait3A_73] : memref<10112x128xf32, #tpu.memory_space<hbm>> -> memref<64x128xf32, #tpu.memory_space<hbm>>
        %dma_wait3A_75 = arith.constant 0 : i32
        %dma_wait3A_76 = tpu.memref_slice %arg5[%add3A_67, %dma_wait3A_75] : memref<10112x128xf32, #tpu.memory_space<hbm>> -> memref<64x128xf32, #tpu.memory_space<hbm>>
        tpu.wait_dma2 semaphore(%run_scoped3A_68 : memref<!tpu.dma_semaphore, #tpu.memory_space<semaphore_mem>>) src(%arg11 : memref<64x128xf32, #tpu.memory_space<vmem>>) dst(%dma_wait3A_76 : memref<64x128xf32, #tpu.memory_space<hbm>>)
        tpu.yield
      }) : () -> ()
    }
    %scan3A_50 = arith.constant 4 : i32
    %add3A_51 = arith.constant 256 : i32
    %add3A_52 = arith.addi %mul3A_42, %add3A_51 : i32
    "tpu.region"() ({
      %run_scoped3A_57 = tpu.sem_alloc : memref<!tpu.dma_semaphore, #tpu.memory_space<semaphore_mem>>
      %dma_start3A_58 = arith.constant 0 : i32
      %dma_start3A_59 = arith.constant 0 : i32
      %dma_start3A_60 = tpu.memref_slice %arg11[%dma_start3A_58, %dma_start3A_59] : memref<64x128xf32, #tpu.memory_space<vmem>> -> memref<56x128xf32, #tpu.memory_space<vmem>>
      %dma_start3A_61 = arith.constant 0 : i32
      %dma_start3A_62 = tpu.memref_slice %arg12[%add3A_52, %dma_start3A_61] : memref<5120x128xf32, #tpu.memory_space<vmem_shared>> -> memref<56x128xf32, #tpu.memory_space<vmem_shared>>
      %dma_start3A_63 = arith.constant 0 : i32
      %dma_start3A_64 = arith.constant 0 : i32
      %dma_start3A_65 = tpu.memref_slice %arg11[%dma_start3A_63, %dma_start3A_64] : memref<64x128xf32, #tpu.memory_space<vmem>> -> memref<56x128xf32, #tpu.memory_space<vmem>>
      %dma_start3A_66 = arith.constant 0 : i32
      %dma_start3A_67 = tpu.memref_slice %arg12[%add3A_52, %dma_start3A_66] : memref<5120x128xf32, #tpu.memory_space<vmem_shared>> -> memref<56x128xf32, #tpu.memory_space<vmem_shared>>
      tpu.enqueue_dma source(%dma_start3A_67 : memref<56x128xf32, #tpu.memory_space<vmem_shared>>) target(%dma_start3A_65 : memref<56x128xf32, #tpu.memory_space<vmem>>) target_semaphore(%run_scoped3A_57 : memref<!tpu.dma_semaphore, #tpu.memory_space<semaphore_mem>>)
      %dma_wait3A_68 = arith.constant 0 : i32
      %dma_wait3A_69 = arith.constant 0 : i32
      %dma_wait3A_70 = tpu.memref_slice %arg11[%dma_wait3A_68, %dma_wait3A_69] : memref<64x128xf32, #tpu.memory_space<vmem>> -> memref<56x128xf32, #tpu.memory_space<vmem>>
      %dma_wait3A_71 = arith.constant 0 : i32
      %dma_wait3A_72 = tpu.memref_slice %arg12[%add3A_52, %dma_wait3A_71] : memref<5120x128xf32, #tpu.memory_space<vmem_shared>> -> memref<56x128xf32, #tpu.memory_space<vmem_shared>>
      %dma_wait3A_73 = arith.constant 0 : i32
      %dma_wait3A_74 = arith.constant 0 : i32
      %dma_wait3A_75 = tpu.memref_slice %arg11[%dma_wait3A_73, %dma_wait3A_74] : memref<64x128xf32, #tpu.memory_space<vmem>> -> memref<56x128xf32, #tpu.memory_space<vmem>>
      %dma_wait3A_76 = arith.constant 0 : i32
      %dma_wait3A_77 = tpu.memref_slice %arg12[%add3A_52, %dma_wait3A_76] : memref<5120x128xf32, #tpu.memory_space<vmem_shared>> -> memref<56x128xf32, #tpu.memory_space<vmem_shared>>
      tpu.wait_dma2 semaphore(%run_scoped3A_57 : memref<!tpu.dma_semaphore, #tpu.memory_space<semaphore_mem>>) src(%dma_wait3A_77 : memref<56x128xf32, #tpu.memory_space<vmem_shared>>) dst(%dma_wait3A_75 : memref<56x128xf32, #tpu.memory_space<vmem>>)
      tpu.yield
    }) : () -> ()
    %add3A_53 = arith.constant 256 : i32
    %add3A_54 = arith.addi %add3A_45, %add3A_53 : i32
    "tpu.region"() ({
      %run_scoped3A_57 = tpu.sem_alloc : memref<!tpu.dma_semaphore, #tpu.memory_space<semaphore_mem>>
      %dma_start3A_58 = arith.constant 0 : i32
      %dma_start3A_59 = arith.constant 0 : i32
      %dma_start3A_60 = tpu.memref_slice %arg11[%dma_start3A_58, %dma_start3A_59] : memref<64x128xf32, #tpu.memory_space<vmem>> -> memref<56x128xf32, #tpu.memory_space<vmem>>
      %dma_start3A_61 = arith.constant 0 : i32
      %dma_start3A_62 = tpu.memref_slice %arg5[%add3A_54, %dma_start3A_61] : memref<10112x128xf32, #tpu.memory_space<hbm>> -> memref<56x128xf32, #tpu.memory_space<hbm>>
      %dma_start3A_63 = arith.constant 0 : i32
      %dma_start3A_64 = tpu.memref_slice %arg5[%add3A_54, %dma_start3A_63] : memref<10112x128xf32, #tpu.memory_space<hbm>> -> memref<56x128xf32, #tpu.memory_space<hbm>>
      %dma_start3A_65 = arith.constant 0 : i32
      %dma_start3A_66 = arith.constant 0 : i32
      %dma_start3A_67 = tpu.memref_slice %arg11[%dma_start3A_65, %dma_start3A_66] : memref<64x128xf32, #tpu.memory_space<vmem>> -> memref<56x128xf32, #tpu.memory_space<vmem>>
      tpu.enqueue_dma source(%dma_start3A_67 : memref<56x128xf32, #tpu.memory_space<vmem>>) target(%dma_start3A_64 : memref<56x128xf32, #tpu.memory_space<hbm>>) target_semaphore(%run_scoped3A_57 : memref<!tpu.dma_semaphore, #tpu.memory_space<semaphore_mem>>)
      %dma_wait3A_68 = arith.constant 0 : i32
      %dma_wait3A_69 = arith.constant 0 : i32
      %dma_wait3A_70 = tpu.memref_slice %arg11[%dma_wait3A_68, %dma_wait3A_69] : memref<64x128xf32, #tpu.memory_space<vmem>> -> memref<56x128xf32, #tpu.memory_space<vmem>>
      %dma_wait3A_71 = arith.constant 0 : i32
      %dma_wait3A_72 = tpu.memref_slice %arg5[%add3A_54, %dma_wait3A_71] : memref<10112x128xf32, #tpu.memory_space<hbm>> -> memref<56x128xf32, #tpu.memory_space<hbm>>
      %dma_wait3A_73 = arith.constant 0 : i32
      %dma_wait3A_74 = tpu.memref_slice %arg5[%add3A_54, %dma_wait3A_73] : memref<10112x128xf32, #tpu.memory_space<hbm>> -> memref<56x128xf32, #tpu.memory_space<hbm>>
      %dma_wait3A_75 = arith.constant 0 : i32
      %dma_wait3A_76 = arith.constant 0 : i32
      %dma_wait3A_77 = tpu.memref_slice %arg11[%dma_wait3A_75, %dma_wait3A_76] : memref<64x128xf32, #tpu.memory_space<vmem>> -> memref<56x128xf32, #tpu.memory_space<vmem>>
      tpu.wait_dma2 semaphore(%run_scoped3A_57 : memref<!tpu.dma_semaphore, #tpu.memory_space<semaphore_mem>>) src(%dma_wait3A_77 : memref<56x128xf32, #tpu.memory_space<vmem>>) dst(%dma_wait3A_74 : memref<56x128xf32, #tpu.memory_space<hbm>>)
      tpu.yield
    }) : () -> ()
    %eq3A = arith.constant 15 : i32
    %eq3A_55 = arith.cmpi eq, %arg1, %eq3A : i32
    %convert_element_type3A = arith.extui %eq3A_55 : i1 to i32
    %cond3A = arith.constant 0 : i32
    %cond3A_56 = arith.cmpi ne, %convert_element_type3A, %cond3A : i32
    scf.if %cond3A_56 {
      %add3A_57 = arith.constant 4992 : i32
      %add3A_58 = arith.addi %add3A_40, %add3A_57 : i32
      %scan3A_59 = arith.constant 0 : i32
      %mul3A_60 = arith.constant 1 : i32
      %mul3A_61 = arith.muli %scan3A_59, %mul3A_60 : i32
      %add3A_62 = arith.constant 0 : i32
      %add3A_63 = arith.addi %add3A_62, %mul3A_61 : i32
      %mul3A_64 = arith.constant 64 : i32
      %mul3A_65 = arith.muli %add3A_63, %mul3A_64 : i32
      %add3A_66 = arith.constant 4992 : i32
      %add3A_67 = arith.addi %add3A_66, %mul3A_65 : i32
      "tpu.region"() ({
        %run_scoped3A_72 = tpu.sem_alloc : memref<!tpu.dma_semaphore, #tpu.memory_space<semaphore_mem>>
        %dma_start3A_73 = arith.constant 0 : i32
        %dma_start3A_74 = tpu.memref_slice %arg12[%add3A_67, %dma_start3A_73] : memref<5120x128xf32, #tpu.memory_space<vmem_shared>> -> memref<64x128xf32, #tpu.memory_space<vmem_shared>>
        %dma_start3A_75 = arith.constant 0 : i32
        %dma_start3A_76 = tpu.memref_slice %arg12[%add3A_67, %dma_start3A_75] : memref<5120x128xf32, #tpu.memory_space<vmem_shared>> -> memref<64x128xf32, #tpu.memory_space<vmem_shared>>
        tpu.enqueue_dma source(%dma_start3A_76 : memref<64x128xf32, #tpu.memory_space<vmem_shared>>) target(%arg11 : memref<64x128xf32, #tpu.memory_space<vmem>>) target_semaphore(%run_scoped3A_72 : memref<!tpu.dma_semaphore, #tpu.memory_space<semaphore_mem>>)
        %dma_wait3A_77 = arith.constant 0 : i32
        %dma_wait3A_78 = tpu.memref_slice %arg12[%add3A_67, %dma_wait3A_77] : memref<5120x128xf32, #tpu.memory_space<vmem_shared>> -> memref<64x128xf32, #tpu.memory_space<vmem_shared>>
        %dma_wait3A_79 = arith.constant 0 : i32
        %dma_wait3A_80 = tpu.memref_slice %arg12[%add3A_67, %dma_wait3A_79] : memref<5120x128xf32, #tpu.memory_space<vmem_shared>> -> memref<64x128xf32, #tpu.memory_space<vmem_shared>>
        tpu.wait_dma2 semaphore(%run_scoped3A_72 : memref<!tpu.dma_semaphore, #tpu.memory_space<semaphore_mem>>) src(%dma_wait3A_80 : memref<64x128xf32, #tpu.memory_space<vmem_shared>>) dst(%arg11 : memref<64x128xf32, #tpu.memory_space<vmem>>)
        tpu.yield
      }) : () -> ()
      %mul3A_68 = arith.constant 64 : i32
      %mul3A_69 = arith.muli %add3A_63, %mul3A_68 : i32
      %add3A_70 = arith.addi %add3A_58, %mul3A_69 : i32
      "tpu.region"() ({
        %run_scoped3A_72 = tpu.sem_alloc : memref<!tpu.dma_semaphore, #tpu.memory_space<semaphore_mem>>
        %dma_start3A_73 = arith.constant 0 : i32
        %dma_start3A_74 = tpu.memref_slice %arg5[%add3A_70, %dma_start3A_73] : memref<10112x128xf32, #tpu.memory_space<hbm>> -> memref<64x128xf32, #tpu.memory_space<hbm>>
        %dma_start3A_75 = arith.constant 0 : i32
        %dma_start3A_76 = tpu.memref_slice %arg5[%add3A_70, %dma_start3A_75] : memref<10112x128xf32, #tpu.memory_space<hbm>> -> memref<64x128xf32, #tpu.memory_space<hbm>>
        tpu.enqueue_dma source(%arg11 : memref<64x128xf32, #tpu.memory_space<vmem>>) target(%dma_start3A_76 : memref<64x128xf32, #tpu.memory_space<hbm>>) target_semaphore(%run_scoped3A_72 : memref<!tpu.dma_semaphore, #tpu.memory_space<semaphore_mem>>)
        %dma_wait3A_77 = arith.constant 0 : i32
        %dma_wait3A_78 = tpu.memref_slice %arg5[%add3A_70, %dma_wait3A_77] : memref<10112x128xf32, #tpu.memory_space<hbm>> -> memref<64x128xf32, #tpu.memory_space<hbm>>
        %dma_wait3A_79 = arith.constant 0 : i32
        %dma_wait3A_80 = tpu.memref_slice %arg5[%add3A_70, %dma_wait3A_79] : memref<10112x128xf32, #tpu.memory_space<hbm>> -> memref<64x128xf32, #tpu.memory_space<hbm>>
        tpu.wait_dma2 semaphore(%run_scoped3A_72 : memref<!tpu.dma_semaphore, #tpu.memory_space<semaphore_mem>>) src(%arg11 : memref<64x128xf32, #tpu.memory_space<vmem>>) dst(%dma_wait3A_80 : memref<64x128xf32, #tpu.memory_space<hbm>>)
        tpu.yield
      }) : () -> ()
      %scan3A_71 = arith.constant 1 : i32
    } else {
    }
    return
  }
}

#map = affine_map<(d0, d1) -> (0, 0, 0)>
#map1 = affine_map<(d0, d1) -> (0, 0)>
module attributes {stable_mosaic.version = 14 : i64} {
  func.func @deg(%arg0: i32, %arg1: i32, %arg2: memref<32x157x128xi32, #tpu.memory_space<hbm>>, %arg3: memref<10112x128xf32, #tpu.memory_space<hbm>>, %arg4: memref<157x128xi32, #tpu.memory_space<vmem>>, %arg5: memref<128x128xf32, #tpu.memory_space<vmem>>, %arg6: memref<64x128xf32, #tpu.memory_space<vmem>>, %arg7: memref<5120x128xf32, #tpu.memory_space<vmem_shared>>) attributes {dimension_semantics = [#tpu.dimension_semantics<core_parallel>, #tpu.dimension_semantics<subcore_parallel>], iteration_bounds = array<i64: 2, 16>, scalar_prefetch = 0 : i64, scratch_operands = 4 : i64, tpu.core_type = #tpu.core_type<sc_vector_subcore>, window_params = [{transform_indices = #map}, {transform_indices = #map1}]} {
    %mul3A = arith.constant 2 : i32
    %mul3A_0 = arith.muli %arg1, %mul3A : i32
    %add3A = arith.addi %mul3A_0, %arg0 : i32
    "tpu.region"() ({
      %run_scoped3A = tpu.sem_alloc : memref<!tpu.dma_semaphore, #tpu.memory_space<semaphore_mem>>
      %dma_start3A = arith.constant 0 : i32
      %dma_start3A_48 = arith.constant 0 : i32
      %dma_start3A_49 = tpu.memref_slice %arg2[%add3A, %dma_start3A, %dma_start3A_48] : memref<32x157x128xi32, #tpu.memory_space<hbm>> -> memref<1x157x128xi32, #tpu.memory_space<hbm>>
      %dma_start3A_50 = tpu.memref_squeeze %dma_start3A_49 : memref<1x157x128xi32, #tpu.memory_space<hbm>> -> memref<157x128xi32, #tpu.memory_space<hbm>>
      %dma_start3A_51 = arith.constant 0 : i32
      %dma_start3A_52 = arith.constant 0 : i32
      %dma_start3A_53 = tpu.memref_slice %arg2[%add3A, %dma_start3A_51, %dma_start3A_52] : memref<32x157x128xi32, #tpu.memory_space<hbm>> -> memref<1x157x128xi32, #tpu.memory_space<hbm>>
      %dma_start3A_54 = tpu.memref_squeeze %dma_start3A_53 : memref<1x157x128xi32, #tpu.memory_space<hbm>> -> memref<157x128xi32, #tpu.memory_space<hbm>>
      tpu.enqueue_dma source(%dma_start3A_54 : memref<157x128xi32, #tpu.memory_space<hbm>>) target(%arg4 : memref<157x128xi32, #tpu.memory_space<vmem>>) target_semaphore(%run_scoped3A : memref<!tpu.dma_semaphore, #tpu.memory_space<semaphore_mem>>)
      %dma_wait3A = arith.constant 0 : i32
      %dma_wait3A_55 = arith.constant 0 : i32
      %dma_wait3A_56 = tpu.memref_slice %arg2[%add3A, %dma_wait3A, %dma_wait3A_55] : memref<32x157x128xi32, #tpu.memory_space<hbm>> -> memref<1x157x128xi32, #tpu.memory_space<hbm>>
      %dma_wait3A_57 = tpu.memref_squeeze %dma_wait3A_56 : memref<1x157x128xi32, #tpu.memory_space<hbm>> -> memref<157x128xi32, #tpu.memory_space<hbm>>
      %dma_wait3A_58 = arith.constant 0 : i32
      %dma_wait3A_59 = arith.constant 0 : i32
      %dma_wait3A_60 = tpu.memref_slice %arg2[%add3A, %dma_wait3A_58, %dma_wait3A_59] : memref<32x157x128xi32, #tpu.memory_space<hbm>> -> memref<1x157x128xi32, #tpu.memory_space<hbm>>
      %dma_wait3A_61 = tpu.memref_squeeze %dma_wait3A_60 : memref<1x157x128xi32, #tpu.memory_space<hbm>> -> memref<157x128xi32, #tpu.memory_space<hbm>>
      tpu.wait_dma2 semaphore(%run_scoped3A : memref<!tpu.dma_semaphore, #tpu.memory_space<semaphore_mem>>) src(%dma_wait3A_61 : memref<157x128xi32, #tpu.memory_space<hbm>>) dst(%arg4 : memref<157x128xi32, #tpu.memory_space<vmem>>)
      tpu.yield
    }) : () -> ()
    %scan3A = arith.constant 0 : i32
    %scan3A_1 = arith.constant 128 : i32
    %scan3A_2 = arith.addi %scan3A, %scan3A_1 : i32
    %scan3A_3 = arith.constant 1 : i32
    scf.for %scan3A_48 = %scan3A to %scan3A_2 step %scan3A_3  : i32 {
      %mul3A_49 = arith.constant 1 : i32
      %mul3A_50 = arith.muli %scan3A_48, %mul3A_49 : i32
      %add3A_51 = arith.constant 0 : i32
      %add3A_52 = arith.addi %add3A_51, %mul3A_50 : i32
      %scan3A_53 = arith.constant 0 : i32
      %scan3A_54 = arith.constant 8 : i32
      %scan3A_55 = arith.addi %scan3A_53, %scan3A_54 : i32
      %scan3A_56 = arith.constant 1 : i32
      scf.for %scan3A_58 = %scan3A_53 to %scan3A_55 step %scan3A_56  : i32 {
        %mul3A_59 = arith.constant 1 : i32
        %mul3A_60 = arith.muli %scan3A_58, %mul3A_59 : i32
        %add3A_61 = arith.constant 0 : i32
        %add3A_62 = arith.addi %add3A_61, %mul3A_60 : i32
        %broadcast_in_dim3A = arith.constant 1.000000e+00 : f32
        %broadcast_in_dim3A_63 = vector.broadcast %broadcast_in_dim3A : f32 to vector<16xf32>
        %mul3A_64 = arith.constant 16 : i32
        %mul3A_65 = arith.muli %add3A_62, %mul3A_64 : i32
        %swap3A = arith.index_cast %add3A_52 : i32 to index
        %swap3A_66 = arith.index_cast %mul3A_65 : i32 to index
        %swap3A_67 = tpu.vector_load %arg5[%swap3A, %swap3A_66] {strides = array<i32>} : memref<128x128xf32, #tpu.memory_space<vmem>>, vector<1x16xf32>,
        %swap3A_68 = vector.shape_cast %swap3A_67 : vector<1x16xf32> to vector<16xf32>
        %swap3A_69 = vector.shape_cast %broadcast_in_dim3A_63 : vector<16xf32> to vector<1x16xf32>
        tpu.vector_store %arg5[%swap3A, %swap3A_66], %swap3A_69 {strides = array<i32>} : memref<128x128xf32, #tpu.memory_space<vmem>>, vector<1x16xf32>,
      }
      %scan3A_57 = arith.constant 8 : i32
    }
    %scan3A_4 = arith.constant 128 : i32
    %scan3A_5 = arith.constant 0 : i32
    %scan3A_6 = arith.constant 64 : i32
    %scan3A_7 = arith.addi %scan3A_5, %scan3A_6 : i32
    %scan3A_8 = arith.constant 1 : i32
    scf.for %scan3A_48 = %scan3A_5 to %scan3A_7 step %scan3A_8  : i32 {
      %mul3A_49 = arith.constant 1 : i32
      %mul3A_50 = arith.muli %scan3A_48, %mul3A_49 : i32
      %add3A_51 = arith.constant 0 : i32
      %add3A_52 = arith.addi %add3A_51, %mul3A_50 : i32
      %scan3A_53 = arith.constant 0 : i32
      %scan3A_54 = arith.constant 8 : i32
      %scan3A_55 = arith.addi %scan3A_53, %scan3A_54 : i32
      %scan3A_56 = arith.constant 1 : i32
      scf.for %scan3A_58 = %scan3A_53 to %scan3A_55 step %scan3A_56  : i32 {
        %mul3A_59 = arith.constant 1 : i32
        %mul3A_60 = arith.muli %scan3A_58, %mul3A_59 : i32
        %add3A_61 = arith.constant 0 : i32
        %add3A_62 = arith.addi %add3A_61, %mul3A_60 : i32
        %broadcast_in_dim3A = arith.constant 0.000000e+00 : f32
        %broadcast_in_dim3A_63 = vector.broadcast %broadcast_in_dim3A : f32 to vector<16xf32>
        %mul3A_64 = arith.constant 16 : i32
        %mul3A_65 = arith.muli %add3A_62, %mul3A_64 : i32
        %swap3A = arith.index_cast %add3A_52 : i32 to index
        %swap3A_66 = arith.index_cast %mul3A_65 : i32 to index
        %swap3A_67 = tpu.vector_load %arg6[%swap3A, %swap3A_66] {strides = array<i32>} : memref<64x128xf32, #tpu.memory_space<vmem>>, vector<1x16xf32>,
        %swap3A_68 = vector.shape_cast %swap3A_67 : vector<1x16xf32> to vector<16xf32>
        %swap3A_69 = vector.shape_cast %broadcast_in_dim3A_63 : vector<16xf32> to vector<1x16xf32>
        tpu.vector_store %arg6[%swap3A, %swap3A_66], %swap3A_69 {strides = array<i32>} : memref<64x128xf32, #tpu.memory_space<vmem>>, vector<1x16xf32>,
      }
      %scan3A_57 = arith.constant 8 : i32
    }
    %scan3A_9 = arith.constant 64 : i32
    %mul3A_10 = arith.constant 5056 : i32
    %mul3A_11 = arith.muli %arg0, %mul3A_10 : i32
    %scan3A_12 = arith.constant 0 : i32
    %scan3A_13 = arith.constant 157 : i32
    %scan3A_14 = arith.addi %scan3A_12, %scan3A_13 : i32
    %scan3A_15 = arith.constant 1 : i32
    scf.for %scan3A_48 = %scan3A_12 to %scan3A_14 step %scan3A_15  : i32 {
      %mul3A_49 = arith.constant 1 : i32
      %mul3A_50 = arith.muli %scan3A_48, %mul3A_49 : i32
      %add3A_51 = arith.constant 0 : i32
      %add3A_52 = arith.addi %add3A_51, %mul3A_50 : i32
      %scan3A_53 = arith.constant 0 : i32
      %scan3A_54 = arith.constant 8 : i32
      %scan3A_55 = arith.addi %scan3A_53, %scan3A_54 : i32
      %scan3A_56 = arith.constant 1 : i32
      scf.for %scan3A_58 = %scan3A_53 to %scan3A_55 step %scan3A_56  : i32 {
        %mul3A_59 = arith.constant 1 : i32
        %mul3A_60 = arith.muli %scan3A_58, %mul3A_59 : i32
        %add3A_61 = arith.constant 0 : i32
        %add3A_62 = arith.addi %add3A_61, %mul3A_60 : i32
        %mul3A_63 = arith.constant 16 : i32
        %mul3A_64 = arith.muli %add3A_62, %mul3A_63 : i32
        %get3A = arith.index_cast %add3A_52 : i32 to index
        %get3A_65 = arith.index_cast %mul3A_64 : i32 to index
        %get3A_66 = tpu.vector_load %arg4[%get3A, %get3A_65] {strides = array<i32>} : memref<157x128xi32, #tpu.memory_space<vmem>>, vector<1x16xi32>,
        %get3A_67 = vector.shape_cast %get3A_66 : vector<1x16xi32> to vector<16xi32>
        %sub3A = vector.broadcast %mul3A_11 : i32 to vector<16xi32>
        %sub3A_68 = arith.subi %get3A_67, %sub3A : vector<16xi32>
        %ge3A = arith.constant 0 : i32
        %ge3A_69 = vector.broadcast %ge3A : i32 to vector<16xi32>
        %ge3A_70 = arith.cmpi sge, %sub3A_68, %ge3A_69 : vector<16xi32>
        %lt3A = arith.constant 5056 : i32
        %lt3A_71 = vector.broadcast %lt3A : i32 to vector<16xi32>
        %lt3A_72 = arith.cmpi slt, %sub3A_68, %lt3A_71 : vector<16xi32>
        %and3A = arith.andi %ge3A_70, %lt3A_72 : vector<16xi1>
        %and3A_73 = arith.constant 63 : i32
        %and3A_74 = vector.broadcast %and3A_73 : i32 to vector<16xi32>
        %and3A_75 = arith.andi %get3A_67, %and3A_74 : vector<16xi32>
        %add3A_76 = arith.constant 5056 : i32
        %add3A_77 = vector.broadcast %add3A_76 : i32 to vector<16xi32>
        %add3A_78 = arith.addi %add3A_77, %and3A_75 : vector<16xi32>
        %select_n3A = arith.select %and3A, %sub3A_68, %add3A_78 : vector<16xi1>, vector<16xi32>
        %swap3A = arith.index_cast %add3A_52 : i32 to index
        %swap3A_79 = arith.index_cast %mul3A_64 : i32 to index
        %swap3A_80 = tpu.vector_load %arg4[%swap3A, %swap3A_79] {strides = array<i32>} : memref<157x128xi32, #tpu.memory_space<vmem>>, vector<1x16xi32>,
        %swap3A_81 = vector.shape_cast %swap3A_80 : vector<1x16xi32> to vector<16xi32>
        %swap3A_82 = vector.shape_cast %select_n3A : vector<16xi32> to vector<1x16xi32>
        tpu.vector_store %arg4[%swap3A, %swap3A_79], %swap3A_82 {strides = array<i32>} : memref<157x128xi32, #tpu.memory_space<vmem>>, vector<1x16xi32>,
      }
      %scan3A_57 = arith.constant 8 : i32
    }
    %scan3A_16 = arith.constant 157 : i32
    %mul3A_17 = arith.constant 320 : i32
    %mul3A_18 = arith.muli %arg1, %mul3A_17 : i32
    %scan3A_19 = arith.constant 0 : i32
    %scan3A_20 = arith.constant 5 : i32
    %scan3A_21 = arith.addi %scan3A_19, %scan3A_20 : i32
    %scan3A_22 = arith.constant 1 : i32
    scf.for %scan3A_48 = %scan3A_19 to %scan3A_21 step %scan3A_22  : i32 {
      %mul3A_49 = arith.constant 1 : i32
      %mul3A_50 = arith.muli %scan3A_48, %mul3A_49 : i32
      %add3A_51 = arith.constant 0 : i32
      %add3A_52 = arith.addi %add3A_51, %mul3A_50 : i32
      %mul3A_53 = arith.constant 64 : i32
      %mul3A_54 = arith.muli %add3A_52, %mul3A_53 : i32
      %add3A_55 = arith.addi %mul3A_18, %mul3A_54 : i32
      "tpu.region"() ({
        %run_scoped3A = tpu.sem_alloc : memref<!tpu.dma_semaphore, #tpu.memory_space<semaphore_mem>>
        %dma_start3A = arith.constant 0 : i32
        %dma_start3A_56 = tpu.memref_slice %arg7[%add3A_55, %dma_start3A] : memref<5120x128xf32, #tpu.memory_space<vmem_shared>> -> memref<64x128xf32, #tpu.memory_space<vmem_shared>>
        %dma_start3A_57 = arith.constant 0 : i32
        %dma_start3A_58 = tpu.memref_slice %arg7[%add3A_55, %dma_start3A_57] : memref<5120x128xf32, #tpu.memory_space<vmem_shared>> -> memref<64x128xf32, #tpu.memory_space<vmem_shared>>
        tpu.enqueue_dma source(%arg6 : memref<64x128xf32, #tpu.memory_space<vmem>>) target(%dma_start3A_58 : memref<64x128xf32, #tpu.memory_space<vmem_shared>>) target_semaphore(%run_scoped3A : memref<!tpu.dma_semaphore, #tpu.memory_space<semaphore_mem>>)
        %dma_wait3A = arith.constant 0 : i32
        %dma_wait3A_59 = tpu.memref_slice %arg7[%add3A_55, %dma_wait3A] : memref<5120x128xf32, #tpu.memory_space<vmem_shared>> -> memref<64x128xf32, #tpu.memory_space<vmem_shared>>
        %dma_wait3A_60 = arith.constant 0 : i32
        %dma_wait3A_61 = tpu.memref_slice %arg7[%add3A_55, %dma_wait3A_60] : memref<5120x128xf32, #tpu.memory_space<vmem_shared>> -> memref<64x128xf32, #tpu.memory_space<vmem_shared>>
        tpu.wait_dma2 semaphore(%run_scoped3A : memref<!tpu.dma_semaphore, #tpu.memory_space<semaphore_mem>>) src(%arg6 : memref<64x128xf32, #tpu.memory_space<vmem>>) dst(%dma_wait3A_61 : memref<64x128xf32, #tpu.memory_space<vmem_shared>>)
        tpu.yield
      }) : () -> ()
    }
    %scan3A_23 = arith.constant 5 : i32
    %barrier3A = arith.constant 0 : index
    tpu.barrier barrier_id(%barrier3A)
    %scan3A_24 = arith.constant 0 : i32
    %scan3A_25 = arith.constant 157 : i32
    %scan3A_26 = arith.addi %scan3A_24, %scan3A_25 : i32
    %scan3A_27 = arith.constant 1 : i32
    scf.for %scan3A_48 = %scan3A_24 to %scan3A_26 step %scan3A_27  : i32 {
      %mul3A_49 = arith.constant 1 : i32
      %mul3A_50 = arith.muli %scan3A_48, %mul3A_49 : i32
      %add3A_51 = arith.constant 0 : i32
      %add3A_52 = arith.addi %add3A_51, %mul3A_50 : i32
      "tpu.region"() ({
        %run_scoped3A = tpu.sem_alloc : memref<!tpu.dma_semaphore, #tpu.memory_space<semaphore_mem>>
        %dma_start3A = arith.constant 0 : i32
        %dma_start3A_53 = tpu.memref_slice %arg4[%add3A_52, %dma_start3A] : memref<157x128xi32, #tpu.memory_space<vmem>> -> memref<1x128xi32, #tpu.memory_space<vmem>>
        %dma_start3A_54 = tpu.memref_squeeze %dma_start3A_53 : memref<1x128xi32, #tpu.memory_space<vmem>> -> memref<128xi32, #tpu.memory_space<vmem>>
        %dma_start3A_55 = arith.constant 0 : i32
        %dma_start3A_56 = arith.constant 0 : i32
        %dma_start3A_57 = tpu.memref_slice %arg7[%dma_start3A_55, %dma_start3A_56] : memref<5120x128xf32, #tpu.memory_space<vmem_shared>> -> memref<5120x128xf32, #tpu.memory_space<vmem_shared>>
        tpu.enqueue_indirect_dma source(%arg5 : memref<128x128xf32, #tpu.memory_space<vmem>>) target(%dma_start3A_57 : memref<5120x128xf32, #tpu.memory_space<vmem_shared>>) offsets(%dma_start3A_54 : memref<128xi32, #tpu.memory_space<vmem>>) semaphore(%run_scoped3A : memref<!tpu.dma_semaphore, #tpu.memory_space<semaphore_mem>>) {add = true}
        %dma_wait3A = arith.constant 0 : i32
        %dma_wait3A_58 = tpu.memref_slice %arg4[%add3A_52, %dma_wait3A] : memref<157x128xi32, #tpu.memory_space<vmem>> -> memref<1x128xi32, #tpu.memory_space<vmem>>
        %dma_wait3A_59 = tpu.memref_squeeze %dma_wait3A_58 : memref<1x128xi32, #tpu.memory_space<vmem>> -> memref<128xi32, #tpu.memory_space<vmem>>
        %dma_wait3A_60 = arith.constant 0 : i32
        %dma_wait3A_61 = arith.constant 0 : i32
        %dma_wait3A_62 = tpu.memref_slice %arg7[%dma_wait3A_60, %dma_wait3A_61] : memref<5120x128xf32, #tpu.memory_space<vmem_shared>> -> memref<5120x128xf32, #tpu.memory_space<vmem_shared>>
        tpu.wait_indirect_dma semaphore(%run_scoped3A : memref<!tpu.dma_semaphore, #tpu.memory_space<semaphore_mem>>) src(%arg5 : memref<128x128xf32, #tpu.memory_space<vmem>>) dst(%dma_wait3A_62 : memref<5120x128xf32, #tpu.memory_space<vmem_shared>>)
        tpu.yield
      }) : () -> ()
    }
    %scan3A_28 = arith.constant 157 : i32
    %barrier3A_29 = arith.constant 0 : index
    tpu.barrier barrier_id(%barrier3A_29)
    %mul3A_30 = arith.constant 312 : i32
    %mul3A_31 = arith.muli %arg1, %mul3A_30 : i32
    %mul3A_32 = arith.constant 5056 : i32
    %mul3A_33 = arith.muli %arg0, %mul3A_32 : i32
    %mul3A_34 = arith.constant 312 : i32
    %mul3A_35 = arith.muli %arg1, %mul3A_34 : i32
    %add3A_36 = arith.addi %mul3A_33, %mul3A_35 : i32
    %scan3A_37 = arith.constant 0 : i32
    %scan3A_38 = arith.constant 4 : i32
    %scan3A_39 = arith.addi %scan3A_37, %scan3A_38 : i32
    %scan3A_40 = arith.constant 1 : i32
    scf.for %scan3A_48 = %scan3A_37 to %scan3A_39 step %scan3A_40  : i32 {
      %mul3A_49 = arith.constant 1 : i32
      %mul3A_50 = arith.muli %scan3A_48, %mul3A_49 : i32
      %add3A_51 = arith.constant 0 : i32
      %add3A_52 = arith.addi %add3A_51, %mul3A_50 : i32
      %mul3A_53 = arith.constant 64 : i32
      %mul3A_54 = arith.muli %add3A_52, %mul3A_53 : i32
      %add3A_55 = arith.addi %mul3A_31, %mul3A_54 : i32
      "tpu.region"() ({
        %run_scoped3A = tpu.sem_alloc : memref<!tpu.dma_semaphore, #tpu.memory_space<semaphore_mem>>
        %dma_start3A = arith.constant 0 : i32
        %dma_start3A_59 = tpu.memref_slice %arg7[%add3A_55, %dma_start3A] : memref<5120x128xf32, #tpu.memory_space<vmem_shared>> -> memref<64x128xf32, #tpu.memory_space<vmem_shared>>
        %dma_start3A_60 = arith.constant 0 : i32
        %dma_start3A_61 = tpu.memref_slice %arg7[%add3A_55, %dma_start3A_60] : memref<5120x128xf32, #tpu.memory_space<vmem_shared>> -> memref<64x128xf32, #tpu.memory_space<vmem_shared>>
        tpu.enqueue_dma source(%dma_start3A_61 : memref<64x128xf32, #tpu.memory_space<vmem_shared>>) target(%arg6 : memref<64x128xf32, #tpu.memory_space<vmem>>) target_semaphore(%run_scoped3A : memref<!tpu.dma_semaphore, #tpu.memory_space<semaphore_mem>>)
        %dma_wait3A = arith.constant 0 : i32
        %dma_wait3A_62 = tpu.memref_slice %arg7[%add3A_55, %dma_wait3A] : memref<5120x128xf32, #tpu.memory_space<vmem_shared>> -> memref<64x128xf32, #tpu.memory_space<vmem_shared>>
        %dma_wait3A_63 = arith.constant 0 : i32
        %dma_wait3A_64 = tpu.memref_slice %arg7[%add3A_55, %dma_wait3A_63] : memref<5120x128xf32, #tpu.memory_space<vmem_shared>> -> memref<64x128xf32, #tpu.memory_space<vmem_shared>>
        tpu.wait_dma2 semaphore(%run_scoped3A : memref<!tpu.dma_semaphore, #tpu.memory_space<semaphore_mem>>) src(%dma_wait3A_64 : memref<64x128xf32, #tpu.memory_space<vmem_shared>>) dst(%arg6 : memref<64x128xf32, #tpu.memory_space<vmem>>)
        tpu.yield
      }) : () -> ()
      %mul3A_56 = arith.constant 64 : i32
      %mul3A_57 = arith.muli %add3A_52, %mul3A_56 : i32
      %add3A_58 = arith.addi %add3A_36, %mul3A_57 : i32
      "tpu.region"() ({
        %run_scoped3A = tpu.sem_alloc : memref<!tpu.dma_semaphore, #tpu.memory_space<semaphore_mem>>
        %dma_start3A = arith.constant 0 : i32
        %dma_start3A_59 = tpu.memref_slice %arg3[%add3A_58, %dma_start3A] : memref<10112x128xf32, #tpu.memory_space<hbm>> -> memref<64x128xf32, #tpu.memory_space<hbm>>
        %dma_start3A_60 = arith.constant 0 : i32
        %dma_start3A_61 = tpu.memref_slice %arg3[%add3A_58, %dma_start3A_60] : memref<10112x128xf32, #tpu.memory_space<hbm>> -> memref<64x128xf32, #tpu.memory_space<hbm>>
        tpu.enqueue_dma source(%arg6 : memref<64x128xf32, #tpu.memory_space<vmem>>) target(%dma_start3A_61 : memref<64x128xf32, #tpu.memory_space<hbm>>) target_semaphore(%run_scoped3A : memref<!tpu.dma_semaphore, #tpu.memory_space<semaphore_mem>>)
        %dma_wait3A = arith.constant 0 : i32
        %dma_wait3A_62 = tpu.memref_slice %arg3[%add3A_58, %dma_wait3A] : memref<10112x128xf32, #tpu.memory_space<hbm>> -> memref<64x128xf32, #tpu.memory_space<hbm>>
        %dma_wait3A_63 = arith.constant 0 : i32
        %dma_wait3A_64 = tpu.memref_slice %arg3[%add3A_58, %dma_wait3A_63] : memref<10112x128xf32, #tpu.memory_space<hbm>> -> memref<64x128xf32, #tpu.memory_space<hbm>>
        tpu.wait_dma2 semaphore(%run_scoped3A : memref<!tpu.dma_semaphore, #tpu.memory_space<semaphore_mem>>) src(%arg6 : memref<64x128xf32, #tpu.memory_space<vmem>>) dst(%dma_wait3A_64 : memref<64x128xf32, #tpu.memory_space<hbm>>)
        tpu.yield
      }) : () -> ()
    }
    %scan3A_41 = arith.constant 4 : i32
    %add3A_42 = arith.constant 256 : i32
    %add3A_43 = arith.addi %mul3A_31, %add3A_42 : i32
    "tpu.region"() ({
      %run_scoped3A = tpu.sem_alloc : memref<!tpu.dma_semaphore, #tpu.memory_space<semaphore_mem>>
      %dma_start3A = arith.constant 0 : i32
      %dma_start3A_48 = arith.constant 0 : i32
      %dma_start3A_49 = tpu.memref_slice %arg6[%dma_start3A, %dma_start3A_48] : memref<64x128xf32, #tpu.memory_space<vmem>> -> memref<56x128xf32, #tpu.memory_space<vmem>>
      %dma_start3A_50 = arith.constant 0 : i32
      %dma_start3A_51 = tpu.memref_slice %arg7[%add3A_43, %dma_start3A_50] : memref<5120x128xf32, #tpu.memory_space<vmem_shared>> -> memref<56x128xf32, #tpu.memory_space<vmem_shared>>
      %dma_start3A_52 = arith.constant 0 : i32
      %dma_start3A_53 = arith.constant 0 : i32
      %dma_start3A_54 = tpu.memref_slice %arg6[%dma_start3A_52, %dma_start3A_53] : memref<64x128xf32, #tpu.memory_space<vmem>> -> memref<56x128xf32, #tpu.memory_space<vmem>>
      %dma_start3A_55 = arith.constant 0 : i32
      %dma_start3A_56 = tpu.memref_slice %arg7[%add3A_43, %dma_start3A_55] : memref<5120x128xf32, #tpu.memory_space<vmem_shared>> -> memref<56x128xf32, #tpu.memory_space<vmem_shared>>
      tpu.enqueue_dma source(%dma_start3A_56 : memref<56x128xf32, #tpu.memory_space<vmem_shared>>) target(%dma_start3A_54 : memref<56x128xf32, #tpu.memory_space<vmem>>) target_semaphore(%run_scoped3A : memref<!tpu.dma_semaphore, #tpu.memory_space<semaphore_mem>>)
      %dma_wait3A = arith.constant 0 : i32
      %dma_wait3A_57 = arith.constant 0 : i32
      %dma_wait3A_58 = tpu.memref_slice %arg6[%dma_wait3A, %dma_wait3A_57] : memref<64x128xf32, #tpu.memory_space<vmem>> -> memref<56x128xf32, #tpu.memory_space<vmem>>
      %dma_wait3A_59 = arith.constant 0 : i32
      %dma_wait3A_60 = tpu.memref_slice %arg7[%add3A_43, %dma_wait3A_59] : memref<5120x128xf32, #tpu.memory_space<vmem_shared>> -> memref<56x128xf32, #tpu.memory_space<vmem_shared>>
      %dma_wait3A_61 = arith.constant 0 : i32
      %dma_wait3A_62 = arith.constant 0 : i32
      %dma_wait3A_63 = tpu.memref_slice %arg6[%dma_wait3A_61, %dma_wait3A_62] : memref<64x128xf32, #tpu.memory_space<vmem>> -> memref<56x128xf32, #tpu.memory_space<vmem>>
      %dma_wait3A_64 = arith.constant 0 : i32
      %dma_wait3A_65 = tpu.memref_slice %arg7[%add3A_43, %dma_wait3A_64] : memref<5120x128xf32, #tpu.memory_space<vmem_shared>> -> memref<56x128xf32, #tpu.memory_space<vmem_shared>>
      tpu.wait_dma2 semaphore(%run_scoped3A : memref<!tpu.dma_semaphore, #tpu.memory_space<semaphore_mem>>) src(%dma_wait3A_65 : memref<56x128xf32, #tpu.memory_space<vmem_shared>>) dst(%dma_wait3A_63 : memref<56x128xf32, #tpu.memory_space<vmem>>)
      tpu.yield
    }) : () -> ()
    %add3A_44 = arith.constant 256 : i32
    %add3A_45 = arith.addi %add3A_36, %add3A_44 : i32
    "tpu.region"() ({
      %run_scoped3A = tpu.sem_alloc : memref<!tpu.dma_semaphore, #tpu.memory_space<semaphore_mem>>
      %dma_start3A = arith.constant 0 : i32
      %dma_start3A_48 = arith.constant 0 : i32
      %dma_start3A_49 = tpu.memref_slice %arg6[%dma_start3A, %dma_start3A_48] : memref<64x128xf32, #tpu.memory_space<vmem>> -> memref<56x128xf32, #tpu.memory_space<vmem>>
      %dma_start3A_50 = arith.constant 0 : i32
      %dma_start3A_51 = tpu.memref_slice %arg3[%add3A_45, %dma_start3A_50] : memref<10112x128xf32, #tpu.memory_space<hbm>> -> memref<56x128xf32, #tpu.memory_space<hbm>>
      %dma_start3A_52 = arith.constant 0 : i32
      %dma_start3A_53 = tpu.memref_slice %arg3[%add3A_45, %dma_start3A_52] : memref<10112x128xf32, #tpu.memory_space<hbm>> -> memref<56x128xf32, #tpu.memory_space<hbm>>
      %dma_start3A_54 = arith.constant 0 : i32
      %dma_start3A_55 = arith.constant 0 : i32
      %dma_start3A_56 = tpu.memref_slice %arg6[%dma_start3A_54, %dma_start3A_55] : memref<64x128xf32, #tpu.memory_space<vmem>> -> memref<56x128xf32, #tpu.memory_space<vmem>>
      tpu.enqueue_dma source(%dma_start3A_56 : memref<56x128xf32, #tpu.memory_space<vmem>>) target(%dma_start3A_53 : memref<56x128xf32, #tpu.memory_space<hbm>>) target_semaphore(%run_scoped3A : memref<!tpu.dma_semaphore, #tpu.memory_space<semaphore_mem>>)
      %dma_wait3A = arith.constant 0 : i32
      %dma_wait3A_57 = arith.constant 0 : i32
      %dma_wait3A_58 = tpu.memref_slice %arg6[%dma_wait3A, %dma_wait3A_57] : memref<64x128xf32, #tpu.memory_space<vmem>> -> memref<56x128xf32, #tpu.memory_space<vmem>>
      %dma_wait3A_59 = arith.constant 0 : i32
      %dma_wait3A_60 = tpu.memref_slice %arg3[%add3A_45, %dma_wait3A_59] : memref<10112x128xf32, #tpu.memory_space<hbm>> -> memref<56x128xf32, #tpu.memory_space<hbm>>
      %dma_wait3A_61 = arith.constant 0 : i32
      %dma_wait3A_62 = tpu.memref_slice %arg3[%add3A_45, %dma_wait3A_61] : memref<10112x128xf32, #tpu.memory_space<hbm>> -> memref<56x128xf32, #tpu.memory_space<hbm>>
      %dma_wait3A_63 = arith.constant 0 : i32
      %dma_wait3A_64 = arith.constant 0 : i32
      %dma_wait3A_65 = tpu.memref_slice %arg6[%dma_wait3A_63, %dma_wait3A_64] : memref<64x128xf32, #tpu.memory_space<vmem>> -> memref<56x128xf32, #tpu.memory_space<vmem>>
      tpu.wait_dma2 semaphore(%run_scoped3A : memref<!tpu.dma_semaphore, #tpu.memory_space<semaphore_mem>>) src(%dma_wait3A_65 : memref<56x128xf32, #tpu.memory_space<vmem>>) dst(%dma_wait3A_62 : memref<56x128xf32, #tpu.memory_space<hbm>>)
      tpu.yield
    }) : () -> ()
    %eq3A = arith.constant 15 : i32
    %eq3A_46 = arith.cmpi eq, %arg1, %eq3A : i32
    %convert_element_type3A = arith.extui %eq3A_46 : i1 to i32
    %cond3A = arith.constant 0 : i32
    %cond3A_47 = arith.cmpi ne, %convert_element_type3A, %cond3A : i32
    scf.if %cond3A_47 {
      %mul3A_48 = arith.constant 5056 : i32
      %mul3A_49 = arith.muli %arg0, %mul3A_48 : i32
      %add3A_50 = arith.constant 4992 : i32
      %add3A_51 = arith.addi %mul3A_49, %add3A_50 : i32
      %scan3A_52 = arith.constant 0 : i32
      %mul3A_53 = arith.constant 1 : i32
      %mul3A_54 = arith.muli %scan3A_52, %mul3A_53 : i32
      %add3A_55 = arith.constant 0 : i32
      %add3A_56 = arith.addi %add3A_55, %mul3A_54 : i32
      %mul3A_57 = arith.constant 64 : i32
      %mul3A_58 = arith.muli %add3A_56, %mul3A_57 : i32
      %add3A_59 = arith.constant 4992 : i32
      %add3A_60 = arith.addi %add3A_59, %mul3A_58 : i32
      "tpu.region"() ({
        %run_scoped3A = tpu.sem_alloc : memref<!tpu.dma_semaphore, #tpu.memory_space<semaphore_mem>>
        %dma_start3A = arith.constant 0 : i32
        %dma_start3A_65 = tpu.memref_slice %arg7[%add3A_60, %dma_start3A] : memref<5120x128xf32, #tpu.memory_space<vmem_shared>> -> memref<64x128xf32, #tpu.memory_space<vmem_shared>>
        %dma_start3A_66 = arith.constant 0 : i32
        %dma_start3A_67 = tpu.memref_slice %arg7[%add3A_60, %dma_start3A_66] : memref<5120x128xf32, #tpu.memory_space<vmem_shared>> -> memref<64x128xf32, #tpu.memory_space<vmem_shared>>
        tpu.enqueue_dma source(%dma_start3A_67 : memref<64x128xf32, #tpu.memory_space<vmem_shared>>) target(%arg6 : memref<64x128xf32, #tpu.memory_space<vmem>>) target_semaphore(%run_scoped3A : memref<!tpu.dma_semaphore, #tpu.memory_space<semaphore_mem>>)
        %dma_wait3A = arith.constant 0 : i32
        %dma_wait3A_68 = tpu.memref_slice %arg7[%add3A_60, %dma_wait3A] : memref<5120x128xf32, #tpu.memory_space<vmem_shared>> -> memref<64x128xf32, #tpu.memory_space<vmem_shared>>
        %dma_wait3A_69 = arith.constant 0 : i32
        %dma_wait3A_70 = tpu.memref_slice %arg7[%add3A_60, %dma_wait3A_69] : memref<5120x128xf32, #tpu.memory_space<vmem_shared>> -> memref<64x128xf32, #tpu.memory_space<vmem_shared>>
        tpu.wait_dma2 semaphore(%run_scoped3A : memref<!tpu.dma_semaphore, #tpu.memory_space<semaphore_mem>>) src(%dma_wait3A_70 : memref<64x128xf32, #tpu.memory_space<vmem_shared>>) dst(%arg6 : memref<64x128xf32, #tpu.memory_space<vmem>>)
        tpu.yield
      }) : () -> ()
      %mul3A_61 = arith.constant 64 : i32
      %mul3A_62 = arith.muli %add3A_56, %mul3A_61 : i32
      %add3A_63 = arith.addi %add3A_51, %mul3A_62 : i32
      "tpu.region"() ({
        %run_scoped3A = tpu.sem_alloc : memref<!tpu.dma_semaphore, #tpu.memory_space<semaphore_mem>>
        %dma_start3A = arith.constant 0 : i32
        %dma_start3A_65 = tpu.memref_slice %arg3[%add3A_63, %dma_start3A] : memref<10112x128xf32, #tpu.memory_space<hbm>> -> memref<64x128xf32, #tpu.memory_space<hbm>>
        %dma_start3A_66 = arith.constant 0 : i32
        %dma_start3A_67 = tpu.memref_slice %arg3[%add3A_63, %dma_start3A_66] : memref<10112x128xf32, #tpu.memory_space<hbm>> -> memref<64x128xf32, #tpu.memory_space<hbm>>
        tpu.enqueue_dma source(%arg6 : memref<64x128xf32, #tpu.memory_space<vmem>>) target(%dma_start3A_67 : memref<64x128xf32, #tpu.memory_space<hbm>>) target_semaphore(%run_scoped3A : memref<!tpu.dma_semaphore, #tpu.memory_space<semaphore_mem>>)
        %dma_wait3A = arith.constant 0 : i32
        %dma_wait3A_68 = tpu.memref_slice %arg3[%add3A_63, %dma_wait3A] : memref<10112x128xf32, #tpu.memory_space<hbm>> -> memref<64x128xf32, #tpu.memory_space<hbm>>
        %dma_wait3A_69 = arith.constant 0 : i32
        %dma_wait3A_70 = tpu.memref_slice %arg3[%add3A_63, %dma_wait3A_69] : memref<10112x128xf32, #tpu.memory_space<hbm>> -> memref<64x128xf32, #tpu.memory_space<hbm>>
        tpu.wait_dma2 semaphore(%run_scoped3A : memref<!tpu.dma_semaphore, #tpu.memory_space<semaphore_mem>>) src(%arg6 : memref<64x128xf32, #tpu.memory_space<vmem>>) dst(%dma_wait3A_70 : memref<64x128xf32, #tpu.memory_space<hbm>>)
        tpu.yield
      }) : () -> ()
      %scan3A_64 = arith.constant 1 : i32
    } else {
    }
    return
  }
}

#map = affine_map<(d0, d1) -> (0, 0)>
#map1 = affine_map<(d0, d1) -> (0, 0, 0)>
module attributes {stable_mosaic.version = 14 : i64} {
  func.func @agg(%arg0: i32, %arg1: i32, %arg2: memref<10000x128xf32, #tpu.memory_space<hbm>>, %arg3: memref<32x157x128xi32, #tpu.memory_space<hbm>>, %arg4: memref<32x157x128xi32, #tpu.memory_space<hbm>>, %arg5: memref<10112x128xf32, #tpu.memory_space<hbm>>, %arg6: memref<157x128xi32, #tpu.memory_space<vmem>>, %arg7: memref<157x128xi32, #tpu.memory_space<vmem>>, %arg8: memref<128x128xf32, #tpu.memory_space<vmem>>, %arg9: memref<128x128xf32, #tpu.memory_space<vmem>>, %arg10: memref<64x128xf32, #tpu.memory_space<vmem>>, %arg11: memref<64x128xf32, #tpu.memory_space<vmem>>, %arg12: memref<5120x128xf32, #tpu.memory_space<vmem_shared>>, %arg13: memref<!tpu.dma_semaphore, #tpu.memory_space<semaphore_mem>>, %arg14: memref<!tpu.dma_semaphore, #tpu.memory_space<semaphore_mem>>) attributes {dimension_semantics = [#tpu.dimension_semantics<core_parallel>, #tpu.dimension_semantics<subcore_parallel>], iteration_bounds = array<i64: 2, 16>, scalar_prefetch = 0 : i64, scratch_operands = 9 : i64, tpu.core_type = #tpu.core_type<sc_vector_subcore>, window_params = [{transform_indices = #map}, {transform_indices = #map1}, {transform_indices = #map1}, {transform_indices = #map}]} {
    %mul3A = arith.constant 2 : i32
    %mul3A_0 = arith.muli %arg1, %mul3A : i32
    %add3A = arith.addi %mul3A_0, %arg0 : i32
    "tpu.region"() ({
      %run_scoped3A_57 = tpu.sem_alloc : memref<!tpu.dma_semaphore, #tpu.memory_space<semaphore_mem>>
      %dma_start3A_58 = arith.constant 0 : i32
      %dma_start3A_59 = arith.constant 0 : i32
      %dma_start3A_60 = tpu.memref_slice %arg3[%add3A, %dma_start3A_58, %dma_start3A_59] : memref<32x157x128xi32, #tpu.memory_space<hbm>> -> memref<1x157x128xi32, #tpu.memory_space<hbm>>
      %dma_start3A_61 = tpu.memref_squeeze %dma_start3A_60 : memref<1x157x128xi32, #tpu.memory_space<hbm>> -> memref<157x128xi32, #tpu.memory_space<hbm>>
      %dma_start3A_62 = arith.constant 0 : i32
      %dma_start3A_63 = arith.constant 0 : i32
      %dma_start3A_64 = tpu.memref_slice %arg3[%add3A, %dma_start3A_62, %dma_start3A_63] : memref<32x157x128xi32, #tpu.memory_space<hbm>> -> memref<1x157x128xi32, #tpu.memory_space<hbm>>
      %dma_start3A_65 = tpu.memref_squeeze %dma_start3A_64 : memref<1x157x128xi32, #tpu.memory_space<hbm>> -> memref<157x128xi32, #tpu.memory_space<hbm>>
      tpu.enqueue_dma source(%dma_start3A_65 : memref<157x128xi32, #tpu.memory_space<hbm>>) target(%arg6 : memref<157x128xi32, #tpu.memory_space<vmem>>) target_semaphore(%run_scoped3A_57 : memref<!tpu.dma_semaphore, #tpu.memory_space<semaphore_mem>>)
      %dma_wait3A_66 = arith.constant 0 : i32
      %dma_wait3A_67 = arith.constant 0 : i32
      %dma_wait3A_68 = tpu.memref_slice %arg3[%add3A, %dma_wait3A_66, %dma_wait3A_67] : memref<32x157x128xi32, #tpu.memory_space<hbm>> -> memref<1x157x128xi32, #tpu.memory_space<hbm>>
      %dma_wait3A_69 = tpu.memref_squeeze %dma_wait3A_68 : memref<1x157x128xi32, #tpu.memory_space<hbm>> -> memref<157x128xi32, #tpu.memory_space<hbm>>
      %dma_wait3A_70 = arith.constant 0 : i32
      %dma_wait3A_71 = arith.constant 0 : i32
      %dma_wait3A_72 = tpu.memref_slice %arg3[%add3A, %dma_wait3A_70, %dma_wait3A_71] : memref<32x157x128xi32, #tpu.memory_space<hbm>> -> memref<1x157x128xi32, #tpu.memory_space<hbm>>
      %dma_wait3A_73 = tpu.memref_squeeze %dma_wait3A_72 : memref<1x157x128xi32, #tpu.memory_space<hbm>> -> memref<157x128xi32, #tpu.memory_space<hbm>>
      tpu.wait_dma2 semaphore(%run_scoped3A_57 : memref<!tpu.dma_semaphore, #tpu.memory_space<semaphore_mem>>) src(%dma_wait3A_73 : memref<157x128xi32, #tpu.memory_space<hbm>>) dst(%arg6 : memref<157x128xi32, #tpu.memory_space<vmem>>)
      tpu.yield
    }) : () -> ()
    "tpu.region"() ({
      %run_scoped3A_57 = tpu.sem_alloc : memref<!tpu.dma_semaphore, #tpu.memory_space<semaphore_mem>>
      %dma_start3A_58 = arith.constant 0 : i32
      %dma_start3A_59 = arith.constant 0 : i32
      %dma_start3A_60 = tpu.memref_slice %arg4[%add3A, %dma_start3A_58, %dma_start3A_59] : memref<32x157x128xi32, #tpu.memory_space<hbm>> -> memref<1x157x128xi32, #tpu.memory_space<hbm>>
      %dma_start3A_61 = tpu.memref_squeeze %dma_start3A_60 : memref<1x157x128xi32, #tpu.memory_space<hbm>> -> memref<157x128xi32, #tpu.memory_space<hbm>>
      %dma_start3A_62 = arith.constant 0 : i32
      %dma_start3A_63 = arith.constant 0 : i32
      %dma_start3A_64 = tpu.memref_slice %arg4[%add3A, %dma_start3A_62, %dma_start3A_63] : memref<32x157x128xi32, #tpu.memory_space<hbm>> -> memref<1x157x128xi32, #tpu.memory_space<hbm>>
      %dma_start3A_65 = tpu.memref_squeeze %dma_start3A_64 : memref<1x157x128xi32, #tpu.memory_space<hbm>> -> memref<157x128xi32, #tpu.memory_space<hbm>>
      tpu.enqueue_dma source(%dma_start3A_65 : memref<157x128xi32, #tpu.memory_space<hbm>>) target(%arg7 : memref<157x128xi32, #tpu.memory_space<vmem>>) target_semaphore(%run_scoped3A_57 : memref<!tpu.dma_semaphore, #tpu.memory_space<semaphore_mem>>)
      %dma_wait3A_66 = arith.constant 0 : i32
      %dma_wait3A_67 = arith.constant 0 : i32
      %dma_wait3A_68 = tpu.memref_slice %arg4[%add3A, %dma_wait3A_66, %dma_wait3A_67] : memref<32x157x128xi32, #tpu.memory_space<hbm>> -> memref<1x157x128xi32, #tpu.memory_space<hbm>>
      %dma_wait3A_69 = tpu.memref_squeeze %dma_wait3A_68 : memref<1x157x128xi32, #tpu.memory_space<hbm>> -> memref<157x128xi32, #tpu.memory_space<hbm>>
      %dma_wait3A_70 = arith.constant 0 : i32
      %dma_wait3A_71 = arith.constant 0 : i32
      %dma_wait3A_72 = tpu.memref_slice %arg4[%add3A, %dma_wait3A_70, %dma_wait3A_71] : memref<32x157x128xi32, #tpu.memory_space<hbm>> -> memref<1x157x128xi32, #tpu.memory_space<hbm>>
      %dma_wait3A_73 = tpu.memref_squeeze %dma_wait3A_72 : memref<1x157x128xi32, #tpu.memory_space<hbm>> -> memref<157x128xi32, #tpu.memory_space<hbm>>
      tpu.wait_dma2 semaphore(%run_scoped3A_57 : memref<!tpu.dma_semaphore, #tpu.memory_space<semaphore_mem>>) src(%dma_wait3A_73 : memref<157x128xi32, #tpu.memory_space<hbm>>) dst(%arg7 : memref<157x128xi32, #tpu.memory_space<vmem>>)
      tpu.yield
    }) : () -> ()
    %scan3A = arith.constant 0 : i32
    %scan3A_1 = arith.constant 64 : i32
    %scan3A_2 = arith.addi %scan3A, %scan3A_1 : i32
    %scan3A_3 = arith.constant 1 : i32
    scf.for %scan3A_57 = %scan3A to %scan3A_2 step %scan3A_3  : i32 {
      %mul3A_58 = arith.constant 1 : i32
      %mul3A_59 = arith.muli %scan3A_57, %mul3A_58 : i32
      %add3A_60 = arith.constant 0 : i32
      %add3A_61 = arith.addi %add3A_60, %mul3A_59 : i32
      %scan3A_62 = arith.constant 0 : i32
      %scan3A_63 = arith.constant 8 : i32
      %scan3A_64 = arith.addi %scan3A_62, %scan3A_63 : i32
      %scan3A_65 = arith.constant 1 : i32
      scf.for %scan3A_67 = %scan3A_62 to %scan3A_64 step %scan3A_65  : i32 {
        %mul3A_68 = arith.constant 1 : i32
        %mul3A_69 = arith.muli %scan3A_67, %mul3A_68 : i32
        %add3A_70 = arith.constant 0 : i32
        %add3A_71 = arith.addi %add3A_70, %mul3A_69 : i32
        %broadcast_in_dim3A = arith.constant 0.000000e+00 : f32
        %broadcast_in_dim3A_72 = vector.broadcast %broadcast_in_dim3A : f32 to vector<16xf32>
        %mul3A_73 = arith.constant 16 : i32
        %mul3A_74 = arith.muli %add3A_71, %mul3A_73 : i32
        %swap3A = arith.index_cast %add3A_61 : i32 to index
        %swap3A_75 = arith.index_cast %mul3A_74 : i32 to index
        %swap3A_76 = tpu.vector_load %arg10[%swap3A, %swap3A_75] {strides = array<i32>} : memref<64x128xf32, #tpu.memory_space<vmem>>, vector<1x16xf32>,
        %swap3A_77 = vector.shape_cast %swap3A_76 : vector<1x16xf32> to vector<16xf32>
        %swap3A_78 = vector.shape_cast %broadcast_in_dim3A_72 : vector<16xf32> to vector<1x16xf32>
        tpu.vector_store %arg10[%swap3A, %swap3A_75], %swap3A_78 {strides = array<i32>} : memref<64x128xf32, #tpu.memory_space<vmem>>, vector<1x16xf32>,
      }
      %scan3A_66 = arith.constant 8 : i32
    }
    %scan3A_4 = arith.constant 64 : i32
    %mul3A_5 = arith.constant 5056 : i32
    %mul3A_6 = arith.muli %arg0, %mul3A_5 : i32
    %scan3A_7 = arith.constant 0 : i32
    %scan3A_8 = arith.constant 157 : i32
    %scan3A_9 = arith.addi %scan3A_7, %scan3A_8 : i32
    %scan3A_10 = arith.constant 1 : i32
    scf.for %scan3A_57 = %scan3A_7 to %scan3A_9 step %scan3A_10  : i32 {
      %mul3A_58 = arith.constant 1 : i32
      %mul3A_59 = arith.muli %scan3A_57, %mul3A_58 : i32
      %add3A_60 = arith.constant 0 : i32
      %add3A_61 = arith.addi %add3A_60, %mul3A_59 : i32
      %scan3A_62 = arith.constant 0 : i32
      %scan3A_63 = arith.constant 8 : i32
      %scan3A_64 = arith.addi %scan3A_62, %scan3A_63 : i32
      %scan3A_65 = arith.constant 1 : i32
      scf.for %scan3A_67 = %scan3A_62 to %scan3A_64 step %scan3A_65  : i32 {
        %mul3A_68 = arith.constant 1 : i32
        %mul3A_69 = arith.muli %scan3A_67, %mul3A_68 : i32
        %add3A_70 = arith.constant 0 : i32
        %add3A_71 = arith.addi %add3A_70, %mul3A_69 : i32
        %mul3A_72 = arith.constant 16 : i32
        %mul3A_73 = arith.muli %add3A_71, %mul3A_72 : i32
        %get3A = arith.index_cast %add3A_61 : i32 to index
        %get3A_74 = arith.index_cast %mul3A_73 : i32 to index
        %get3A_75 = tpu.vector_load %arg7[%get3A, %get3A_74] {strides = array<i32>} : memref<157x128xi32, #tpu.memory_space<vmem>>, vector<1x16xi32>,
        %get3A_76 = vector.shape_cast %get3A_75 : vector<1x16xi32> to vector<16xi32>
        %sub3A = vector.broadcast %mul3A_6 : i32 to vector<16xi32>
        %sub3A_77 = arith.subi %get3A_76, %sub3A : vector<16xi32>
        %ge3A = arith.constant 0 : i32
        %ge3A_78 = vector.broadcast %ge3A : i32 to vector<16xi32>
        %ge3A_79 = arith.cmpi sge, %sub3A_77, %ge3A_78 : vector<16xi32>
        %lt3A = arith.constant 5056 : i32
        %lt3A_80 = vector.broadcast %lt3A : i32 to vector<16xi32>
        %lt3A_81 = arith.cmpi slt, %sub3A_77, %lt3A_80 : vector<16xi32>
        %and3A = arith.andi %ge3A_79, %lt3A_81 : vector<16xi1>
        %and3A_82 = arith.constant 63 : i32
        %and3A_83 = vector.broadcast %and3A_82 : i32 to vector<16xi32>
        %and3A_84 = arith.andi %get3A_76, %and3A_83 : vector<16xi32>
        %add3A_85 = arith.constant 5056 : i32
        %add3A_86 = vector.broadcast %add3A_85 : i32 to vector<16xi32>
        %add3A_87 = arith.addi %add3A_86, %and3A_84 : vector<16xi32>
        %select_n3A = arith.select %and3A, %sub3A_77, %add3A_87 : vector<16xi1>, vector<16xi32>
        %swap3A = arith.index_cast %add3A_61 : i32 to index
        %swap3A_88 = arith.index_cast %mul3A_73 : i32 to index
        %swap3A_89 = tpu.vector_load %arg7[%swap3A, %swap3A_88] {strides = array<i32>} : memref<157x128xi32, #tpu.memory_space<vmem>>, vector<1x16xi32>,
        %swap3A_90 = vector.shape_cast %swap3A_89 : vector<1x16xi32> to vector<16xi32>
        %swap3A_91 = vector.shape_cast %select_n3A : vector<16xi32> to vector<1x16xi32>
        tpu.vector_store %arg7[%swap3A, %swap3A_88], %swap3A_91 {strides = array<i32>} : memref<157x128xi32, #tpu.memory_space<vmem>>, vector<1x16xi32>,
      }
      %scan3A_66 = arith.constant 8 : i32
    }
    %scan3A_11 = arith.constant 157 : i32
    %mul3A_12 = arith.constant 320 : i32
    %mul3A_13 = arith.muli %arg1, %mul3A_12 : i32
    %scan3A_14 = arith.constant 0 : i32
    %scan3A_15 = arith.constant 5 : i32
    %scan3A_16 = arith.addi %scan3A_14, %scan3A_15 : i32
    %scan3A_17 = arith.constant 1 : i32
    scf.for %scan3A_57 = %scan3A_14 to %scan3A_16 step %scan3A_17  : i32 {
      %mul3A_58 = arith.constant 1 : i32
      %mul3A_59 = arith.muli %scan3A_57, %mul3A_58 : i32
      %add3A_60 = arith.constant 0 : i32
      %add3A_61 = arith.addi %add3A_60, %mul3A_59 : i32
      %mul3A_62 = arith.constant 64 : i32
      %mul3A_63 = arith.muli %add3A_61, %mul3A_62 : i32
      %add3A_64 = arith.addi %mul3A_13, %mul3A_63 : i32
      "tpu.region"() ({
        %run_scoped3A_65 = tpu.sem_alloc : memref<!tpu.dma_semaphore, #tpu.memory_space<semaphore_mem>>
        %dma_start3A_66 = arith.constant 0 : i32
        %dma_start3A_67 = tpu.memref_slice %arg12[%add3A_64, %dma_start3A_66] : memref<5120x128xf32, #tpu.memory_space<vmem_shared>> -> memref<64x128xf32, #tpu.memory_space<vmem_shared>>
        %dma_start3A_68 = arith.constant 0 : i32
        %dma_start3A_69 = tpu.memref_slice %arg12[%add3A_64, %dma_start3A_68] : memref<5120x128xf32, #tpu.memory_space<vmem_shared>> -> memref<64x128xf32, #tpu.memory_space<vmem_shared>>
        tpu.enqueue_dma source(%arg10 : memref<64x128xf32, #tpu.memory_space<vmem>>) target(%dma_start3A_69 : memref<64x128xf32, #tpu.memory_space<vmem_shared>>) target_semaphore(%run_scoped3A_65 : memref<!tpu.dma_semaphore, #tpu.memory_space<semaphore_mem>>)
        %dma_wait3A_70 = arith.constant 0 : i32
        %dma_wait3A_71 = tpu.memref_slice %arg12[%add3A_64, %dma_wait3A_70] : memref<5120x128xf32, #tpu.memory_space<vmem_shared>> -> memref<64x128xf32, #tpu.memory_space<vmem_shared>>
        %dma_wait3A_72 = arith.constant 0 : i32
        %dma_wait3A_73 = tpu.memref_slice %arg12[%add3A_64, %dma_wait3A_72] : memref<5120x128xf32, #tpu.memory_space<vmem_shared>> -> memref<64x128xf32, #tpu.memory_space<vmem_shared>>
        tpu.wait_dma2 semaphore(%run_scoped3A_65 : memref<!tpu.dma_semaphore, #tpu.memory_space<semaphore_mem>>) src(%arg10 : memref<64x128xf32, #tpu.memory_space<vmem>>) dst(%dma_wait3A_73 : memref<64x128xf32, #tpu.memory_space<vmem_shared>>)
        tpu.yield
      }) : () -> ()
    }
    %scan3A_18 = arith.constant 5 : i32
    %barrier3A = arith.constant 0 : index
    tpu.barrier barrier_id(%barrier3A)
    %dma_start3A = arith.constant 0 : i32
    %dma_start3A_19 = arith.constant 0 : i32
    %dma_start3A_20 = tpu.memref_slice %arg6[%dma_start3A, %dma_start3A_19] : memref<157x128xi32, #tpu.memory_space<vmem>> -> memref<1x128xi32, #tpu.memory_space<vmem>>
    %dma_start3A_21 = tpu.memref_squeeze %dma_start3A_20 : memref<1x128xi32, #tpu.memory_space<vmem>> -> memref<128xi32, #tpu.memory_space<vmem>>
    %dma_start3A_22 = arith.constant 0 : i32
    %dma_start3A_23 = arith.constant 0 : i32
    %dma_start3A_24 = tpu.memref_slice %arg2[%dma_start3A_22, %dma_start3A_23] : memref<10000x128xf32, #tpu.memory_space<hbm>> -> memref<10000x128xf32, #tpu.memory_space<hbm>>
    tpu.enqueue_indirect_dma source(%dma_start3A_24 : memref<10000x128xf32, #tpu.memory_space<hbm>>) target(%arg8 : memref<128x128xf32, #tpu.memory_space<vmem>>) offsets(%dma_start3A_21 : memref<128xi32, #tpu.memory_space<vmem>>) semaphore(%arg13 : memref<!tpu.dma_semaphore, #tpu.memory_space<semaphore_mem>>)
    %scan3A_25 = arith.constant 0 : i32
    %scan3A_26 = arith.constant 78 : i32
    %scan3A_27 = arith.addi %scan3A_25, %scan3A_26 : i32
    %scan3A_28 = arith.constant 1 : i32
    scf.for %scan3A_57 = %scan3A_25 to %scan3A_27 step %scan3A_28  : i32 {
      %mul3A_58 = arith.constant 1 : i32
      %mul3A_59 = arith.muli %scan3A_57, %mul3A_58 : i32
      %add3A_60 = arith.constant 0 : i32
      %add3A_61 = arith.addi %add3A_60, %mul3A_59 : i32
      %mul3A_62 = arith.constant 2 : i32
      %mul3A_63 = arith.muli %mul3A_62, %add3A_61 : i32
      %add3A_64 = arith.constant 1 : i32
      %add3A_65 = arith.addi %mul3A_63, %add3A_64 : i32
      %dma_start3A_66 = arith.constant 0 : i32
      %dma_start3A_67 = tpu.memref_slice %arg6[%add3A_65, %dma_start3A_66] : memref<157x128xi32, #tpu.memory_space<vmem>> -> memref<1x128xi32, #tpu.memory_space<vmem>>
      %dma_start3A_68 = tpu.memref_squeeze %dma_start3A_67 : memref<1x128xi32, #tpu.memory_space<vmem>> -> memref<128xi32, #tpu.memory_space<vmem>>
      %dma_start3A_69 = arith.constant 0 : i32
      %dma_start3A_70 = arith.constant 0 : i32
      %dma_start3A_71 = tpu.memref_slice %arg2[%dma_start3A_69, %dma_start3A_70] : memref<10000x128xf32, #tpu.memory_space<hbm>> -> memref<10000x128xf32, #tpu.memory_space<hbm>>
      tpu.enqueue_indirect_dma source(%dma_start3A_71 : memref<10000x128xf32, #tpu.memory_space<hbm>>) target(%arg9 : memref<128x128xf32, #tpu.memory_space<vmem>>) offsets(%dma_start3A_68 : memref<128xi32, #tpu.memory_space<vmem>>) semaphore(%arg14 : memref<!tpu.dma_semaphore, #tpu.memory_space<semaphore_mem>>)
      %dma_wait3A_72 = arith.constant 0 : i32
      %dma_wait3A_73 = tpu.memref_slice %arg6[%mul3A_63, %dma_wait3A_72] : memref<157x128xi32, #tpu.memory_space<vmem>> -> memref<1x128xi32, #tpu.memory_space<vmem>>
      %dma_wait3A_74 = tpu.memref_squeeze %dma_wait3A_73 : memref<1x128xi32, #tpu.memory_space<vmem>> -> memref<128xi32, #tpu.memory_space<vmem>>
      %dma_wait3A_75 = arith.constant 0 : i32
      %dma_wait3A_76 = arith.constant 0 : i32
      %dma_wait3A_77 = tpu.memref_slice %arg2[%dma_wait3A_75, %dma_wait3A_76] : memref<10000x128xf32, #tpu.memory_space<hbm>> -> memref<10000x128xf32, #tpu.memory_space<hbm>>
      tpu.wait_indirect_dma semaphore(%arg13 : memref<!tpu.dma_semaphore, #tpu.memory_space<semaphore_mem>>) src(%dma_wait3A_77 : memref<10000x128xf32, #tpu.memory_space<hbm>>) dst(%arg8 : memref<128x128xf32, #tpu.memory_space<vmem>>)
      "tpu.region"() ({
        %run_scoped3A_96 = tpu.sem_alloc : memref<!tpu.dma_semaphore, #tpu.memory_space<semaphore_mem>>
        %dma_start3A_97 = arith.constant 0 : i32
        %dma_start3A_98 = tpu.memref_slice %arg7[%mul3A_63, %dma_start3A_97] : memref<157x128xi32, #tpu.memory_space<vmem>> -> memref<1x128xi32, #tpu.memory_space<vmem>>
        %dma_start3A_99 = tpu.memref_squeeze %dma_start3A_98 : memref<1x128xi32, #tpu.memory_space<vmem>> -> memref<128xi32, #tpu.memory_space<vmem>>
        %dma_start3A_100 = arith.constant 0 : i32
        %dma_start3A_101 = arith.constant 0 : i32
        %dma_start3A_102 = tpu.memref_slice %arg12[%dma_start3A_100, %dma_start3A_101] : memref<5120x128xf32, #tpu.memory_space<vmem_shared>> -> memref<5120x128xf32, #tpu.memory_space<vmem_shared>>
        tpu.enqueue_indirect_dma source(%arg8 : memref<128x128xf32, #tpu.memory_space<vmem>>) target(%dma_start3A_102 : memref<5120x128xf32, #tpu.memory_space<vmem_shared>>) offsets(%dma_start3A_99 : memref<128xi32, #tpu.memory_space<vmem>>) semaphore(%run_scoped3A_96 : memref<!tpu.dma_semaphore, #tpu.memory_space<semaphore_mem>>) {add = true}
        %dma_wait3A_103 = arith.constant 0 : i32
        %dma_wait3A_104 = tpu.memref_slice %arg7[%mul3A_63, %dma_wait3A_103] : memref<157x128xi32, #tpu.memory_space<vmem>> -> memref<1x128xi32, #tpu.memory_space<vmem>>
        %dma_wait3A_105 = tpu.memref_squeeze %dma_wait3A_104 : memref<1x128xi32, #tpu.memory_space<vmem>> -> memref<128xi32, #tpu.memory_space<vmem>>
        %dma_wait3A_106 = arith.constant 0 : i32
        %dma_wait3A_107 = arith.constant 0 : i32
        %dma_wait3A_108 = tpu.memref_slice %arg12[%dma_wait3A_106, %dma_wait3A_107] : memref<5120x128xf32, #tpu.memory_space<vmem_shared>> -> memref<5120x128xf32, #tpu.memory_space<vmem_shared>>
        tpu.wait_indirect_dma semaphore(%run_scoped3A_96 : memref<!tpu.dma_semaphore, #tpu.memory_space<semaphore_mem>>) src(%arg8 : memref<128x128xf32, #tpu.memory_space<vmem>>) dst(%dma_wait3A_108 : memref<5120x128xf32, #tpu.memory_space<vmem_shared>>)
        tpu.yield
      }) : () -> ()
      %add3A_78 = arith.constant 2 : i32
      %add3A_79 = arith.addi %mul3A_63, %add3A_78 : i32
      %dma_start3A_80 = arith.constant 0 : i32
      %dma_start3A_81 = tpu.memref_slice %arg6[%add3A_79, %dma_start3A_80] : memref<157x128xi32, #tpu.memory_space<vmem>> -> memref<1x128xi32, #tpu.memory_space<vmem>>
      %dma_start3A_82 = tpu.memref_squeeze %dma_start3A_81 : memref<1x128xi32, #tpu.memory_space<vmem>> -> memref<128xi32, #tpu.memory_space<vmem>>
      %dma_start3A_83 = arith.constant 0 : i32
      %dma_start3A_84 = arith.constant 0 : i32
      %dma_start3A_85 = tpu.memref_slice %arg2[%dma_start3A_83, %dma_start3A_84] : memref<10000x128xf32, #tpu.memory_space<hbm>> -> memref<10000x128xf32, #tpu.memory_space<hbm>>
      tpu.enqueue_indirect_dma source(%dma_start3A_85 : memref<10000x128xf32, #tpu.memory_space<hbm>>) target(%arg8 : memref<128x128xf32, #tpu.memory_space<vmem>>) offsets(%dma_start3A_82 : memref<128xi32, #tpu.memory_space<vmem>>) semaphore(%arg13 : memref<!tpu.dma_semaphore, #tpu.memory_space<semaphore_mem>>)
      %add3A_86 = arith.constant 1 : i32
      %add3A_87 = arith.addi %mul3A_63, %add3A_86 : i32
      %dma_wait3A_88 = arith.constant 0 : i32
      %dma_wait3A_89 = tpu.memref_slice %arg6[%add3A_87, %dma_wait3A_88] : memref<157x128xi32, #tpu.memory_space<vmem>> -> memref<1x128xi32, #tpu.memory_space<vmem>>
      %dma_wait3A_90 = tpu.memref_squeeze %dma_wait3A_89 : memref<1x128xi32, #tpu.memory_space<vmem>> -> memref<128xi32, #tpu.memory_space<vmem>>
      %dma_wait3A_91 = arith.constant 0 : i32
      %dma_wait3A_92 = arith.constant 0 : i32
      %dma_wait3A_93 = tpu.memref_slice %arg2[%dma_wait3A_91, %dma_wait3A_92] : memref<10000x128xf32, #tpu.memory_space<hbm>> -> memref<10000x128xf32, #tpu.memory_space<hbm>>
      tpu.wait_indirect_dma semaphore(%arg14 : memref<!tpu.dma_semaphore, #tpu.memory_space<semaphore_mem>>) src(%dma_wait3A_93 : memref<10000x128xf32, #tpu.memory_space<hbm>>) dst(%arg9 : memref<128x128xf32, #tpu.memory_space<vmem>>)
      %add3A_94 = arith.constant 1 : i32
      %add3A_95 = arith.addi %mul3A_63, %add3A_94 : i32
      "tpu.region"() ({
        %run_scoped3A_96 = tpu.sem_alloc : memref<!tpu.dma_semaphore, #tpu.memory_space<semaphore_mem>>
        %dma_start3A_97 = arith.constant 0 : i32
        %dma_start3A_98 = tpu.memref_slice %arg7[%add3A_95, %dma_start3A_97] : memref<157x128xi32, #tpu.memory_space<vmem>> -> memref<1x128xi32, #tpu.memory_space<vmem>>
        %dma_start3A_99 = tpu.memref_squeeze %dma_start3A_98 : memref<1x128xi32, #tpu.memory_space<vmem>> -> memref<128xi32, #tpu.memory_space<vmem>>
        %dma_start3A_100 = arith.constant 0 : i32
        %dma_start3A_101 = arith.constant 0 : i32
        %dma_start3A_102 = tpu.memref_slice %arg12[%dma_start3A_100, %dma_start3A_101] : memref<5120x128xf32, #tpu.memory_space<vmem_shared>> -> memref<5120x128xf32, #tpu.memory_space<vmem_shared>>
        tpu.enqueue_indirect_dma source(%arg9 : memref<128x128xf32, #tpu.memory_space<vmem>>) target(%dma_start3A_102 : memref<5120x128xf32, #tpu.memory_space<vmem_shared>>) offsets(%dma_start3A_99 : memref<128xi32, #tpu.memory_space<vmem>>) semaphore(%run_scoped3A_96 : memref<!tpu.dma_semaphore, #tpu.memory_space<semaphore_mem>>) {add = true}
        %dma_wait3A_103 = arith.constant 0 : i32
        %dma_wait3A_104 = tpu.memref_slice %arg7[%add3A_95, %dma_wait3A_103] : memref<157x128xi32, #tpu.memory_space<vmem>> -> memref<1x128xi32, #tpu.memory_space<vmem>>
        %dma_wait3A_105 = tpu.memref_squeeze %dma_wait3A_104 : memref<1x128xi32, #tpu.memory_space<vmem>> -> memref<128xi32, #tpu.memory_space<vmem>>
        %dma_wait3A_106 = arith.constant 0 : i32
        %dma_wait3A_107 = arith.constant 0 : i32
        %dma_wait3A_108 = tpu.memref_slice %arg12[%dma_wait3A_106, %dma_wait3A_107] : memref<5120x128xf32, #tpu.memory_space<vmem_shared>> -> memref<5120x128xf32, #tpu.memory_space<vmem_shared>>
        tpu.wait_indirect_dma semaphore(%run_scoped3A_96 : memref<!tpu.dma_semaphore, #tpu.memory_space<semaphore_mem>>) src(%arg9 : memref<128x128xf32, #tpu.memory_space<vmem>>) dst(%dma_wait3A_108 : memref<5120x128xf32, #tpu.memory_space<vmem_shared>>)
        tpu.yield
      }) : () -> ()
    }
    %scan3A_29 = arith.constant 78 : i32
    %dma_wait3A = arith.constant 156 : i32
    %dma_wait3A_30 = arith.constant 0 : i32
    %dma_wait3A_31 = tpu.memref_slice %arg6[%dma_wait3A, %dma_wait3A_30] : memref<157x128xi32, #tpu.memory_space<vmem>> -> memref<1x128xi32, #tpu.memory_space<vmem>>
    %dma_wait3A_32 = tpu.memref_squeeze %dma_wait3A_31 : memref<1x128xi32, #tpu.memory_space<vmem>> -> memref<128xi32, #tpu.memory_space<vmem>>
    %dma_wait3A_33 = arith.constant 0 : i32
    %dma_wait3A_34 = arith.constant 0 : i32
    %dma_wait3A_35 = tpu.memref_slice %arg2[%dma_wait3A_33, %dma_wait3A_34] : memref<10000x128xf32, #tpu.memory_space<hbm>> -> memref<10000x128xf32, #tpu.memory_space<hbm>>
    tpu.wait_indirect_dma semaphore(%arg13 : memref<!tpu.dma_semaphore, #tpu.memory_space<semaphore_mem>>) src(%dma_wait3A_35 : memref<10000x128xf32, #tpu.memory_space<hbm>>) dst(%arg8 : memref<128x128xf32, #tpu.memory_space<vmem>>)
    %run_scoped3A = arith.constant 156 : i32
    "tpu.region"() ({
      %run_scoped3A_57 = tpu.sem_alloc : memref<!tpu.dma_semaphore, #tpu.memory_space<semaphore_mem>>
      %dma_start3A_58 = arith.constant 0 : i32
      %dma_start3A_59 = tpu.memref_slice %arg7[%run_scoped3A, %dma_start3A_58] : memref<157x128xi32, #tpu.memory_space<vmem>> -> memref<1x128xi32, #tpu.memory_space<vmem>>
      %dma_start3A_60 = tpu.memref_squeeze %dma_start3A_59 : memref<1x128xi32, #tpu.memory_space<vmem>> -> memref<128xi32, #tpu.memory_space<vmem>>
      %dma_start3A_61 = arith.constant 0 : i32
      %dma_start3A_62 = arith.constant 0 : i32
      %dma_start3A_63 = tpu.memref_slice %arg12[%dma_start3A_61, %dma_start3A_62] : memref<5120x128xf32, #tpu.memory_space<vmem_shared>> -> memref<5120x128xf32, #tpu.memory_space<vmem_shared>>
      tpu.enqueue_indirect_dma source(%arg8 : memref<128x128xf32, #tpu.memory_space<vmem>>) target(%dma_start3A_63 : memref<5120x128xf32, #tpu.memory_space<vmem_shared>>) offsets(%dma_start3A_60 : memref<128xi32, #tpu.memory_space<vmem>>) semaphore(%run_scoped3A_57 : memref<!tpu.dma_semaphore, #tpu.memory_space<semaphore_mem>>) {add = true}
      %dma_wait3A_64 = arith.constant 0 : i32
      %dma_wait3A_65 = tpu.memref_slice %arg7[%run_scoped3A, %dma_wait3A_64] : memref<157x128xi32, #tpu.memory_space<vmem>> -> memref<1x128xi32, #tpu.memory_space<vmem>>
      %dma_wait3A_66 = tpu.memref_squeeze %dma_wait3A_65 : memref<1x128xi32, #tpu.memory_space<vmem>> -> memref<128xi32, #tpu.memory_space<vmem>>
      %dma_wait3A_67 = arith.constant 0 : i32
      %dma_wait3A_68 = arith.constant 0 : i32
      %dma_wait3A_69 = tpu.memref_slice %arg12[%dma_wait3A_67, %dma_wait3A_68] : memref<5120x128xf32, #tpu.memory_space<vmem_shared>> -> memref<5120x128xf32, #tpu.memory_space<vmem_shared>>
      tpu.wait_indirect_dma semaphore(%run_scoped3A_57 : memref<!tpu.dma_semaphore, #tpu.memory_space<semaphore_mem>>) src(%arg8 : memref<128x128xf32, #tpu.memory_space<vmem>>) dst(%dma_wait3A_69 : memref<5120x128xf32, #tpu.memory_space<vmem_shared>>)
      tpu.yield
    }) : () -> ()
    %barrier3A_36 = arith.constant 0 : index
    tpu.barrier barrier_id(%barrier3A_36)
    %mul3A_37 = arith.constant 5056 : i32
    %mul3A_38 = arith.muli %arg0, %mul3A_37 : i32
    %add3A_39 = arith.constant 0 : i32
    %add3A_40 = arith.addi %add3A_39, %mul3A_38 : i32
    %mul3A_41 = arith.constant 312 : i32
    %mul3A_42 = arith.muli %arg1, %mul3A_41 : i32
    %mul3A_43 = arith.constant 312 : i32
    %mul3A_44 = arith.muli %arg1, %mul3A_43 : i32
    %add3A_45 = arith.addi %add3A_40, %mul3A_44 : i32
    %scan3A_46 = arith.constant 0 : i32
    %scan3A_47 = arith.constant 4 : i32
    %scan3A_48 = arith.addi %scan3A_46, %scan3A_47 : i32
    %scan3A_49 = arith.constant 1 : i32
    scf.for %scan3A_57 = %scan3A_46 to %scan3A_48 step %scan3A_49  : i32 {
      %mul3A_58 = arith.constant 1 : i32
      %mul3A_59 = arith.muli %scan3A_57, %mul3A_58 : i32
      %add3A_60 = arith.constant 0 : i32
      %add3A_61 = arith.addi %add3A_60, %mul3A_59 : i32
      %mul3A_62 = arith.constant 64 : i32
      %mul3A_63 = arith.muli %add3A_61, %mul3A_62 : i32
      %add3A_64 = arith.addi %mul3A_42, %mul3A_63 : i32
      "tpu.region"() ({
        %run_scoped3A_68 = tpu.sem_alloc : memref<!tpu.dma_semaphore, #tpu.memory_space<semaphore_mem>>
        %dma_start3A_69 = arith.constant 0 : i32
        %dma_start3A_70 = tpu.memref_slice %arg12[%add3A_64, %dma_start3A_69] : memref<5120x128xf32, #tpu.memory_space<vmem_shared>> -> memref<64x128xf32, #tpu.memory_space<vmem_shared>>
        %dma_start3A_71 = arith.constant 0 : i32
        %dma_start3A_72 = tpu.memref_slice %arg12[%add3A_64, %dma_start3A_71] : memref<5120x128xf32, #tpu.memory_space<vmem_shared>> -> memref<64x128xf32, #tpu.memory_space<vmem_shared>>
        tpu.enqueue_dma source(%dma_start3A_72 : memref<64x128xf32, #tpu.memory_space<vmem_shared>>) target(%arg11 : memref<64x128xf32, #tpu.memory_space<vmem>>) target_semaphore(%run_scoped3A_68 : memref<!tpu.dma_semaphore, #tpu.memory_space<semaphore_mem>>)
        %dma_wait3A_73 = arith.constant 0 : i32
        %dma_wait3A_74 = tpu.memref_slice %arg12[%add3A_64, %dma_wait3A_73] : memref<5120x128xf32, #tpu.memory_space<vmem_shared>> -> memref<64x128xf32, #tpu.memory_space<vmem_shared>>
        %dma_wait3A_75 = arith.constant 0 : i32
        %dma_wait3A_76 = tpu.memref_slice %arg12[%add3A_64, %dma_wait3A_75] : memref<5120x128xf32, #tpu.memory_space<vmem_shared>> -> memref<64x128xf32, #tpu.memory_space<vmem_shared>>
        tpu.wait_dma2 semaphore(%run_scoped3A_68 : memref<!tpu.dma_semaphore, #tpu.memory_space<semaphore_mem>>) src(%dma_wait3A_76 : memref<64x128xf32, #tpu.memory_space<vmem_shared>>) dst(%arg11 : memref<64x128xf32, #tpu.memory_space<vmem>>)
        tpu.yield
      }) : () -> ()
      %mul3A_65 = arith.constant 64 : i32
      %mul3A_66 = arith.muli %add3A_61, %mul3A_65 : i32
      %add3A_67 = arith.addi %add3A_45, %mul3A_66 : i32
      "tpu.region"() ({
        %run_scoped3A_68 = tpu.sem_alloc : memref<!tpu.dma_semaphore, #tpu.memory_space<semaphore_mem>>
        %dma_start3A_69 = arith.constant 0 : i32
        %dma_start3A_70 = tpu.memref_slice %arg5[%add3A_67, %dma_start3A_69] : memref<10112x128xf32, #tpu.memory_space<hbm>> -> memref<64x128xf32, #tpu.memory_space<hbm>>
        %dma_start3A_71 = arith.constant 0 : i32
        %dma_start3A_72 = tpu.memref_slice %arg5[%add3A_67, %dma_start3A_71] : memref<10112x128xf32, #tpu.memory_space<hbm>> -> memref<64x128xf32, #tpu.memory_space<hbm>>
        tpu.enqueue_dma source(%arg11 : memref<64x128xf32, #tpu.memory_space<vmem>>) target(%dma_start3A_72 : memref<64x128xf32, #tpu.memory_space<hbm>>) target_semaphore(%run_scoped3A_68 : memref<!tpu.dma_semaphore, #tpu.memory_space<semaphore_mem>>)
        %dma_wait3A_73 = arith.constant 0 : i32
        %dma_wait3A_74 = tpu.memref_slice %arg5[%add3A_67, %dma_wait3A_73] : memref<10112x128xf32, #tpu.memory_space<hbm>> -> memref<64x128xf32, #tpu.memory_space<hbm>>
        %dma_wait3A_75 = arith.constant 0 : i32
        %dma_wait3A_76 = tpu.memref_slice %arg5[%add3A_67, %dma_wait3A_75] : memref<10112x128xf32, #tpu.memory_space<hbm>> -> memref<64x128xf32, #tpu.memory_space<hbm>>
        tpu.wait_dma2 semaphore(%run_scoped3A_68 : memref<!tpu.dma_semaphore, #tpu.memory_space<semaphore_mem>>) src(%arg11 : memref<64x128xf32, #tpu.memory_space<vmem>>) dst(%dma_wait3A_76 : memref<64x128xf32, #tpu.memory_space<hbm>>)
        tpu.yield
      }) : () -> ()
    }
    %scan3A_50 = arith.constant 4 : i32
    %add3A_51 = arith.constant 256 : i32
    %add3A_52 = arith.addi %mul3A_42, %add3A_51 : i32
    "tpu.region"() ({
      %run_scoped3A_57 = tpu.sem_alloc : memref<!tpu.dma_semaphore, #tpu.memory_space<semaphore_mem>>
      %dma_start3A_58 = arith.constant 0 : i32
      %dma_start3A_59 = arith.constant 0 : i32
      %dma_start3A_60 = tpu.memref_slice %arg11[%dma_start3A_58, %dma_start3A_59] : memref<64x128xf32, #tpu.memory_space<vmem>> -> memref<56x128xf32, #tpu.memory_space<vmem>>
      %dma_start3A_61 = arith.constant 0 : i32
      %dma_start3A_62 = tpu.memref_slice %arg12[%add3A_52, %dma_start3A_61] : memref<5120x128xf32, #tpu.memory_space<vmem_shared>> -> memref<56x128xf32, #tpu.memory_space<vmem_shared>>
      %dma_start3A_63 = arith.constant 0 : i32
      %dma_start3A_64 = arith.constant 0 : i32
      %dma_start3A_65 = tpu.memref_slice %arg11[%dma_start3A_63, %dma_start3A_64] : memref<64x128xf32, #tpu.memory_space<vmem>> -> memref<56x128xf32, #tpu.memory_space<vmem>>
      %dma_start3A_66 = arith.constant 0 : i32
      %dma_start3A_67 = tpu.memref_slice %arg12[%add3A_52, %dma_start3A_66] : memref<5120x128xf32, #tpu.memory_space<vmem_shared>> -> memref<56x128xf32, #tpu.memory_space<vmem_shared>>
      tpu.enqueue_dma source(%dma_start3A_67 : memref<56x128xf32, #tpu.memory_space<vmem_shared>>) target(%dma_start3A_65 : memref<56x128xf32, #tpu.memory_space<vmem>>) target_semaphore(%run_scoped3A_57 : memref<!tpu.dma_semaphore, #tpu.memory_space<semaphore_mem>>)
      %dma_wait3A_68 = arith.constant 0 : i32
      %dma_wait3A_69 = arith.constant 0 : i32
      %dma_wait3A_70 = tpu.memref_slice %arg11[%dma_wait3A_68, %dma_wait3A_69] : memref<64x128xf32, #tpu.memory_space<vmem>> -> memref<56x128xf32, #tpu.memory_space<vmem>>
      %dma_wait3A_71 = arith.constant 0 : i32
      %dma_wait3A_72 = tpu.memref_slice %arg12[%add3A_52, %dma_wait3A_71] : memref<5120x128xf32, #tpu.memory_space<vmem_shared>> -> memref<56x128xf32, #tpu.memory_space<vmem_shared>>
      %dma_wait3A_73 = arith.constant 0 : i32
      %dma_wait3A_74 = arith.constant 0 : i32
      %dma_wait3A_75 = tpu.memref_slice %arg11[%dma_wait3A_73, %dma_wait3A_74] : memref<64x128xf32, #tpu.memory_space<vmem>> -> memref<56x128xf32, #tpu.memory_space<vmem>>
      %dma_wait3A_76 = arith.constant 0 : i32
      %dma_wait3A_77 = tpu.memref_slice %arg12[%add3A_52, %dma_wait3A_76] : memref<5120x128xf32, #tpu.memory_space<vmem_shared>> -> memref<56x128xf32, #tpu.memory_space<vmem_shared>>
      tpu.wait_dma2 semaphore(%run_scoped3A_57 : memref<!tpu.dma_semaphore, #tpu.memory_space<semaphore_mem>>) src(%dma_wait3A_77 : memref<56x128xf32, #tpu.memory_space<vmem_shared>>) dst(%dma_wait3A_75 : memref<56x128xf32, #tpu.memory_space<vmem>>)
      tpu.yield
    }) : () -> ()
    %add3A_53 = arith.constant 256 : i32
    %add3A_54 = arith.addi %add3A_45, %add3A_53 : i32
    "tpu.region"() ({
      %run_scoped3A_57 = tpu.sem_alloc : memref<!tpu.dma_semaphore, #tpu.memory_space<semaphore_mem>>
      %dma_start3A_58 = arith.constant 0 : i32
      %dma_start3A_59 = arith.constant 0 : i32
      %dma_start3A_60 = tpu.memref_slice %arg11[%dma_start3A_58, %dma_start3A_59] : memref<64x128xf32, #tpu.memory_space<vmem>> -> memref<56x128xf32, #tpu.memory_space<vmem>>
      %dma_start3A_61 = arith.constant 0 : i32
      %dma_start3A_62 = tpu.memref_slice %arg5[%add3A_54, %dma_start3A_61] : memref<10112x128xf32, #tpu.memory_space<hbm>> -> memref<56x128xf32, #tpu.memory_space<hbm>>
      %dma_start3A_63 = arith.constant 0 : i32
      %dma_start3A_64 = tpu.memref_slice %arg5[%add3A_54, %dma_start3A_63] : memref<10112x128xf32, #tpu.memory_space<hbm>> -> memref<56x128xf32, #tpu.memory_space<hbm>>
      %dma_start3A_65 = arith.constant 0 : i32
      %dma_start3A_66 = arith.constant 0 : i32
      %dma_start3A_67 = tpu.memref_slice %arg11[%dma_start3A_65, %dma_start3A_66] : memref<64x128xf32, #tpu.memory_space<vmem>> -> memref<56x128xf32, #tpu.memory_space<vmem>>
      tpu.enqueue_dma source(%dma_start3A_67 : memref<56x128xf32, #tpu.memory_space<vmem>>) target(%dma_start3A_64 : memref<56x128xf32, #tpu.memory_space<hbm>>) target_semaphore(%run_scoped3A_57 : memref<!tpu.dma_semaphore, #tpu.memory_space<semaphore_mem>>)
      %dma_wait3A_68 = arith.constant 0 : i32
      %dma_wait3A_69 = arith.constant 0 : i32
      %dma_wait3A_70 = tpu.memref_slice %arg11[%dma_wait3A_68, %dma_wait3A_69] : memref<64x128xf32, #tpu.memory_space<vmem>> -> memref<56x128xf32, #tpu.memory_space<vmem>>
      %dma_wait3A_71 = arith.constant 0 : i32
      %dma_wait3A_72 = tpu.memref_slice %arg5[%add3A_54, %dma_wait3A_71] : memref<10112x128xf32, #tpu.memory_space<hbm>> -> memref<56x128xf32, #tpu.memory_space<hbm>>
      %dma_wait3A_73 = arith.constant 0 : i32
      %dma_wait3A_74 = tpu.memref_slice %arg5[%add3A_54, %dma_wait3A_73] : memref<10112x128xf32, #tpu.memory_space<hbm>> -> memref<56x128xf32, #tpu.memory_space<hbm>>
      %dma_wait3A_75 = arith.constant 0 : i32
      %dma_wait3A_76 = arith.constant 0 : i32
      %dma_wait3A_77 = tpu.memref_slice %arg11[%dma_wait3A_75, %dma_wait3A_76] : memref<64x128xf32, #tpu.memory_space<vmem>> -> memref<56x128xf32, #tpu.memory_space<vmem>>
      tpu.wait_dma2 semaphore(%run_scoped3A_57 : memref<!tpu.dma_semaphore, #tpu.memory_space<semaphore_mem>>) src(%dma_wait3A_77 : memref<56x128xf32, #tpu.memory_space<vmem>>) dst(%dma_wait3A_74 : memref<56x128xf32, #tpu.memory_space<hbm>>)
      tpu.yield
    }) : () -> ()
    %eq3A = arith.constant 15 : i32
    %eq3A_55 = arith.cmpi eq, %arg1, %eq3A : i32
    %convert_element_type3A = arith.extui %eq3A_55 : i1 to i32
    %cond3A = arith.constant 0 : i32
    %cond3A_56 = arith.cmpi ne, %convert_element_type3A, %cond3A : i32
    scf.if %cond3A_56 {
      %add3A_57 = arith.constant 4992 : i32
      %add3A_58 = arith.addi %add3A_40, %add3A_57 : i32
      %scan3A_59 = arith.constant 0 : i32
      %mul3A_60 = arith.constant 1 : i32
      %mul3A_61 = arith.muli %scan3A_59, %mul3A_60 : i32
      %add3A_62 = arith.constant 0 : i32
      %add3A_63 = arith.addi %add3A_62, %mul3A_61 : i32
      %mul3A_64 = arith.constant 64 : i32
      %mul3A_65 = arith.muli %add3A_63, %mul3A_64 : i32
      %add3A_66 = arith.constant 4992 : i32
      %add3A_67 = arith.addi %add3A_66, %mul3A_65 : i32
      "tpu.region"() ({
        %run_scoped3A_72 = tpu.sem_alloc : memref<!tpu.dma_semaphore, #tpu.memory_space<semaphore_mem>>
        %dma_start3A_73 = arith.constant 0 : i32
        %dma_start3A_74 = tpu.memref_slice %arg12[%add3A_67, %dma_start3A_73] : memref<5120x128xf32, #tpu.memory_space<vmem_shared>> -> memref<64x128xf32, #tpu.memory_space<vmem_shared>>
        %dma_start3A_75 = arith.constant 0 : i32
        %dma_start3A_76 = tpu.memref_slice %arg12[%add3A_67, %dma_start3A_75] : memref<5120x128xf32, #tpu.memory_space<vmem_shared>> -> memref<64x128xf32, #tpu.memory_space<vmem_shared>>
        tpu.enqueue_dma source(%dma_start3A_76 : memref<64x128xf32, #tpu.memory_space<vmem_shared>>) target(%arg11 : memref<64x128xf32, #tpu.memory_space<vmem>>) target_semaphore(%run_scoped3A_72 : memref<!tpu.dma_semaphore, #tpu.memory_space<semaphore_mem>>)
        %dma_wait3A_77 = arith.constant 0 : i32
        %dma_wait3A_78 = tpu.memref_slice %arg12[%add3A_67, %dma_wait3A_77] : memref<5120x128xf32, #tpu.memory_space<vmem_shared>> -> memref<64x128xf32, #tpu.memory_space<vmem_shared>>
        %dma_wait3A_79 = arith.constant 0 : i32
        %dma_wait3A_80 = tpu.memref_slice %arg12[%add3A_67, %dma_wait3A_79] : memref<5120x128xf32, #tpu.memory_space<vmem_shared>> -> memref<64x128xf32, #tpu.memory_space<vmem_shared>>
        tpu.wait_dma2 semaphore(%run_scoped3A_72 : memref<!tpu.dma_semaphore, #tpu.memory_space<semaphore_mem>>) src(%dma_wait3A_80 : memref<64x128xf32, #tpu.memory_space<vmem_shared>>) dst(%arg11 : memref<64x128xf32, #tpu.memory_space<vmem>>)
        tpu.yield
      }) : () -> ()
      %mul3A_68 = arith.constant 64 : i32
      %mul3A_69 = arith.muli %add3A_63, %mul3A_68 : i32
      %add3A_70 = arith.addi %add3A_58, %mul3A_69 : i32
      "tpu.region"() ({
        %run_scoped3A_72 = tpu.sem_alloc : memref<!tpu.dma_semaphore, #tpu.memory_space<semaphore_mem>>
        %dma_start3A_73 = arith.constant 0 : i32
        %dma_start3A_74 = tpu.memref_slice %arg5[%add3A_70, %dma_start3A_73] : memref<10112x128xf32, #tpu.memory_space<hbm>> -> memref<64x128xf32, #tpu.memory_space<hbm>>
        %dma_start3A_75 = arith.constant 0 : i32
        %dma_start3A_76 = tpu.memref_slice %arg5[%add3A_70, %dma_start3A_75] : memref<10112x128xf32, #tpu.memory_space<hbm>> -> memref<64x128xf32, #tpu.memory_space<hbm>>
        tpu.enqueue_dma source(%arg11 : memref<64x128xf32, #tpu.memory_space<vmem>>) target(%dma_start3A_76 : memref<64x128xf32, #tpu.memory_space<hbm>>) target_semaphore(%run_scoped3A_72 : memref<!tpu.dma_semaphore, #tpu.memory_space<semaphore_mem>>)
        %dma_wait3A_77 = arith.constant 0 : i32
        %dma_wait3A_78 = tpu.memref_slice %arg5[%add3A_70, %dma_wait3A_77] : memref<10112x128xf32, #tpu.memory_space<hbm>> -> memref<64x128xf32, #tpu.memory_space<hbm>>
        %dma_wait3A_79 = arith.constant 0 : i32
        %dma_wait3A_80 = tpu.memref_slice %arg5[%add3A_70, %dma_wait3A_79] : memref<10112x128xf32, #tpu.memory_space<hbm>> -> memref<64x128xf32, #tpu.memory_space<hbm>>
        tpu.wait_dma2 semaphore(%run_scoped3A_72 : memref<!tpu.dma_semaphore, #tpu.memory_space<semaphore_mem>>) src(%arg11 : memref<64x128xf32, #tpu.memory_space<vmem>>) dst(%dma_wait3A_80 : memref<64x128xf32, #tpu.memory_space<hbm>>)
        tpu.yield
      }) : () -> ()
      %scan3A_71 = arith.constant 1 : i32
    } else {
    }
    return
  }
}

#map = affine_map<(d0, d1) -> (0, 0)>
#map1 = affine_map<(d0, d1) -> (0, 0, 0)>
module attributes {stable_mosaic.version = 14 : i64} {
  func.func @agg(%arg0: i32, %arg1: i32, %arg2: memref<10000x128xf32, #tpu.memory_space<hbm>>, %arg3: memref<32x157x128xi32, #tpu.memory_space<hbm>>, %arg4: memref<32x157x128xi32, #tpu.memory_space<hbm>>, %arg5: memref<10112x128xf32, #tpu.memory_space<hbm>>, %arg6: memref<157x128xi32, #tpu.memory_space<vmem>>, %arg7: memref<157x128xi32, #tpu.memory_space<vmem>>, %arg8: memref<128x128xf32, #tpu.memory_space<vmem>>, %arg9: memref<128x128xf32, #tpu.memory_space<vmem>>, %arg10: memref<64x128xf32, #tpu.memory_space<vmem>>, %arg11: memref<64x128xf32, #tpu.memory_space<vmem>>, %arg12: memref<5120x128xf32, #tpu.memory_space<vmem_shared>>, %arg13: memref<!tpu.dma_semaphore, #tpu.memory_space<semaphore_mem>>, %arg14: memref<!tpu.dma_semaphore, #tpu.memory_space<semaphore_mem>>) attributes {dimension_semantics = [#tpu.dimension_semantics<core_parallel>, #tpu.dimension_semantics<subcore_parallel>], iteration_bounds = array<i64: 2, 16>, scalar_prefetch = 0 : i64, scratch_operands = 9 : i64, tpu.core_type = #tpu.core_type<sc_vector_subcore>, window_params = [{transform_indices = #map}, {transform_indices = #map1}, {transform_indices = #map1}, {transform_indices = #map}]} {
    %mul3A = arith.constant 2 : i32
    %mul3A_0 = arith.muli %arg1, %mul3A : i32
    %add3A = arith.addi %mul3A_0, %arg0 : i32
    "tpu.region"() ({
      %run_scoped3A_57 = tpu.sem_alloc : memref<!tpu.dma_semaphore, #tpu.memory_space<semaphore_mem>>
      %dma_start3A_58 = arith.constant 0 : i32
      %dma_start3A_59 = arith.constant 0 : i32
      %dma_start3A_60 = tpu.memref_slice %arg3[%add3A, %dma_start3A_58, %dma_start3A_59] : memref<32x157x128xi32, #tpu.memory_space<hbm>> -> memref<1x157x128xi32, #tpu.memory_space<hbm>>
      %dma_start3A_61 = tpu.memref_squeeze %dma_start3A_60 : memref<1x157x128xi32, #tpu.memory_space<hbm>> -> memref<157x128xi32, #tpu.memory_space<hbm>>
      %dma_start3A_62 = arith.constant 0 : i32
      %dma_start3A_63 = arith.constant 0 : i32
      %dma_start3A_64 = tpu.memref_slice %arg3[%add3A, %dma_start3A_62, %dma_start3A_63] : memref<32x157x128xi32, #tpu.memory_space<hbm>> -> memref<1x157x128xi32, #tpu.memory_space<hbm>>
      %dma_start3A_65 = tpu.memref_squeeze %dma_start3A_64 : memref<1x157x128xi32, #tpu.memory_space<hbm>> -> memref<157x128xi32, #tpu.memory_space<hbm>>
      tpu.enqueue_dma source(%dma_start3A_65 : memref<157x128xi32, #tpu.memory_space<hbm>>) target(%arg6 : memref<157x128xi32, #tpu.memory_space<vmem>>) target_semaphore(%run_scoped3A_57 : memref<!tpu.dma_semaphore, #tpu.memory_space<semaphore_mem>>)
      %dma_wait3A_66 = arith.constant 0 : i32
      %dma_wait3A_67 = arith.constant 0 : i32
      %dma_wait3A_68 = tpu.memref_slice %arg3[%add3A, %dma_wait3A_66, %dma_wait3A_67] : memref<32x157x128xi32, #tpu.memory_space<hbm>> -> memref<1x157x128xi32, #tpu.memory_space<hbm>>
      %dma_wait3A_69 = tpu.memref_squeeze %dma_wait3A_68 : memref<1x157x128xi32, #tpu.memory_space<hbm>> -> memref<157x128xi32, #tpu.memory_space<hbm>>
      %dma_wait3A_70 = arith.constant 0 : i32
      %dma_wait3A_71 = arith.constant 0 : i32
      %dma_wait3A_72 = tpu.memref_slice %arg3[%add3A, %dma_wait3A_70, %dma_wait3A_71] : memref<32x157x128xi32, #tpu.memory_space<hbm>> -> memref<1x157x128xi32, #tpu.memory_space<hbm>>
      %dma_wait3A_73 = tpu.memref_squeeze %dma_wait3A_72 : memref<1x157x128xi32, #tpu.memory_space<hbm>> -> memref<157x128xi32, #tpu.memory_space<hbm>>
      tpu.wait_dma2 semaphore(%run_scoped3A_57 : memref<!tpu.dma_semaphore, #tpu.memory_space<semaphore_mem>>) src(%dma_wait3A_73 : memref<157x128xi32, #tpu.memory_space<hbm>>) dst(%arg6 : memref<157x128xi32, #tpu.memory_space<vmem>>)
      tpu.yield
    }) : () -> ()
    "tpu.region"() ({
      %run_scoped3A_57 = tpu.sem_alloc : memref<!tpu.dma_semaphore, #tpu.memory_space<semaphore_mem>>
      %dma_start3A_58 = arith.constant 0 : i32
      %dma_start3A_59 = arith.constant 0 : i32
      %dma_start3A_60 = tpu.memref_slice %arg4[%add3A, %dma_start3A_58, %dma_start3A_59] : memref<32x157x128xi32, #tpu.memory_space<hbm>> -> memref<1x157x128xi32, #tpu.memory_space<hbm>>
      %dma_start3A_61 = tpu.memref_squeeze %dma_start3A_60 : memref<1x157x128xi32, #tpu.memory_space<hbm>> -> memref<157x128xi32, #tpu.memory_space<hbm>>
      %dma_start3A_62 = arith.constant 0 : i32
      %dma_start3A_63 = arith.constant 0 : i32
      %dma_start3A_64 = tpu.memref_slice %arg4[%add3A, %dma_start3A_62, %dma_start3A_63] : memref<32x157x128xi32, #tpu.memory_space<hbm>> -> memref<1x157x128xi32, #tpu.memory_space<hbm>>
      %dma_start3A_65 = tpu.memref_squeeze %dma_start3A_64 : memref<1x157x128xi32, #tpu.memory_space<hbm>> -> memref<157x128xi32, #tpu.memory_space<hbm>>
      tpu.enqueue_dma source(%dma_start3A_65 : memref<157x128xi32, #tpu.memory_space<hbm>>) target(%arg7 : memref<157x128xi32, #tpu.memory_space<vmem>>) target_semaphore(%run_scoped3A_57 : memref<!tpu.dma_semaphore, #tpu.memory_space<semaphore_mem>>)
      %dma_wait3A_66 = arith.constant 0 : i32
      %dma_wait3A_67 = arith.constant 0 : i32
      %dma_wait3A_68 = tpu.memref_slice %arg4[%add3A, %dma_wait3A_66, %dma_wait3A_67] : memref<32x157x128xi32, #tpu.memory_space<hbm>> -> memref<1x157x128xi32, #tpu.memory_space<hbm>>
      %dma_wait3A_69 = tpu.memref_squeeze %dma_wait3A_68 : memref<1x157x128xi32, #tpu.memory_space<hbm>> -> memref<157x128xi32, #tpu.memory_space<hbm>>
      %dma_wait3A_70 = arith.constant 0 : i32
      %dma_wait3A_71 = arith.constant 0 : i32
      %dma_wait3A_72 = tpu.memref_slice %arg4[%add3A, %dma_wait3A_70, %dma_wait3A_71] : memref<32x157x128xi32, #tpu.memory_space<hbm>> -> memref<1x157x128xi32, #tpu.memory_space<hbm>>
      %dma_wait3A_73 = tpu.memref_squeeze %dma_wait3A_72 : memref<1x157x128xi32, #tpu.memory_space<hbm>> -> memref<157x128xi32, #tpu.memory_space<hbm>>
      tpu.wait_dma2 semaphore(%run_scoped3A_57 : memref<!tpu.dma_semaphore, #tpu.memory_space<semaphore_mem>>) src(%dma_wait3A_73 : memref<157x128xi32, #tpu.memory_space<hbm>>) dst(%arg7 : memref<157x128xi32, #tpu.memory_space<vmem>>)
      tpu.yield
    }) : () -> ()
    %scan3A = arith.constant 0 : i32
    %scan3A_1 = arith.constant 64 : i32
    %scan3A_2 = arith.addi %scan3A, %scan3A_1 : i32
    %scan3A_3 = arith.constant 1 : i32
    scf.for %scan3A_57 = %scan3A to %scan3A_2 step %scan3A_3  : i32 {
      %mul3A_58 = arith.constant 1 : i32
      %mul3A_59 = arith.muli %scan3A_57, %mul3A_58 : i32
      %add3A_60 = arith.constant 0 : i32
      %add3A_61 = arith.addi %add3A_60, %mul3A_59 : i32
      %scan3A_62 = arith.constant 0 : i32
      %scan3A_63 = arith.constant 8 : i32
      %scan3A_64 = arith.addi %scan3A_62, %scan3A_63 : i32
      %scan3A_65 = arith.constant 1 : i32
      scf.for %scan3A_67 = %scan3A_62 to %scan3A_64 step %scan3A_65  : i32 {
        %mul3A_68 = arith.constant 1 : i32
        %mul3A_69 = arith.muli %scan3A_67, %mul3A_68 : i32
        %add3A_70 = arith.constant 0 : i32
        %add3A_71 = arith.addi %add3A_70, %mul3A_69 : i32
        %broadcast_in_dim3A = arith.constant 0.000000e+00 : f32
        %broadcast_in_dim3A_72 = vector.broadcast %broadcast_in_dim3A : f32 to vector<16xf32>
        %mul3A_73 = arith.constant 16 : i32
        %mul3A_74 = arith.muli %add3A_71, %mul3A_73 : i32
        %swap3A = arith.index_cast %add3A_61 : i32 to index
        %swap3A_75 = arith.index_cast %mul3A_74 : i32 to index
        %swap3A_76 = tpu.vector_load %arg10[%swap3A, %swap3A_75] {strides = array<i32>} : memref<64x128xf32, #tpu.memory_space<vmem>>, vector<1x16xf32>,
        %swap3A_77 = vector.shape_cast %swap3A_76 : vector<1x16xf32> to vector<16xf32>
        %swap3A_78 = vector.shape_cast %broadcast_in_dim3A_72 : vector<16xf32> to vector<1x16xf32>
        tpu.vector_store %arg10[%swap3A, %swap3A_75], %swap3A_78 {strides = array<i32>} : memref<64x128xf32, #tpu.memory_space<vmem>>, vector<1x16xf32>,
      }
      %scan3A_66 = arith.constant 8 : i32
    }
    %scan3A_4 = arith.constant 64 : i32
    %mul3A_5 = arith.constant 5056 : i32
    %mul3A_6 = arith.muli %arg0, %mul3A_5 : i32
    %scan3A_7 = arith.constant 0 : i32
    %scan3A_8 = arith.constant 157 : i32
    %scan3A_9 = arith.addi %scan3A_7, %scan3A_8 : i32
    %scan3A_10 = arith.constant 1 : i32
    scf.for %scan3A_57 = %scan3A_7 to %scan3A_9 step %scan3A_10  : i32 {
      %mul3A_58 = arith.constant 1 : i32
      %mul3A_59 = arith.muli %scan3A_57, %mul3A_58 : i32
      %add3A_60 = arith.constant 0 : i32
      %add3A_61 = arith.addi %add3A_60, %mul3A_59 : i32
      %scan3A_62 = arith.constant 0 : i32
      %scan3A_63 = arith.constant 8 : i32
      %scan3A_64 = arith.addi %scan3A_62, %scan3A_63 : i32
      %scan3A_65 = arith.constant 1 : i32
      scf.for %scan3A_67 = %scan3A_62 to %scan3A_64 step %scan3A_65  : i32 {
        %mul3A_68 = arith.constant 1 : i32
        %mul3A_69 = arith.muli %scan3A_67, %mul3A_68 : i32
        %add3A_70 = arith.constant 0 : i32
        %add3A_71 = arith.addi %add3A_70, %mul3A_69 : i32
        %mul3A_72 = arith.constant 16 : i32
        %mul3A_73 = arith.muli %add3A_71, %mul3A_72 : i32
        %get3A = arith.index_cast %add3A_61 : i32 to index
        %get3A_74 = arith.index_cast %mul3A_73 : i32 to index
        %get3A_75 = tpu.vector_load %arg7[%get3A, %get3A_74] {strides = array<i32>} : memref<157x128xi32, #tpu.memory_space<vmem>>, vector<1x16xi32>,
        %get3A_76 = vector.shape_cast %get3A_75 : vector<1x16xi32> to vector<16xi32>
        %sub3A = vector.broadcast %mul3A_6 : i32 to vector<16xi32>
        %sub3A_77 = arith.subi %get3A_76, %sub3A : vector<16xi32>
        %ge3A = arith.constant 0 : i32
        %ge3A_78 = vector.broadcast %ge3A : i32 to vector<16xi32>
        %ge3A_79 = arith.cmpi sge, %sub3A_77, %ge3A_78 : vector<16xi32>
        %lt3A = arith.constant 5056 : i32
        %lt3A_80 = vector.broadcast %lt3A : i32 to vector<16xi32>
        %lt3A_81 = arith.cmpi slt, %sub3A_77, %lt3A_80 : vector<16xi32>
        %and3A = arith.andi %ge3A_79, %lt3A_81 : vector<16xi1>
        %and3A_82 = arith.constant 63 : i32
        %and3A_83 = vector.broadcast %and3A_82 : i32 to vector<16xi32>
        %and3A_84 = arith.andi %get3A_76, %and3A_83 : vector<16xi32>
        %add3A_85 = arith.constant 5056 : i32
        %add3A_86 = vector.broadcast %add3A_85 : i32 to vector<16xi32>
        %add3A_87 = arith.addi %add3A_86, %and3A_84 : vector<16xi32>
        %select_n3A = arith.select %and3A, %sub3A_77, %add3A_87 : vector<16xi1>, vector<16xi32>
        %swap3A = arith.index_cast %add3A_61 : i32 to index
        %swap3A_88 = arith.index_cast %mul3A_73 : i32 to index
        %swap3A_89 = tpu.vector_load %arg7[%swap3A, %swap3A_88] {strides = array<i32>} : memref<157x128xi32, #tpu.memory_space<vmem>>, vector<1x16xi32>,
        %swap3A_90 = vector.shape_cast %swap3A_89 : vector<1x16xi32> to vector<16xi32>
        %swap3A_91 = vector.shape_cast %select_n3A : vector<16xi32> to vector<1x16xi32>
        tpu.vector_store %arg7[%swap3A, %swap3A_88], %swap3A_91 {strides = array<i32>} : memref<157x128xi32, #tpu.memory_space<vmem>>, vector<1x16xi32>,
      }
      %scan3A_66 = arith.constant 8 : i32
    }
    %scan3A_11 = arith.constant 157 : i32
    %mul3A_12 = arith.constant 320 : i32
    %mul3A_13 = arith.muli %arg1, %mul3A_12 : i32
    %scan3A_14 = arith.constant 0 : i32
    %scan3A_15 = arith.constant 5 : i32
    %scan3A_16 = arith.addi %scan3A_14, %scan3A_15 : i32
    %scan3A_17 = arith.constant 1 : i32
    scf.for %scan3A_57 = %scan3A_14 to %scan3A_16 step %scan3A_17  : i32 {
      %mul3A_58 = arith.constant 1 : i32
      %mul3A_59 = arith.muli %scan3A_57, %mul3A_58 : i32
      %add3A_60 = arith.constant 0 : i32
      %add3A_61 = arith.addi %add3A_60, %mul3A_59 : i32
      %mul3A_62 = arith.constant 64 : i32
      %mul3A_63 = arith.muli %add3A_61, %mul3A_62 : i32
      %add3A_64 = arith.addi %mul3A_13, %mul3A_63 : i32
      "tpu.region"() ({
        %run_scoped3A_65 = tpu.sem_alloc : memref<!tpu.dma_semaphore, #tpu.memory_space<semaphore_mem>>
        %dma_start3A_66 = arith.constant 0 : i32
        %dma_start3A_67 = tpu.memref_slice %arg12[%add3A_64, %dma_start3A_66] : memref<5120x128xf32, #tpu.memory_space<vmem_shared>> -> memref<64x128xf32, #tpu.memory_space<vmem_shared>>
        %dma_start3A_68 = arith.constant 0 : i32
        %dma_start3A_69 = tpu.memref_slice %arg12[%add3A_64, %dma_start3A_68] : memref<5120x128xf32, #tpu.memory_space<vmem_shared>> -> memref<64x128xf32, #tpu.memory_space<vmem_shared>>
        tpu.enqueue_dma source(%arg10 : memref<64x128xf32, #tpu.memory_space<vmem>>) target(%dma_start3A_69 : memref<64x128xf32, #tpu.memory_space<vmem_shared>>) target_semaphore(%run_scoped3A_65 : memref<!tpu.dma_semaphore, #tpu.memory_space<semaphore_mem>>)
        %dma_wait3A_70 = arith.constant 0 : i32
        %dma_wait3A_71 = tpu.memref_slice %arg12[%add3A_64, %dma_wait3A_70] : memref<5120x128xf32, #tpu.memory_space<vmem_shared>> -> memref<64x128xf32, #tpu.memory_space<vmem_shared>>
        %dma_wait3A_72 = arith.constant 0 : i32
        %dma_wait3A_73 = tpu.memref_slice %arg12[%add3A_64, %dma_wait3A_72] : memref<5120x128xf32, #tpu.memory_space<vmem_shared>> -> memref<64x128xf32, #tpu.memory_space<vmem_shared>>
        tpu.wait_dma2 semaphore(%run_scoped3A_65 : memref<!tpu.dma_semaphore, #tpu.memory_space<semaphore_mem>>) src(%arg10 : memref<64x128xf32, #tpu.memory_space<vmem>>) dst(%dma_wait3A_73 : memref<64x128xf32, #tpu.memory_space<vmem_shared>>)
        tpu.yield
      }) : () -> ()
    }
    %scan3A_18 = arith.constant 5 : i32
    %barrier3A = arith.constant 0 : index
    tpu.barrier barrier_id(%barrier3A)
    %dma_start3A = arith.constant 0 : i32
    %dma_start3A_19 = arith.constant 0 : i32
    %dma_start3A_20 = tpu.memref_slice %arg6[%dma_start3A, %dma_start3A_19] : memref<157x128xi32, #tpu.memory_space<vmem>> -> memref<1x128xi32, #tpu.memory_space<vmem>>
    %dma_start3A_21 = tpu.memref_squeeze %dma_start3A_20 : memref<1x128xi32, #tpu.memory_space<vmem>> -> memref<128xi32, #tpu.memory_space<vmem>>
    %dma_start3A_22 = arith.constant 0 : i32
    %dma_start3A_23 = arith.constant 0 : i32
    %dma_start3A_24 = tpu.memref_slice %arg2[%dma_start3A_22, %dma_start3A_23] : memref<10000x128xf32, #tpu.memory_space<hbm>> -> memref<10000x128xf32, #tpu.memory_space<hbm>>
    tpu.enqueue_indirect_dma source(%dma_start3A_24 : memref<10000x128xf32, #tpu.memory_space<hbm>>) target(%arg8 : memref<128x128xf32, #tpu.memory_space<vmem>>) offsets(%dma_start3A_21 : memref<128xi32, #tpu.memory_space<vmem>>) semaphore(%arg13 : memref<!tpu.dma_semaphore, #tpu.memory_space<semaphore_mem>>)
    %scan3A_25 = arith.constant 0 : i32
    %scan3A_26 = arith.constant 78 : i32
    %scan3A_27 = arith.addi %scan3A_25, %scan3A_26 : i32
    %scan3A_28 = arith.constant 1 : i32
    scf.for %scan3A_57 = %scan3A_25 to %scan3A_27 step %scan3A_28  : i32 {
      %mul3A_58 = arith.constant 1 : i32
      %mul3A_59 = arith.muli %scan3A_57, %mul3A_58 : i32
      %add3A_60 = arith.constant 0 : i32
      %add3A_61 = arith.addi %add3A_60, %mul3A_59 : i32
      %mul3A_62 = arith.constant 2 : i32
      %mul3A_63 = arith.muli %mul3A_62, %add3A_61 : i32
      %add3A_64 = arith.constant 1 : i32
      %add3A_65 = arith.addi %mul3A_63, %add3A_64 : i32
      %dma_start3A_66 = arith.constant 0 : i32
      %dma_start3A_67 = tpu.memref_slice %arg6[%add3A_65, %dma_start3A_66] : memref<157x128xi32, #tpu.memory_space<vmem>> -> memref<1x128xi32, #tpu.memory_space<vmem>>
      %dma_start3A_68 = tpu.memref_squeeze %dma_start3A_67 : memref<1x128xi32, #tpu.memory_space<vmem>> -> memref<128xi32, #tpu.memory_space<vmem>>
      %dma_start3A_69 = arith.constant 0 : i32
      %dma_start3A_70 = arith.constant 0 : i32
      %dma_start3A_71 = tpu.memref_slice %arg2[%dma_start3A_69, %dma_start3A_70] : memref<10000x128xf32, #tpu.memory_space<hbm>> -> memref<10000x128xf32, #tpu.memory_space<hbm>>
      tpu.enqueue_indirect_dma source(%dma_start3A_71 : memref<10000x128xf32, #tpu.memory_space<hbm>>) target(%arg9 : memref<128x128xf32, #tpu.memory_space<vmem>>) offsets(%dma_start3A_68 : memref<128xi32, #tpu.memory_space<vmem>>) semaphore(%arg14 : memref<!tpu.dma_semaphore, #tpu.memory_space<semaphore_mem>>)
      %dma_wait3A_72 = arith.constant 0 : i32
      %dma_wait3A_73 = tpu.memref_slice %arg6[%mul3A_63, %dma_wait3A_72] : memref<157x128xi32, #tpu.memory_space<vmem>> -> memref<1x128xi32, #tpu.memory_space<vmem>>
      %dma_wait3A_74 = tpu.memref_squeeze %dma_wait3A_73 : memref<1x128xi32, #tpu.memory_space<vmem>> -> memref<128xi32, #tpu.memory_space<vmem>>
      %dma_wait3A_75 = arith.constant 0 : i32
      %dma_wait3A_76 = arith.constant 0 : i32
      %dma_wait3A_77 = tpu.memref_slice %arg2[%dma_wait3A_75, %dma_wait3A_76] : memref<10000x128xf32, #tpu.memory_space<hbm>> -> memref<10000x128xf32, #tpu.memory_space<hbm>>
      tpu.wait_indirect_dma semaphore(%arg13 : memref<!tpu.dma_semaphore, #tpu.memory_space<semaphore_mem>>) src(%dma_wait3A_77 : memref<10000x128xf32, #tpu.memory_space<hbm>>) dst(%arg8 : memref<128x128xf32, #tpu.memory_space<vmem>>)
      "tpu.region"() ({
        %run_scoped3A_96 = tpu.sem_alloc : memref<!tpu.dma_semaphore, #tpu.memory_space<semaphore_mem>>
        %dma_start3A_97 = arith.constant 0 : i32
        %dma_start3A_98 = tpu.memref_slice %arg7[%mul3A_63, %dma_start3A_97] : memref<157x128xi32, #tpu.memory_space<vmem>> -> memref<1x128xi32, #tpu.memory_space<vmem>>
        %dma_start3A_99 = tpu.memref_squeeze %dma_start3A_98 : memref<1x128xi32, #tpu.memory_space<vmem>> -> memref<128xi32, #tpu.memory_space<vmem>>
        %dma_start3A_100 = arith.constant 0 : i32
        %dma_start3A_101 = arith.constant 0 : i32
        %dma_start3A_102 = tpu.memref_slice %arg12[%dma_start3A_100, %dma_start3A_101] : memref<5120x128xf32, #tpu.memory_space<vmem_shared>> -> memref<5120x128xf32, #tpu.memory_space<vmem_shared>>
        tpu.enqueue_indirect_dma source(%arg8 : memref<128x128xf32, #tpu.memory_space<vmem>>) target(%dma_start3A_102 : memref<5120x128xf32, #tpu.memory_space<vmem_shared>>) offsets(%dma_start3A_99 : memref<128xi32, #tpu.memory_space<vmem>>) semaphore(%run_scoped3A_96 : memref<!tpu.dma_semaphore, #tpu.memory_space<semaphore_mem>>) {add = true}
        %dma_wait3A_103 = arith.constant 0 : i32
        %dma_wait3A_104 = tpu.memref_slice %arg7[%mul3A_63, %dma_wait3A_103] : memref<157x128xi32, #tpu.memory_space<vmem>> -> memref<1x128xi32, #tpu.memory_space<vmem>>
        %dma_wait3A_105 = tpu.memref_squeeze %dma_wait3A_104 : memref<1x128xi32, #tpu.memory_space<vmem>> -> memref<128xi32, #tpu.memory_space<vmem>>
        %dma_wait3A_106 = arith.constant 0 : i32
        %dma_wait3A_107 = arith.constant 0 : i32
        %dma_wait3A_108 = tpu.memref_slice %arg12[%dma_wait3A_106, %dma_wait3A_107] : memref<5120x128xf32, #tpu.memory_space<vmem_shared>> -> memref<5120x128xf32, #tpu.memory_space<vmem_shared>>
        tpu.wait_indirect_dma semaphore(%run_scoped3A_96 : memref<!tpu.dma_semaphore, #tpu.memory_space<semaphore_mem>>) src(%arg8 : memref<128x128xf32, #tpu.memory_space<vmem>>) dst(%dma_wait3A_108 : memref<5120x128xf32, #tpu.memory_space<vmem_shared>>)
        tpu.yield
      }) : () -> ()
      %add3A_78 = arith.constant 2 : i32
      %add3A_79 = arith.addi %mul3A_63, %add3A_78 : i32
      %dma_start3A_80 = arith.constant 0 : i32
      %dma_start3A_81 = tpu.memref_slice %arg6[%add3A_79, %dma_start3A_80] : memref<157x128xi32, #tpu.memory_space<vmem>> -> memref<1x128xi32, #tpu.memory_space<vmem>>
      %dma_start3A_82 = tpu.memref_squeeze %dma_start3A_81 : memref<1x128xi32, #tpu.memory_space<vmem>> -> memref<128xi32, #tpu.memory_space<vmem>>
      %dma_start3A_83 = arith.constant 0 : i32
      %dma_start3A_84 = arith.constant 0 : i32
      %dma_start3A_85 = tpu.memref_slice %arg2[%dma_start3A_83, %dma_start3A_84] : memref<10000x128xf32, #tpu.memory_space<hbm>> -> memref<10000x128xf32, #tpu.memory_space<hbm>>
      tpu.enqueue_indirect_dma source(%dma_start3A_85 : memref<10000x128xf32, #tpu.memory_space<hbm>>) target(%arg8 : memref<128x128xf32, #tpu.memory_space<vmem>>) offsets(%dma_start3A_82 : memref<128xi32, #tpu.memory_space<vmem>>) semaphore(%arg13 : memref<!tpu.dma_semaphore, #tpu.memory_space<semaphore_mem>>)
      %add3A_86 = arith.constant 1 : i32
      %add3A_87 = arith.addi %mul3A_63, %add3A_86 : i32
      %dma_wait3A_88 = arith.constant 0 : i32
      %dma_wait3A_89 = tpu.memref_slice %arg6[%add3A_87, %dma_wait3A_88] : memref<157x128xi32, #tpu.memory_space<vmem>> -> memref<1x128xi32, #tpu.memory_space<vmem>>
      %dma_wait3A_90 = tpu.memref_squeeze %dma_wait3A_89 : memref<1x128xi32, #tpu.memory_space<vmem>> -> memref<128xi32, #tpu.memory_space<vmem>>
      %dma_wait3A_91 = arith.constant 0 : i32
      %dma_wait3A_92 = arith.constant 0 : i32
      %dma_wait3A_93 = tpu.memref_slice %arg2[%dma_wait3A_91, %dma_wait3A_92] : memref<10000x128xf32, #tpu.memory_space<hbm>> -> memref<10000x128xf32, #tpu.memory_space<hbm>>
      tpu.wait_indirect_dma semaphore(%arg14 : memref<!tpu.dma_semaphore, #tpu.memory_space<semaphore_mem>>) src(%dma_wait3A_93 : memref<10000x128xf32, #tpu.memory_space<hbm>>) dst(%arg9 : memref<128x128xf32, #tpu.memory_space<vmem>>)
      %add3A_94 = arith.constant 1 : i32
      %add3A_95 = arith.addi %mul3A_63, %add3A_94 : i32
      "tpu.region"() ({
        %run_scoped3A_96 = tpu.sem_alloc : memref<!tpu.dma_semaphore, #tpu.memory_space<semaphore_mem>>
        %dma_start3A_97 = arith.constant 0 : i32
        %dma_start3A_98 = tpu.memref_slice %arg7[%add3A_95, %dma_start3A_97] : memref<157x128xi32, #tpu.memory_space<vmem>> -> memref<1x128xi32, #tpu.memory_space<vmem>>
        %dma_start3A_99 = tpu.memref_squeeze %dma_start3A_98 : memref<1x128xi32, #tpu.memory_space<vmem>> -> memref<128xi32, #tpu.memory_space<vmem>>
        %dma_start3A_100 = arith.constant 0 : i32
        %dma_start3A_101 = arith.constant 0 : i32
        %dma_start3A_102 = tpu.memref_slice %arg12[%dma_start3A_100, %dma_start3A_101] : memref<5120x128xf32, #tpu.memory_space<vmem_shared>> -> memref<5120x128xf32, #tpu.memory_space<vmem_shared>>
        tpu.enqueue_indirect_dma source(%arg9 : memref<128x128xf32, #tpu.memory_space<vmem>>) target(%dma_start3A_102 : memref<5120x128xf32, #tpu.memory_space<vmem_shared>>) offsets(%dma_start3A_99 : memref<128xi32, #tpu.memory_space<vmem>>) semaphore(%run_scoped3A_96 : memref<!tpu.dma_semaphore, #tpu.memory_space<semaphore_mem>>) {add = true}
        %dma_wait3A_103 = arith.constant 0 : i32
        %dma_wait3A_104 = tpu.memref_slice %arg7[%add3A_95, %dma_wait3A_103] : memref<157x128xi32, #tpu.memory_space<vmem>> -> memref<1x128xi32, #tpu.memory_space<vmem>>
        %dma_wait3A_105 = tpu.memref_squeeze %dma_wait3A_104 : memref<1x128xi32, #tpu.memory_space<vmem>> -> memref<128xi32, #tpu.memory_space<vmem>>
        %dma_wait3A_106 = arith.constant 0 : i32
        %dma_wait3A_107 = arith.constant 0 : i32
        %dma_wait3A_108 = tpu.memref_slice %arg12[%dma_wait3A_106, %dma_wait3A_107] : memref<5120x128xf32, #tpu.memory_space<vmem_shared>> -> memref<5120x128xf32, #tpu.memory_space<vmem_shared>>
        tpu.wait_indirect_dma semaphore(%run_scoped3A_96 : memref<!tpu.dma_semaphore, #tpu.memory_space<semaphore_mem>>) src(%arg9 : memref<128x128xf32, #tpu.memory_space<vmem>>) dst(%dma_wait3A_108 : memref<5120x128xf32, #tpu.memory_space<vmem_shared>>)
        tpu.yield
      }) : () -> ()
    }
    %scan3A_29 = arith.constant 78 : i32
    %dma_wait3A = arith.constant 156 : i32
    %dma_wait3A_30 = arith.constant 0 : i32
    %dma_wait3A_31 = tpu.memref_slice %arg6[%dma_wait3A, %dma_wait3A_30] : memref<157x128xi32, #tpu.memory_space<vmem>> -> memref<1x128xi32, #tpu.memory_space<vmem>>
    %dma_wait3A_32 = tpu.memref_squeeze %dma_wait3A_31 : memref<1x128xi32, #tpu.memory_space<vmem>> -> memref<128xi32, #tpu.memory_space<vmem>>
    %dma_wait3A_33 = arith.constant 0 : i32
    %dma_wait3A_34 = arith.constant 0 : i32
    %dma_wait3A_35 = tpu.memref_slice %arg2[%dma_wait3A_33, %dma_wait3A_34] : memref<10000x128xf32, #tpu.memory_space<hbm>> -> memref<10000x128xf32, #tpu.memory_space<hbm>>
    tpu.wait_indirect_dma semaphore(%arg13 : memref<!tpu.dma_semaphore, #tpu.memory_space<semaphore_mem>>) src(%dma_wait3A_35 : memref<10000x128xf32, #tpu.memory_space<hbm>>) dst(%arg8 : memref<128x128xf32, #tpu.memory_space<vmem>>)
    %run_scoped3A = arith.constant 156 : i32
    "tpu.region"() ({
      %run_scoped3A_57 = tpu.sem_alloc : memref<!tpu.dma_semaphore, #tpu.memory_space<semaphore_mem>>
      %dma_start3A_58 = arith.constant 0 : i32
      %dma_start3A_59 = tpu.memref_slice %arg7[%run_scoped3A, %dma_start3A_58] : memref<157x128xi32, #tpu.memory_space<vmem>> -> memref<1x128xi32, #tpu.memory_space<vmem>>
      %dma_start3A_60 = tpu.memref_squeeze %dma_start3A_59 : memref<1x128xi32, #tpu.memory_space<vmem>> -> memref<128xi32, #tpu.memory_space<vmem>>
      %dma_start3A_61 = arith.constant 0 : i32
      %dma_start3A_62 = arith.constant 0 : i32
      %dma_start3A_63 = tpu.memref_slice %arg12[%dma_start3A_61, %dma_start3A_62] : memref<5120x128xf32, #tpu.memory_space<vmem_shared>> -> memref<5120x128xf32, #tpu.memory_space<vmem_shared>>
      tpu.enqueue_indirect_dma source(%arg8 : memref<128x128xf32, #tpu.memory_space<vmem>>) target(%dma_start3A_63 : memref<5120x128xf32, #tpu.memory_space<vmem_shared>>) offsets(%dma_start3A_60 : memref<128xi32, #tpu.memory_space<vmem>>) semaphore(%run_scoped3A_57 : memref<!tpu.dma_semaphore, #tpu.memory_space<semaphore_mem>>) {add = true}
      %dma_wait3A_64 = arith.constant 0 : i32
      %dma_wait3A_65 = tpu.memref_slice %arg7[%run_scoped3A, %dma_wait3A_64] : memref<157x128xi32, #tpu.memory_space<vmem>> -> memref<1x128xi32, #tpu.memory_space<vmem>>
      %dma_wait3A_66 = tpu.memref_squeeze %dma_wait3A_65 : memref<1x128xi32, #tpu.memory_space<vmem>> -> memref<128xi32, #tpu.memory_space<vmem>>
      %dma_wait3A_67 = arith.constant 0 : i32
      %dma_wait3A_68 = arith.constant 0 : i32
      %dma_wait3A_69 = tpu.memref_slice %arg12[%dma_wait3A_67, %dma_wait3A_68] : memref<5120x128xf32, #tpu.memory_space<vmem_shared>> -> memref<5120x128xf32, #tpu.memory_space<vmem_shared>>
      tpu.wait_indirect_dma semaphore(%run_scoped3A_57 : memref<!tpu.dma_semaphore, #tpu.memory_space<semaphore_mem>>) src(%arg8 : memref<128x128xf32, #tpu.memory_space<vmem>>) dst(%dma_wait3A_69 : memref<5120x128xf32, #tpu.memory_space<vmem_shared>>)
      tpu.yield
    }) : () -> ()
    %barrier3A_36 = arith.constant 0 : index
    tpu.barrier barrier_id(%barrier3A_36)
    %mul3A_37 = arith.constant 5056 : i32
    %mul3A_38 = arith.muli %arg0, %mul3A_37 : i32
    %add3A_39 = arith.constant 0 : i32
    %add3A_40 = arith.addi %add3A_39, %mul3A_38 : i32
    %mul3A_41 = arith.constant 312 : i32
    %mul3A_42 = arith.muli %arg1, %mul3A_41 : i32
    %mul3A_43 = arith.constant 312 : i32
    %mul3A_44 = arith.muli %arg1, %mul3A_43 : i32
    %add3A_45 = arith.addi %add3A_40, %mul3A_44 : i32
    %scan3A_46 = arith.constant 0 : i32
    %scan3A_47 = arith.constant 4 : i32
    %scan3A_48 = arith.addi %scan3A_46, %scan3A_47 : i32
    %scan3A_49 = arith.constant 1 : i32
    scf.for %scan3A_57 = %scan3A_46 to %scan3A_48 step %scan3A_49  : i32 {
      %mul3A_58 = arith.constant 1 : i32
      %mul3A_59 = arith.muli %scan3A_57, %mul3A_58 : i32
      %add3A_60 = arith.constant 0 : i32
      %add3A_61 = arith.addi %add3A_60, %mul3A_59 : i32
      %mul3A_62 = arith.constant 64 : i32
      %mul3A_63 = arith.muli %add3A_61, %mul3A_62 : i32
      %add3A_64 = arith.addi %mul3A_42, %mul3A_63 : i32
      "tpu.region"() ({
        %run_scoped3A_68 = tpu.sem_alloc : memref<!tpu.dma_semaphore, #tpu.memory_space<semaphore_mem>>
        %dma_start3A_69 = arith.constant 0 : i32
        %dma_start3A_70 = tpu.memref_slice %arg12[%add3A_64, %dma_start3A_69] : memref<5120x128xf32, #tpu.memory_space<vmem_shared>> -> memref<64x128xf32, #tpu.memory_space<vmem_shared>>
        %dma_start3A_71 = arith.constant 0 : i32
        %dma_start3A_72 = tpu.memref_slice %arg12[%add3A_64, %dma_start3A_71] : memref<5120x128xf32, #tpu.memory_space<vmem_shared>> -> memref<64x128xf32, #tpu.memory_space<vmem_shared>>
        tpu.enqueue_dma source(%dma_start3A_72 : memref<64x128xf32, #tpu.memory_space<vmem_shared>>) target(%arg11 : memref<64x128xf32, #tpu.memory_space<vmem>>) target_semaphore(%run_scoped3A_68 : memref<!tpu.dma_semaphore, #tpu.memory_space<semaphore_mem>>)
        %dma_wait3A_73 = arith.constant 0 : i32
        %dma_wait3A_74 = tpu.memref_slice %arg12[%add3A_64, %dma_wait3A_73] : memref<5120x128xf32, #tpu.memory_space<vmem_shared>> -> memref<64x128xf32, #tpu.memory_space<vmem_shared>>
        %dma_wait3A_75 = arith.constant 0 : i32
        %dma_wait3A_76 = tpu.memref_slice %arg12[%add3A_64, %dma_wait3A_75] : memref<5120x128xf32, #tpu.memory_space<vmem_shared>> -> memref<64x128xf32, #tpu.memory_space<vmem_shared>>
        tpu.wait_dma2 semaphore(%run_scoped3A_68 : memref<!tpu.dma_semaphore, #tpu.memory_space<semaphore_mem>>) src(%dma_wait3A_76 : memref<64x128xf32, #tpu.memory_space<vmem_shared>>) dst(%arg11 : memref<64x128xf32, #tpu.memory_space<vmem>>)
        tpu.yield
      }) : () -> ()
      %mul3A_65 = arith.constant 64 : i32
      %mul3A_66 = arith.muli %add3A_61, %mul3A_65 : i32
      %add3A_67 = arith.addi %add3A_45, %mul3A_66 : i32
      "tpu.region"() ({
        %run_scoped3A_68 = tpu.sem_alloc : memref<!tpu.dma_semaphore, #tpu.memory_space<semaphore_mem>>
        %dma_start3A_69 = arith.constant 0 : i32
        %dma_start3A_70 = tpu.memref_slice %arg5[%add3A_67, %dma_start3A_69] : memref<10112x128xf32, #tpu.memory_space<hbm>> -> memref<64x128xf32, #tpu.memory_space<hbm>>
        %dma_start3A_71 = arith.constant 0 : i32
        %dma_start3A_72 = tpu.memref_slice %arg5[%add3A_67, %dma_start3A_71] : memref<10112x128xf32, #tpu.memory_space<hbm>> -> memref<64x128xf32, #tpu.memory_space<hbm>>
        tpu.enqueue_dma source(%arg11 : memref<64x128xf32, #tpu.memory_space<vmem>>) target(%dma_start3A_72 : memref<64x128xf32, #tpu.memory_space<hbm>>) target_semaphore(%run_scoped3A_68 : memref<!tpu.dma_semaphore, #tpu.memory_space<semaphore_mem>>)
        %dma_wait3A_73 = arith.constant 0 : i32
        %dma_wait3A_74 = tpu.memref_slice %arg5[%add3A_67, %dma_wait3A_73] : memref<10112x128xf32, #tpu.memory_space<hbm>> -> memref<64x128xf32, #tpu.memory_space<hbm>>
        %dma_wait3A_75 = arith.constant 0 : i32
        %dma_wait3A_76 = tpu.memref_slice %arg5[%add3A_67, %dma_wait3A_75] : memref<10112x128xf32, #tpu.memory_space<hbm>> -> memref<64x128xf32, #tpu.memory_space<hbm>>
        tpu.wait_dma2 semaphore(%run_scoped3A_68 : memref<!tpu.dma_semaphore, #tpu.memory_space<semaphore_mem>>) src(%arg11 : memref<64x128xf32, #tpu.memory_space<vmem>>) dst(%dma_wait3A_76 : memref<64x128xf32, #tpu.memory_space<hbm>>)
        tpu.yield
      }) : () -> ()
    }
    %scan3A_50 = arith.constant 4 : i32
    %add3A_51 = arith.constant 256 : i32
    %add3A_52 = arith.addi %mul3A_42, %add3A_51 : i32
    "tpu.region"() ({
      %run_scoped3A_57 = tpu.sem_alloc : memref<!tpu.dma_semaphore, #tpu.memory_space<semaphore_mem>>
      %dma_start3A_58 = arith.constant 0 : i32
      %dma_start3A_59 = arith.constant 0 : i32
      %dma_start3A_60 = tpu.memref_slice %arg11[%dma_start3A_58, %dma_start3A_59] : memref<64x128xf32, #tpu.memory_space<vmem>> -> memref<56x128xf32, #tpu.memory_space<vmem>>
      %dma_start3A_61 = arith.constant 0 : i32
      %dma_start3A_62 = tpu.memref_slice %arg12[%add3A_52, %dma_start3A_61] : memref<5120x128xf32, #tpu.memory_space<vmem_shared>> -> memref<56x128xf32, #tpu.memory_space<vmem_shared>>
      %dma_start3A_63 = arith.constant 0 : i32
      %dma_start3A_64 = arith.constant 0 : i32
      %dma_start3A_65 = tpu.memref_slice %arg11[%dma_start3A_63, %dma_start3A_64] : memref<64x128xf32, #tpu.memory_space<vmem>> -> memref<56x128xf32, #tpu.memory_space<vmem>>
      %dma_start3A_66 = arith.constant 0 : i32
      %dma_start3A_67 = tpu.memref_slice %arg12[%add3A_52, %dma_start3A_66] : memref<5120x128xf32, #tpu.memory_space<vmem_shared>> -> memref<56x128xf32, #tpu.memory_space<vmem_shared>>
      tpu.enqueue_dma source(%dma_start3A_67 : memref<56x128xf32, #tpu.memory_space<vmem_shared>>) target(%dma_start3A_65 : memref<56x128xf32, #tpu.memory_space<vmem>>) target_semaphore(%run_scoped3A_57 : memref<!tpu.dma_semaphore, #tpu.memory_space<semaphore_mem>>)
      %dma_wait3A_68 = arith.constant 0 : i32
      %dma_wait3A_69 = arith.constant 0 : i32
      %dma_wait3A_70 = tpu.memref_slice %arg11[%dma_wait3A_68, %dma_wait3A_69] : memref<64x128xf32, #tpu.memory_space<vmem>> -> memref<56x128xf32, #tpu.memory_space<vmem>>
      %dma_wait3A_71 = arith.constant 0 : i32
      %dma_wait3A_72 = tpu.memref_slice %arg12[%add3A_52, %dma_wait3A_71] : memref<5120x128xf32, #tpu.memory_space<vmem_shared>> -> memref<56x128xf32, #tpu.memory_space<vmem_shared>>
      %dma_wait3A_73 = arith.constant 0 : i32
      %dma_wait3A_74 = arith.constant 0 : i32
      %dma_wait3A_75 = tpu.memref_slice %arg11[%dma_wait3A_73, %dma_wait3A_74] : memref<64x128xf32, #tpu.memory_space<vmem>> -> memref<56x128xf32, #tpu.memory_space<vmem>>
      %dma_wait3A_76 = arith.constant 0 : i32
      %dma_wait3A_77 = tpu.memref_slice %arg12[%add3A_52, %dma_wait3A_76] : memref<5120x128xf32, #tpu.memory_space<vmem_shared>> -> memref<56x128xf32, #tpu.memory_space<vmem_shared>>
      tpu.wait_dma2 semaphore(%run_scoped3A_57 : memref<!tpu.dma_semaphore, #tpu.memory_space<semaphore_mem>>) src(%dma_wait3A_77 : memref<56x128xf32, #tpu.memory_space<vmem_shared>>) dst(%dma_wait3A_75 : memref<56x128xf32, #tpu.memory_space<vmem>>)
      tpu.yield
    }) : () -> ()
    %add3A_53 = arith.constant 256 : i32
    %add3A_54 = arith.addi %add3A_45, %add3A_53 : i32
    "tpu.region"() ({
      %run_scoped3A_57 = tpu.sem_alloc : memref<!tpu.dma_semaphore, #tpu.memory_space<semaphore_mem>>
      %dma_start3A_58 = arith.constant 0 : i32
      %dma_start3A_59 = arith.constant 0 : i32
      %dma_start3A_60 = tpu.memref_slice %arg11[%dma_start3A_58, %dma_start3A_59] : memref<64x128xf32, #tpu.memory_space<vmem>> -> memref<56x128xf32, #tpu.memory_space<vmem>>
      %dma_start3A_61 = arith.constant 0 : i32
      %dma_start3A_62 = tpu.memref_slice %arg5[%add3A_54, %dma_start3A_61] : memref<10112x128xf32, #tpu.memory_space<hbm>> -> memref<56x128xf32, #tpu.memory_space<hbm>>
      %dma_start3A_63 = arith.constant 0 : i32
      %dma_start3A_64 = tpu.memref_slice %arg5[%add3A_54, %dma_start3A_63] : memref<10112x128xf32, #tpu.memory_space<hbm>> -> memref<56x128xf32, #tpu.memory_space<hbm>>
      %dma_start3A_65 = arith.constant 0 : i32
      %dma_start3A_66 = arith.constant 0 : i32
      %dma_start3A_67 = tpu.memref_slice %arg11[%dma_start3A_65, %dma_start3A_66] : memref<64x128xf32, #tpu.memory_space<vmem>> -> memref<56x128xf32, #tpu.memory_space<vmem>>
      tpu.enqueue_dma source(%dma_start3A_67 : memref<56x128xf32, #tpu.memory_space<vmem>>) target(%dma_start3A_64 : memref<56x128xf32, #tpu.memory_space<hbm>>) target_semaphore(%run_scoped3A_57 : memref<!tpu.dma_semaphore, #tpu.memory_space<semaphore_mem>>)
      %dma_wait3A_68 = arith.constant 0 : i32
      %dma_wait3A_69 = arith.constant 0 : i32
      %dma_wait3A_70 = tpu.memref_slice %arg11[%dma_wait3A_68, %dma_wait3A_69] : memref<64x128xf32, #tpu.memory_space<vmem>> -> memref<56x128xf32, #tpu.memory_space<vmem>>
      %dma_wait3A_71 = arith.constant 0 : i32
      %dma_wait3A_72 = tpu.memref_slice %arg5[%add3A_54, %dma_wait3A_71] : memref<10112x128xf32, #tpu.memory_space<hbm>> -> memref<56x128xf32, #tpu.memory_space<hbm>>
      %dma_wait3A_73 = arith.constant 0 : i32
      %dma_wait3A_74 = tpu.memref_slice %arg5[%add3A_54, %dma_wait3A_73] : memref<10112x128xf32, #tpu.memory_space<hbm>> -> memref<56x128xf32, #tpu.memory_space<hbm>>
      %dma_wait3A_75 = arith.constant 0 : i32
      %dma_wait3A_76 = arith.constant 0 : i32
      %dma_wait3A_77 = tpu.memref_slice %arg11[%dma_wait3A_75, %dma_wait3A_76] : memref<64x128xf32, #tpu.memory_space<vmem>> -> memref<56x128xf32, #tpu.memory_space<vmem>>
      tpu.wait_dma2 semaphore(%run_scoped3A_57 : memref<!tpu.dma_semaphore, #tpu.memory_space<semaphore_mem>>) src(%dma_wait3A_77 : memref<56x128xf32, #tpu.memory_space<vmem>>) dst(%dma_wait3A_74 : memref<56x128xf32, #tpu.memory_space<hbm>>)
      tpu.yield
    }) : () -> ()
    %eq3A = arith.constant 15 : i32
    %eq3A_55 = arith.cmpi eq, %arg1, %eq3A : i32
    %convert_element_type3A = arith.extui %eq3A_55 : i1 to i32
    %cond3A = arith.constant 0 : i32
    %cond3A_56 = arith.cmpi ne, %convert_element_type3A, %cond3A : i32
    scf.if %cond3A_56 {
      %add3A_57 = arith.constant 4992 : i32
      %add3A_58 = arith.addi %add3A_40, %add3A_57 : i32
      %scan3A_59 = arith.constant 0 : i32
      %mul3A_60 = arith.constant 1 : i32
      %mul3A_61 = arith.muli %scan3A_59, %mul3A_60 : i32
      %add3A_62 = arith.constant 0 : i32
      %add3A_63 = arith.addi %add3A_62, %mul3A_61 : i32
      %mul3A_64 = arith.constant 64 : i32
      %mul3A_65 = arith.muli %add3A_63, %mul3A_64 : i32
      %add3A_66 = arith.constant 4992 : i32
      %add3A_67 = arith.addi %add3A_66, %mul3A_65 : i32
      "tpu.region"() ({
        %run_scoped3A_72 = tpu.sem_alloc : memref<!tpu.dma_semaphore, #tpu.memory_space<semaphore_mem>>
        %dma_start3A_73 = arith.constant 0 : i32
        %dma_start3A_74 = tpu.memref_slice %arg12[%add3A_67, %dma_start3A_73] : memref<5120x128xf32, #tpu.memory_space<vmem_shared>> -> memref<64x128xf32, #tpu.memory_space<vmem_shared>>
        %dma_start3A_75 = arith.constant 0 : i32
        %dma_start3A_76 = tpu.memref_slice %arg12[%add3A_67, %dma_start3A_75] : memref<5120x128xf32, #tpu.memory_space<vmem_shared>> -> memref<64x128xf32, #tpu.memory_space<vmem_shared>>
        tpu.enqueue_dma source(%dma_start3A_76 : memref<64x128xf32, #tpu.memory_space<vmem_shared>>) target(%arg11 : memref<64x128xf32, #tpu.memory_space<vmem>>) target_semaphore(%run_scoped3A_72 : memref<!tpu.dma_semaphore, #tpu.memory_space<semaphore_mem>>)
        %dma_wait3A_77 = arith.constant 0 : i32
        %dma_wait3A_78 = tpu.memref_slice %arg12[%add3A_67, %dma_wait3A_77] : memref<5120x128xf32, #tpu.memory_space<vmem_shared>> -> memref<64x128xf32, #tpu.memory_space<vmem_shared>>
        %dma_wait3A_79 = arith.constant 0 : i32
        %dma_wait3A_80 = tpu.memref_slice %arg12[%add3A_67, %dma_wait3A_79] : memref<5120x128xf32, #tpu.memory_space<vmem_shared>> -> memref<64x128xf32, #tpu.memory_space<vmem_shared>>
        tpu.wait_dma2 semaphore(%run_scoped3A_72 : memref<!tpu.dma_semaphore, #tpu.memory_space<semaphore_mem>>) src(%dma_wait3A_80 : memref<64x128xf32, #tpu.memory_space<vmem_shared>>) dst(%arg11 : memref<64x128xf32, #tpu.memory_space<vmem>>)
        tpu.yield
      }) : () -> ()
      %mul3A_68 = arith.constant 64 : i32
      %mul3A_69 = arith.muli %add3A_63, %mul3A_68 : i32
      %add3A_70 = arith.addi %add3A_58, %mul3A_69 : i32
      "tpu.region"() ({
        %run_scoped3A_72 = tpu.sem_alloc : memref<!tpu.dma_semaphore, #tpu.memory_space<semaphore_mem>>
        %dma_start3A_73 = arith.constant 0 : i32
        %dma_start3A_74 = tpu.memref_slice %arg5[%add3A_70, %dma_start3A_73] : memref<10112x128xf32, #tpu.memory_space<hbm>> -> memref<64x128xf32, #tpu.memory_space<hbm>>
        %dma_start3A_75 = arith.constant 0 : i32
        %dma_start3A_76 = tpu.memref_slice %arg5[%add3A_70, %dma_start3A_75] : memref<10112x128xf32, #tpu.memory_space<hbm>> -> memref<64x128xf32, #tpu.memory_space<hbm>>
        tpu.enqueue_dma source(%arg11 : memref<64x128xf32, #tpu.memory_space<vmem>>) target(%dma_start3A_76 : memref<64x128xf32, #tpu.memory_space<hbm>>) target_semaphore(%run_scoped3A_72 : memref<!tpu.dma_semaphore, #tpu.memory_space<semaphore_mem>>)
        %dma_wait3A_77 = arith.constant 0 : i32
        %dma_wait3A_78 = tpu.memref_slice %arg5[%add3A_70, %dma_wait3A_77] : memref<10112x128xf32, #tpu.memory_space<hbm>> -> memref<64x128xf32, #tpu.memory_space<hbm>>
        %dma_wait3A_79 = arith.constant 0 : i32
        %dma_wait3A_80 = tpu.memref_slice %arg5[%add3A_70, %dma_wait3A_79] : memref<10112x128xf32, #tpu.memory_space<hbm>> -> memref<64x128xf32, #tpu.memory_space<hbm>>
        tpu.wait_dma2 semaphore(%run_scoped3A_72 : memref<!tpu.dma_semaphore, #tpu.memory_space<semaphore_mem>>) src(%arg11 : memref<64x128xf32, #tpu.memory_space<vmem>>) dst(%dma_wait3A_80 : memref<64x128xf32, #tpu.memory_space<hbm>>)
        tpu.yield
      }) : () -> ()
      %scan3A_71 = arith.constant 1 : i32
    } else {
    }
    return
  }
}

#map = affine_map<(d0, d1) -> (0, 0)>
#map1 = affine_map<(d0, d1) -> (0, 0, 0)>
module attributes {stable_mosaic.version = 14 : i64} {
  func.func @pool(%arg0: i32, %arg1: i32, %arg2: memref<10112x128xf32, #tpu.memory_space<hbm>>, %arg3: memref<32x3x128xi32, #tpu.memory_space<hbm>>, %arg4: memref<128x128xf32, #tpu.memory_space<hbm>>, %arg5: memref<128x128xf32, #tpu.memory_space<hbm>>, %arg6: memref<3x128xi32, #tpu.memory_space<vmem>>, %arg7: memref<128x128xf32, #tpu.memory_space<vmem>>, %arg8: memref<128x128xf32, #tpu.memory_space<vmem>>, %arg9: memref<64x128xf32, #tpu.memory_space<vmem>>, %arg10: memref<128x128xf32, #tpu.memory_space<vmem_shared>>, %arg11: memref<128x128xf32, #tpu.memory_space<vmem_shared>>) attributes {dimension_semantics = [#tpu.dimension_semantics<core_parallel>, #tpu.dimension_semantics<subcore_parallel>], iteration_bounds = array<i64: 2, 16>, scalar_prefetch = 0 : i64, scratch_operands = 6 : i64, tpu.core_type = #tpu.core_type<sc_vector_subcore>, window_params = [{transform_indices = #map}, {transform_indices = #map1}, {transform_indices = #map}, {transform_indices = #map}]} {
    %mul3A = arith.constant 2 : i32
    %mul3A_0 = arith.muli %arg1, %mul3A : i32
    %add3A = arith.addi %mul3A_0, %arg0 : i32
    "tpu.region"() ({
      %run_scoped3A = tpu.sem_alloc : memref<!tpu.dma_semaphore, #tpu.memory_space<semaphore_mem>>
      %dma_start3A = arith.constant 0 : i32
      %dma_start3A_28 = arith.constant 0 : i32
      %dma_start3A_29 = tpu.memref_slice %arg3[%add3A, %dma_start3A, %dma_start3A_28] : memref<32x3x128xi32, #tpu.memory_space<hbm>> -> memref<1x3x128xi32, #tpu.memory_space<hbm>>
      %dma_start3A_30 = tpu.memref_squeeze %dma_start3A_29 : memref<1x3x128xi32, #tpu.memory_space<hbm>> -> memref<3x128xi32, #tpu.memory_space<hbm>>
      %dma_start3A_31 = arith.constant 0 : i32
      %dma_start3A_32 = arith.constant 0 : i32
      %dma_start3A_33 = tpu.memref_slice %arg3[%add3A, %dma_start3A_31, %dma_start3A_32] : memref<32x3x128xi32, #tpu.memory_space<hbm>> -> memref<1x3x128xi32, #tpu.memory_space<hbm>>
      %dma_start3A_34 = tpu.memref_squeeze %dma_start3A_33 : memref<1x3x128xi32, #tpu.memory_space<hbm>> -> memref<3x128xi32, #tpu.memory_space<hbm>>
      tpu.enqueue_dma source(%dma_start3A_34 : memref<3x128xi32, #tpu.memory_space<hbm>>) target(%arg6 : memref<3x128xi32, #tpu.memory_space<vmem>>) target_semaphore(%run_scoped3A : memref<!tpu.dma_semaphore, #tpu.memory_space<semaphore_mem>>)
      %dma_wait3A = arith.constant 0 : i32
      %dma_wait3A_35 = arith.constant 0 : i32
      %dma_wait3A_36 = tpu.memref_slice %arg3[%add3A, %dma_wait3A, %dma_wait3A_35] : memref<32x3x128xi32, #tpu.memory_space<hbm>> -> memref<1x3x128xi32, #tpu.memory_space<hbm>>
      %dma_wait3A_37 = tpu.memref_squeeze %dma_wait3A_36 : memref<1x3x128xi32, #tpu.memory_space<hbm>> -> memref<3x128xi32, #tpu.memory_space<hbm>>
      %dma_wait3A_38 = arith.constant 0 : i32
      %dma_wait3A_39 = arith.constant 0 : i32
      %dma_wait3A_40 = tpu.memref_slice %arg3[%add3A, %dma_wait3A_38, %dma_wait3A_39] : memref<32x3x128xi32, #tpu.memory_space<hbm>> -> memref<1x3x128xi32, #tpu.memory_space<hbm>>
      %dma_wait3A_41 = tpu.memref_squeeze %dma_wait3A_40 : memref<1x3x128xi32, #tpu.memory_space<hbm>> -> memref<3x128xi32, #tpu.memory_space<hbm>>
      tpu.wait_dma2 semaphore(%run_scoped3A : memref<!tpu.dma_semaphore, #tpu.memory_space<semaphore_mem>>) src(%dma_wait3A_41 : memref<3x128xi32, #tpu.memory_space<hbm>>) dst(%arg6 : memref<3x128xi32, #tpu.memory_space<vmem>>)
      tpu.yield
    }) : () -> ()
    %scan3A = arith.constant 0 : i32
    %scan3A_1 = arith.constant 128 : i32
    %scan3A_2 = arith.addi %scan3A, %scan3A_1 : i32
    %scan3A_3 = arith.constant 1 : i32
    scf.for %scan3A_28 = %scan3A to %scan3A_2 step %scan3A_3  : i32 {
      %mul3A_29 = arith.constant 1 : i32
      %mul3A_30 = arith.muli %scan3A_28, %mul3A_29 : i32
      %add3A_31 = arith.constant 0 : i32
      %add3A_32 = arith.addi %add3A_31, %mul3A_30 : i32
      %scan3A_33 = arith.constant 0 : i32
      %scan3A_34 = arith.constant 8 : i32
      %scan3A_35 = arith.addi %scan3A_33, %scan3A_34 : i32
      %scan3A_36 = arith.constant 1 : i32
      scf.for %scan3A_38 = %scan3A_33 to %scan3A_35 step %scan3A_36  : i32 {
        %mul3A_39 = arith.constant 1 : i32
        %mul3A_40 = arith.muli %scan3A_38, %mul3A_39 : i32
        %add3A_41 = arith.constant 0 : i32
        %add3A_42 = arith.addi %add3A_41, %mul3A_40 : i32
        %broadcast_in_dim3A = arith.constant 1.000000e+00 : f32
        %broadcast_in_dim3A_43 = vector.broadcast %broadcast_in_dim3A : f32 to vector<16xf32>
        %mul3A_44 = arith.constant 16 : i32
        %mul3A_45 = arith.muli %add3A_42, %mul3A_44 : i32
        %swap3A = arith.index_cast %add3A_32 : i32 to index
        %swap3A_46 = arith.index_cast %mul3A_45 : i32 to index
        %swap3A_47 = tpu.vector_load %arg8[%swap3A, %swap3A_46] {strides = array<i32>} : memref<128x128xf32, #tpu.memory_space<vmem>>, vector<1x16xf32>,
        %swap3A_48 = vector.shape_cast %swap3A_47 : vector<1x16xf32> to vector<16xf32>
        %swap3A_49 = vector.shape_cast %broadcast_in_dim3A_43 : vector<16xf32> to vector<1x16xf32>
        tpu.vector_store %arg8[%swap3A, %swap3A_46], %swap3A_49 {strides = array<i32>} : memref<128x128xf32, #tpu.memory_space<vmem>>, vector<1x16xf32>,
      }
      %scan3A_37 = arith.constant 8 : i32
    }
    %scan3A_4 = arith.constant 128 : i32
    %scan3A_5 = arith.constant 0 : i32
    %scan3A_6 = arith.constant 64 : i32
    %scan3A_7 = arith.addi %scan3A_5, %scan3A_6 : i32
    %scan3A_8 = arith.constant 1 : i32
    scf.for %scan3A_28 = %scan3A_5 to %scan3A_7 step %scan3A_8  : i32 {
      %mul3A_29 = arith.constant 1 : i32
      %mul3A_30 = arith.muli %scan3A_28, %mul3A_29 : i32
      %add3A_31 = arith.constant 0 : i32
      %add3A_32 = arith.addi %add3A_31, %mul3A_30 : i32
      %scan3A_33 = arith.constant 0 : i32
      %scan3A_34 = arith.constant 8 : i32
      %scan3A_35 = arith.addi %scan3A_33, %scan3A_34 : i32
      %scan3A_36 = arith.constant 1 : i32
      scf.for %scan3A_38 = %scan3A_33 to %scan3A_35 step %scan3A_36  : i32 {
        %mul3A_39 = arith.constant 1 : i32
        %mul3A_40 = arith.muli %scan3A_38, %mul3A_39 : i32
        %add3A_41 = arith.constant 0 : i32
        %add3A_42 = arith.addi %add3A_41, %mul3A_40 : i32
        %broadcast_in_dim3A = arith.constant 0.000000e+00 : f32
        %broadcast_in_dim3A_43 = vector.broadcast %broadcast_in_dim3A : f32 to vector<16xf32>
        %mul3A_44 = arith.constant 16 : i32
        %mul3A_45 = arith.muli %add3A_42, %mul3A_44 : i32
        %swap3A = arith.index_cast %add3A_32 : i32 to index
        %swap3A_46 = arith.index_cast %mul3A_45 : i32 to index
        %swap3A_47 = tpu.vector_load %arg9[%swap3A, %swap3A_46] {strides = array<i32>} : memref<64x128xf32, #tpu.memory_space<vmem>>, vector<1x16xf32>,
        %swap3A_48 = vector.shape_cast %swap3A_47 : vector<1x16xf32> to vector<16xf32>
        %swap3A_49 = vector.shape_cast %broadcast_in_dim3A_43 : vector<16xf32> to vector<1x16xf32>
        tpu.vector_store %arg9[%swap3A, %swap3A_46], %swap3A_49 {strides = array<i32>} : memref<64x128xf32, #tpu.memory_space<vmem>>, vector<1x16xf32>,
      }
      %scan3A_37 = arith.constant 8 : i32
    }
    %scan3A_9 = arith.constant 64 : i32
    %mul3A_10 = arith.constant 8 : i32
    %mul3A_11 = arith.muli %arg1, %mul3A_10 : i32
    %add3A_12 = arith.constant 0 : i32
    %add3A_13 = arith.addi %mul3A_11, %add3A_12 : i32
    "tpu.region"() ({
      %run_scoped3A = tpu.sem_alloc : memref<!tpu.dma_semaphore, #tpu.memory_space<semaphore_mem>>
      %dma_start3A = arith.constant 0 : i32
      %dma_start3A_28 = arith.constant 0 : i32
      %dma_start3A_29 = tpu.memref_slice %arg9[%dma_start3A, %dma_start3A_28] : memref<64x128xf32, #tpu.memory_space<vmem>> -> memref<8x128xf32, #tpu.memory_space<vmem>>
      %dma_start3A_30 = arith.constant 0 : i32
      %dma_start3A_31 = tpu.memref_slice %arg10[%add3A_13, %dma_start3A_30] : memref<128x128xf32, #tpu.memory_space<vmem_shared>> -> memref<8x128xf32, #tpu.memory_space<vmem_shared>>
      %dma_start3A_32 = arith.constant 0 : i32
      %dma_start3A_33 = tpu.memref_slice %arg10[%add3A_13, %dma_start3A_32] : memref<128x128xf32, #tpu.memory_space<vmem_shared>> -> memref<8x128xf32, #tpu.memory_space<vmem_shared>>
      %dma_start3A_34 = arith.constant 0 : i32
      %dma_start3A_35 = arith.constant 0 : i32
      %dma_start3A_36 = tpu.memref_slice %arg9[%dma_start3A_34, %dma_start3A_35] : memref<64x128xf32, #tpu.memory_space<vmem>> -> memref<8x128xf32, #tpu.memory_space<vmem>>
      tpu.enqueue_dma source(%dma_start3A_36 : memref<8x128xf32, #tpu.memory_space<vmem>>) target(%dma_start3A_33 : memref<8x128xf32, #tpu.memory_space<vmem_shared>>) target_semaphore(%run_scoped3A : memref<!tpu.dma_semaphore, #tpu.memory_space<semaphore_mem>>)
      %dma_wait3A = arith.constant 0 : i32
      %dma_wait3A_37 = arith.constant 0 : i32
      %dma_wait3A_38 = tpu.memref_slice %arg9[%dma_wait3A, %dma_wait3A_37] : memref<64x128xf32, #tpu.memory_space<vmem>> -> memref<8x128xf32, #tpu.memory_space<vmem>>
      %dma_wait3A_39 = arith.constant 0 : i32
      %dma_wait3A_40 = tpu.memref_slice %arg10[%add3A_13, %dma_wait3A_39] : memref<128x128xf32, #tpu.memory_space<vmem_shared>> -> memref<8x128xf32, #tpu.memory_space<vmem_shared>>
      %dma_wait3A_41 = arith.constant 0 : i32
      %dma_wait3A_42 = tpu.memref_slice %arg10[%add3A_13, %dma_wait3A_41] : memref<128x128xf32, #tpu.memory_space<vmem_shared>> -> memref<8x128xf32, #tpu.memory_space<vmem_shared>>
      %dma_wait3A_43 = arith.constant 0 : i32
      %dma_wait3A_44 = arith.constant 0 : i32
      %dma_wait3A_45 = tpu.memref_slice %arg9[%dma_wait3A_43, %dma_wait3A_44] : memref<64x128xf32, #tpu.memory_space<vmem>> -> memref<8x128xf32, #tpu.memory_space<vmem>>
      tpu.wait_dma2 semaphore(%run_scoped3A : memref<!tpu.dma_semaphore, #tpu.memory_space<semaphore_mem>>) src(%dma_wait3A_45 : memref<8x128xf32, #tpu.memory_space<vmem>>) dst(%dma_wait3A_42 : memref<8x128xf32, #tpu.memory_space<vmem_shared>>)
      tpu.yield
    }) : () -> ()
    %mul3A_14 = arith.constant 8 : i32
    %mul3A_15 = arith.muli %arg1, %mul3A_14 : i32
    %add3A_16 = arith.constant 0 : i32
    %add3A_17 = arith.addi %mul3A_15, %add3A_16 : i32
    "tpu.region"() ({
      %run_scoped3A = tpu.sem_alloc : memref<!tpu.dma_semaphore, #tpu.memory_space<semaphore_mem>>
      %dma_start3A = arith.constant 0 : i32
      %dma_start3A_28 = arith.constant 0 : i32
      %dma_start3A_29 = tpu.memref_slice %arg9[%dma_start3A, %dma_start3A_28] : memref<64x128xf32, #tpu.memory_space<vmem>> -> memref<8x128xf32, #tpu.memory_space<vmem>>
      %dma_start3A_30 = arith.constant 0 : i32
      %dma_start3A_31 = tpu.memref_slice %arg11[%add3A_17, %dma_start3A_30] : memref<128x128xf32, #tpu.memory_space<vmem_shared>> -> memref<8x128xf32, #tpu.memory_space<vmem_shared>>
      %dma_start3A_32 = arith.constant 0 : i32
      %dma_start3A_33 = tpu.memref_slice %arg11[%add3A_17, %dma_start3A_32] : memref<128x128xf32, #tpu.memory_space<vmem_shared>> -> memref<8x128xf32, #tpu.memory_space<vmem_shared>>
      %dma_start3A_34 = arith.constant 0 : i32
      %dma_start3A_35 = arith.constant 0 : i32
      %dma_start3A_36 = tpu.memref_slice %arg9[%dma_start3A_34, %dma_start3A_35] : memref<64x128xf32, #tpu.memory_space<vmem>> -> memref<8x128xf32, #tpu.memory_space<vmem>>
      tpu.enqueue_dma source(%dma_start3A_36 : memref<8x128xf32, #tpu.memory_space<vmem>>) target(%dma_start3A_33 : memref<8x128xf32, #tpu.memory_space<vmem_shared>>) target_semaphore(%run_scoped3A : memref<!tpu.dma_semaphore, #tpu.memory_space<semaphore_mem>>)
      %dma_wait3A = arith.constant 0 : i32
      %dma_wait3A_37 = arith.constant 0 : i32
      %dma_wait3A_38 = tpu.memref_slice %arg9[%dma_wait3A, %dma_wait3A_37] : memref<64x128xf32, #tpu.memory_space<vmem>> -> memref<8x128xf32, #tpu.memory_space<vmem>>
      %dma_wait3A_39 = arith.constant 0 : i32
      %dma_wait3A_40 = tpu.memref_slice %arg11[%add3A_17, %dma_wait3A_39] : memref<128x128xf32, #tpu.memory_space<vmem_shared>> -> memref<8x128xf32, #tpu.memory_space<vmem_shared>>
      %dma_wait3A_41 = arith.constant 0 : i32
      %dma_wait3A_42 = tpu.memref_slice %arg11[%add3A_17, %dma_wait3A_41] : memref<128x128xf32, #tpu.memory_space<vmem_shared>> -> memref<8x128xf32, #tpu.memory_space<vmem_shared>>
      %dma_wait3A_43 = arith.constant 0 : i32
      %dma_wait3A_44 = arith.constant 0 : i32
      %dma_wait3A_45 = tpu.memref_slice %arg9[%dma_wait3A_43, %dma_wait3A_44] : memref<64x128xf32, #tpu.memory_space<vmem>> -> memref<8x128xf32, #tpu.memory_space<vmem>>
      tpu.wait_dma2 semaphore(%run_scoped3A : memref<!tpu.dma_semaphore, #tpu.memory_space<semaphore_mem>>) src(%dma_wait3A_45 : memref<8x128xf32, #tpu.memory_space<vmem>>) dst(%dma_wait3A_42 : memref<8x128xf32, #tpu.memory_space<vmem_shared>>)
      tpu.yield
    }) : () -> ()
    %barrier3A = arith.constant 0 : index
    tpu.barrier barrier_id(%barrier3A)
    %mul3A_18 = arith.constant 312 : i32
    %mul3A_19 = arith.muli %add3A, %mul3A_18 : i32
    %scan3A_20 = arith.constant 0 : i32
    %scan3A_21 = arith.constant 3 : i32
    %scan3A_22 = arith.addi %scan3A_20, %scan3A_21 : i32
    %scan3A_23 = arith.constant 1 : i32
    scf.for %scan3A_28 = %scan3A_20 to %scan3A_22 step %scan3A_23  : i32 {
      %mul3A_29 = arith.constant 1 : i32
      %mul3A_30 = arith.muli %scan3A_28, %mul3A_29 : i32
      %add3A_31 = arith.constant 0 : i32
      %add3A_32 = arith.addi %add3A_31, %mul3A_30 : i32
      %mul3A_33 = arith.constant 128 : i32
      %mul3A_34 = arith.muli %add3A_32, %mul3A_33 : i32
      %add3A_35 = arith.addi %mul3A_19, %mul3A_34 : i32
      "tpu.region"() ({
        %run_scoped3A = tpu.sem_alloc : memref<!tpu.dma_semaphore, #tpu.memory_space<semaphore_mem>>
        %dma_start3A = arith.constant 0 : i32
        %dma_start3A_36 = tpu.memref_slice %arg2[%add3A_35, %dma_start3A] : memref<10112x128xf32, #tpu.memory_space<hbm>> -> memref<128x128xf32, #tpu.memory_space<hbm>>
        %dma_start3A_37 = arith.constant 0 : i32
        %dma_start3A_38 = tpu.memref_slice %arg2[%add3A_35, %dma_start3A_37] : memref<10112x128xf32, #tpu.memory_space<hbm>> -> memref<128x128xf32, #tpu.memory_space<hbm>>
        tpu.enqueue_dma source(%dma_start3A_38 : memref<128x128xf32, #tpu.memory_space<hbm>>) target(%arg7 : memref<128x128xf32, #tpu.memory_space<vmem>>) target_semaphore(%run_scoped3A : memref<!tpu.dma_semaphore, #tpu.memory_space<semaphore_mem>>)
        %dma_wait3A = arith.constant 0 : i32
        %dma_wait3A_39 = tpu.memref_slice %arg2[%add3A_35, %dma_wait3A] : memref<10112x128xf32, #tpu.memory_space<hbm>> -> memref<128x128xf32, #tpu.memory_space<hbm>>
        %dma_wait3A_40 = arith.constant 0 : i32
        %dma_wait3A_41 = tpu.memref_slice %arg2[%add3A_35, %dma_wait3A_40] : memref<10112x128xf32, #tpu.memory_space<hbm>> -> memref<128x128xf32, #tpu.memory_space<hbm>>
        tpu.wait_dma2 semaphore(%run_scoped3A : memref<!tpu.dma_semaphore, #tpu.memory_space<semaphore_mem>>) src(%dma_wait3A_41 : memref<128x128xf32, #tpu.memory_space<hbm>>) dst(%arg7 : memref<128x128xf32, #tpu.memory_space<vmem>>)
        tpu.yield
      }) : () -> ()
      "tpu.region"() ({
        %run_scoped3A = tpu.sem_alloc : memref<!tpu.dma_semaphore, #tpu.memory_space<semaphore_mem>>
        %dma_start3A = arith.constant 0 : i32
        %dma_start3A_36 = tpu.memref_slice %arg6[%add3A_32, %dma_start3A] : memref<3x128xi32, #tpu.memory_space<vmem>> -> memref<1x128xi32, #tpu.memory_space<vmem>>
        %dma_start3A_37 = tpu.memref_squeeze %dma_start3A_36 : memref<1x128xi32, #tpu.memory_space<vmem>> -> memref<128xi32, #tpu.memory_space<vmem>>
        %dma_start3A_38 = arith.constant 0 : i32
        %dma_start3A_39 = arith.constant 0 : i32
        %dma_start3A_40 = tpu.memref_slice %arg10[%dma_start3A_38, %dma_start3A_39] : memref<128x128xf32, #tpu.memory_space<vmem_shared>> -> memref<128x128xf32, #tpu.memory_space<vmem_shared>>
        tpu.enqueue_indirect_dma source(%arg7 : memref<128x128xf32, #tpu.memory_space<vmem>>) target(%dma_start3A_40 : memref<128x128xf32, #tpu.memory_space<vmem_shared>>) offsets(%dma_start3A_37 : memref<128xi32, #tpu.memory_space<vmem>>) semaphore(%run_scoped3A : memref<!tpu.dma_semaphore, #tpu.memory_space<semaphore_mem>>) {add = true}
        %dma_wait3A = arith.constant 0 : i32
        %dma_wait3A_41 = tpu.memref_slice %arg6[%add3A_32, %dma_wait3A] : memref<3x128xi32, #tpu.memory_space<vmem>> -> memref<1x128xi32, #tpu.memory_space<vmem>>
        %dma_wait3A_42 = tpu.memref_squeeze %dma_wait3A_41 : memref<1x128xi32, #tpu.memory_space<vmem>> -> memref<128xi32, #tpu.memory_space<vmem>>
        %dma_wait3A_43 = arith.constant 0 : i32
        %dma_wait3A_44 = arith.constant 0 : i32
        %dma_wait3A_45 = tpu.memref_slice %arg10[%dma_wait3A_43, %dma_wait3A_44] : memref<128x128xf32, #tpu.memory_space<vmem_shared>> -> memref<128x128xf32, #tpu.memory_space<vmem_shared>>
        tpu.wait_indirect_dma semaphore(%run_scoped3A : memref<!tpu.dma_semaphore, #tpu.memory_space<semaphore_mem>>) src(%arg7 : memref<128x128xf32, #tpu.memory_space<vmem>>) dst(%dma_wait3A_45 : memref<128x128xf32, #tpu.memory_space<vmem_shared>>)
        tpu.yield
      }) : () -> ()
      "tpu.region"() ({
        %run_scoped3A = tpu.sem_alloc : memref<!tpu.dma_semaphore, #tpu.memory_space<semaphore_mem>>
        %dma_start3A = arith.constant 0 : i32
        %dma_start3A_36 = tpu.memref_slice %arg6[%add3A_32, %dma_start3A] : memref<3x128xi32, #tpu.memory_space<vmem>> -> memref<1x128xi32, #tpu.memory_space<vmem>>
        %dma_start3A_37 = tpu.memref_squeeze %dma_start3A_36 : memref<1x128xi32, #tpu.memory_space<vmem>> -> memref<128xi32, #tpu.memory_space<vmem>>
        %dma_start3A_38 = arith.constant 0 : i32
        %dma_start3A_39 = arith.constant 0 : i32
        %dma_start3A_40 = tpu.memref_slice %arg11[%dma_start3A_38, %dma_start3A_39] : memref<128x128xf32, #tpu.memory_space<vmem_shared>> -> memref<128x128xf32, #tpu.memory_space<vmem_shared>>
        tpu.enqueue_indirect_dma source(%arg8 : memref<128x128xf32, #tpu.memory_space<vmem>>) target(%dma_start3A_40 : memref<128x128xf32, #tpu.memory_space<vmem_shared>>) offsets(%dma_start3A_37 : memref<128xi32, #tpu.memory_space<vmem>>) semaphore(%run_scoped3A : memref<!tpu.dma_semaphore, #tpu.memory_space<semaphore_mem>>) {add = true}
        %dma_wait3A = arith.constant 0 : i32
        %dma_wait3A_41 = tpu.memref_slice %arg6[%add3A_32, %dma_wait3A] : memref<3x128xi32, #tpu.memory_space<vmem>> -> memref<1x128xi32, #tpu.memory_space<vmem>>
        %dma_wait3A_42 = tpu.memref_squeeze %dma_wait3A_41 : memref<1x128xi32, #tpu.memory_space<vmem>> -> memref<128xi32, #tpu.memory_space<vmem>>
        %dma_wait3A_43 = arith.constant 0 : i32
        %dma_wait3A_44 = arith.constant 0 : i32
        %dma_wait3A_45 = tpu.memref_slice %arg11[%dma_wait3A_43, %dma_wait3A_44] : memref<128x128xf32, #tpu.memory_space<vmem_shared>> -> memref<128x128xf32, #tpu.memory_space<vmem_shared>>
        tpu.wait_indirect_dma semaphore(%run_scoped3A : memref<!tpu.dma_semaphore, #tpu.memory_space<semaphore_mem>>) src(%arg8 : memref<128x128xf32, #tpu.memory_space<vmem>>) dst(%dma_wait3A_45 : memref<128x128xf32, #tpu.memory_space<vmem_shared>>)
        tpu.yield
      }) : () -> ()
    }
    %scan3A_24 = arith.constant 3 : i32
    %barrier3A_25 = arith.constant 0 : index
    tpu.barrier barrier_id(%barrier3A_25)
    %eq3A = arith.constant 0 : i32
    %eq3A_26 = arith.cmpi eq, %arg1, %eq3A : i32
    %convert_element_type3A = arith.extui %eq3A_26 : i1 to i32
    %cond3A = arith.constant 0 : i32
    %cond3A_27 = arith.cmpi ne, %convert_element_type3A, %cond3A : i32
    scf.if %cond3A_27 {
      "tpu.region"() ({
        %run_scoped3A = tpu.sem_alloc : memref<!tpu.dma_semaphore, #tpu.memory_space<semaphore_mem>>
        %dma_start3A = arith.constant 0 : i32
        %dma_start3A_32 = arith.constant 0 : i32
        %dma_start3A_33 = tpu.memref_slice %arg10[%dma_start3A, %dma_start3A_32] : memref<128x128xf32, #tpu.memory_space<vmem_shared>> -> memref<64x128xf32, #tpu.memory_space<vmem_shared>>
        %dma_start3A_34 = arith.constant 0 : i32
        %dma_start3A_35 = arith.constant 0 : i32
        %dma_start3A_36 = tpu.memref_slice %arg10[%dma_start3A_34, %dma_start3A_35] : memref<128x128xf32, #tpu.memory_space<vmem_shared>> -> memref<64x128xf32, #tpu.memory_space<vmem_shared>>
        tpu.enqueue_dma source(%dma_start3A_36 : memref<64x128xf32, #tpu.memory_space<vmem_shared>>) target(%arg9 : memref<64x128xf32, #tpu.memory_space<vmem>>) target_semaphore(%run_scoped3A : memref<!tpu.dma_semaphore, #tpu.memory_space<semaphore_mem>>)
        %dma_wait3A = arith.constant 0 : i32
        %dma_wait3A_37 = arith.constant 0 : i32
        %dma_wait3A_38 = tpu.memref_slice %arg10[%dma_wait3A, %dma_wait3A_37] : memref<128x128xf32, #tpu.memory_space<vmem_shared>> -> memref<64x128xf32, #tpu.memory_space<vmem_shared>>
        %dma_wait3A_39 = arith.constant 0 : i32
        %dma_wait3A_40 = arith.constant 0 : i32
        %dma_wait3A_41 = tpu.memref_slice %arg10[%dma_wait3A_39, %dma_wait3A_40] : memref<128x128xf32, #tpu.memory_space<vmem_shared>> -> memref<64x128xf32, #tpu.memory_space<vmem_shared>>
        tpu.wait_dma2 semaphore(%run_scoped3A : memref<!tpu.dma_semaphore, #tpu.memory_space<semaphore_mem>>) src(%dma_wait3A_41 : memref<64x128xf32, #tpu.memory_space<vmem_shared>>) dst(%arg9 : memref<64x128xf32, #tpu.memory_space<vmem>>)
        tpu.yield
      }) : () -> ()
      %mul3A_28 = arith.constant 64 : i32
      %mul3A_29 = arith.muli %arg0, %mul3A_28 : i32
      "tpu.region"() ({
        %run_scoped3A = tpu.sem_alloc : memref<!tpu.dma_semaphore, #tpu.memory_space<semaphore_mem>>
        %dma_start3A = arith.constant 0 : i32
        %dma_start3A_32 = tpu.memref_slice %arg4[%mul3A_29, %dma_start3A] : memref<128x128xf32, #tpu.memory_space<hbm>> -> memref<64x128xf32, #tpu.memory_space<hbm>>
        %dma_start3A_33 = arith.constant 0 : i32
        %dma_start3A_34 = tpu.memref_slice %arg4[%mul3A_29, %dma_start3A_33] : memref<128x128xf32, #tpu.memory_space<hbm>> -> memref<64x128xf32, #tpu.memory_space<hbm>>
        tpu.enqueue_dma source(%arg9 : memref<64x128xf32, #tpu.memory_space<vmem>>) target(%dma_start3A_34 : memref<64x128xf32, #tpu.memory_space<hbm>>) target_semaphore(%run_scoped3A : memref<!tpu.dma_semaphore, #tpu.memory_space<semaphore_mem>>)
        %dma_wait3A = arith.constant 0 : i32
        %dma_wait3A_35 = tpu.memref_slice %arg4[%mul3A_29, %dma_wait3A] : memref<128x128xf32, #tpu.memory_space<hbm>> -> memref<64x128xf32, #tpu.memory_space<hbm>>
        %dma_wait3A_36 = arith.constant 0 : i32
        %dma_wait3A_37 = tpu.memref_slice %arg4[%mul3A_29, %dma_wait3A_36] : memref<128x128xf32, #tpu.memory_space<hbm>> -> memref<64x128xf32, #tpu.memory_space<hbm>>
        tpu.wait_dma2 semaphore(%run_scoped3A : memref<!tpu.dma_semaphore, #tpu.memory_space<semaphore_mem>>) src(%arg9 : memref<64x128xf32, #tpu.memory_space<vmem>>) dst(%dma_wait3A_37 : memref<64x128xf32, #tpu.memory_space<hbm>>)
        tpu.yield
      }) : () -> ()
      "tpu.region"() ({
        %run_scoped3A = tpu.sem_alloc : memref<!tpu.dma_semaphore, #tpu.memory_space<semaphore_mem>>
        %dma_start3A = arith.constant 0 : i32
        %dma_start3A_32 = arith.constant 0 : i32
        %dma_start3A_33 = tpu.memref_slice %arg11[%dma_start3A, %dma_start3A_32] : memref<128x128xf32, #tpu.memory_space<vmem_shared>> -> memref<64x128xf32, #tpu.memory_space<vmem_shared>>
        %dma_start3A_34 = arith.constant 0 : i32
        %dma_start3A_35 = arith.constant 0 : i32
        %dma_start3A_36 = tpu.memref_slice %arg11[%dma_start3A_34, %dma_start3A_35] : memref<128x128xf32, #tpu.memory_space<vmem_shared>> -> memref<64x128xf32, #tpu.memory_space<vmem_shared>>
        tpu.enqueue_dma source(%dma_start3A_36 : memref<64x128xf32, #tpu.memory_space<vmem_shared>>) target(%arg9 : memref<64x128xf32, #tpu.memory_space<vmem>>) target_semaphore(%run_scoped3A : memref<!tpu.dma_semaphore, #tpu.memory_space<semaphore_mem>>)
        %dma_wait3A = arith.constant 0 : i32
        %dma_wait3A_37 = arith.constant 0 : i32
        %dma_wait3A_38 = tpu.memref_slice %arg11[%dma_wait3A, %dma_wait3A_37] : memref<128x128xf32, #tpu.memory_space<vmem_shared>> -> memref<64x128xf32, #tpu.memory_space<vmem_shared>>
        %dma_wait3A_39 = arith.constant 0 : i32
        %dma_wait3A_40 = arith.constant 0 : i32
        %dma_wait3A_41 = tpu.memref_slice %arg11[%dma_wait3A_39, %dma_wait3A_40] : memref<128x128xf32, #tpu.memory_space<vmem_shared>> -> memref<64x128xf32, #tpu.memory_space<vmem_shared>>
        tpu.wait_dma2 semaphore(%run_scoped3A : memref<!tpu.dma_semaphore, #tpu.memory_space<semaphore_mem>>) src(%dma_wait3A_41 : memref<64x128xf32, #tpu.memory_space<vmem_shared>>) dst(%arg9 : memref<64x128xf32, #tpu.memory_space<vmem>>)
        tpu.yield
      }) : () -> ()
      %mul3A_30 = arith.constant 64 : i32
      %mul3A_31 = arith.muli %arg0, %mul3A_30 : i32
      "tpu.region"() ({
        %run_scoped3A = tpu.sem_alloc : memref<!tpu.dma_semaphore, #tpu.memory_space<semaphore_mem>>
        %dma_start3A = arith.constant 0 : i32
        %dma_start3A_32 = tpu.memref_slice %arg5[%mul3A_31, %dma_start3A] : memref<128x128xf32, #tpu.memory_space<hbm>> -> memref<64x128xf32, #tpu.memory_space<hbm>>
        %dma_start3A_33 = arith.constant 0 : i32
        %dma_start3A_34 = tpu.memref_slice %arg5[%mul3A_31, %dma_start3A_33] : memref<128x128xf32, #tpu.memory_space<hbm>> -> memref<64x128xf32, #tpu.memory_space<hbm>>
        tpu.enqueue_dma source(%arg9 : memref<64x128xf32, #tpu.memory_space<vmem>>) target(%dma_start3A_34 : memref<64x128xf32, #tpu.memory_space<hbm>>) target_semaphore(%run_scoped3A : memref<!tpu.dma_semaphore, #tpu.memory_space<semaphore_mem>>)
        %dma_wait3A = arith.constant 0 : i32
        %dma_wait3A_35 = tpu.memref_slice %arg5[%mul3A_31, %dma_wait3A] : memref<128x128xf32, #tpu.memory_space<hbm>> -> memref<64x128xf32, #tpu.memory_space<hbm>>
        %dma_wait3A_36 = arith.constant 0 : i32
        %dma_wait3A_37 = tpu.memref_slice %arg5[%mul3A_31, %dma_wait3A_36] : memref<128x128xf32, #tpu.memory_space<hbm>> -> memref<64x128xf32, #tpu.memory_space<hbm>>
        tpu.wait_dma2 semaphore(%run_scoped3A : memref<!tpu.dma_semaphore, #tpu.memory_space<semaphore_mem>>) src(%arg9 : memref<64x128xf32, #tpu.memory_space<vmem>>) dst(%dma_wait3A_37 : memref<64x128xf32, #tpu.memory_space<hbm>>)
        tpu.yield
      }) : () -> ()
    } else {
    }
    return
  }
}

module attributes {stable_mosaic.version = 14 : i64} {
  func.func @body(%arg0: i32, %arg1: memref<1000x128xf32, #tpu.memory_space<vmem>>, %arg2: memref<128x128xf32, #tpu.memory_space<vmem>>, %arg3: memref<128x128xf32, #tpu.memory_space<vmem>>, %arg4: memref<1x128xf32, #tpu.memory_space<vmem>>, %arg5: memref<1000x128xf32, #tpu.memory_space<vmem>>, %arg6: memref<1000x128xf32, #tpu.memory_space<vmem>>) attributes {dimension_semantics = [#tpu.dimension_semantics<arbitrary>], iteration_bounds = array<i64: 10>, scalar_prefetch = 0 : i64, scratch_operands = 0 : i64, tpu.core_type = #tpu.core_type<tc>, window_params = [{transform_indices = @transform_0, window_bounds = array<i64: 1000, 128>}, {pipeline_mode = #tpu.pipeline_mode<synchronous>, transform_indices = @transform_1, window_bounds = array<i64: 128, 128>}, {pipeline_mode = #tpu.pipeline_mode<synchronous>, transform_indices = @transform_2, window_bounds = array<i64: 128, 128>}, {pipeline_mode = #tpu.pipeline_mode<synchronous>, transform_indices = @transform_3, window_bounds = array<i64: 1, 128>}, {transform_indices = @transform_4, window_bounds = array<i64: 1000, 128>}, {transform_indices = @transform_5, window_bounds = array<i64: 1000, 128>}]} {
    %get3A = arith.constant 0 : index
    %get3A_0 = arith.constant 0 : index
    %get3A_1 = vector.load %arg1[%get3A, %get3A_0] : memref<1000x128xf32, #tpu.memory_space<vmem>>, vector<1000x128xf32>
    %get3A_2 = arith.constant 0 : index
    %get3A_3 = arith.constant 0 : index
    %get3A_4 = vector.load %arg2[%get3A_2, %get3A_3] : memref<128x128xf32, #tpu.memory_space<vmem>>, vector<128x128xf32>
    %dot_general3A = arith.constant dense<0.000000e+00> : vector<1000x128xf32>
    %dot_general3A_5 = tpu.matmul %get3A_1, %get3A_4, %dot_general3A {dimension_numbers = #tpu.dot_dimension_numbers<[1], [0], [0], [1], [0, 0, 1, 1], [], []>, transpose_lhs_hint = false} : vector<1000x128xf32>, vector<128x128xf32>, vector<1000x128xf32> -> vector<1000x128xf32>
    %swap3A = arith.constant 0 : index
    %swap3A_6 = arith.constant 0 : index
    %swap3A_7 = vector.load %arg5[%swap3A, %swap3A_6] : memref<1000x128xf32, #tpu.memory_space<vmem>>, vector<1000x128xf32>
    tpu.vector_store %arg5[%swap3A, %swap3A_6], %dot_general3A_5 {strides = array<i32>} : memref<1000x128xf32, #tpu.memory_space<vmem>>, vector<1000x128xf32>,
    %get3A_8 = arith.constant 0 : index
    %get3A_9 = arith.constant 0 : index
    %get3A_10 = vector.load %arg3[%get3A_8, %get3A_9] : memref<128x128xf32, #tpu.memory_space<vmem>>, vector<128x128xf32>
    %dot_general3A_11 = arith.constant dense<0.000000e+00> : vector<1000x128xf32>
    %dot_general3A_12 = tpu.matmul %get3A_1, %get3A_10, %dot_general3A_11 {dimension_numbers = #tpu.dot_dimension_numbers<[1], [0], [0], [1], [0, 0, 1, 1], [], []>, transpose_lhs_hint = false} : vector<1000x128xf32>, vector<128x128xf32>, vector<1000x128xf32> -> vector<1000x128xf32>
    %get3A_13 = arith.constant 0 : index
    %get3A_14 = arith.constant 0 : index
    %get3A_15 = vector.load %arg4[%get3A_13, %get3A_14] : memref<1x128xf32, #tpu.memory_space<vmem>>, vector<1x128xf32>
    %add3A = vector.broadcast %get3A_15 : vector<1x128xf32> to vector<1000x128xf32>
    %add3A_16 = arith.addf %dot_general3A_12, %add3A : vector<1000x128xf32>
    %swap3A_17 = arith.constant 0 : index
    %swap3A_18 = arith.constant 0 : index
    %swap3A_19 = vector.load %arg6[%swap3A_17, %swap3A_18] : memref<1000x128xf32, #tpu.memory_space<vmem>>, vector<1000x128xf32>
    tpu.vector_store %arg6[%swap3A_17, %swap3A_18], %add3A_16 {strides = array<i32>} : memref<1000x128xf32, #tpu.memory_space<vmem>>, vector<1000x128xf32>,
    return
  }
  func.func @transform_0(%arg0: i32) -> (i32, i32) {
    %c0_i32 = arith.constant 0 : i32
    %c0_i32_0 = arith.constant 0 : i32
    return %arg0, %c0_i32 : i32, i32
  }
  func.func @transform_1(%arg0: i32) -> (i32, i32) {
    %c0_i32 = arith.constant 0 : i32
    %c0_i32_0 = arith.constant 0 : i32
    %c0_i32_1 = arith.constant 0 : i32
    return %c0_i32, %c0_i32_0 : i32, i32
  }
  func.func @transform_2(%arg0: i32) -> (i32, i32) {
    %c0_i32 = arith.constant 0 : i32
    %c0_i32_0 = arith.constant 0 : i32
    %c0_i32_1 = arith.constant 0 : i32
    return %c0_i32, %c0_i32_0 : i32, i32
  }
  func.func @transform_3(%arg0: i32) -> (i32, i32) {
    %c0_i32 = arith.constant 0 : i32
    %c0_i32_0 = arith.constant 0 : i32
    %c0_i32_1 = arith.constant 0 : i32
    return %c0_i32, %c0_i32_0 : i32, i32
  }
  func.func @transform_4(%arg0: i32) -> (i32, i32) {
    %c0_i32 = arith.constant 0 : i32
    %c0_i32_0 = arith.constant 0 : i32
    return %arg0, %c0_i32 : i32, i32
  }
  func.func @transform_5(%arg0: i32) -> (i32, i32) {
    %c0_i32 = arith.constant 0 : i32
    %c0_i32_0 = arith.constant 0 : i32
    return %arg0, %c0_i32 : i32, i32
  }
}

module attributes {stable_mosaic.version = 14 : i64} {
  func.func @body(%arg0: memref<10112x128xf32, #tpu.memory_space<vmem>>, %arg1: memref<10000x128xf32, #tpu.memory_space<vmem>>, %arg2: memref<10000x16xf32, #tpu.memory_space<vmem>>, %arg3: memref<10000x128xf32, #tpu.memory_space<vmem>>) attributes {dimension_semantics = [], scalar_prefetch = 0 : i64, scratch_operands = 0 : i64, tpu.core_type = #tpu.core_type<tc>} {
    %get3A = arith.constant 0 : index
    %get3A_0 = arith.constant 0 : index
    %get3A_1 = vector.load %arg0[%get3A, %get3A_0] : memref<10112x128xf32, #tpu.memory_space<vmem>>, vector<10112x128xf32>
    %slice3A = vector.extract_strided_slice %get3A_1 {offsets = [0, 0], sizes = [10000, 1], strides = [1, 1]} : vector<10112x128xf32> to vector<10000x1xf32>
    %add3A = arith.constant 1.000000e+00 : f32
    %add3A_2 = vector.broadcast %add3A : f32 to vector<10000x1xf32>
    %add3A_3 = arith.addf %slice3A, %add3A_2 : vector<10000x1xf32>
    %rsqrt3A = math.rsqrt %add3A_3 : vector<10000x1xf32>
    %broadcast_in_dim3A = vector.shape_cast %rsqrt3A : vector<10000x1xf32> to vector<10000x1xf32>
    %broadcast_in_dim3A_4 = vector.broadcast %broadcast_in_dim3A : vector<10000x1xf32> to vector<10000x16xf32>
    %swap3A = arith.constant 0 : index
    %swap3A_5 = arith.constant 0 : index
    %swap3A_6 = vector.load %arg2[%swap3A, %swap3A_5] : memref<10000x16xf32, #tpu.memory_space<vmem>>, vector<10000x16xf32>
    tpu.vector_store %arg2[%swap3A, %swap3A_5], %broadcast_in_dim3A_4 {strides = array<i32>} : memref<10000x16xf32, #tpu.memory_space<vmem>>, vector<10000x16xf32>,
    %get3A_7 = arith.constant 0 : index
    %get3A_8 = arith.constant 0 : index
    %get3A_9 = vector.load %arg1[%get3A_7, %get3A_8] : memref<10000x128xf32, #tpu.memory_space<vmem>>, vector<10000x128xf32>
    %mul3A = vector.broadcast %rsqrt3A : vector<10000x1xf32> to vector<10000x128xf32>
    %mul3A_10 = arith.mulf %mul3A, %get3A_9 : vector<10000x128xf32>
    %swap3A_11 = arith.constant 0 : index
    %swap3A_12 = arith.constant 0 : index
    %swap3A_13 = vector.load %arg3[%swap3A_11, %swap3A_12] : memref<10000x128xf32, #tpu.memory_space<vmem>>, vector<10000x128xf32>
    tpu.vector_store %arg3[%swap3A_11, %swap3A_12], %mul3A_10 {strides = array<i32>} : memref<10000x128xf32, #tpu.memory_space<vmem>>, vector<10000x128xf32>,
    return
  }
}

module attributes {stable_mosaic.version = 14 : i64} {
  func.func @body(%arg0: i32, %arg1: memref<1000x128xf32, #tpu.memory_space<vmem>>, %arg2: memref<1000x128xf32, #tpu.memory_space<vmem>>, %arg3: memref<1000x16xf32, #tpu.memory_space<vmem>>, %arg4: memref<1x128xf32, #tpu.memory_space<vmem>>, %arg5: memref<128x128xf32, #tpu.memory_space<vmem>>, %arg6: memref<1000x128xf32, #tpu.memory_space<vmem>>) attributes {dimension_semantics = [#tpu.dimension_semantics<arbitrary>], iteration_bounds = array<i64: 10>, scalar_prefetch = 0 : i64, scratch_operands = 0 : i64, tpu.core_type = #tpu.core_type<tc>, window_params = [{transform_indices = @transform_0, window_bounds = array<i64: 1000, 128>}, {transform_indices = @transform_1, window_bounds = array<i64: 1000, 128>}, {transform_indices = @transform_2, window_bounds = array<i64: 1000, 16>}, {pipeline_mode = #tpu.pipeline_mode<synchronous>, transform_indices = @transform_3, window_bounds = array<i64: 1, 128>}, {pipeline_mode = #tpu.pipeline_mode<synchronous>, transform_indices = @transform_4, window_bounds = array<i64: 128, 128>}, {transform_indices = @transform_5, window_bounds = array<i64: 1000, 128>}]} {
    %get3A = arith.constant 0 : index
    %get3A_0 = arith.constant 0 : index
    %get3A_1 = vector.load %arg3[%get3A, %get3A_0] : memref<1000x16xf32, #tpu.memory_space<vmem>>, vector<1000x1xf32>
    %get3A_2 = arith.constant 0 : index
    %get3A_3 = arith.constant 0 : index
    %get3A_4 = vector.load %arg1[%get3A_2, %get3A_3] : memref<1000x128xf32, #tpu.memory_space<vmem>>, vector<1000x128xf32>
    %get3A_5 = arith.constant 0 : index
    %get3A_6 = arith.constant 0 : index
    %get3A_7 = vector.load %arg2[%get3A_5, %get3A_6] : memref<1000x128xf32, #tpu.memory_space<vmem>>, vector<1000x128xf32>
    %add3A = arith.addf %get3A_4, %get3A_7 : vector<1000x128xf32>
    %mul3A = vector.broadcast %get3A_1 : vector<1000x1xf32> to vector<1000x128xf32>
    %mul3A_8 = arith.mulf %mul3A, %add3A : vector<1000x128xf32>
    %get3A_9 = arith.constant 0 : index
    %get3A_10 = arith.constant 0 : index
    %get3A_11 = vector.load %arg4[%get3A_9, %get3A_10] : memref<1x128xf32, #tpu.memory_space<vmem>>, vector<1x128xf32>
    %add3A_12 = vector.broadcast %get3A_11 : vector<1x128xf32> to vector<1000x128xf32>
    %add3A_13 = arith.addf %mul3A_8, %add3A_12 : vector<1000x128xf32>
    %max3A = arith.constant 0.000000e+00 : f32
    %max3A_14 = vector.broadcast %max3A : f32 to vector<1000x128xf32>
    %max3A_15 = arith.maximumf %add3A_13, %max3A_14 : vector<1000x128xf32>
    %get3A_16 = arith.constant 0 : index
    %get3A_17 = arith.constant 0 : index
    %get3A_18 = vector.load %arg5[%get3A_16, %get3A_17] : memref<128x128xf32, #tpu.memory_space<vmem>>, vector<128x128xf32>
    %dot_general3A = arith.constant dense<0.000000e+00> : vector<1000x128xf32>
    %dot_general3A_19 = tpu.matmul %max3A_15, %get3A_18, %dot_general3A {dimension_numbers = #tpu.dot_dimension_numbers<[1], [0], [0], [1], [0, 0, 1, 1], [], []>, transpose_lhs_hint = false} : vector<1000x128xf32>, vector<128x128xf32>, vector<1000x128xf32> -> vector<1000x128xf32>
    %mul3A_20 = vector.broadcast %get3A_1 : vector<1000x1xf32> to vector<1000x128xf32>
    %mul3A_21 = arith.mulf %mul3A_20, %dot_general3A_19 : vector<1000x128xf32>
    %swap3A = arith.constant 0 : index
    %swap3A_22 = arith.constant 0 : index
    %swap3A_23 = vector.load %arg6[%swap3A, %swap3A_22] : memref<1000x128xf32, #tpu.memory_space<vmem>>, vector<1000x128xf32>
    tpu.vector_store %arg6[%swap3A, %swap3A_22], %mul3A_21 {strides = array<i32>} : memref<1000x128xf32, #tpu.memory_space<vmem>>, vector<1000x128xf32>,
    return
  }
  func.func @transform_0(%arg0: i32) -> (i32, i32) {
    %c0_i32 = arith.constant 0 : i32
    %c0_i32_0 = arith.constant 0 : i32
    return %arg0, %c0_i32 : i32, i32
  }
  func.func @transform_1(%arg0: i32) -> (i32, i32) {
    %c0_i32 = arith.constant 0 : i32
    %c0_i32_0 = arith.constant 0 : i32
    return %arg0, %c0_i32 : i32, i32
  }
  func.func @transform_2(%arg0: i32) -> (i32, i32) {
    %c0_i32 = arith.constant 0 : i32
    %c0_i32_0 = arith.constant 0 : i32
    return %arg0, %c0_i32 : i32, i32
  }
  func.func @transform_3(%arg0: i32) -> (i32, i32) {
    %c0_i32 = arith.constant 0 : i32
    %c0_i32_0 = arith.constant 0 : i32
    %c0_i32_1 = arith.constant 0 : i32
    return %c0_i32, %c0_i32_0 : i32, i32
  }
  func.func @transform_4(%arg0: i32) -> (i32, i32) {
    %c0_i32 = arith.constant 0 : i32
    %c0_i32_0 = arith.constant 0 : i32
    %c0_i32_1 = arith.constant 0 : i32
    return %c0_i32, %c0_i32_0 : i32, i32
  }
  func.func @transform_5(%arg0: i32) -> (i32, i32) {
    %c0_i32 = arith.constant 0 : i32
    %c0_i32_0 = arith.constant 0 : i32
    return %arg0, %c0_i32 : i32, i32
  }
}

module attributes {stable_mosaic.version = 14 : i64} {
  func.func @body(%arg0: i32, %arg1: memref<1000x128xf32, #tpu.memory_space<vmem>>, %arg2: memref<1000x128xf32, #tpu.memory_space<vmem>>, %arg3: memref<1000x16xf32, #tpu.memory_space<vmem>>, %arg4: memref<1x128xf32, #tpu.memory_space<vmem>>, %arg5: memref<128x256xf32, #tpu.memory_space<vmem>>, %arg6: memref<2x1000x128xf32, #tpu.memory_space<vmem>>) attributes {dimension_semantics = [#tpu.dimension_semantics<arbitrary>], iteration_bounds = array<i64: 10>, scalar_prefetch = 0 : i64, scratch_operands = 0 : i64, tpu.core_type = #tpu.core_type<tc>, window_params = [{transform_indices = @transform_0, window_bounds = array<i64: 1000, 128>}, {transform_indices = @transform_1, window_bounds = array<i64: 1000, 128>}, {transform_indices = @transform_2, window_bounds = array<i64: 1000, 16>}, {pipeline_mode = #tpu.pipeline_mode<synchronous>, transform_indices = @transform_3, window_bounds = array<i64: 1, 128>}, {pipeline_mode = #tpu.pipeline_mode<synchronous>, transform_indices = @transform_4, window_bounds = array<i64: 128, 256>}, {transform_indices = @transform_5, window_bounds = array<i64: 2, 1000, 128>}]} {
    %get3A = arith.constant 0 : index
    %get3A_0 = arith.constant 0 : index
    %get3A_1 = vector.load %arg3[%get3A, %get3A_0] : memref<1000x16xf32, #tpu.memory_space<vmem>>, vector<1000x1xf32>
    %get3A_2 = arith.constant 0 : index
    %get3A_3 = arith.constant 0 : index
    %get3A_4 = vector.load %arg1[%get3A_2, %get3A_3] : memref<1000x128xf32, #tpu.memory_space<vmem>>, vector<1000x128xf32>
    %get3A_5 = arith.constant 0 : index
    %get3A_6 = arith.constant 0 : index
    %get3A_7 = vector.load %arg2[%get3A_5, %get3A_6] : memref<1000x128xf32, #tpu.memory_space<vmem>>, vector<1000x128xf32>
    %add3A = arith.addf %get3A_4, %get3A_7 : vector<1000x128xf32>
    %mul3A = vector.broadcast %get3A_1 : vector<1000x1xf32> to vector<1000x128xf32>
    %mul3A_8 = arith.mulf %mul3A, %add3A : vector<1000x128xf32>
    %get3A_9 = arith.constant 0 : index
    %get3A_10 = arith.constant 0 : index
    %get3A_11 = vector.load %arg4[%get3A_9, %get3A_10] : memref<1x128xf32, #tpu.memory_space<vmem>>, vector<1x128xf32>
    %add3A_12 = vector.broadcast %get3A_11 : vector<1x128xf32> to vector<1000x128xf32>
    %add3A_13 = arith.addf %mul3A_8, %add3A_12 : vector<1000x128xf32>
    %max3A = arith.constant 0.000000e+00 : f32
    %max3A_14 = vector.broadcast %max3A : f32 to vector<1000x128xf32>
    %max3A_15 = arith.maximumf %add3A_13, %max3A_14 : vector<1000x128xf32>
    %get3A_16 = arith.constant 0 : index
    %get3A_17 = arith.constant 0 : index
    %get3A_18 = vector.load %arg5[%get3A_16, %get3A_17] : memref<128x256xf32, #tpu.memory_space<vmem>>, vector<128x256xf32>
    %dot_general3A = arith.constant dense<0.000000e+00> : vector<1000x256xf32>
    %dot_general3A_19 = tpu.matmul %max3A_15, %get3A_18, %dot_general3A {dimension_numbers = #tpu.dot_dimension_numbers<[1], [0], [0], [1], [0, 0, 1, 1], [], []>, transpose_lhs_hint = false} : vector<1000x128xf32>, vector<128x256xf32>, vector<1000x256xf32> -> vector<1000x256xf32>
    %mul3A_20 = vector.broadcast %get3A_1 : vector<1000x1xf32> to vector<1000x256xf32>
    %mul3A_21 = arith.mulf %mul3A_20, %dot_general3A_19 : vector<1000x256xf32>
    %slice3A = vector.extract_strided_slice %mul3A_21 {offsets = [0, 0], sizes = [1000, 128], strides = [1, 1]} : vector<1000x256xf32> to vector<1000x128xf32>
    %swap3A = arith.constant 0 : index
    %swap3A_22 = arith.constant 0 : index
    %swap3A_23 = arith.constant 0 : index
    %swap3A_24 = vector.load %arg6[%swap3A, %swap3A_22, %swap3A_23] : memref<2x1000x128xf32, #tpu.memory_space<vmem>>, vector<1x1000x128xf32>
    %swap3A_25 = vector.shape_cast %swap3A_24 : vector<1x1000x128xf32> to vector<1000x128xf32>
    %swap3A_26 = vector.shape_cast %slice3A : vector<1000x128xf32> to vector<1x1000x128xf32>
    tpu.vector_store %arg6[%swap3A, %swap3A_22, %swap3A_23], %swap3A_26 {strides = array<i32>} : memref<2x1000x128xf32, #tpu.memory_space<vmem>>, vector<1x1000x128xf32>,
    %slice3A_27 = vector.extract_strided_slice %mul3A_21 {offsets = [0, 128], sizes = [1000, 128], strides = [1, 1]} : vector<1000x256xf32> to vector<1000x128xf32>
    %swap3A_28 = arith.constant 1 : index
    %swap3A_29 = arith.constant 0 : index
    %swap3A_30 = arith.constant 0 : index
    %swap3A_31 = vector.load %arg6[%swap3A_28, %swap3A_29, %swap3A_30] : memref<2x1000x128xf32, #tpu.memory_space<vmem>>, vector<1x1000x128xf32>
    %swap3A_32 = vector.shape_cast %swap3A_31 : vector<1x1000x128xf32> to vector<1000x128xf32>
    %swap3A_33 = vector.shape_cast %slice3A_27 : vector<1000x128xf32> to vector<1x1000x128xf32>
    tpu.vector_store %arg6[%swap3A_28, %swap3A_29, %swap3A_30], %swap3A_33 {strides = array<i32>} : memref<2x1000x128xf32, #tpu.memory_space<vmem>>, vector<1x1000x128xf32>,
    return
  }
  func.func @transform_0(%arg0: i32) -> (i32, i32) {
    %c0_i32 = arith.constant 0 : i32
    %c0_i32_0 = arith.constant 0 : i32
    return %arg0, %c0_i32 : i32, i32
  }
  func.func @transform_1(%arg0: i32) -> (i32, i32) {
    %c0_i32 = arith.constant 0 : i32
    %c0_i32_0 = arith.constant 0 : i32
    return %arg0, %c0_i32 : i32, i32
  }
  func.func @transform_2(%arg0: i32) -> (i32, i32) {
    %c0_i32 = arith.constant 0 : i32
    %c0_i32_0 = arith.constant 0 : i32
    return %arg0, %c0_i32 : i32, i32
  }
  func.func @transform_3(%arg0: i32) -> (i32, i32) {
    %c0_i32 = arith.constant 0 : i32
    %c0_i32_0 = arith.constant 0 : i32
    %c0_i32_1 = arith.constant 0 : i32
    return %c0_i32, %c0_i32_0 : i32, i32
  }
  func.func @transform_4(%arg0: i32) -> (i32, i32) {
    %c0_i32 = arith.constant 0 : i32
    %c0_i32_0 = arith.constant 0 : i32
    %c0_i32_1 = arith.constant 0 : i32
    return %c0_i32, %c0_i32_0 : i32, i32
  }
  func.func @transform_5(%arg0: i32) -> (i32, i32, i32) {
    %c0_i32 = arith.constant 0 : i32
    %c0_i32_0 = arith.constant 0 : i32
    %c0_i32_1 = arith.constant 0 : i32
    return %c0_i32, %arg0, %c0_i32_0 : i32, i32, i32
  }
}

module attributes {stable_mosaic.version = 14 : i64} {
  func.func @body(%arg0: i32, %arg1: memref<2x1000x128xf32, #tpu.memory_space<vmem>>, %arg2: memref<2x1000x128xf32, #tpu.memory_space<vmem>>, %arg3: memref<1000x16xf32, #tpu.memory_space<vmem>>, %arg4: memref<1x256xf32, #tpu.memory_space<vmem>>, %arg5: memref<256x128xf32, #tpu.memory_space<vmem>>, %arg6: memref<1000x128xf32, #tpu.memory_space<vmem>>) attributes {dimension_semantics = [#tpu.dimension_semantics<arbitrary>], iteration_bounds = array<i64: 10>, scalar_prefetch = 0 : i64, scratch_operands = 0 : i64, tpu.core_type = #tpu.core_type<tc>, window_params = [{transform_indices = @transform_0, window_bounds = array<i64: 2, 1000, 128>}, {transform_indices = @transform_1, window_bounds = array<i64: 2, 1000, 128>}, {transform_indices = @transform_2, window_bounds = array<i64: 1000, 16>}, {pipeline_mode = #tpu.pipeline_mode<synchronous>, transform_indices = @transform_3, window_bounds = array<i64: 1, 256>}, {pipeline_mode = #tpu.pipeline_mode<synchronous>, transform_indices = @transform_4, window_bounds = array<i64: 256, 128>}, {transform_indices = @transform_5, window_bounds = array<i64: 1000, 128>}]} {
    %get3A = arith.constant 0 : index
    %get3A_0 = arith.constant 0 : index
    %get3A_1 = vector.load %arg3[%get3A, %get3A_0] : memref<1000x16xf32, #tpu.memory_space<vmem>>, vector<1000x1xf32>
    %get3A_2 = arith.constant 0 : index
    %get3A_3 = arith.constant 0 : index
    %get3A_4 = arith.constant 0 : index
    %get3A_5 = vector.load %arg1[%get3A_2, %get3A_3, %get3A_4] : memref<2x1000x128xf32, #tpu.memory_space<vmem>>, vector<1x1000x128xf32>
    %get3A_6 = vector.shape_cast %get3A_5 : vector<1x1000x128xf32> to vector<1000x128xf32>
    %get3A_7 = arith.constant 0 : index
    %get3A_8 = arith.constant 0 : index
    %get3A_9 = arith.constant 0 : index
    %get3A_10 = vector.load %arg2[%get3A_7, %get3A_8, %get3A_9] : memref<2x1000x128xf32, #tpu.memory_space<vmem>>, vector<1x1000x128xf32>
    %get3A_11 = vector.shape_cast %get3A_10 : vector<1x1000x128xf32> to vector<1000x128xf32>
    %add3A = arith.addf %get3A_6, %get3A_11 : vector<1000x128xf32>
    %get3A_12 = arith.constant 1 : index
    %get3A_13 = arith.constant 0 : index
    %get3A_14 = arith.constant 0 : index
    %get3A_15 = vector.load %arg1[%get3A_12, %get3A_13, %get3A_14] : memref<2x1000x128xf32, #tpu.memory_space<vmem>>, vector<1x1000x128xf32>
    %get3A_16 = vector.shape_cast %get3A_15 : vector<1x1000x128xf32> to vector<1000x128xf32>
    %get3A_17 = arith.constant 1 : index
    %get3A_18 = arith.constant 0 : index
    %get3A_19 = arith.constant 0 : index
    %get3A_20 = vector.load %arg2[%get3A_17, %get3A_18, %get3A_19] : memref<2x1000x128xf32, #tpu.memory_space<vmem>>, vector<1x1000x128xf32>
    %get3A_21 = vector.shape_cast %get3A_20 : vector<1x1000x128xf32> to vector<1000x128xf32>
    %add3A_22 = arith.addf %get3A_16, %get3A_21 : vector<1000x128xf32>
    %concatenate3A = tpu.concatenate %add3A, %add3A_22 in 1 : vector<1000x128xf32>, vector<1000x128xf32> -> vector<1000x256xf32>
    %mul3A = vector.broadcast %get3A_1 : vector<1000x1xf32> to vector<1000x256xf32>
    %mul3A_23 = arith.mulf %mul3A, %concatenate3A : vector<1000x256xf32>
    %get3A_24 = arith.constant 0 : index
    %get3A_25 = arith.constant 0 : index
    %get3A_26 = vector.load %arg4[%get3A_24, %get3A_25] : memref<1x256xf32, #tpu.memory_space<vmem>>, vector<1x256xf32>
    %add3A_27 = vector.broadcast %get3A_26 : vector<1x256xf32> to vector<1000x256xf32>
    %add3A_28 = arith.addf %mul3A_23, %add3A_27 : vector<1000x256xf32>
    %max3A = arith.constant 0.000000e+00 : f32
    %max3A_29 = vector.broadcast %max3A : f32 to vector<1000x256xf32>
    %max3A_30 = arith.maximumf %add3A_28, %max3A_29 : vector<1000x256xf32>
    %get3A_31 = arith.constant 0 : index
    %get3A_32 = arith.constant 0 : index
    %get3A_33 = vector.load %arg5[%get3A_31, %get3A_32] : memref<256x128xf32, #tpu.memory_space<vmem>>, vector<256x128xf32>
    %dot_general3A = arith.constant dense<0.000000e+00> : vector<1000x128xf32>
    %dot_general3A_34 = tpu.matmul %max3A_30, %get3A_33, %dot_general3A {dimension_numbers = #tpu.dot_dimension_numbers<[1], [0], [0], [1], [0, 0, 1, 1], [], []>, transpose_lhs_hint = false} : vector<1000x256xf32>, vector<256x128xf32>, vector<1000x128xf32> -> vector<1000x128xf32>
    %mul3A_35 = vector.broadcast %get3A_1 : vector<1000x1xf32> to vector<1000x128xf32>
    %mul3A_36 = arith.mulf %mul3A_35, %dot_general3A_34 : vector<1000x128xf32>
    %swap3A = arith.constant 0 : index
    %swap3A_37 = arith.constant 0 : index
    %swap3A_38 = vector.load %arg6[%swap3A, %swap3A_37] : memref<1000x128xf32, #tpu.memory_space<vmem>>, vector<1000x128xf32>
    tpu.vector_store %arg6[%swap3A, %swap3A_37], %mul3A_36 {strides = array<i32>} : memref<1000x128xf32, #tpu.memory_space<vmem>>, vector<1000x128xf32>,
    return
  }
  func.func @transform_0(%arg0: i32) -> (i32, i32, i32) {
    %c0_i32 = arith.constant 0 : i32
    %c0_i32_0 = arith.constant 0 : i32
    %c0_i32_1 = arith.constant 0 : i32
    return %c0_i32, %arg0, %c0_i32_0 : i32, i32, i32
  }
  func.func @transform_1(%arg0: i32) -> (i32, i32, i32) {
    %c0_i32 = arith.constant 0 : i32
    %c0_i32_0 = arith.constant 0 : i32
    %c0_i32_1 = arith.constant 0 : i32
    return %c0_i32, %arg0, %c0_i32_0 : i32, i32, i32
  }
  func.func @transform_2(%arg0: i32) -> (i32, i32) {
    %c0_i32 = arith.constant 0 : i32
    %c0_i32_0 = arith.constant 0 : i32
    return %arg0, %c0_i32 : i32, i32
  }
  func.func @transform_3(%arg0: i32) -> (i32, i32) {
    %c0_i32 = arith.constant 0 : i32
    %c0_i32_0 = arith.constant 0 : i32
    %c0_i32_1 = arith.constant 0 : i32
    return %c0_i32, %c0_i32_0 : i32, i32
  }
  func.func @transform_4(%arg0: i32) -> (i32, i32) {
    %c0_i32 = arith.constant 0 : i32
    %c0_i32_0 = arith.constant 0 : i32
    %c0_i32_1 = arith.constant 0 : i32
    return %c0_i32, %c0_i32_0 : i32, i32
  }
  func.func @transform_5(%arg0: i32) -> (i32, i32) {
    %c0_i32 = arith.constant 0 : i32
    %c0_i32_0 = arith.constant 0 : i32
    return %arg0, %c0_i32 : i32, i32
  }
}

module attributes {stable_mosaic.version = 14 : i64} {
  func.func @body(%arg0: i32, %arg1: memref<1000x128xf32, #tpu.memory_space<vmem>>, %arg2: memref<1000x128xf32, #tpu.memory_space<vmem>>, %arg3: memref<1000x16xf32, #tpu.memory_space<vmem>>, %arg4: memref<1x128xf32, #tpu.memory_space<vmem>>, %arg5: memref<1000x128xf32, #tpu.memory_space<vmem>>, %arg6: memref<1000x128xf32, #tpu.memory_space<vmem>>) attributes {dimension_semantics = [#tpu.dimension_semantics<arbitrary>], iteration_bounds = array<i64: 10>, scalar_prefetch = 0 : i64, scratch_operands = 0 : i64, tpu.core_type = #tpu.core_type<tc>, window_params = [{transform_indices = @transform_0, window_bounds = array<i64: 1000, 128>}, {transform_indices = @transform_1, window_bounds = array<i64: 1000, 128>}, {transform_indices = @transform_2, window_bounds = array<i64: 1000, 16>}, {pipeline_mode = #tpu.pipeline_mode<synchronous>, transform_indices = @transform_3, window_bounds = array<i64: 1, 128>}, {transform_indices = @transform_4, window_bounds = array<i64: 1000, 128>}, {transform_indices = @transform_5, window_bounds = array<i64: 1000, 128>}]} {
    %get3A = arith.constant 0 : index
    %get3A_0 = arith.constant 0 : index
    %get3A_1 = vector.load %arg3[%get3A, %get3A_0] : memref<1000x16xf32, #tpu.memory_space<vmem>>, vector<1000x1xf32>
    %get3A_2 = arith.constant 0 : index
    %get3A_3 = arith.constant 0 : index
    %get3A_4 = vector.load %arg1[%get3A_2, %get3A_3] : memref<1000x128xf32, #tpu.memory_space<vmem>>, vector<1000x128xf32>
    %get3A_5 = arith.constant 0 : index
    %get3A_6 = arith.constant 0 : index
    %get3A_7 = vector.load %arg2[%get3A_5, %get3A_6] : memref<1000x128xf32, #tpu.memory_space<vmem>>, vector<1000x128xf32>
    %add3A = arith.addf %get3A_4, %get3A_7 : vector<1000x128xf32>
    %mul3A = vector.broadcast %get3A_1 : vector<1000x1xf32> to vector<1000x128xf32>
    %mul3A_8 = arith.mulf %mul3A, %add3A : vector<1000x128xf32>
    %get3A_9 = arith.constant 0 : index
    %get3A_10 = arith.constant 0 : index
    %get3A_11 = vector.load %arg4[%get3A_9, %get3A_10] : memref<1x128xf32, #tpu.memory_space<vmem>>, vector<1x128xf32>
    %add3A_12 = vector.broadcast %get3A_11 : vector<1x128xf32> to vector<1000x128xf32>
    %add3A_13 = arith.addf %mul3A_8, %add3A_12 : vector<1000x128xf32>
    %get3A_14 = arith.constant 0 : index
    %get3A_15 = arith.constant 0 : index
    %get3A_16 = vector.load %arg5[%get3A_14, %get3A_15] : memref<1000x128xf32, #tpu.memory_space<vmem>>, vector<1000x128xf32>
    %add3A_17 = arith.addf %add3A_13, %get3A_16 : vector<1000x128xf32>
    %swap3A = arith.constant 0 : index
    %swap3A_18 = arith.constant 0 : index
    %swap3A_19 = vector.load %arg6[%swap3A, %swap3A_18] : memref<1000x128xf32, #tpu.memory_space<vmem>>, vector<1000x128xf32>
    tpu.vector_store %arg6[%swap3A, %swap3A_18], %add3A_17 {strides = array<i32>} : memref<1000x128xf32, #tpu.memory_space<vmem>>, vector<1000x128xf32>,
    return
  }
  func.func @transform_0(%arg0: i32) -> (i32, i32) {
    %c0_i32 = arith.constant 0 : i32
    %c0_i32_0 = arith.constant 0 : i32
    return %arg0, %c0_i32 : i32, i32
  }
  func.func @transform_1(%arg0: i32) -> (i32, i32) {
    %c0_i32 = arith.constant 0 : i32
    %c0_i32_0 = arith.constant 0 : i32
    return %arg0, %c0_i32 : i32, i32
  }
  func.func @transform_2(%arg0: i32) -> (i32, i32) {
    %c0_i32 = arith.constant 0 : i32
    %c0_i32_0 = arith.constant 0 : i32
    return %arg0, %c0_i32 : i32, i32
  }
  func.func @transform_3(%arg0: i32) -> (i32, i32) {
    %c0_i32 = arith.constant 0 : i32
    %c0_i32_0 = arith.constant 0 : i32
    %c0_i32_1 = arith.constant 0 : i32
    return %c0_i32, %c0_i32_0 : i32, i32
  }
  func.func @transform_4(%arg0: i32) -> (i32, i32) {
    %c0_i32 = arith.constant 0 : i32
    %c0_i32_0 = arith.constant 0 : i32
    return %arg0, %c0_i32 : i32, i32
  }
  func.func @transform_5(%arg0: i32) -> (i32, i32) {
    %c0_i32 = arith.constant 0 : i32
    %c0_i32_0 = arith.constant 0 : i32
    return %arg0, %c0_i32 : i32, i32
  }
}

module attributes {stable_mosaic.version = 14 : i64} {
  func.func @body(%arg0: memref<2x64x128xf32, #tpu.memory_space<vmem>>, %arg1: memref<2x64x128xf32, #tpu.memory_space<vmem>>, %arg2: memref<64x128xf32, #tpu.memory_space<vmem>>) attributes {dimension_semantics = [], scalar_prefetch = 0 : i64, scratch_operands = 0 : i64, tpu.core_type = #tpu.core_type<tc>} {
    %get3A = arith.constant 0 : index
    %get3A_0 = arith.constant 0 : index
    %get3A_1 = arith.constant 0 : index
    %get3A_2 = vector.load %arg0[%get3A, %get3A_0, %get3A_1] : memref<2x64x128xf32, #tpu.memory_space<vmem>>, vector<1x64x128xf32>
    %get3A_3 = vector.shape_cast %get3A_2 : vector<1x64x128xf32> to vector<64x128xf32>
    %get3A_4 = arith.constant 1 : index
    %get3A_5 = arith.constant 0 : index
    %get3A_6 = arith.constant 0 : index
    %get3A_7 = vector.load %arg0[%get3A_4, %get3A_5, %get3A_6] : memref<2x64x128xf32, #tpu.memory_space<vmem>>, vector<1x64x128xf32>
    %get3A_8 = vector.shape_cast %get3A_7 : vector<1x64x128xf32> to vector<64x128xf32>
    %add3A = arith.addf %get3A_3, %get3A_8 : vector<64x128xf32>
    %get3A_9 = arith.constant 0 : index
    %get3A_10 = arith.constant 0 : index
    %get3A_11 = arith.constant 0 : index
    %get3A_12 = vector.load %arg1[%get3A_9, %get3A_10, %get3A_11] : memref<2x64x128xf32, #tpu.memory_space<vmem>>, vector<1x64x128xf32>
    %get3A_13 = vector.shape_cast %get3A_12 : vector<1x64x128xf32> to vector<64x128xf32>
    %get3A_14 = arith.constant 1 : index
    %get3A_15 = arith.constant 0 : index
    %get3A_16 = arith.constant 0 : index
    %get3A_17 = vector.load %arg1[%get3A_14, %get3A_15, %get3A_16] : memref<2x64x128xf32, #tpu.memory_space<vmem>>, vector<1x64x128xf32>
    %get3A_18 = vector.shape_cast %get3A_17 : vector<1x64x128xf32> to vector<64x128xf32>
    %add3A_19 = arith.addf %get3A_13, %get3A_18 : vector<64x128xf32>
    %slice3A = vector.extract_strided_slice %add3A_19 {offsets = [0, 0], sizes = [64, 1], strides = [1, 1]} : vector<64x128xf32> to vector<64x1xf32>
    %max3A = arith.constant 1.000000e+00 : f32
    %max3A_20 = vector.broadcast %max3A : f32 to vector<64x1xf32>
    %max3A_21 = arith.maximumf %slice3A, %max3A_20 : vector<64x1xf32>
    %div3A = vector.broadcast %max3A_21 : vector<64x1xf32> to vector<64x128xf32>
    %div3A_22 = arith.divf %add3A, %div3A : vector<64x128xf32>
    %swap3A = arith.constant 0 : index
    %swap3A_23 = arith.constant 0 : index
    %swap3A_24 = vector.load %arg2[%swap3A, %swap3A_23] : memref<64x128xf32, #tpu.memory_space<vmem>>, vector<64x128xf32>
    tpu.vector_store %arg2[%swap3A, %swap3A_23], %div3A_22 {strides = array<i32>} : memref<64x128xf32, #tpu.memory_space<vmem>>, vector<64x128xf32>,
    return
  }
}

</mosaic_0001>

<sc_bundles>
// kernel: gather_offload_async_start
scs
__scs_entry_jumppad:
0x0: {  	(pc) =	sbr.rel $0x88, $3  }
0x1: {  	(tag) =	ssettag $0x0;
	lr =	simm.s32 $0x1  }
0x2: {  	[smem:$0x3F94] =	sst lr;
	_ =	strace $0xD0000000  }
0x3: {  	_ = 	snop  }
0x4: {  	_ = 	snop  }
0x5: {  	_ = 	snop  }
0x6: {  	_ = 	snop  }
0x7: {  	_ = 	snop  }
__scs_overlays_trampoline_lowered:
0x8: {  	[smem:$0x3FA3] =	sst s0  }
0x9: {  	[smem:$0x3FA4] =	sst s1  }
0xa: {  	[smem:$0x3FA5] =	sst s2  }
0xb: {  	[smem:$0x3FA6] =	sst s3  }
0xc: {  	[smem:$0x3FA7] =	sst s4  }
0xd: {  	[smem:$0x3FA8] =	sst s5  }
0xe: {  	[smem:$0x3FA9] =	sst s6  }
0xf: {  	[smem:$0x3FAA] =	sst s7  }
0x10: {  	[smem:$0x3FAB] =	sst s8  }
0x11: {  	[smem:$0x3FAC] =	sst s9;
	s0 =	simm.s32 @!p0 $0x0  }
0x12: {  	s1 =	sld [smem:$0x3F92];
	s0 =	simm.s32 @p0 $0x1  }
0x13: {  	[smem:$0x3FAD] =	sst s0;
	s0 =	simm.s32 @!p1 $0x0  }
0x14: {  	s2 =	sld [smem:$0x3F91];
	s0 =	simm.s32 @p1 $0x1  }
0x15: {  	[smem:$0x3FAE] =	sst s0;
	s0 =	simm.s32 @!p2 $0x0  }
0x16: {  	s3 =	sld [smem:$0x3FDB];
	s0 =	simm.s32 @p2 $0x1  }
0x17: {  	s4 =	simm.s32 $0x1BF5;
	[smem:$0x3FB0] =	sst s0  }
0x18: {  	s0 =	sld [smem:$0x3F93];
	_ =	swait.ge [sflag:s4], $0x0  }
0x19: {  	s7 =	sld [smem:$0x3F94]  }
0x1a: {  	s8 =	sadd.s32 $0xFFFFE003, lr  }
0x1b: {  	s9 =	sadd.s32 $0xFFFFFEF7, lr;
	s5 =	simm.s32 $0xFFFFFFFF;
	p2 =	slt.u32 s8, $0xFFFFF086  }
0x1c: {  	p1 =	slt.u32 s9, $0xF7A;
	s5 =	simm.s32 @!p2 $0x0  }
0x1d: {  	s5 =	simm.s32 @p1 $0x1;
	p0 =	seq.s32 s7, s2  }
0x1e: {  	s7 =	smul.u32 @!p0 $0xF7A, s2;
	p2 =	seq.s32 @!p0 s5, $0x0  }
0x1f: {  	s9 =	smul.u32 $0xF7A, s1;
	s8 =	simm.s32 @!p0 $0x1BF5;
	p2 =	por !p2, p0  }
0x20: {  	[sflag:s8] =	ssyncset.s32 @!p0 $0xFFFFF086;
	s6 =	sadd.s32 @!p0 s3, s7;
	s7 =	simm.s32 @!p0 $0x108  }
0x21: {  	s3 =	sadd.s32 s3, s9;
	s6 =	sadd.s32 @!p0 $0x88, s6;
	s7 =	simm.s32 @p2 $0x1082  }
0x22: {  	[simem:s7], [sflag:s8] =	dma.local @!p0 [hbm:s6], $0xF7A  }
0x23: {  	s9 =	sor.u32 $0xD0000000, s2;
	s6 =	simm.s32 $0x108;
	_ =	swait.ge @!p0 [sflag:s8], $0x0  }
0x24: {  	s3 =	sadd.s32 $0x88, s3;
	s6 =	simm.s32 @!p1 $0x1082;
	[sflag:s4] =	ssyncset.s32 $0xFFFFF086  }
0x25: {  	[simem:s6], [sflag:s4] =	dma.local [hbm:s3], $0xF7A  }
0x26: {  	[smem:$0x3F94] =	sst s1;
	(tag) =	ssettag s2;
	_ =	strace s9  }
0x27: {  	s1 =	sld [smem:$0x3FA4]  }
0x28: {  	s2 =	sld [smem:$0x3FA5]  }
0x29: {  	s4 =	sld [smem:$0x3FA7]  }
0x2a: {  	p0 =	seq.s32 s5, $0x0;
	s5 =	sld [smem:$0x3FA8]  }
0x2b: {  	s6 =	sld [smem:$0x3FA9]  }
0x2c: {  	s7 =	sld [smem:$0x3FAA]  }
0x2d: {  	s3 =	simm.s32 $0x108;
	s8 =	sld [smem:$0x3FAB]  }
0x2e: {  	s3 =	simm.s32 @!p0 $0x1082;
	s9 =	sld [smem:$0x3FAC]  }
0x2f: {  	lr =	sadd.s32 s0, s3;
	s0 =	sld [smem:$0x3FA3]  }
0x30: {  	s3 =	sld [smem:$0x3FA6]  }
0x31: {  	[smem:$0x3FAF] =	sst s10  }
0x32: {  	s10 =	sld [smem:$0x3FAD];
	_ =	sdelay $0x3  }
0x33: {  	p0 =	seq.s32 s10, $0x1;
	s10 =	sld [smem:$0x3FAF];
	_ =	sdelay $0x3  }
0x34: {  	[smem:$0x3FAF] =	sst s10  }
0x35: {  	s10 =	sld [smem:$0x3FAE];
	_ =	sdelay $0x3  }
0x36: {  	p1 =	seq.s32 s10, $0x1;
	s10 =	sld [smem:$0x3FAF];
	_ =	sdelay $0x3  }
0x37: {  	[smem:$0x3FAF] =	sst s10  }
0x38: {  	s10 =	sld [smem:$0x3FB0]  }
0x39: {  	_ = 	snop;
	(pc) =	sbr.ind lr, $3  }
0x3a: {  	_ = 	snop  }
0x3b: {  	_ = 	snop  }
0x3c: {  	p2 =	seq.s32 s10, $0x1;
	s10 =	sld [smem:$0x3FAF]  }
0x3d: {  	_ =	shalt  }
0x3e: {  	_ =	shalt  }
0x3f: {  	_ =	shalt  }
0x40: {  	_ =	shalt  }
0x41: {  	_ =	shalt  }
0x42: {  	_ =	shalt  }
0x43: {  	_ =	shalt  }
0x44: {  	_ =	shalt  }
0x45: {  	_ =	shalt  }
0x46: {  	_ =	shalt  }
0x47: {  	_ =	shalt  }
0x48: {  	_ =	shalt  }
0x49: {  	_ =	shalt  }
0x4a: {  	_ =	shalt  }
0x4b: {  	_ =	shalt  }
0x4c: {  	_ =	shalt  }
0x4d: {  	_ =	shalt  }
0x4e: {  	_ =	shalt  }
0x4f: {  	_ =	shalt  }
0x50: {  	_ =	shalt  }
0x51: {  	_ =	shalt  }
0x52: {  	_ =	shalt  }
0x53: {  	_ =	shalt  }
0x54: {  	_ =	shalt  }
0x55: {  	_ =	shalt  }
0x56: {  	_ =	shalt  }
0x57: {  	_ =	shalt  }
0x58: {  	_ =	shalt  }
0x59: {  	_ =	shalt  }
0x5a: {  	_ =	shalt  }
0x5b: {  	_ =	shalt  }
0x5c: {  	_ =	shalt  }
0x5d: {  	_ =	shalt  }
0x5e: {  	_ =	shalt  }
0x5f: {  	_ =	shalt  }
0x60: {  	_ =	shalt  }
0x61: {  	_ =	shalt  }
0x62: {  	_ =	shalt  }
0x63: {  	_ =	shalt  }
0x64: {  	_ =	shalt  }
0x65: {  	_ =	shalt  }
0x66: {  	_ =	shalt  }
0x67: {  	_ =	shalt  }
0x68: {  	_ =	shalt  }
0x69: {  	_ =	shalt  }
0x6a: {  	_ =	shalt  }
0x6b: {  	_ =	shalt  }
0x6c: {  	_ =	shalt  }
0x6d: {  	_ =	shalt  }
0x6e: {  	_ =	shalt  }
0x6f: {  	_ =	shalt  }
0x70: {  	_ =	shalt  }
0x71: {  	_ =	shalt  }
0x72: {  	_ =	shalt  }
0x73: {  	_ =	shalt  }
0x74: {  	_ =	shalt  }
0x75: {  	_ =	shalt  }
0x76: {  	_ =	shalt  }
0x77: {  	_ =	shalt  }
0x78: {  	_ =	shalt  }
0x79: {  	_ =	shalt  }
0x7a: {  	_ =	shalt  }
0x7b: {  	_ =	shalt  }
0x7c: {  	_ =	shalt  }
0x7d: {  	_ =	shalt  }
0x7e: {  	_ =	shalt  }
0x7f: {  	_ =	shalt  }
0x80: {  	_ =	shalt  }
0x81: {  	_ =	shalt  }
0x82: {  	_ =	shalt  }
0x83: {  	_ =	shalt  }
0x84: {  	_ =	shalt  }
0x85: {  	_ =	shalt  }
0x86: {  	_ =	shalt  }
0x87: {  	_ =	shalt  }
.Lfunc_end0:
.L_simem_size_0:
called_computation_lowered:
.L_overlay_start_0:
0x88: {  	s2 =	sld [smem:$0x3FD9]  }
0x89: {  	s3 =	sld [smem:$0x3FFE];
	_ =	sdelay $0x1  }
0x8a: {  	s1 =	srdreg.scid  }
0x8b: {  	s0 =	sand.u32 $0x1, s1  }
0x8c: {  	s17 =	sshll.u32 s0, $0xA;
	s2 =	sadd.s32 s3, s2  }
0x8d: {  	s2 =	sadd.s32 s2, s17  }
0x8e: {  	[smem:$0x3FBB] =	sst s2  }
0x8f: {  	_ = 	snop  }
0x90: {  	s18 =	sld [smem:$0x3FC7];
	(tm) =	ssettm $0x1  }
0x91: {  	s19 =	sld [smem:$0x3FFB];
	_ =	sdelay $0x3  }
0x92: {  	_ =	strace s19  }
0x93: {  	s2 =	sld [smem:$0x3FFC];
	_ =	sdelay $0x3  }
0x94: {  	_ =	strace s2  }
0x95: {  	s2 =	sld [smem:$0x3FFD];
	_ =	sdelay $0x3  }
0x96: {  	_ =	strace s2  }
0x97: {  	_ =	strace $0x8FFFFFFF  }
0x98: {  	s20 =	sld [smem:$0x3FDB];
	_ =	sdelay $0x1  }
0x99: {  	s4 =	simm.s32 $_scs_section_size  }
0x9a: {  	s5 =	simm.s32 $_size__tile_overlayer_lowered;
	s6 =	simm.s32 $_tile_overlayer_lowered  }
0x9b: {  	s7 =	simm.s32 $0x1BFF;
	s21 =	sshll.u32 s6, $0x1;
	s4 =	sadd.s32 s4, s20  }
0x9c: {  	s22 =	simm.s32 $0x0;
	s5 =	sshll.u32 s5, $0x1;
	s6 =	sadd.s32 s21, s4  }
0x9d: {  	[timem:s22], [sflag:s7] =	dma.local [hbm:s6], s5  }
0x9e: {  	_ =	swait.ge [sflag:s7], s5  }
0x9f: {  	s5 =	ssub.s32 $0x0, s5;
	[sflag:s7] =	ssyncset.done $0x0  }
0xa0: {  	[sflag:s7] =	ssyncadd.s32 s5;
	_ =	sdelay $0x1  }
0xa1: {  	s23 =	simm.s32 $0x1B8B  }
0xa2: {  	_ =	swait.ge [sflag:s23], $0x1  }
0xa3: {  	[sflag:s23] =	ssyncset.done $0x0  }
0xa4: {  	[sflag:s23] =	ssyncadd.s32 $0xFFFFFFFF  }
0xa5: {  	s5 =	sld [smem:$0x0]  }
0xa6: {  	s6 =	sand.u32 $0xFFFFFFFE, s1  }
0xa7: {  	p0 =	sne.s32 s1, s6  }
0xa8: {  	s6 =	sshll.u32 @p0 s6, $0xE  }
0xa9: {  	s6 =	sadd.s32 @p0 $0x11B8D, s6;
	s7 =	sshll.u32 @p0 s5, $0x11  }
0xaa: {  	s6 =	sor.u32 @p0 s7, s6  }
0xab: {  	[sflag:s6] =	ssyncadd.remote.s32 @p0 $0x1;
	_ =	sdelay $0x1  }
0xac: {  	s6 =	simm.s32 @p0 $0x1B8D  }
0xad: {  	_ =	swait.eq @p0 [sflag:s6], $0x1  }
0xae: {  	[sflag:s6] =	ssyncadd.s32 @p0 $0xFFFFFFFF  }
0xaf: {  	s7 =	sshll.u32 @!p0 s1, $0xE  }
0xb0: {  	s7 =	sor.u32 @!p0 $0x4000, s7;
	s6 =	simm.s32 @!p0 $0x1B8D  }
0xb1: {  	s5 =	sshll.u32 @!p0 s5, $0x11;
	s7 =	sadd.s32 @!p0 $0x11B8D, s7;
	_ =	swait.eq @!p0 [sflag:s6], $0x1  }
0xb2: {  	s5 =	sor.u32 @!p0 s5, s7;
	[sflag:s6] =	ssyncadd.s32 @!p0 $0xFFFFFFFF  }
0xb3: {  	s25 =	simm.s32 $0x1B8E;
	s24 =	sld [smem:$0x3FFE];
	[sflag:s5] =	ssyncadd.remote.s32 @!p0 $0x1  }
0xb4: {  	s26 =	simm.s32 $execute0_lowered;
	[smem:$0x3FD2] =	sst s25  }
0xb5: {  	s6 =	sshll.u32 s26, $0x1;
	_ =	strace $0x80000052;
	[dreg:$0x1] =	wrdreg $0xFFFFFFFF  }
0xb6: {  	s28 =	simm.s32 $_size_execute0_lowered;
	s4 =	sadd.s32 s4, s6;
	[dreg:$0x0] =	wrdreg $0x0  }
0xb7: {  	s6 =	sshll.u32 s28, $0x1;
	[dreg:$0x2] =	wrdreg s4  }
0xb8: {  	[dreg:$0x3] =	wrdreg s6  }
0xb9: {  	[dreg:$0x4] =	wrdreg $0xC0  }
0xba: {  	_ =	task [dreg:s22], $0x5FFFF  }
0xbb: {  	[dreg:$0x1] =	wrdreg $0xFFFFFFFF  }
0xbc: {  	[dreg:$0x0] =	wrdreg $0x60  }
0xbd: {  	[dreg:$0x2] =	wrdreg s18  }
0xbe: {  	[dreg:$0x3] =	wrdreg s24  }
0xbf: {  	[dreg:$0x4] =	wrdreg $0x9  }
0xc0: {  	_ =	task.clear_ibuf [dreg:s22], $0x5FFFF;
	_ =	strace $0x90000052  }
0xc1: {  	s29 =	simm.s32 $0x9;
	_ =	strace $0x80000054  }
0xc2: {  	_ =	swait.ge [sflag:s29], $0x1  }
0xc3: {  	[sflag:s29] =	ssyncadd.s32 $0xFFFFFFFF  }
0xc4: {  	_ =	strace $0x90000054  }
0xc5: {  	_ =	sfence  }
0xc6: {  	s30 =	sld [smem:$0x0];
	_ =	sdelay $0x2  }
0xc7: {  	s31 =	sshll.u32 s1, $0xD;
	s1 =	sshrl.u32 s1, $0x2  }
0xc8: {  	s4 =	sand.u32 $0x4000, s31;
	s1 =	sadd.s32 s1, s30  }
0xc9: {  	s0 =	sor.u32 s4, s0;
	s1 =	sshll.u32 s1, $0x11  }
0xca: {  	s0 =	sor.u32 s1, s0  }
0xcb: {  	s0 =	sadd.s32 $0x8F2B, s0  }
0xcc: {  	[sflag:s0] =	ssyncadd.remote.s32 $0x1  }
0xcd: {  	_ =	sfence.sel $0xFFFF  }
0xce: {  	[dreg:$0x0] =	wrdreg $0xFFFFFFFF;
	(pc) =	sbr.abs _section_cstart, $3  }
0xcf: {  	[dreg:$0x1] =	wrdreg $0xFFFFFFFF  }
0xd0: {  	_ =	task.clear_ibuf [dreg:s22], $0x2FFFF;
	_ =	strace $0x9FFFFFFF  }
0xd1: {  	(tm) =	ssettm $0x7FFFFFFF  }
tec
execute0_lowered:
.L_overlay_start_1:
0x0: {  	(tag) =	ssettag $0x1  }
0x1: {  	s1 =	srdreg.scid;
	s2 =	rddreg [dreg:$0x0]  }
0x2: {  	s0 =	stileid.u32;
	s5 =	rddreg [dreg:$0x1];
	s6 =	simm.s32 $0x1  }
0x3: {  	s9 =	simm.s32 $0x1;
	s10 =	simm.s32 $0x3;
	s1 =	sshll.u32 s1, $0x8  }
0x4: {  	s13 =	simm.s32 $0x0;
	s3 =	sshll.u32 s0, $0x9;
	s4 =	sand.u32 $0x100, s1  }
0x5: {  	s12 =	simm.s32 $0x0;
	s1 =	rddreg [dreg:$0x2];
	s3 =	sor.u32 s3, s4  }
0x6: {  	_ =	strace $0x80000053;
	s4 =	sadd.s32 $0x1A200, s5;
	s8 =	ssub.s32 $0x3000, s3  }
.Ltmp0:
0x7: {  	s5 =	sadd.s32 $0x1A800, s5;
	s7 =	sand.u32 $0x1F00, s8;
	(pc) =	sbr.rel .LBB2_1-.Ltmp0, $4  }
0x8: {  	[sflag:s6] =	ssyncpa.u1 $0x0;
	s11 =	smov.u32 s3;
	p0 =	sne.s32 s7, $0x0  }
0x9: {  	s8 =	sshrl.u32 s8, $0xD;
	s7 =	simm.s32 $0x2;
	s9 =	simm.s32 @!p0 $0x0  }
0xa: {  	[sflag:s7] =	ssyncpa.u1 $0x0;
	p0 =	por $0x0, $0x0;
	s8 =	sadd.s32 s9, s8  }
0xb: {  	vm0 =	vmmov $0xffff;
	[sflag:s10] =	ssyncpa.u1 $0x0;
	s10 =	simm.s32 $0x0;
	s9 =	sadd.s32 $0x1, s8  }
.LBB2_4:
0xc: {  	v2 =	vnsel vm1, $0x0, v2  }
0xd: {  	vm1 =	vgt.s32 v0, $0x0;
	v2 =	vmin.u32 v2, $0x270F  }
0xe: {  	v0 =	vnsel vm1, $0x0, v0  }
0xf: {  	v0 =	vmin.u32 v0, $0x270F  }
0x10: {  	[tilespmem:s15], [sflag:$0x1] =	stream.indirect_vreg.gather [hbm4b:s2+s10], $0x1, v1, vm0, $0x4038;
	[tilespmem:$0x400] =	vst v63  }
0x11: {  	(ifvalue) =	ssetifvalue $0x7FFFFFFF  }
0x12: {  	[tilespmem:s16], [sflag:$0x1] =	stream.indirect_vreg.gather [hbm4b:s2+s10], $0x1, v2, vm0, $0x4038;
	[tilespmem:$0x400] =	vst v63  }
0x13: {  	s29 =	sadd.s32 $0x10, s16;
	(ifvalue) =	ssetifvalue $0x7FFFFFFF  }
0x14: {  	[tilespmem:s29], [sflag:$0x1] =	stream.indirect_vreg.gather [hbm4b:s2+s10], $0x1, v0, vm0, $0x4038;
	[tilespmem:$0x400] =	vst v63  }
0x15: {  	_ =	swait.ge [sflag:s6], $0x100  }
0x16: {  	s30 =	sshrl.u32 s13, $0x3;
	[sflag:s6] =	ssyncset.done $0x0  }
0x17: {  	s31 =	sand.u32 $0x7, s13;
	s15 =	sadd.s32 s5, s30;
	[sflag:s6] =	ssyncadd.s32 $0xFFFFFF00  }
0x18: {  	[hbm4b:s15+s31] =	stream.linear.scatter [tilespmem:s14], [sflag:$0x3], $0x100, $0x38;
	[tilespmem:$0x400] =	vst v63  }
.LBB2_5:
0x19: {  	s15 =	sadd.s32 $0x2000, s11  }
0x1a: {  	p2 =	sgt.s32 s15, $0x2FFF  }
0x1b: {  	s15 =	smov.u32 @p2 s3;
	p2 =	sne.s32 s12, s9  }
.Ltmp1:
0x1c: {  	p1 =	slt.u32 s12, $0x2;
	(pc) =	sbr.rel @!p2 .LBB2_6-.Ltmp1, $4  }
0x1d: {  	s14 =	simm.s32 @!p1 $0x3  }
0x1e: {  	s16 =	sadd.s32 $0x1, s12;
	_ =	swait.ge @!p1 [sflag:s14], $0x100  }
0x1f: {  	s13 =	smov.u32 s11;
	p0 =	por !p0, !p0;
	[sflag:s14] =	ssyncset.done @!p1 $0x0  }
0x20: {  	s12 =	smov.u32 s16;
	s11 =	smov.u32 s15;
	[sflag:s14] =	ssyncadd.s32 @!p1 $0xFFFFFF00  }
.LBB2_1:
0x21: {  	p1 =	sge.u32 s12, s8  }
0x22: {  	s14 =	sxor.u32 @!p1 $0xFFFFFFFF, s12  }
0x23: {  	s31 =	sadd.s32 $0xFFFFFFFF, s12;
	s15 =	sshrl.u32 @!p1 s11, $0x3;
	s14 =	sshll.u32 @!p1 s14, $0x8  }
0x24: {  	s16 =	sand.u32 @!p1 $0x7, s11;
	s15 =	sadd.s32 @!p1 s4, s15;
	s14 =	sand.u32 @!p1 $0x100, s14  }
0x25: {  	[tilespmem:s14], [sflag:$0x2] =	stream.linear.gather @!p1 [hbm4b:s15+s16], $0x100, $0x38;
	[tilespmem:$0x400] =	vst v63  }
0x26: {  	p1 =	sge.u32 s31, s8  }
.Ltmp2:
0x27: {  	_ = 	snop;
	(pc) =	sbr.rel @p1 .LBB2_5-.Ltmp2, $1  }
0x28: {  	_ =	sdelay $0x3  }
0x29: {  	s14 =	simm.s32 $0x1  }
0x2a: {  	_ =	swait.ge [sflag:s7], $0x100;
	s14 =	simm.s32 @!p0 $0x0  }
0x2b: {  	[sflag:s7] =	ssyncset.done $0x0;
	s14 =	sshll.u32 s14, $0x8  }
0x2c: {  	[sflag:s7] =	ssyncadd.s32 $0xFFFFFF00;
	(ifvalue) =	ssetifvalue $0x7FFFFFFF;
	v0 =	vld.msk [tilespmem:s14+$0x0 ss:$0x1], $0xffff;
	_ =	sdelay $0x4  }
0x2d: {  	s15 =	sadd.s32 $0x10, s14;
	vm1 =	vgt.s32 v0, $0x0  }
0x2e: {  	v2 =	vld.msk [tilespmem:s15+$0x0 ss:$0x1], $0xffff;
	v1 =	vnsel vm1, $0x0, v0  }
0x2f: {  	v1 =	vmin.u32 v1, $0x270F;
	_ =	sdelay $0x1  }
0x30: {  	s16 =	sshll.u32 s12, $0x8;
	s18 =	simm.s32 $0x20  }
0x31: {  	s16 =	sand.u32 $0x100, s16;
	s17 =	sadd.s32 $0x10, s15;
	s15 =	sor.u32 $0x200, s14  }
0x32: {  	s14 =	sor.u32 $0x200, s16;
	s16 =	sadd.s32 $0x10, s15;
	v0 =	vld.msk [tilespmem:s17+$0x0 ss:$0x1], $0xffff;
	vm1 =	vgt.s32 v2, $0x0;
	(ifvalue) =	ssetifvalue $0x7FFFFFFF  }
.LBB2_3:
0x33: {  	[tilespmem:s15], [sflag:$0x1] =	stream.indirect_vreg.gather [hbm4b:s2+s10], $0x1, v1, vm0, $0x4038;
	[tilespmem:$0x400] =	vst v63  }
0x34: {  	s18 =	sadd.s32 $0x10, s18  }
0x35: {  	v2 =	vnsel vm1, $0x0, v2;
	p1 =	slt.u32 s18, $0xF0  }
.Ltmp3:
0x36: {  	s15 =	smov.u32 s16;
	v1 =	vmin.u32 v2, $0x270F;
	(pc) =	sbr.rel @p1 .LBB2_3-.Ltmp3, $3  }
0x37: {  	_ =	sdelay $0x1  }
0x38: {  	s17 =	sadd.s32 $0x10, s17  }
0x39: {  	vm1 =	vgt.s32 v0, $0x0;
	s16 =	sadd.s32 $0x10, s16;
	v2 =	vmov v0;
	(ifvalue) =	ssetifvalue $0x7FFFFFFF;
	v0 =	vld.msk [tilespmem:s17+$0x0 ss:$0x1], $0xffff  }
.Ltmp4:
0x3a: {  	_ = 	snop;
	(pc) =	sbr.rel .LBB2_4-.Ltmp4, $1  }
0x3b: {  	_ =	sdelay $0x3  }
.LBB2_6:
0x3c: {  	_ =	sfence.sel $0x180000  }
0x3d: {  	s2 =	simm.s32 $0x2;
	[bflag:$0x0] =	sbarrier.arrive $0xFFFF  }
0x3e: {  	s30 =	simm.s32 $0x3;
	[sflag:s2] =	ssyncpa.u1 $0x1  }
0x3f: {  	s31 =	simm.s32 $0x1;
	[sflag:s30] =	ssyncpa.u1 $0x1  }
0x40: {  	[sflag:s31] =	ssyncpa.u1 $0x1  }
0x41: {  	p0 =	sne.s32 s0, $0x0;
	_ =	strace $0x90000053  }
0x42: {  	s0 =	sadd.s32 @!p0 $0x100000, s1;
	[bflag:$0x2] =	sbarrier.arrive $0xFFFF  }
0x43: {  	[sflag:s0] =	ssyncadd.tile.s32 @!p0 $0x1;
	_ =	shalt  }
.Lfunc_end2:
_tile_overlayer_lowered:
.L_overlay_start_2:
0x44: {  	(tag) =	ssettag $0x2  }
0x45: {  	s0 =	rddreg [dreg:$0x0];
	s2 =	stileid.u32  }
0x46: {  	s1 =	rddreg [dreg:$0x1];
	p0 =	sne.s32 s2, $0x0  }
0x47: {  	s3 =	rddreg [dreg:$0x2];
	[bflag:$0x3] =	sbarrier.arrive $0xFFFF;
	s2 =	simm.s32 @!p0 $0x1C01  }
0x48: {  	[timem:s3], [sflag:s2] =	dma.local @!p0 [hbm:s0], s1  }
0x49: {  	s0 =	simm.s32 @!p0 $0x1  }
0x4a: {  	_ =	swait.ge @!p0 [sflag:s0], s1  }
0x4b: {  	s1 =	ssub.s32 @!p0 $0x0, s1;
	[sflag:s0] =	ssyncset.done @!p0 $0x0  }
0x4c: {  	[sflag:s0] =	ssyncadd.s32 @!p0 s1  }
0x4d: {  	[bflag:$0x3] =	sbarrier.arrive $0xFFFF  }
0x4e: {  	_ =	shalt  }

// kernel: kernel.15.cloned.1.call-start
scs
__scs_entry_jumppad:
0x0: {  	(pc) =	sbr.rel $0x88, $3  }
0x1: {  	(tag) =	ssettag $0x0;
	lr =	simm.s32 $0x1  }
0x2: {  	[smem:$0x3F94] =	sst lr;
	_ =	strace $0xD0000000  }
0x3: {  	_ = 	snop  }
0x4: {  	_ = 	snop  }
0x5: {  	_ = 	snop  }
0x6: {  	_ = 	snop  }
0x7: {  	_ = 	snop  }
__scs_overlays_trampoline_lowered:
0x8: {  	[smem:$0x3FA3] =	sst s0  }
0x9: {  	[smem:$0x3FA4] =	sst s1  }
0xa: {  	[smem:$0x3FA5] =	sst s2  }
0xb: {  	[smem:$0x3FA6] =	sst s3  }
0xc: {  	[smem:$0x3FA7] =	sst s4  }
0xd: {  	[smem:$0x3FA8] =	sst s5  }
0xe: {  	[smem:$0x3FA9] =	sst s6  }
0xf: {  	[smem:$0x3FAA] =	sst s7  }
0x10: {  	[smem:$0x3FAB] =	sst s8  }
0x11: {  	[smem:$0x3FAC] =	sst s9;
	s0 =	simm.s32 @!p0 $0x0  }
0x12: {  	s1 =	sld [smem:$0x3F92];
	s0 =	simm.s32 @p0 $0x1  }
0x13: {  	[smem:$0x3FAD] =	sst s0;
	s0 =	simm.s32 @!p1 $0x0  }
0x14: {  	s2 =	sld [smem:$0x3F91];
	s0 =	simm.s32 @p1 $0x1  }
0x15: {  	[smem:$0x3FAE] =	sst s0;
	s0 =	simm.s32 @!p2 $0x0  }
0x16: {  	s3 =	sld [smem:$0x3FDB];
	s0 =	simm.s32 @p2 $0x1  }
0x17: {  	s4 =	simm.s32 $0x1BF5;
	[smem:$0x3FB0] =	sst s0  }
0x18: {  	s0 =	sld [smem:$0x3F93];
	_ =	swait.ge [sflag:s4], $0x0  }
0x19: {  	s7 =	sld [smem:$0x3F94]  }
0x1a: {  	s8 =	sadd.s32 $0xFFFFE003, lr  }
0x1b: {  	s9 =	sadd.s32 $0xFFFFFEF7, lr;
	s5 =	simm.s32 $0xFFFFFFFF;
	p2 =	slt.u32 s8, $0xFFFFF086  }
0x1c: {  	p1 =	slt.u32 s9, $0xF7A;
	s5 =	simm.s32 @!p2 $0x0  }
0x1d: {  	s5 =	simm.s32 @p1 $0x1;
	p0 =	seq.s32 s7, s2  }
0x1e: {  	s7 =	smul.u32 @!p0 $0xF7A, s2;
	p2 =	seq.s32 @!p0 s5, $0x0  }
0x1f: {  	s9 =	smul.u32 $0xF7A, s1;
	s8 =	simm.s32 @!p0 $0x1BF5;
	p2 =	por !p2, p0  }
0x20: {  	[sflag:s8] =	ssyncset.s32 @!p0 $0xFFFFF086;
	s6 =	sadd.s32 @!p0 s3, s7;
	s7 =	simm.s32 @!p0 $0x108  }
0x21: {  	s3 =	sadd.s32 s3, s9;
	s6 =	sadd.s32 @!p0 $0x88, s6;
	s7 =	simm.s32 @p2 $0x1082  }
0x22: {  	[simem:s7], [sflag:s8] =	dma.local @!p0 [hbm:s6], $0xF7A  }
0x23: {  	s9 =	sor.u32 $0xD0000000, s2;
	s6 =	simm.s32 $0x108;
	_ =	swait.ge @!p0 [sflag:s8], $0x0  }
0x24: {  	s3 =	sadd.s32 $0x88, s3;
	s6 =	simm.s32 @!p1 $0x1082;
	[sflag:s4] =	ssyncset.s32 $0xFFFFF086  }
0x25: {  	[simem:s6], [sflag:s4] =	dma.local [hbm:s3], $0xF7A  }
0x26: {  	[smem:$0x3F94] =	sst s1;
	(tag) =	ssettag s2;
	_ =	strace s9  }
0x27: {  	s1 =	sld [smem:$0x3FA4]  }
0x28: {  	s2 =	sld [smem:$0x3FA5]  }
0x29: {  	s4 =	sld [smem:$0x3FA7]  }
0x2a: {  	p0 =	seq.s32 s5, $0x0;
	s5 =	sld [smem:$0x3FA8]  }
0x2b: {  	s6 =	sld [smem:$0x3FA9]  }
0x2c: {  	s7 =	sld [smem:$0x3FAA]  }
0x2d: {  	s3 =	simm.s32 $0x108;
	s8 =	sld [smem:$0x3FAB]  }
0x2e: {  	s3 =	simm.s32 @!p0 $0x1082;
	s9 =	sld [smem:$0x3FAC]  }
0x2f: {  	lr =	sadd.s32 s0, s3;
	s0 =	sld [smem:$0x3FA3]  }
0x30: {  	s3 =	sld [smem:$0x3FA6]  }
0x31: {  	[smem:$0x3FAF] =	sst s10  }
0x32: {  	s10 =	sld [smem:$0x3FAD];
	_ =	sdelay $0x3  }
0x33: {  	p0 =	seq.s32 s10, $0x1;
	s10 =	sld [smem:$0x3FAF];
	_ =	sdelay $0x3  }
0x34: {  	[smem:$0x3FAF] =	sst s10  }
0x35: {  	s10 =	sld [smem:$0x3FAE];
	_ =	sdelay $0x3  }
0x36: {  	p1 =	seq.s32 s10, $0x1;
	s10 =	sld [smem:$0x3FAF];
	_ =	sdelay $0x3  }
0x37: {  	[smem:$0x3FAF] =	sst s10  }
0x38: {  	s10 =	sld [smem:$0x3FB0]  }
0x39: {  	_ = 	snop;
	(pc) =	sbr.ind lr, $3  }
0x3a: {  	_ = 	snop  }
0x3b: {  	_ = 	snop  }
0x3c: {  	p2 =	seq.s32 s10, $0x1;
	s10 =	sld [smem:$0x3FAF]  }
0x3d: {  	_ =	shalt  }
0x3e: {  	_ =	shalt  }
0x3f: {  	_ =	shalt  }
0x40: {  	_ =	shalt  }
0x41: {  	_ =	shalt  }
0x42: {  	_ =	shalt  }
0x43: {  	_ =	shalt  }
0x44: {  	_ =	shalt  }
0x45: {  	_ =	shalt  }
0x46: {  	_ =	shalt  }
0x47: {  	_ =	shalt  }
0x48: {  	_ =	shalt  }
0x49: {  	_ =	shalt  }
0x4a: {  	_ =	shalt  }
0x4b: {  	_ =	shalt  }
0x4c: {  	_ =	shalt  }
0x4d: {  	_ =	shalt  }
0x4e: {  	_ =	shalt  }
0x4f: {  	_ =	shalt  }
0x50: {  	_ =	shalt  }
0x51: {  	_ =	shalt  }
0x52: {  	_ =	shalt  }
0x53: {  	_ =	shalt  }
0x54: {  	_ =	shalt  }
0x55: {  	_ =	shalt  }
0x56: {  	_ =	shalt  }
0x57: {  	_ =	shalt  }
0x58: {  	_ =	shalt  }
0x59: {  	_ =	shalt  }
0x5a: {  	_ =	shalt  }
0x5b: {  	_ =	shalt  }
0x5c: {  	_ =	shalt  }
0x5d: {  	_ =	shalt  }
0x5e: {  	_ =	shalt  }
0x5f: {  	_ =	shalt  }
0x60: {  	_ =	shalt  }
0x61: {  	_ =	shalt  }
0x62: {  	_ =	shalt  }
0x63: {  	_ =	shalt  }
0x64: {  	_ =	shalt  }
0x65: {  	_ =	shalt  }
0x66: {  	_ =	shalt  }
0x67: {  	_ =	shalt  }
0x68: {  	_ =	shalt  }
0x69: {  	_ =	shalt  }
0x6a: {  	_ =	shalt  }
0x6b: {  	_ =	shalt  }
0x6c: {  	_ =	shalt  }
0x6d: {  	_ =	shalt  }
0x6e: {  	_ =	shalt  }
0x6f: {  	_ =	shalt  }
0x70: {  	_ =	shalt  }
0x71: {  	_ =	shalt  }
0x72: {  	_ =	shalt  }
0x73: {  	_ =	shalt  }
0x74: {  	_ =	shalt  }
0x75: {  	_ =	shalt  }
0x76: {  	_ =	shalt  }
0x77: {  	_ =	shalt  }
0x78: {  	_ =	shalt  }
0x79: {  	_ =	shalt  }
0x7a: {  	_ =	shalt  }
0x7b: {  	_ =	shalt  }
0x7c: {  	_ =	shalt  }
0x7d: {  	_ =	shalt  }
0x7e: {  	_ =	shalt  }
0x7f: {  	_ =	shalt  }
0x80: {  	_ =	shalt  }
0x81: {  	_ =	shalt  }
0x82: {  	_ =	shalt  }
0x83: {  	_ =	shalt  }
0x84: {  	_ =	shalt  }
0x85: {  	_ =	shalt  }
0x86: {  	_ =	shalt  }
0x87: {  	_ =	shalt  }
.Lfunc_end0:
.L_simem_size_0:
called_computation.1_lowered:
.L_overlay_start_0:
0x88: {  	s2 =	sld [smem:$0x3FD9]  }
0x89: {  	s3 =	sld [smem:$0x3FFE];
	_ =	sdelay $0x1  }
0x8a: {  	s1 =	srdreg.scid  }
0x8b: {  	s0 =	sand.u32 $0x1, s1  }
0x8c: {  	s16 =	sshll.u32 s0, $0xA;
	s2 =	sadd.s32 s3, s2  }
0x8d: {  	s2 =	sadd.s32 s2, s16  }
0x8e: {  	[smem:$0x3FBB] =	sst s2  }
0x8f: {  	_ = 	snop  }
0x90: {  	(tm) =	ssettm $0x1  }
0x91: {  	s17 =	sld [smem:$0x3FFB];
	_ =	sdelay $0x3  }
0x92: {  	_ =	strace s17  }
0x93: {  	s2 =	sld [smem:$0x3FFC];
	_ =	sdelay $0x3  }
0x94: {  	_ =	strace s2  }
0x95: {  	s2 =	sld [smem:$0x3FFD];
	_ =	sdelay $0x3  }
0x96: {  	_ =	strace s2  }
0x97: {  	_ =	strace $0x8FFFFFFF  }
0x98: {  	s18 =	sld [smem:$0x3FDB];
	_ =	sdelay $0x1  }
0x99: {  	s19 =	simm.s32 $_scs_section_size  }
0x9a: {  	s4 =	simm.s32 $_size__tile_overlayer_lowered;
	s5 =	simm.s32 $_tile_overlayer_lowered  }
0x9b: {  	s22 =	simm.s32 $0x1BFF;
	s21 =	sshll.u32 s5, $0x1;
	s2 =	sadd.s32 s19, s18  }
0x9c: {  	s6 =	simm.s32 $0x0;
	s20 =	sshll.u32 s4, $0x1;
	s4 =	sadd.s32 s21, s2  }
0x9d: {  	[timem:s6], [sflag:s22] =	dma.local [hbm:s4], s20  }
0x9e: {  	_ =	swait.ge [sflag:s22], s20  }
0x9f: {  	s3 =	ssub.s32 $0x0, s20;
	[sflag:s22] =	ssyncset.done $0x0  }
0xa0: {  	[sflag:s22] =	ssyncadd.s32 s3;
	_ =	sdelay $0x1  }
0xa1: {  	s23 =	simm.s32 $0x1B8B  }
0xa2: {  	_ =	swait.ge [sflag:s23], $0x1  }
0xa3: {  	[sflag:s23] =	ssyncset.done $0x0  }
0xa4: {  	s25 =	simm.s32 $0x1B8E;
	s24 =	sld [smem:$0x3FFE];
	[sflag:s23] =	ssyncadd.s32 $0xFFFFFFFF  }
0xa5: {  	s26 =	simm.s32 $execute0_lowered;
	[smem:$0x3FD2] =	sst s25  }
0xa6: {  	s4 =	sshll.u32 s26, $0x1;
	_ =	strace $0x80000046;
	[dreg:$0x1] =	wrdreg $0xFFFFFFFF  }
0xa7: {  	s28 =	simm.s32 $_size_execute0_lowered;
	s2 =	sadd.s32 s2, s4;
	[dreg:$0x0] =	wrdreg $0x0  }
0xa8: {  	s4 =	sshll.u32 s28, $0x1;
	[dreg:$0x2] =	wrdreg s2  }
0xa9: {  	[dreg:$0x3] =	wrdreg s4  }
0xaa: {  	[dreg:$0x4] =	wrdreg $0xC0  }
0xab: {  	_ =	task [dreg:s6], $0x5FFFF  }
0xac: {  	[dreg:$0x1] =	wrdreg $0xFFFFFFFF  }
0xad: {  	[dreg:$0x0] =	wrdreg $0x60  }
0xae: {  	[dreg:$0x2] =	wrdreg s24  }
0xaf: {  	[dreg:$0x3] =	wrdreg $0xB0000  }
0xb0: {  	[dreg:$0x4] =	wrdreg $0x9  }
0xb1: {  	_ =	task.clear_ibuf [dreg:s6], $0x5FFFF;
	_ =	strace $0x90000046  }
0xb2: {  	s29 =	simm.s32 $0x9;
	_ =	strace $0x80000048  }
0xb3: {  	_ =	swait.ge [sflag:s29], $0x1  }
0xb4: {  	[sflag:s29] =	ssyncadd.s32 $0xFFFFFFFF  }
0xb5: {  	_ =	strace $0x90000048  }
0xb6: {  	_ =	sfence  }
0xb7: {  	s30 =	sld [smem:$0x0];
	_ =	sdelay $0x2  }
0xb8: {  	s31 =	sshll.u32 s1, $0xD;
	s1 =	sshrl.u32 s1, $0x2  }
0xb9: {  	s3 =	sand.u32 $0x4000, s31;
	s1 =	sadd.s32 s1, s30  }
0xba: {  	s0 =	sor.u32 s3, s0;
	s1 =	sshll.u32 s1, $0x11  }
0xbb: {  	s0 =	sor.u32 s1, s0  }
0xbc: {  	s0 =	sadd.s32 $0x8F2B, s0  }
0xbd: {  	[sflag:s0] =	ssyncadd.remote.s32 $0x1  }
0xbe: {  	_ =	sfence.sel $0xFFFF  }
0xbf: {  	[dreg:$0x0] =	wrdreg $0xFFFFFFFF;
	(pc) =	sbr.abs _section_cstart, $3  }
0xc0: {  	[dreg:$0x1] =	wrdreg $0xFFFFFFFF  }
0xc1: {  	_ =	task.clear_ibuf [dreg:s6], $0x2FFFF;
	_ =	strace $0x9FFFFFFF  }
0xc2: {  	(tm) =	ssettm $0x7FFFFFFF  }
0xc3: {  	_ =	shalt  }
tec
execute0_lowered:
.L_overlay_start_1:
0x0: {  	(tag) =	ssettag $0x1  }
0x1: {  	s1 =	srdreg.scid;
	s4 =	rddreg [dreg:$0x0]  }
0x2: {  	s0 =	stileid.u32;
	s2 =	rddreg [dreg:$0x1];
	s3 =	simm.s32 $0x0  }
0x3: {  	s28 =	simm.s32 $0x0;
	s5 =	sand.u32 $0x1, s1;
	s7 =	smul.u32 $0x28000, s0  }
0x4: {  	s22 =	sshll.u32 s0, $0x1;
	s1 =	rddreg [dreg:$0x2];
	s9 =	smul.u32 $0x138, s0  }
0x5: {  	[smem:$0x7FF] =	sst s3;
	s11 =	sadd.s32 $0x1A200, s4;
	s10 =	smul.u32 $0x27000, s0  }
0x6: {  	p0 =	sne.s32 s0, $0xF;
	s6 =	sor.u32 s5, s22;
	s26 =	smul.u32 $0x13C0, s5  }
0x7: {  	_ =	strace $0x80000047;
	s8 =	ssub.s32 $0x2, s5;
	s30 =	smul.u32 $0x9E000, s5  }
0x8: {  	s6 =	smul.u32 $0xA00, s6;
	s23 =	sshrl.u32 s8, $0x1;
	s24 =	sshrl.u32 s7, $0x2  }
0x9: {  	s29 =	sshrl.u32 s10, $0x2;
	s10 =	sadd.s32 $0x9C000, s2;
	s12 =	ssub.s32 s8, s23  }
0xa: {  	s25 =	sadd.s32 s9, s26;
	s5 =	sadd.s32 s24, s2;
	s13 =	sshrl.u32 s30, $0x3  }
0xb: {  	s23 =	simm.s32 $0x1;
	s24 =	simm.s32 $0x9000;
	v0 =	vmov s26;
	s26 =	simm.s32 $0x5000  }
0xc: {  	s6 =	sadd.s32 s6, s4;
	s31 =	sshll.u32 s25, $0x4;
	s12 =	smax.u32 s12, $0x1  }
0xd: {  	s14 =	sadd.s32 $0x4000, s5;
	s15 =	sadd.s32 $0x6000, s5;
	s16 =	sadd.s32 $0x8000, s5  }
0xe: {  	s25 =	simm.s32 $0x80;
	s4 =	sadd.s32 $0x6200, s6;
	s6 =	sadd.s32 s29, s2  }
0xf: {  	s8 =	sadd.s32 s11, s31;
	s11 =	sadd.s32 s11, s13;
	s13 =	sadd.s32 $0x2000, s5  }
0x10: {  	s7 =	sadd.s32 $0x8000, s6;
	s9 =	sadd.s32 $0x1000, s8;
	s11 =	sadd.s32 $0x13800, s11  }
0x11: {  	s17 =	sadd.s32 $0x2000, s6;
	s18 =	sadd.s32 $0x400, s8;
	s19 =	sadd.s32 $0x4000, s6  }
0x12: {  	v1 =	vimm.f32 $1.000000000e+00;
	v2 =	vimm.f32 $0.0e+00;
	s20 =	sadd.s32 $0x800, s8;
	s21 =	sadd.s32 $0x6000, s6;
	s22 =	sadd.s32 $0xC00, s8  }
.LBB2_1:
0x13: {  	[tilespmem:s3], [sflag:$0x1] =	stream.linear.gather [hbm4b:s4+s3], $0x4E80, $0x38;
	[tilespmem:$0x15000] =	vst v63  }
0x14: {  	_ =	swait.ge [sflag:s23], $0x4E80  }
0x15: {  	[sflag:s23] =	ssyncset.done $0x0  }
0x16: {  	s29 =	simm.s32 $0x0;
	s30 =	simm.s32 $0x200;
	[sflag:s23] =	ssyncadd.s32 $0xFFFFB180  }
.LBB2_2:
0x17: {  	p1 =	sne.s32 s30, $0xFE00;
	[tilespmem:s29+$0x5070] =	vst v1  }
0x18: {  	[tilespmem:s29+$0x5000] =	vst v1  }
0x19: {  	[tilespmem:s29+$0x5010] =	vst v1  }
.Ltmp0:
0x1a: {  	[tilespmem:s29+$0x5020] =	vst v1;
	(pc) =	sbr.rel @p1 .LBB2_2-.Ltmp0, $4  }
0x1b: {  	[tilespmem:s29+$0x5030] =	vst v1  }
0x1c: {  	[tilespmem:s29+$0x5040] =	vst v1  }
0x1d: {  	[tilespmem:s29+$0x5050] =	vst v1  }
0x1e: {  	[tilespmem:s29+$0x5060] =	vst v1;
	s29 =	sshra.s32 s30, $0x2;
	s30 =	sadd.s32 $0x200, s30  }
0x1f: {  	[tilespmem:s29+$0x5070] =	vst v1  }
0x20: {  	[tilespmem:s29+$0x5000] =	vst v1  }
0x21: {  	[tilespmem:s29+$0x5010] =	vst v1  }
0x22: {  	[tilespmem:s29+$0x5020] =	vst v1  }
0x23: {  	[tilespmem:s29+$0x5030] =	vst v1  }
0x24: {  	[tilespmem:s29+$0x5040] =	vst v1  }
0x25: {  	[tilespmem:s29+$0x5050] =	vst v1  }
0x26: {  	[tilespmem:s29+$0x5060] =	vst v1;
	s29 =	simm.s32 $0x0;
	s30 =	simm.s32 $0x200  }
.LBB2_4:
0x27: {  	p1 =	sne.s32 s30, $0x7E00;
	[tilespmem:s29+$0x9070] =	vst v2  }
0x28: {  	[tilespmem:s29+$0x9000] =	vst v2  }
0x29: {  	[tilespmem:s29+$0x9010] =	vst v2  }
.Ltmp1:
0x2a: {  	[tilespmem:s29+$0x9020] =	vst v2;
	(pc) =	sbr.rel @p1 .LBB2_4-.Ltmp1, $4  }
0x2b: {  	[tilespmem:s29+$0x9030] =	vst v2  }
0x2c: {  	[tilespmem:s29+$0x9040] =	vst v2  }
0x2d: {  	[tilespmem:s29+$0x9050] =	vst v2  }
0x2e: {  	[tilespmem:s29+$0x9060] =	vst v2;
	s29 =	sshra.s32 s30, $0x2;
	s30 =	sadd.s32 $0x200, s30  }
0x2f: {  	[tilespmem:s29+$0x9070] =	vst v2  }
0x30: {  	[tilespmem:s29+$0x9000] =	vst v2  }
0x31: {  	[tilespmem:s29+$0x9010] =	vst v2  }
0x32: {  	[tilespmem:s29+$0x9020] =	vst v2  }
0x33: {  	[tilespmem:s29+$0x9030] =	vst v2  }
0x34: {  	[tilespmem:s29+$0x9040] =	vst v2  }
0x35: {  	[tilespmem:s29+$0x9050] =	vst v2  }
0x36: {  	[tilespmem:s29+$0x9060] =	vst v2;
	s29 =	simm.s32 $0x70  }
0x37: {  	v3 =	vld [tilespmem:s29+$0xFFFFFF90]  }
0x38: {  	v5 =	vld [tilespmem:s29+$0xFFFFFFA0]  }
0x39: {  	v11 =	vld [tilespmem:s29+$0xFFFFFFB0];
	_ =	sdelay $0x1  }
0x3a: {  	v4 =	vld [tilespmem:s29+$0xFFFFFFF0]  }
0x3b: {  	v8 =	vld [tilespmem:s29+$0xFFFFFFC0];
	v6 =	vsub.s32 v3, v0;
	v3 =	vand.u32 $0x3F, v3  }
0x3c: {  	v9 =	vsub.s32 v5, v0;
	vm0 =	vlt.u32 v6, $0x13C0;
	v7 =	vor.u32 $0x13C0, v3  }
0x3d: {  	v5 =	vand.u32 $0x3F, v5;
	v10 =	vsub.s32 v11, v0;
	v6 =	vsel vm0, v6, v7;
	v7 =	vld [tilespmem:s29+$0xFFFFFFD0]  }
0x3e: {  	v11 =	vand.u32 $0x3F, v11;
	v12 =	vor.u32 $0x13C0, v5;
	v5 =	vld [tilespmem:s29+$0xFFFFFFE0];
	vm0 =	vlt.u32 v9, $0x13C0  }
0x3f: {  	s30 =	simm.s32 $0x3C0;
	v3 =	vsub.s32 v4, v0;
	v9 =	vsel vm0, v9, v12;
	vm0 =	vlt.u32 v10, $0x13C0  }
.LBB2_6:
0x40: {  	p1 =	sne.s32 s30, $0x139C0;
	v11 =	vor.u32 $0x13C0, v11;
	v12 =	vsub.s32 v8, v0;
	v8 =	vand.u32 $0x3F, v8;
	v13 =	vld [tilespmem:s29+$0x0]  }
0x41: {  	v10 =	vsel vm0, v10, v11;
	vm0 =	vlt.u32 v12, $0x13C0;
	v8 =	vor.u32 $0x13C0, v8  }
0x42: {  	[tilespmem:s29+$0xFFFFFF90] =	vst v6;
	v6 =	vsel vm0, v12, v8;
	v8 =	vsub.s32 v7, v0;
	v7 =	vand.u32 $0x3F, v7  }
0x43: {  	s31 =	sshra.s32 s30, $0x2;
	[tilespmem:s29+$0xFFFFFFA0] =	vst v9;
	vm0 =	vlt.u32 v8, $0x13C0;
	v7 =	vor.u32 $0x13C0, v7;
	v9 =	vsub.s32 v5, v0  }
0x44: {  	v5 =	vand.u32 $0x3F, v5;
	v11 =	vld [tilespmem:s31+$0xFFFFFF90];
	[tilespmem:s29+$0xFFFFFFB0] =	vst v10;
	v7 =	vsel vm0, v8, v7;
	vm0 =	vlt.u32 v9, $0x13C0  }
0x45: {  	v5 =	vor.u32 $0x13C0, v5;
	v10 =	vld [tilespmem:s31+$0xFFFFFFF0];
	[tilespmem:s29+$0xFFFFFFC0] =	vst v6;
	v6 =	vsub.s32 v13, v0;
	v8 =	vand.u32 $0x3F, v13  }
0x46: {  	v5 =	vsel vm0, v9, v5;
	v12 =	vld [tilespmem:s31+$0xFFFFFFA0];
	[tilespmem:s29+$0xFFFFFFD0] =	vst v7;
	vm0 =	vlt.u32 v6, $0x13C0;
	v7 =	vor.u32 $0x13C0, v8  }
0x47: {  	vm1 =	vlt.u32 v3, $0x13C0;
	v4 =	vand.u32 $0x3F, v4;
	v13 =	vld [tilespmem:s31+$0xFFFFFFB0];
	[tilespmem:s29+$0xFFFFFFE0] =	vst v5;
	v5 =	vsel vm0, v6, v7  }
0x48: {  	v9 =	vor.u32 $0x13C0, v4;
	[tilespmem:s29+$0x0] =	vst v5  }
.Ltmp2:
0x49: {  	v7 =	vsel vm1, v3, v9;
	v5 =	vsub.s32 v11, v0;
	v6 =	vand.u32 $0x3F, v11;
	v8 =	vld [tilespmem:s31+$0xFFFFFFC0];
	(pc) =	sbr.rel @p1 .LBB2_6-.Ltmp2, $4  }
0x4a: {  	vm0 =	vlt.u32 v5, $0x13C0;
	v6 =	vor.u32 $0x13C0, v6;
	v3 =	vsub.s32 v10, v0;
	[tilespmem:s29+$0xFFFFFFF0] =	vst v7;
	v4 =	vmovc v10;
	s29 =	smov.u32 s31  }
0x4b: {  	v6 =	vsel vm0, v5, v6;
	v9 =	vsub.s32 v12, v0;
	v5 =	vand.u32 $0x3F, v12;
	v7 =	vld [tilespmem:s29+$0xFFFFFFD0]  }
0x4c: {  	vm0 =	vlt.u32 v9, $0x13C0;
	v11 =	vor.u32 $0x13C0, v5;
	v10 =	vsub.s32 v13, v0;
	v5 =	vld [tilespmem:s29+$0xFFFFFFE0]  }
0x4d: {  	s30 =	sadd.s32 $0x200, s30;
	v9 =	vsel vm0, v9, v11;
	vm0 =	vlt.u32 v10, $0x13C0;
	v11 =	vand.u32 $0x3F, v13  }
0x4e: {  	v11 =	vor.u32 $0x13C0, v11  }
0x4f: {  	v12 =	vsub.s32 v8, v0;
	v54 =	vand.u32 $0x3F, v8;
	v4 =	vand.u32 $0x3F, v4  }
0x50: {  	v13 =	vld [tilespmem:s29+$0x0];
	vm1 =	vlt.u32 v3, $0x13C0;
	v10 =	vsel vm0, v10, v11;
	vm12 =	vlt.u32 v12, $0x13C0  }
0x51: {  	[tilespmem:s29+$0xFFFFFF90] =	vst v6;
	v8 =	vor.u32 $0x13C0, v54;
	v4 =	vor.u32 $0x13C0, v4;
	v55 =	vsub.s32 v7, v0  }
0x52: {  	[tilespmem:s29+$0xFFFFFFA0] =	vst v9;
	v56 =	vsel vm12, v12, v8;
	v57 =	vand.u32 $0x3F, v7;
	v3 =	vsel vm1, v3, v4  }
0x53: {  	[tilespmem:s29+$0xFFFFFFB0] =	vst v10;
	vm13 =	vlt.u32 v55, $0x13C0;
	v7 =	vor.u32 $0x13C0, v57;
	v58 =	vsub.s32 v5, v0  }
0x54: {  	v59 =	vand.u32 $0x3F, v5;
	[tilespmem:s29+$0xFFFFFFC0] =	vst v56;
	v7 =	vsel vm13, v55, v7;
	vm14 =	vlt.u32 v58, $0x13C0  }
0x55: {  	[tilespmem:s29+$0xFFFFFFF0] =	vst v3;
	v5 =	vor.u32 $0x13C0, v59;
	v60 =	vsub.s32 v13, v0;
	v61 =	vand.u32 $0x3F, v13  }
0x56: {  	v5 =	vsel vm14, v58, v5;
	[tilespmem:s29+$0xFFFFFFD0] =	vst v7;
	vm15 =	vlt.u32 v60, $0x13C0;
	v62 =	vor.u32 $0x13C0, v61  }
0x57: {  	[tilespmem:s29+$0xFFFFFFE0] =	vst v5;
	v63 =	vsel vm15, v60, v62  }
0x58: {  	[tilespmem:s29+$0x0] =	vst v63  }
0x59: {  	[spmem:s5] =	stream.linear.scatter [tilespmem:s24], [sflag:$0x1], $0x2000, $0x38;
	[tilespmem:$0x15000] =	vst v63  }
0x5a: {  	_ =	swait.ge [sflag:s23], $0x2000  }
0x5b: {  	[sflag:s23] =	ssyncset.done $0x0  }
0x5c: {  	[sflag:s23] =	ssyncadd.s32 $0xFFFFE000  }
0x5d: {  	[spmem:s13] =	stream.linear.scatter [tilespmem:s24], [sflag:$0x1], $0x2000, $0x38;
	[tilespmem:$0x15000] =	vst v63  }
0x5e: {  	_ =	swait.ge [sflag:s23], $0x2000  }
0x5f: {  	[sflag:s23] =	ssyncset.done $0x0  }
0x60: {  	[sflag:s23] =	ssyncadd.s32 $0xFFFFE000  }
0x61: {  	[spmem:s14] =	stream.linear.scatter [tilespmem:s24], [sflag:$0x1], $0x2000, $0x38;
	[tilespmem:$0x15000] =	vst v63  }
0x62: {  	_ =	swait.ge [sflag:s23], $0x2000  }
0x63: {  	[sflag:s23] =	ssyncset.done $0x0  }
0x64: {  	[sflag:s23] =	ssyncadd.s32 $0xFFFFE000  }
0x65: {  	[spmem:s15] =	stream.linear.scatter [tilespmem:s24], [sflag:$0x1], $0x2000, $0x38;
	[tilespmem:$0x15000] =	vst v63  }
0x66: {  	_ =	swait.ge [sflag:s23], $0x2000  }
0x67: {  	[sflag:s23] =	ssyncset.done $0x0  }
0x68: {  	[sflag:s23] =	ssyncadd.s32 $0xFFFFE000  }
0x69: {  	[spmem:s16] =	stream.linear.scatter [tilespmem:s24], [sflag:$0x1], $0x2000, $0x38;
	[tilespmem:$0x15000] =	vst v63  }
0x6a: {  	_ =	swait.ge [sflag:s23], $0x2000  }
0x6b: {  	[sflag:s23] =	ssyncset.done $0x0  }
0x6c: {  	[sflag:s23] =	ssyncadd.s32 $0xFFFFE000  }
0x6d: {  	s29 =	simm.s32 $0x0;
	[bflag:$0x0] =	sbarrier.arrive $0xFFFF  }
0x6e: {  	[spmem:s2] =	stream.indirect.scatter.add.f32 [tilespmem:s26], [sflag:$0x1], $0x80, s29, s25, $0xb8;
	[tilespmem:$0x15000] =	vst v63  }
0x6f: {  	_ =	swait.ge [sflag:s23], $0x4000  }
0x70: {  	s29 =	simm.s32 $0x200;
	[sflag:s23] =	ssyncset.done $0x0  }
.LBB2_8:
0x71: {  	s30 =	sshra.s32 s29, $0x2;
	[sflag:s23] =	ssyncadd.s32 $0xFFFFC000;
	p1 =	sne.s32 s29, $0x13800  }
0x72: {  	[spmem:s2] =	stream.indirect.scatter.add.f32 [tilespmem:s26], [sflag:$0x1], $0x80, s30, s25, $0xb8;
	[tilespmem:$0x15000] =	vst v63  }
.Ltmp3:
0x73: {  	_ = 	snop;
	(pc) =	sbr.rel @p1 .LBB2_8-.Ltmp3, $4  }
0x74: {  	_ = 	snop  }
0x75: {  	s29 =	sadd.s32 $0x200, s29  }
0x76: {  	_ =	swait.ge [sflag:s23], $0x4000  }
0x77: {  	[sflag:s23] =	ssyncset.done $0x0  }
0x78: {  	[sflag:s23] =	ssyncadd.s32 $0xFFFFC000  }
0x79: {  	[bflag:$0x0] =	sbarrier.arrive $0xFFFF  }
0x7a: {  	[tilespmem:s24], [sflag:$0x1] =	stream.linear.gather [spmem:s6], $0x2000, $0x38;
	[tilespmem:$0x15000] =	vst v63  }
0x7b: {  	_ =	swait.ge [sflag:s23], $0x2000  }
0x7c: {  	[sflag:s23] =	ssyncset.done $0x0  }
0x7d: {  	[sflag:s23] =	ssyncadd.s32 $0xFFFFE000  }
0x7e: {  	[hbm4b:s8+s3] =	stream.linear.scatter [tilespmem:s24], [sflag:$0x1], $0x2000, $0x38;
	[tilespmem:$0x15000] =	vst v63  }
0x7f: {  	_ =	swait.ge [sflag:s23], $0x2000  }
0x80: {  	[sflag:s23] =	ssyncset.done $0x0  }
0x81: {  	[sflag:s23] =	ssyncadd.s32 $0xFFFFE000  }
0x82: {  	[tilespmem:s24], [sflag:$0x1] =	stream.linear.gather [spmem:s17], $0x2000, $0x38;
	[tilespmem:$0x15000] =	vst v63  }
0x83: {  	_ =	swait.ge [sflag:s23], $0x2000  }
0x84: {  	[sflag:s23] =	ssyncset.done $0x0  }
0x85: {  	[sflag:s23] =	ssyncadd.s32 $0xFFFFE000  }
0x86: {  	[hbm4b:s18+s3] =	stream.linear.scatter [tilespmem:s24], [sflag:$0x1], $0x2000, $0x38;
	[tilespmem:$0x15000] =	vst v63  }
0x87: {  	_ =	swait.ge [sflag:s23], $0x2000  }
0x88: {  	[sflag:s23] =	ssyncset.done $0x0  }
0x89: {  	[sflag:s23] =	ssyncadd.s32 $0xFFFFE000  }
0x8a: {  	[tilespmem:s24], [sflag:$0x1] =	stream.linear.gather [spmem:s19], $0x2000, $0x38;
	[tilespmem:$0x15000] =	vst v63  }
0x8b: {  	_ =	swait.ge [sflag:s23], $0x2000  }
0x8c: {  	[sflag:s23] =	ssyncset.done $0x0  }
0x8d: {  	[sflag:s23] =	ssyncadd.s32 $0xFFFFE000  }
0x8e: {  	[hbm4b:s20+s3] =	stream.linear.scatter [tilespmem:s24], [sflag:$0x1], $0x2000, $0x38;
	[tilespmem:$0x15000] =	vst v63  }
0x8f: {  	_ =	swait.ge [sflag:s23], $0x2000  }
0x90: {  	[sflag:s23] =	ssyncset.done $0x0  }
0x91: {  	[sflag:s23] =	ssyncadd.s32 $0xFFFFE000  }
0x92: {  	[tilespmem:s24], [sflag:$0x1] =	stream.linear.gather [spmem:s21], $0x2000, $0x38;
	[tilespmem:$0x15000] =	vst v63  }
0x93: {  	_ =	swait.ge [sflag:s23], $0x2000  }
0x94: {  	[sflag:s23] =	ssyncset.done $0x0  }
0x95: {  	[sflag:s23] =	ssyncadd.s32 $0xFFFFE000  }
0x96: {  	[hbm4b:s22+s3] =	stream.linear.scatter [tilespmem:s24], [sflag:$0x1], $0x2000, $0x38;
	[tilespmem:$0x15000] =	vst v63  }
0x97: {  	_ =	swait.ge [sflag:s23], $0x2000  }
0x98: {  	[sflag:s23] =	ssyncset.done $0x0  }
0x99: {  	[sflag:s23] =	ssyncadd.s32 $0xFFFFE000  }
0x9a: {  	[tilespmem:s24], [sflag:$0x1] =	stream.linear.gather [spmem:s7], $0x1C00, $0x38;
	[tilespmem:$0x15000] =	vst v63  }
0x9b: {  	_ =	swait.ge [sflag:s23], $0x1C00  }
0x9c: {  	[sflag:s23] =	ssyncset.done $0x0  }
0x9d: {  	[sflag:s23] =	ssyncadd.s32 $0xFFFFE400  }
0x9e: {  	[hbm4b:s9+s3] =	stream.linear.scatter [tilespmem:s24], [sflag:$0x1], $0x1C00, $0x38;
	[tilespmem:$0x15000] =	vst v63  }
0x9f: {  	_ =	swait.ge [sflag:s23], $0x1C00  }
0xa0: {  	[sflag:s23] =	ssyncset.done $0x0  }
0xa1: {  	s29 =	simm.s32 @!p0 $0x9000;
	s30 =	simm.s32 @!p0 $0x1;
	[sflag:s23] =	ssyncadd.s32 $0xFFFFE400  }
0xa2: {  	[tilespmem:s29], [sflag:$0x1] =	stream.linear.gather @!p0 [spmem:s10], $0x2000, $0x38;
	[tilespmem:$0x15000] =	vst v63  }
0xa3: {  	s28 =	sadd.s32 $0x1, s28;
	_ =	swait.ge @!p0 [sflag:s30], $0x2000  }
0xa4: {  	p1 =	sne.s32 s28, s12;
	[sflag:s30] =	ssyncset.done @!p0 $0x0  }
.Ltmp4:
0xa5: {  	s31 =	simm.s32 @!p0 $0x0;
	[sflag:s30] =	ssyncadd.s32 @!p0 $0xFFFFE000;
	(pc) =	sbr.rel @p1 .LBB2_1-.Ltmp4, $4  }
0xa6: {  	[hbm4b:s11+s31] =	stream.linear.scatter @!p0 [tilespmem:s29], [sflag:$0x1], $0x2000, $0x38;
	[tilespmem:$0x15000] =	vst v63  }
0xa7: {  	_ =	swait.ge @!p0 [sflag:s30], $0x2000  }
0xa8: {  	[sflag:s30] =	ssyncset.done @!p0 $0x0  }
0xa9: {  	[sflag:s30] =	ssyncadd.s32 @!p0 $0xFFFFE000  }
0xaa: {  	_ =	sfence.sel $0x180000  }
0xab: {  	[bflag:$0x0] =	sbarrier.arrive $0xFFFF  }
0xac: {  	p0 =	sne.s32 s0, $0x0;
	_ =	strace $0x90000047  }
0xad: {  	s0 =	sadd.s32 @!p0 $0x100000, s1;
	[bflag:$0x2] =	sbarrier.arrive $0xFFFF  }
0xae: {  	[sflag:s0] =	ssyncadd.tile.s32 @!p0 $0x1;
	_ =	shalt  }
.Lfunc_end2:
_tile_overlayer_lowered:
.L_overlay_start_2:
0xaf: {  	(tag) =	ssettag $0x2  }
0xb0: {  	s0 =	rddreg [dreg:$0x0];
	s2 =	stileid.u32  }
0xb1: {  	s1 =	rddreg [dreg:$0x1];
	p0 =	sne.s32 s2, $0x0  }
0xb2: {  	s3 =	rddreg [dreg:$0x2];
	[bflag:$0x3] =	sbarrier.arrive $0xFFFF;
	s2 =	simm.s32 @!p0 $0x1C01  }
0xb3: {  	[timem:s3], [sflag:s2] =	dma.local @!p0 [hbm:s0], s1  }
0xb4: {  	s0 =	simm.s32 @!p0 $0x1  }
0xb5: {  	_ =	swait.ge @!p0 [sflag:s0], s1  }
0xb6: {  	s1 =	ssub.s32 @!p0 $0x0, s1;
	[sflag:s0] =	ssyncset.done @!p0 $0x0  }
0xb7: {  	[sflag:s0] =	ssyncadd.s32 @!p0 s1  }
0xb8: {  	[bflag:$0x3] =	sbarrier.arrive $0xFFFF  }
0xb9: {  	_ =	shalt  }

// kernel: kernel.18.cloned.1.call-start
scs
__scs_entry_jumppad:
0x0: {  	(pc) =	sbr.rel $0x88, $3  }
0x1: {  	(tag) =	ssettag $0x0;
	lr =	simm.s32 $0x1  }
0x2: {  	[smem:$0x3F94] =	sst lr;
	_ =	strace $0xD0000000  }
0x3: {  	_ = 	snop  }
0x4: {  	_ = 	snop  }
0x5: {  	_ = 	snop  }
0x6: {  	_ = 	snop  }
0x7: {  	_ = 	snop  }
__scs_overlays_trampoline_lowered:
0x8: {  	[smem:$0x3FA3] =	sst s0  }
0x9: {  	[smem:$0x3FA4] =	sst s1  }
0xa: {  	[smem:$0x3FA5] =	sst s2  }
0xb: {  	[smem:$0x3FA6] =	sst s3  }
0xc: {  	[smem:$0x3FA7] =	sst s4  }
0xd: {  	[smem:$0x3FA8] =	sst s5  }
0xe: {  	[smem:$0x3FA9] =	sst s6  }
0xf: {  	[smem:$0x3FAA] =	sst s7  }
0x10: {  	[smem:$0x3FAB] =	sst s8  }
0x11: {  	[smem:$0x3FAC] =	sst s9;
	s0 =	simm.s32 @!p0 $0x0  }
0x12: {  	s1 =	sld [smem:$0x3F92];
	s0 =	simm.s32 @p0 $0x1  }
0x13: {  	[smem:$0x3FAD] =	sst s0;
	s0 =	simm.s32 @!p1 $0x0  }
0x14: {  	s2 =	sld [smem:$0x3F91];
	s0 =	simm.s32 @p1 $0x1  }
0x15: {  	[smem:$0x3FAE] =	sst s0;
	s0 =	simm.s32 @!p2 $0x0  }
0x16: {  	s3 =	sld [smem:$0x3FDB];
	s0 =	simm.s32 @p2 $0x1  }
0x17: {  	s4 =	simm.s32 $0x1BF5;
	[smem:$0x3FB0] =	sst s0  }
0x18: {  	s0 =	sld [smem:$0x3F93];
	_ =	swait.ge [sflag:s4], $0x0  }
0x19: {  	s7 =	sld [smem:$0x3F94]  }
0x1a: {  	s8 =	sadd.s32 $0xFFFFE003, lr  }
0x1b: {  	s9 =	sadd.s32 $0xFFFFFEF7, lr;
	s5 =	simm.s32 $0xFFFFFFFF;
	p2 =	slt.u32 s8, $0xFFFFF086  }
0x1c: {  	p1 =	slt.u32 s9, $0xF7A;
	s5 =	simm.s32 @!p2 $0x0  }
0x1d: {  	s5 =	simm.s32 @p1 $0x1;
	p0 =	seq.s32 s7, s2  }
0x1e: {  	s7 =	smul.u32 @!p0 $0xF7A, s2;
	p2 =	seq.s32 @!p0 s5, $0x0  }
0x1f: {  	s9 =	smul.u32 $0xF7A, s1;
	s8 =	simm.s32 @!p0 $0x1BF5;
	p2 =	por !p2, p0  }
0x20: {  	[sflag:s8] =	ssyncset.s32 @!p0 $0xFFFFF086;
	s6 =	sadd.s32 @!p0 s3, s7;
	s7 =	simm.s32 @!p0 $0x108  }
0x21: {  	s3 =	sadd.s32 s3, s9;
	s6 =	sadd.s32 @!p0 $0x88, s6;
	s7 =	simm.s32 @p2 $0x1082  }
0x22: {  	[simem:s7], [sflag:s8] =	dma.local @!p0 [hbm:s6], $0xF7A  }
0x23: {  	s9 =	sor.u32 $0xD0000000, s2;
	s6 =	simm.s32 $0x108;
	_ =	swait.ge @!p0 [sflag:s8], $0x0  }
0x24: {  	s3 =	sadd.s32 $0x88, s3;
	s6 =	simm.s32 @!p1 $0x1082;
	[sflag:s4] =	ssyncset.s32 $0xFFFFF086  }
0x25: {  	[simem:s6], [sflag:s4] =	dma.local [hbm:s3], $0xF7A  }
0x26: {  	[smem:$0x3F94] =	sst s1;
	(tag) =	ssettag s2;
	_ =	strace s9  }
0x27: {  	s1 =	sld [smem:$0x3FA4]  }
0x28: {  	s2 =	sld [smem:$0x3FA5]  }
0x29: {  	s4 =	sld [smem:$0x3FA7]  }
0x2a: {  	p0 =	seq.s32 s5, $0x0;
	s5 =	sld [smem:$0x3FA8]  }
0x2b: {  	s6 =	sld [smem:$0x3FA9]  }
0x2c: {  	s7 =	sld [smem:$0x3FAA]  }
0x2d: {  	s3 =	simm.s32 $0x108;
	s8 =	sld [smem:$0x3FAB]  }
0x2e: {  	s3 =	simm.s32 @!p0 $0x1082;
	s9 =	sld [smem:$0x3FAC]  }
0x2f: {  	lr =	sadd.s32 s0, s3;
	s0 =	sld [smem:$0x3FA3]  }
0x30: {  	s3 =	sld [smem:$0x3FA6]  }
0x31: {  	[smem:$0x3FAF] =	sst s10  }
0x32: {  	s10 =	sld [smem:$0x3FAD];
	_ =	sdelay $0x3  }
0x33: {  	p0 =	seq.s32 s10, $0x1;
	s10 =	sld [smem:$0x3FAF];
	_ =	sdelay $0x3  }
0x34: {  	[smem:$0x3FAF] =	sst s10  }
0x35: {  	s10 =	sld [smem:$0x3FAE];
	_ =	sdelay $0x3  }
0x36: {  	p1 =	seq.s32 s10, $0x1;
	s10 =	sld [smem:$0x3FAF];
	_ =	sdelay $0x3  }
0x37: {  	[smem:$0x3FAF] =	sst s10  }
0x38: {  	s10 =	sld [smem:$0x3FB0]  }
0x39: {  	_ = 	snop;
	(pc) =	sbr.ind lr, $3  }
0x3a: {  	_ = 	snop  }
0x3b: {  	_ = 	snop  }
0x3c: {  	p2 =	seq.s32 s10, $0x1;
	s10 =	sld [smem:$0x3FAF]  }
0x3d: {  	_ =	shalt  }
0x3e: {  	_ =	shalt  }
0x3f: {  	_ =	shalt  }
0x40: {  	_ =	shalt  }
0x41: {  	_ =	shalt  }
0x42: {  	_ =	shalt  }
0x43: {  	_ =	shalt  }
0x44: {  	_ =	shalt  }
0x45: {  	_ =	shalt  }
0x46: {  	_ =	shalt  }
0x47: {  	_ =	shalt  }
0x48: {  	_ =	shalt  }
0x49: {  	_ =	shalt  }
0x4a: {  	_ =	shalt  }
0x4b: {  	_ =	shalt  }
0x4c: {  	_ =	shalt  }
0x4d: {  	_ =	shalt  }
0x4e: {  	_ =	shalt  }
0x4f: {  	_ =	shalt  }
0x50: {  	_ =	shalt  }
0x51: {  	_ =	shalt  }
0x52: {  	_ =	shalt  }
0x53: {  	_ =	shalt  }
0x54: {  	_ =	shalt  }
0x55: {  	_ =	shalt  }
0x56: {  	_ =	shalt  }
0x57: {  	_ =	shalt  }
0x58: {  	_ =	shalt  }
0x59: {  	_ =	shalt  }
0x5a: {  	_ =	shalt  }
0x5b: {  	_ =	shalt  }
0x5c: {  	_ =	shalt  }
0x5d: {  	_ =	shalt  }
0x5e: {  	_ =	shalt  }
0x5f: {  	_ =	shalt  }
0x60: {  	_ =	shalt  }
0x61: {  	_ =	shalt  }
0x62: {  	_ =	shalt  }
0x63: {  	_ =	shalt  }
0x64: {  	_ =	shalt  }
0x65: {  	_ =	shalt  }
0x66: {  	_ =	shalt  }
0x67: {  	_ =	shalt  }
0x68: {  	_ =	shalt  }
0x69: {  	_ =	shalt  }
0x6a: {  	_ =	shalt  }
0x6b: {  	_ =	shalt  }
0x6c: {  	_ =	shalt  }
0x6d: {  	_ =	shalt  }
0x6e: {  	_ =	shalt  }
0x6f: {  	_ =	shalt  }
0x70: {  	_ =	shalt  }
0x71: {  	_ =	shalt  }
0x72: {  	_ =	shalt  }
0x73: {  	_ =	shalt  }
0x74: {  	_ =	shalt  }
0x75: {  	_ =	shalt  }
0x76: {  	_ =	shalt  }
0x77: {  	_ =	shalt  }
0x78: {  	_ =	shalt  }
0x79: {  	_ =	shalt  }
0x7a: {  	_ =	shalt  }
0x7b: {  	_ =	shalt  }
0x7c: {  	_ =	shalt  }
0x7d: {  	_ =	shalt  }
0x7e: {  	_ =	shalt  }
0x7f: {  	_ =	shalt  }
0x80: {  	_ =	shalt  }
0x81: {  	_ =	shalt  }
0x82: {  	_ =	shalt  }
0x83: {  	_ =	shalt  }
0x84: {  	_ =	shalt  }
0x85: {  	_ =	shalt  }
0x86: {  	_ =	shalt  }
0x87: {  	_ =	shalt  }
.Lfunc_end0:
.L_simem_size_0:
called_computation.2_lowered:
.L_overlay_start_0:
0x88: {  	s2 =	sld [smem:$0x3FD9]  }
0x89: {  	s3 =	sld [smem:$0x3FFE];
	_ =	sdelay $0x1  }
0x8a: {  	s1 =	srdreg.scid  }
0x8b: {  	s0 =	sand.u32 $0x1, s1  }
0x8c: {  	s16 =	sshll.u32 s0, $0xA;
	s2 =	sadd.s32 s3, s2  }
0x8d: {  	s2 =	sadd.s32 s2, s16  }
0x8e: {  	[smem:$0x3FBB] =	sst s2  }
0x8f: {  	_ = 	snop  }
0x90: {  	(tm) =	ssettm $0x1  }
0x91: {  	s17 =	sld [smem:$0x3FFB];
	_ =	sdelay $0x3  }
0x92: {  	_ =	strace s17  }
0x93: {  	s2 =	sld [smem:$0x3FFC];
	_ =	sdelay $0x3  }
0x94: {  	_ =	strace s2  }
0x95: {  	s2 =	sld [smem:$0x3FFD];
	_ =	sdelay $0x3  }
0x96: {  	_ =	strace s2  }
0x97: {  	_ =	strace $0x8FFFFFFF  }
0x98: {  	s18 =	sld [smem:$0x3FDB];
	_ =	sdelay $0x1  }
0x99: {  	s19 =	simm.s32 $_scs_section_size  }
0x9a: {  	s4 =	simm.s32 $_size__tile_overlayer_lowered;
	s5 =	simm.s32 $_tile_overlayer_lowered  }
0x9b: {  	s22 =	simm.s32 $0x1BFF;
	s21 =	sshll.u32 s5, $0x1;
	s2 =	sadd.s32 s19, s18  }
0x9c: {  	s6 =	simm.s32 $0x0;
	s20 =	sshll.u32 s4, $0x1;
	s4 =	sadd.s32 s21, s2  }
0x9d: {  	[timem:s6], [sflag:s22] =	dma.local [hbm:s4], s20  }
0x9e: {  	_ =	swait.ge [sflag:s22], s20  }
0x9f: {  	s3 =	ssub.s32 $0x0, s20;
	[sflag:s22] =	ssyncset.done $0x0  }
0xa0: {  	[sflag:s22] =	ssyncadd.s32 s3;
	_ =	sdelay $0x1  }
0xa1: {  	s23 =	simm.s32 $0x1B8B  }
0xa2: {  	_ =	swait.ge [sflag:s23], $0x1  }
0xa3: {  	[sflag:s23] =	ssyncset.done $0x0  }
0xa4: {  	s25 =	simm.s32 $0x1B8E;
	s24 =	sld [smem:$0x3FFE];
	[sflag:s23] =	ssyncadd.s32 $0xFFFFFFFF  }
0xa5: {  	s26 =	simm.s32 $execute0_lowered;
	[smem:$0x3FD2] =	sst s25  }
0xa6: {  	s4 =	sshll.u32 s26, $0x1;
	_ =	strace $0x80000049;
	[dreg:$0x1] =	wrdreg $0xFFFFFFFF  }
0xa7: {  	s28 =	simm.s32 $_size_execute0_lowered;
	s2 =	sadd.s32 s2, s4;
	[dreg:$0x0] =	wrdreg $0x0  }
0xa8: {  	s4 =	sshll.u32 s28, $0x1;
	[dreg:$0x2] =	wrdreg s2  }
0xa9: {  	[dreg:$0x3] =	wrdreg s4  }
0xaa: {  	[dreg:$0x4] =	wrdreg $0xC0  }
0xab: {  	_ =	task [dreg:s6], $0x5FFFF  }
0xac: {  	[dreg:$0x1] =	wrdreg $0xFFFFFFFF  }
0xad: {  	[dreg:$0x0] =	wrdreg $0x60  }
0xae: {  	[dreg:$0x2] =	wrdreg s24  }
0xaf: {  	[dreg:$0x3] =	wrdreg $0x160000  }
0xb0: {  	[dreg:$0x4] =	wrdreg $0x9  }
0xb1: {  	_ =	task.clear_ibuf [dreg:s6], $0x5FFFF;
	_ =	strace $0x90000049  }
0xb2: {  	s29 =	simm.s32 $0x9;
	_ =	strace $0x8000004B  }
0xb3: {  	_ =	swait.ge [sflag:s29], $0x1  }
0xb4: {  	[sflag:s29] =	ssyncadd.s32 $0xFFFFFFFF  }
0xb5: {  	_ =	strace $0x9000004B  }
0xb6: {  	_ =	sfence  }
0xb7: {  	s30 =	sld [smem:$0x0];
	_ =	sdelay $0x2  }
0xb8: {  	s31 =	sshll.u32 s1, $0xD;
	s1 =	sshrl.u32 s1, $0x2  }
0xb9: {  	s3 =	sand.u32 $0x4000, s31;
	s1 =	sadd.s32 s1, s30  }
0xba: {  	s0 =	sor.u32 s3, s0;
	s1 =	sshll.u32 s1, $0x11  }
0xbb: {  	s0 =	sor.u32 s1, s0  }
0xbc: {  	s0 =	sadd.s32 $0x8F2B, s0  }
0xbd: {  	[sflag:s0] =	ssyncadd.remote.s32 $0x1  }
0xbe: {  	_ =	sfence.sel $0xFFFF  }
0xbf: {  	[dreg:$0x0] =	wrdreg $0xFFFFFFFF;
	(pc) =	sbr.abs _section_cstart, $3  }
0xc0: {  	[dreg:$0x1] =	wrdreg $0xFFFFFFFF  }
0xc1: {  	_ =	task.clear_ibuf [dreg:s6], $0x2FFFF;
	_ =	strace $0x9FFFFFFF  }
0xc2: {  	(tm) =	ssettm $0x7FFFFFFF  }
0xc3: {  	_ =	shalt  }
tec
execute0_lowered:
.L_overlay_start_1:
0x0: {  	(tag) =	ssettag $0x1  }
0x1: {  	s0 =	rddreg [dreg:$0x0];
	s1 =	srdreg.scid  }
0x2: {  	s11 =	stileid.u32;
	s2 =	rddreg [dreg:$0x1]  }
0x3: {  	s3 =	simm.s32 $0x0;
	s28 =	simm.s32 $0x12000;
	s29 =	simm.s32 $0x80  }
0x4: {  	s30 =	simm.s32 $0xA000;
	s31 =	simm.s32 $0xE000;
	s8 =	smul.u32 $0x28000, s11  }
0x5: {  	s1 =	sand.u32 $0x1, s1;
	s4 =	sshll.u32 s11, $0x1;
	s10 =	smul.u32 $0x138, s11  }
0x6: {  	[smem:$0x7FF] =	sst s3;
	s21 =	smul.u32 $0x27000, s11;
	s26 =	sadd.s32 $0x9C000, s2  }
0x7: {  	p0 =	sne.s32 s11, $0xF;
	s4 =	sor.u32 s1, s4;
	s6 =	smul.u32 $0x13C0, s1  }
0x8: {  	_ =	strace $0x8000004A;
	s7 =	ssub.s32 $0x2, s1;
	s1 =	smul.u32 $0x9E000, s1  }
0x9: {  	[dreg:$0x7] =	wrdreg s26;
	s26 =	simm.s32 $0x14000;
	s5 =	smul.u32 $0xA00, s4  }
0xa: {  	s4 =	sadd.s32 $0x1A200, s0;
	s9 =	sshrl.u32 s7, $0x1;
	s22 =	sshrl.u32 s8, $0x2  }
0xb: {  	s23 =	sshrl.u32 s21, $0x2;
	s9 =	ssub.s32 s7, s9;
	s10 =	sadd.s32 s10, s6  }
0xc: {  	s7 =	sadd.s32 s22, s2;
	s8 =	sadd.s32 s23, s2;
	s1 =	sshrl.u32 s1, $0x3  }
0xd: {  	s5 =	sadd.s32 s5, s0;
	s0 =	sadd.s32 $0x55A00, s0;
	s24 =	sshll.u32 s10, $0x4  }
0xe: {  	s25 =	sadd.s32 $0x8000, s8;
	s14 =	smax.u32 s9, $0x1;
	s15 =	sadd.s32 $0x2000, s7  }
0xf: {  	s16 =	sadd.s32 $0x4000, s7;
	s17 =	sadd.s32 $0x6000, s7;
	s18 =	sadd.s32 $0x8000, s7  }
0x10: {  	s19 =	sadd.s32 $0x2000, s8;
	s21 =	sadd.s32 $0x4000, s8;
	s23 =	sadd.s32 $0x6000, s8  }
0x11: {  	s12 =	sadd.s32 $0x41A00, s5;
	s5 =	sadd.s32 $0x6200, s5;
	[dreg:$0x5] =	wrdreg s25  }
0x12: {  	s10 =	sadd.s32 s0, s24;
	s0 =	sadd.s32 s0, s1;
	[dreg:$0x3] =	wrdreg s12  }
0x13: {  	s25 =	simm.s32 $0x3;
	s1 =	simm.s32 $0x1;
	[dreg:$0x4] =	wrdreg s5  }
0x14: {  	s5 =	sadd.s32 $0x1000, s10;
	s0 =	sadd.s32 $0x13800, s0;
	s20 =	sadd.s32 $0x400, s10  }
0x15: {  	s22 =	sadd.s32 $0x800, s10;
	s24 =	sadd.s32 $0xC00, s10;
	[dreg:$0x6] =	wrdreg s5  }
0x16: {  	v1 =	vimm.f32 $0.0e+00;
	v0 =	vmov s6;
	[dreg:$0x8] =	wrdreg s0;
	s0 =	simm.s32 $0x2;
	s5 =	simm.s32 $0x0  }
.LBB2_1:
0x17: {  	s6 =	rddreg [dreg:$0x3]  }
0x18: {  	[tilespmem:s3], [sflag:$0x3] =	stream.linear.gather [hbm4b:s6+s3], $0x4E80, $0x38;
	v63 =	vld [tilespmem:$0x0]  }
0x19: {  	_ =	swait.ge [sflag:s25], $0x4E80  }
0x1a: {  	[sflag:s25] =	ssyncset.done $0x0  }
0x1b: {  	s9 =	simm.s32 $0x5000;
	s13 =	rddreg [dreg:$0x4];
	[sflag:s25] =	ssyncadd.s32 $0xFFFFB180  }
0x1c: {  	[tilespmem:s9], [sflag:$0x3] =	stream.linear.gather [hbm4b:s13+s3], $0x4E80, $0x38;
	v63 =	vld [tilespmem:$0x0]  }
0x1d: {  	_ =	swait.ge [sflag:s25], $0x4E80  }
0x1e: {  	[sflag:s25] =	ssyncset.done $0x0  }
0x1f: {  	s6 =	simm.s32 $0x0;
	s9 =	simm.s32 $0x200;
	[sflag:s25] =	ssyncadd.s32 $0xFFFFB180  }
.LBB2_2:
0x20: {  	p1 =	sne.s32 s9, $0x7E00;
	[tilespmem:s6+$0x12070] =	vst v1  }
0x21: {  	[tilespmem:s6+$0x12000] =	vst v1  }
0x22: {  	[tilespmem:s6+$0x12010] =	vst v1  }
.Ltmp0:
0x23: {  	[tilespmem:s6+$0x12020] =	vst v1;
	(pc) =	sbr.rel @p1 .LBB2_2-.Ltmp0, $4  }
0x24: {  	[tilespmem:s6+$0x12030] =	vst v1  }
0x25: {  	[tilespmem:s6+$0x12040] =	vst v1  }
0x26: {  	[tilespmem:s6+$0x12050] =	vst v1  }
0x27: {  	[tilespmem:s6+$0x12060] =	vst v1;
	s6 =	sshra.s32 s9, $0x2;
	s9 =	sadd.s32 $0x200, s9  }
0x28: {  	[tilespmem:s6+$0x12070] =	vst v1  }
0x29: {  	[tilespmem:s6+$0x12000] =	vst v1  }
0x2a: {  	[tilespmem:s6+$0x12010] =	vst v1  }
0x2b: {  	[tilespmem:s6+$0x12020] =	vst v1  }
0x2c: {  	[tilespmem:s6+$0x12030] =	vst v1  }
0x2d: {  	[tilespmem:s6+$0x12040] =	vst v1  }
0x2e: {  	[tilespmem:s6+$0x12050] =	vst v1  }
0x2f: {  	[tilespmem:s6+$0x12060] =	vst v1;
	s6 =	simm.s32 $0x70  }
0x30: {  	v2 =	vld [tilespmem:s6+$0x4F90]  }
0x31: {  	v3 =	vld [tilespmem:s6+$0x4FA0];
	_ =	sdelay $0x2  }
0x32: {  	v4 =	vld [tilespmem:s6+$0x4FB0]  }
0x33: {  	v9 =	vld [tilespmem:s6+$0x4FC0]  }
0x34: {  	v5 =	vsub.s32 v2, v0;
	v2 =	vand.u32 $0x3F, v2;
	v7 =	vsub.s32 v3, v0  }
0x35: {  	v6 =	vld [tilespmem:s6+$0x4FD0];
	v3 =	vand.u32 $0x3F, v3;
	vm0 =	vlt.u32 v5, $0x13C0;
	v2 =	vor.u32 $0x13C0, v2  }
0x36: {  	v5 =	vsel vm0, v5, v2;
	vm0 =	vlt.u32 v7, $0x13C0;
	v2 =	vor.u32 $0x13C0, v3  }
0x37: {  	v3 =	vsel vm0, v7, v2;
	v7 =	vsub.s32 v4, v0;
	v2 =	vand.u32 $0x3F, v4;
	v4 =	vld [tilespmem:s6+$0x4FE0]  }
0x38: {  	v8 =	vsub.s32 v9, v0;
	vm0 =	vlt.u32 v7, $0x13C0;
	v10 =	vor.u32 $0x13C0, v2;
	v2 =	vld [tilespmem:s6+$0x4FF0]  }
0x39: {  	s9 =	simm.s32 $0x3C0;
	v9 =	vand.u32 $0x3F, v9;
	v7 =	vsel vm0, v7, v10;
	vm0 =	vlt.u32 v8, $0x13C0  }
.LBB2_4:
0x3a: {  	p1 =	sne.s32 s9, $0x139C0;
	v9 =	vor.u32 $0x13C0, v9;
	v10 =	vsub.s32 v6, v0;
	v6 =	vand.u32 $0x3F, v6;
	v11 =	vld [tilespmem:s6+$0x5000]  }
0x3b: {  	s11 =	sshra.s32 s9, $0x2;
	[tilespmem:s6+$0x4F90] =	vst v5;
	v5 =	vsel vm0, v8, v9;
	vm0 =	vlt.u32 v10, $0x13C0;
	v6 =	vor.u32 $0x13C0, v6  }
0x3c: {  	v8 =	vld [tilespmem:s11+$0x4F90];
	[tilespmem:s6+$0x4FA0] =	vst v3;
	v3 =	vsel vm0, v10, v6;
	v6 =	vsub.s32 v4, v0;
	v4 =	vand.u32 $0x3F, v4  }
0x3d: {  	[tilespmem:s6+$0x4FB0] =	vst v7;
	vm0 =	vlt.u32 v6, $0x13C0;
	v4 =	vor.u32 $0x13C0, v4;
	v7 =	vsub.s32 v2, v0  }
0x3e: {  	v2 =	vand.u32 $0x3F, v2;
	v9 =	vld [tilespmem:s11+$0x4FA0];
	[tilespmem:s6+$0x4FC0] =	vst v5;
	v4 =	vsel vm0, v6, v4;
	vm0 =	vlt.u32 v7, $0x13C0  }
0x3f: {  	v2 =	vor.u32 $0x13C0, v2;
	[tilespmem:s6+$0x4FD0] =	vst v3;
	v3 =	vsub.s32 v11, v0;
	v5 =	vand.u32 $0x3F, v11  }
0x40: {  	v2 =	vsel vm0, v7, v2;
	v10 =	vld [tilespmem:s11+$0x4FB0];
	[tilespmem:s6+$0x4FE0] =	vst v4;
	vm0 =	vlt.u32 v3, $0x13C0;
	v4 =	vor.u32 $0x13C0, v5  }
0x41: {  	v5 =	vsub.s32 v8, v0;
	v11 =	vld [tilespmem:s11+$0x4FC0];
	[tilespmem:s6+$0x4FF0] =	vst v2;
	v2 =	vsel vm0, v3, v4  }
0x42: {  	v3 =	vand.u32 $0x3F, v8;
	vm0 =	vlt.u32 v5, $0x13C0;
	[tilespmem:s6+$0x5000] =	vst v2;
	s6 =	smov.u32 s11  }
.Ltmp1:
0x43: {  	v2 =	vor.u32 $0x13C0, v3;
	v3 =	vsub.s32 v9, v0;
	v4 =	vand.u32 $0x3F, v9;
	v6 =	vld [tilespmem:s6+$0x4FD0];
	(pc) =	sbr.rel @p1 .LBB2_4-.Ltmp1, $4  }
0x44: {  	v5 =	vsel vm0, v5, v2;
	vm0 =	vlt.u32 v3, $0x13C0;
	v2 =	vor.u32 $0x13C0, v4  }
0x45: {  	v3 =	vsel vm0, v3, v2;
	v7 =	vsub.s32 v10, v0;
	v2 =	vand.u32 $0x3F, v10;
	v4 =	vld [tilespmem:s6+$0x4FE0]  }
0x46: {  	vm0 =	vlt.u32 v7, $0x13C0;
	v9 =	vor.u32 $0x13C0, v2;
	v8 =	vsub.s32 v11, v0;
	v2 =	vld [tilespmem:s6+$0x4FF0]  }
0x47: {  	s9 =	sadd.s32 $0x200, s9;
	v7 =	vsel vm0, v7, v9;
	vm0 =	vlt.u32 v8, $0x13C0;
	v9 =	vand.u32 $0x3F, v11  }
0x48: {  	v9 =	vor.u32 $0x13C0, v9;
	v10 =	vsub.s32 v6, v0;
	v56 =	vand.u32 $0x3F, v6;
	v11 =	vld [tilespmem:s6+$0x5000]  }
0x49: {  	[tilespmem:s6+$0x4F90] =	vst v5;
	v57 =	vsel vm0, v8, v9;
	vm12 =	vlt.u32 v10, $0x13C0;
	v6 =	vor.u32 $0x13C0, v56  }
0x4a: {  	[tilespmem:s6+$0x4FA0] =	vst v3;
	v3 =	vsel vm12, v10, v6;
	v58 =	vsub.s32 v4, v0;
	v59 =	vand.u32 $0x3F, v4  }
0x4b: {  	[tilespmem:s6+$0x4FB0] =	vst v7;
	vm13 =	vlt.u32 v58, $0x13C0;
	v4 =	vor.u32 $0x13C0, v59;
	v60 =	vsub.s32 v2, v0  }
0x4c: {  	[tilespmem:s6+$0x4FC0] =	vst v57;
	v2 =	vand.u32 $0x3F, v2;
	v4 =	vsel vm13, v58, v4;
	vm14 =	vlt.u32 v60, $0x13C0  }
0x4d: {  	[tilespmem:s6+$0x4FD0] =	vst v3;
	v2 =	vor.u32 $0x13C0, v2;
	v3 =	vsub.s32 v11, v0;
	v61 =	vand.u32 $0x3F, v11  }
0x4e: {  	[tilespmem:s6+$0x4FE0] =	vst v4;
	v2 =	vsel vm14, v60, v2;
	vm15 =	vlt.u32 v3, $0x13C0;
	v62 =	vor.u32 $0x13C0, v61  }
0x4f: {  	[tilespmem:s6+$0x4FF0] =	vst v2;
	v2 =	vsel vm15, v3, v62  }
0x50: {  	[tilespmem:s6+$0x5000] =	vst v2  }
0x51: {  	[spmem:s7] =	stream.linear.scatter [tilespmem:s28], [sflag:$0x3], $0x2000, $0x38;
	v63 =	vld [tilespmem:$0x0]  }
0x52: {  	_ =	swait.ge [sflag:s25], $0x2000  }
0x53: {  	[sflag:s25] =	ssyncset.done $0x0  }
0x54: {  	[sflag:s25] =	ssyncadd.s32 $0xFFFFE000  }
0x55: {  	[spmem:s15] =	stream.linear.scatter [tilespmem:s28], [sflag:$0x3], $0x2000, $0x38;
	v63 =	vld [tilespmem:$0x0]  }
0x56: {  	_ =	swait.ge [sflag:s25], $0x2000  }
0x57: {  	[sflag:s25] =	ssyncset.done $0x0  }
0x58: {  	[sflag:s25] =	ssyncadd.s32 $0xFFFFE000  }
0x59: {  	[spmem:s16] =	stream.linear.scatter [tilespmem:s28], [sflag:$0x3], $0x2000, $0x38;
	v63 =	vld [tilespmem:$0x0]  }
0x5a: {  	_ =	swait.ge [sflag:s25], $0x2000  }
0x5b: {  	[sflag:s25] =	ssyncset.done $0x0  }
0x5c: {  	[sflag:s25] =	ssyncadd.s32 $0xFFFFE000  }
0x5d: {  	[spmem:s17] =	stream.linear.scatter [tilespmem:s28], [sflag:$0x3], $0x2000, $0x38;
	v63 =	vld [tilespmem:$0x0]  }
0x5e: {  	_ =	swait.ge [sflag:s25], $0x2000  }
0x5f: {  	[sflag:s25] =	ssyncset.done $0x0  }
0x60: {  	[sflag:s25] =	ssyncadd.s32 $0xFFFFE000  }
0x61: {  	[spmem:s18] =	stream.linear.scatter [tilespmem:s28], [sflag:$0x3], $0x2000, $0x38;
	v63 =	vld [tilespmem:$0x0]  }
0x62: {  	_ =	swait.ge [sflag:s25], $0x2000  }
0x63: {  	[sflag:s25] =	ssyncset.done $0x0  }
0x64: {  	[sflag:s25] =	ssyncadd.s32 $0xFFFFE000  }
0x65: {  	s13 =	simm.s32 $0x0;
	[bflag:$0x0] =	sbarrier.arrive $0xFFFF  }
0x66: {  	[tilespmem:s30], [sflag:$0x1] =	stream.indirect.gather [hbm4b:s4+s29], $0x80, s13, s29, $0xb8;
	v63 =	vld [tilespmem:$0x0]  }
0x67: {  	s9 =	simm.s32 $0x80  }
0x68: {  	[tilespmem:s31], [sflag:$0x2] =	stream.indirect.gather [hbm4b:s4+s29], $0x80, s9, s29, $0xb8;
	v63 =	vld [tilespmem:$0x0]  }
0x69: {  	_ =	swait.ge [sflag:s1], $0x4000  }
0x6a: {  	[sflag:s1] =	ssyncset.done $0x0  }
0x6b: {  	s11 =	simm.s32 $0x5000;
	[sflag:s1] =	ssyncadd.s32 $0xFFFFC000  }
0x6c: {  	[spmem:s2] =	stream.indirect.scatter.add.f32 [tilespmem:s30], [sflag:$0x3], $0x80, s11, s29, $0xb8;
	v63 =	vld [tilespmem:$0x0]  }
0x6d: {  	_ =	swait.ge [sflag:s25], $0x4000  }
0x6e: {  	[sflag:s25] =	ssyncset.done $0x0  }
0x6f: {  	s12 =	simm.s32 $0x100;
	[sflag:s25] =	ssyncadd.s32 $0xFFFFC000  }
0x70: {  	[tilespmem:s30], [sflag:$0x1] =	stream.indirect.gather [hbm4b:s4+s29], $0x80, s12, s29, $0xb8;
	v63 =	vld [tilespmem:$0x0]  }
0x71: {  	_ =	swait.ge [sflag:s0], $0x4000  }
0x72: {  	[sflag:s0] =	ssyncset.done $0x0  }
0x73: {  	s13 =	simm.s32 $0x5080;
	[sflag:s0] =	ssyncadd.s32 $0xFFFFC000  }
0x74: {  	[spmem:s2] =	stream.indirect.scatter.add.f32 [tilespmem:s31], [sflag:$0x3], $0x80, s13, s29, $0xb8;
	v63 =	vld [tilespmem:$0x0]  }
0x75: {  	_ =	swait.ge [sflag:s25], $0x4000  }
0x76: {  	s6 =	simm.s32 $0x100;
	s9 =	simm.s32 $0x800;
	[sflag:s25] =	ssyncset.done $0x0  }
.LBB2_6:
0x77: {  	s11 =	sadd.s32 $0x80, s6  }
0x78: {  	[sflag:s25] =	ssyncadd.s32 $0xFFFFC000;
	s12 =	smov.u32 s9;
	s13 =	sadd.s32 $0x400, s9  }
0x79: {  	[tilespmem:s31], [sflag:$0x2] =	stream.indirect.gather [hbm4b:s4+s29], $0x80, s11, s29, $0xb8;
	v63 =	vld [tilespmem:$0x0]  }
0x7a: {  	p1 =	sne.s32 s9, $0x13400;
	_ =	swait.ge [sflag:s1], $0x4000  }
0x7b: {  	[sflag:s1] =	ssyncset.done $0x0  }
0x7c: {  	s9 =	sadd.s32 $0x5000, s6;
	[sflag:s1] =	ssyncadd.s32 $0xFFFFC000  }
0x7d: {  	[spmem:s2] =	stream.indirect.scatter.add.f32 [tilespmem:s30], [sflag:$0x3], $0x80, s9, s29, $0xb8;
	v63 =	vld [tilespmem:$0x0]  }
0x7e: {  	_ =	swait.ge [sflag:s25], $0x4000  }
0x7f: {  	[sflag:s25] =	ssyncset.done $0x0  }
0x80: {  	s9 =	sadd.s32 $0x100, s6;
	[sflag:s25] =	ssyncadd.s32 $0xFFFFC000  }
0x81: {  	[tilespmem:s30], [sflag:$0x1] =	stream.indirect.gather [hbm4b:s4+s29], $0x80, s9, s29, $0xb8;
	v63 =	vld [tilespmem:$0x0]  }
0x82: {  	_ =	swait.ge [sflag:s0], $0x4000  }
.Ltmp2:
0x83: {  	[sflag:s0] =	ssyncset.done $0x0;
	(pc) =	sbr.rel @p1 .LBB2_6-.Ltmp2, $4  }
0x84: {  	s6 =	sadd.s32 $0x5080, s6;
	[sflag:s0] =	ssyncadd.s32 $0xFFFFC000  }
0x85: {  	[spmem:s2] =	stream.indirect.scatter.add.f32 [tilespmem:s31], [sflag:$0x3], $0x80, s6, s29, $0xb8;
	v63 =	vld [tilespmem:$0x0]  }
0x86: {  	_ =	swait.ge [sflag:s25], $0x4000  }
0x87: {  	s9 =	smov.u32 s13;
	s6 =	sshra.s32 s12, $0x2;
	[sflag:s25] =	ssyncset.done $0x0  }
0x88: {  	s9 =	sadd.s32 $0x80, s6;
	[sflag:s25] =	ssyncadd.s32 $0xFFFFC000  }
0x89: {  	[tilespmem:s31], [sflag:$0x2] =	stream.indirect.gather [hbm4b:s4+s29], $0x80, s9, s29, $0xb8;
	v63 =	vld [tilespmem:$0x0]  }
0x8a: {  	_ =	swait.ge [sflag:s1], $0x4000  }
0x8b: {  	[sflag:s1] =	ssyncset.done $0x0  }
0x8c: {  	s12 =	sadd.s32 $0x5000, s6;
	[sflag:s1] =	ssyncadd.s32 $0xFFFFC000  }
0x8d: {  	[spmem:s2] =	stream.indirect.scatter.add.f32 [tilespmem:s30], [sflag:$0x3], $0x80, s12, s29, $0xb8;
	v63 =	vld [tilespmem:$0x0]  }
0x8e: {  	_ =	swait.ge [sflag:s25], $0x4000  }
0x8f: {  	[sflag:s25] =	ssyncset.done $0x0  }
0x90: {  	s13 =	sadd.s32 $0x100, s6;
	[sflag:s25] =	ssyncadd.s32 $0xFFFFC000  }
0x91: {  	[tilespmem:s30], [sflag:$0x1] =	stream.indirect.gather [hbm4b:s4+s29], $0x80, s13, s29, $0xb8;
	v63 =	vld [tilespmem:$0x0]  }
0x92: {  	_ =	swait.ge [sflag:s0], $0x4000  }
0x93: {  	[sflag:s0] =	ssyncset.done $0x0  }
0x94: {  	s9 =	sadd.s32 $0x5080, s6;
	[sflag:s0] =	ssyncadd.s32 $0xFFFFC000  }
0x95: {  	[spmem:s2] =	stream.indirect.scatter.add.f32 [tilespmem:s31], [sflag:$0x3], $0x80, s9, s29, $0xb8;
	v63 =	vld [tilespmem:$0x0]  }
0x96: {  	_ =	swait.ge [sflag:s25], $0x4000  }
0x97: {  	[sflag:s25] =	ssyncset.done $0x0  }
0x98: {  	[sflag:s25] =	ssyncadd.s32 $0xFFFFC000  }
0x99: {  	_ =	swait.ge [sflag:s1], $0x4000  }
0x9a: {  	[sflag:s1] =	ssyncset.done $0x0  }
0x9b: {  	s11 =	simm.s32 $0x9E00;
	[sflag:s1] =	ssyncadd.s32 $0xFFFFC000  }
0x9c: {  	[spmem:s2] =	stream.indirect.scatter.add.f32 [tilespmem:s30], [sflag:$0x3], $0x80, s11, s29, $0xb8;
	v63 =	vld [tilespmem:$0x0]  }
0x9d: {  	_ =	swait.ge [sflag:s25], $0x4000  }
0x9e: {  	[sflag:s25] =	ssyncset.done $0x0  }
0x9f: {  	[sflag:s25] =	ssyncadd.s32 $0xFFFFC000  }
0xa0: {  	[bflag:$0x0] =	sbarrier.arrive $0xFFFF  }
0xa1: {  	[tilespmem:s26], [sflag:$0x3] =	stream.linear.gather [spmem:s8], $0x2000, $0x38;
	v63 =	vld [tilespmem:$0x0]  }
0xa2: {  	_ =	swait.ge [sflag:s25], $0x2000  }
0xa3: {  	[sflag:s25] =	ssyncset.done $0x0  }
0xa4: {  	[sflag:s25] =	ssyncadd.s32 $0xFFFFE000  }
0xa5: {  	[hbm4b:s10+s3] =	stream.linear.scatter [tilespmem:s26], [sflag:$0x3], $0x2000, $0x38;
	v63 =	vld [tilespmem:$0x0]  }
0xa6: {  	_ =	swait.ge [sflag:s25], $0x2000  }
0xa7: {  	[sflag:s25] =	ssyncset.done $0x0  }
0xa8: {  	[sflag:s25] =	ssyncadd.s32 $0xFFFFE000  }
0xa9: {  	[tilespmem:s26], [sflag:$0x3] =	stream.linear.gather [spmem:s19], $0x2000, $0x38;
	v63 =	vld [tilespmem:$0x0]  }
0xaa: {  	_ =	swait.ge [sflag:s25], $0x2000  }
0xab: {  	[sflag:s25] =	ssyncset.done $0x0  }
0xac: {  	[sflag:s25] =	ssyncadd.s32 $0xFFFFE000  }
0xad: {  	[hbm4b:s20+s3] =	stream.linear.scatter [tilespmem:s26], [sflag:$0x3], $0x2000, $0x38;
	v63 =	vld [tilespmem:$0x0]  }
0xae: {  	_ =	swait.ge [sflag:s25], $0x2000  }
0xaf: {  	[sflag:s25] =	ssyncset.done $0x0  }
0xb0: {  	[sflag:s25] =	ssyncadd.s32 $0xFFFFE000  }
0xb1: {  	[tilespmem:s26], [sflag:$0x3] =	stream.linear.gather [spmem:s21], $0x2000, $0x38;
	v63 =	vld [tilespmem:$0x0]  }
0xb2: {  	_ =	swait.ge [sflag:s25], $0x2000  }
0xb3: {  	[sflag:s25] =	ssyncset.done $0x0  }
0xb4: {  	[sflag:s25] =	ssyncadd.s32 $0xFFFFE000  }
0xb5: {  	[hbm4b:s22+s3] =	stream.linear.scatter [tilespmem:s26], [sflag:$0x3], $0x2000, $0x38;
	v63 =	vld [tilespmem:$0x0]  }
0xb6: {  	_ =	swait.ge [sflag:s25], $0x2000  }
0xb7: {  	[sflag:s25] =	ssyncset.done $0x0  }
0xb8: {  	[sflag:s25] =	ssyncadd.s32 $0xFFFFE000  }
0xb9: {  	[tilespmem:s26], [sflag:$0x3] =	stream.linear.gather [spmem:s23], $0x2000, $0x38;
	v63 =	vld [tilespmem:$0x0]  }
0xba: {  	_ =	swait.ge [sflag:s25], $0x2000  }
0xbb: {  	[sflag:s25] =	ssyncset.done $0x0  }
0xbc: {  	[sflag:s25] =	ssyncadd.s32 $0xFFFFE000  }
0xbd: {  	[hbm4b:s24+s3] =	stream.linear.scatter [tilespmem:s26], [sflag:$0x3], $0x2000, $0x38;
	v63 =	vld [tilespmem:$0x0]  }
0xbe: {  	_ =	swait.ge [sflag:s25], $0x2000  }
0xbf: {  	[sflag:s25] =	ssyncset.done $0x0  }
0xc0: {  	s12 =	rddreg [dreg:$0x5];
	[sflag:s25] =	ssyncadd.s32 $0xFFFFE000  }
0xc1: {  	[tilespmem:s26], [sflag:$0x3] =	stream.linear.gather [spmem:s12], $0x1C00, $0x38;
	v63 =	vld [tilespmem:$0x0]  }
0xc2: {  	_ =	swait.ge [sflag:s25], $0x1C00  }
0xc3: {  	[sflag:s25] =	ssyncset.done $0x0  }
0xc4: {  	s13 =	rddreg [dreg:$0x6];
	[sflag:s25] =	ssyncadd.s32 $0xFFFFE400  }
0xc5: {  	[hbm4b:s13+s3] =	stream.linear.scatter [tilespmem:s26], [sflag:$0x3], $0x1C00, $0x38;
	v63 =	vld [tilespmem:$0x0]  }
0xc6: {  	_ =	swait.ge [sflag:s25], $0x1C00  }
0xc7: {  	[sflag:s25] =	ssyncset.done $0x0  }
0xc8: {  	s6 =	simm.s32 @!p0 $0x14000;
	s9 =	rddreg [dreg:$0x7];
	[sflag:s25] =	ssyncadd.s32 $0xFFFFE400  }
0xc9: {  	[tilespmem:s6], [sflag:$0x3] =	stream.linear.gather @!p0 [spmem:s9], $0x2000, $0x38;
	v63 =	vld [tilespmem:$0x0]  }
0xca: {  	s9 =	simm.s32 @!p0 $0x3  }
0xcb: {  	s5 =	sadd.s32 $0x1, s5;
	_ =	swait.ge @!p0 [sflag:s9], $0x2000  }
0xcc: {  	p1 =	sne.s32 s5, s14;
	s11 =	simm.s32 @!p0 $0x0;
	[sflag:s9] =	ssyncset.done @!p0 $0x0  }
.Ltmp3:
0xcd: {  	s12 =	rddreg [dreg:$0x8];
	[sflag:s9] =	ssyncadd.s32 @!p0 $0xFFFFE000;
	(pc) =	sbr.rel @p1 .LBB2_1-.Ltmp3, $4  }
0xce: {  	[hbm4b:s12+s11] =	stream.linear.scatter @!p0 [tilespmem:s6], [sflag:$0x3], $0x2000, $0x38;
	v63 =	vld [tilespmem:$0x0]  }
0xcf: {  	_ =	swait.ge @!p0 [sflag:s9], $0x2000  }
0xd0: {  	[sflag:s9] =	ssyncset.done @!p0 $0x0  }
0xd1: {  	[sflag:s9] =	ssyncadd.s32 @!p0 $0xFFFFE000  }
0xd2: {  	_ =	sfence.sel $0x180000  }
0xd3: {  	[bflag:$0x0] =	sbarrier.arrive $0xFFFF  }
0xd4: {  	_ =	strace $0x9000004A  }
0xd5: {  	s0 =	stileid.u32;
	[bflag:$0x2] =	sbarrier.arrive $0xFFFF  }
0xd6: {  	p0 =	sne.s32 s0, $0x0;
	s0 =	rddreg [dreg:$0x2]  }
0xd7: {  	s0 =	sadd.s32 @!p0 $0x100000, s0  }
0xd8: {  	[sflag:s0] =	ssyncadd.tile.s32 @!p0 $0x1;
	_ =	shalt  }
.Lfunc_end2:
_tile_overlayer_lowered:
.L_overlay_start_2:
0xd9: {  	(tag) =	ssettag $0x2  }
0xda: {  	s0 =	rddreg [dreg:$0x0];
	s2 =	stileid.u32  }
0xdb: {  	s1 =	rddreg [dreg:$0x1];
	p0 =	sne.s32 s2, $0x0  }
0xdc: {  	s3 =	rddreg [dreg:$0x2];
	[bflag:$0x3] =	sbarrier.arrive $0xFFFF;
	s2 =	simm.s32 @!p0 $0x1C03  }
0xdd: {  	[timem:s3], [sflag:s2] =	dma.local @!p0 [hbm:s0], s1  }
0xde: {  	s0 =	simm.s32 @!p0 $0x3  }
0xdf: {  	_ =	swait.ge @!p0 [sflag:s0], s1  }
0xe0: {  	s1 =	ssub.s32 @!p0 $0x0, s1;
	[sflag:s0] =	ssyncset.done @!p0 $0x0  }
0xe1: {  	[sflag:s0] =	ssyncadd.s32 @!p0 s1  }
0xe2: {  	[bflag:$0x3] =	sbarrier.arrive $0xFFFF  }
0xe3: {  	_ =	shalt  }

// kernel: kernel.21.cloned.1.call-start
scs
__scs_entry_jumppad:
0x0: {  	(pc) =	sbr.rel $0x88, $3  }
0x1: {  	(tag) =	ssettag $0x0;
	lr =	simm.s32 $0x1  }
0x2: {  	[smem:$0x3F94] =	sst lr;
	_ =	strace $0xD0000000  }
0x3: {  	_ = 	snop  }
0x4: {  	_ = 	snop  }
0x5: {  	_ = 	snop  }
0x6: {  	_ = 	snop  }
0x7: {  	_ = 	snop  }
__scs_overlays_trampoline_lowered:
0x8: {  	[smem:$0x3FA3] =	sst s0  }
0x9: {  	[smem:$0x3FA4] =	sst s1  }
0xa: {  	[smem:$0x3FA5] =	sst s2  }
0xb: {  	[smem:$0x3FA6] =	sst s3  }
0xc: {  	[smem:$0x3FA7] =	sst s4  }
0xd: {  	[smem:$0x3FA8] =	sst s5  }
0xe: {  	[smem:$0x3FA9] =	sst s6  }
0xf: {  	[smem:$0x3FAA] =	sst s7  }
0x10: {  	[smem:$0x3FAB] =	sst s8  }
0x11: {  	[smem:$0x3FAC] =	sst s9;
	s0 =	simm.s32 @!p0 $0x0  }
0x12: {  	s1 =	sld [smem:$0x3F92];
	s0 =	simm.s32 @p0 $0x1  }
0x13: {  	[smem:$0x3FAD] =	sst s0;
	s0 =	simm.s32 @!p1 $0x0  }
0x14: {  	s2 =	sld [smem:$0x3F91];
	s0 =	simm.s32 @p1 $0x1  }
0x15: {  	[smem:$0x3FAE] =	sst s0;
	s0 =	simm.s32 @!p2 $0x0  }
0x16: {  	s3 =	sld [smem:$0x3FDB];
	s0 =	simm.s32 @p2 $0x1  }
0x17: {  	s4 =	simm.s32 $0x1BF5;
	[smem:$0x3FB0] =	sst s0  }
0x18: {  	s0 =	sld [smem:$0x3F93];
	_ =	swait.ge [sflag:s4], $0x0  }
0x19: {  	s7 =	sld [smem:$0x3F94]  }
0x1a: {  	s8 =	sadd.s32 $0xFFFFE003, lr  }
0x1b: {  	s9 =	sadd.s32 $0xFFFFFEF7, lr;
	s5 =	simm.s32 $0xFFFFFFFF;
	p2 =	slt.u32 s8, $0xFFFFF086  }
0x1c: {  	p1 =	slt.u32 s9, $0xF7A;
	s5 =	simm.s32 @!p2 $0x0  }
0x1d: {  	s5 =	simm.s32 @p1 $0x1;
	p0 =	seq.s32 s7, s2  }
0x1e: {  	s7 =	smul.u32 @!p0 $0xF7A, s2;
	p2 =	seq.s32 @!p0 s5, $0x0  }
0x1f: {  	s9 =	smul.u32 $0xF7A, s1;
	s8 =	simm.s32 @!p0 $0x1BF5;
	p2 =	por !p2, p0  }
0x20: {  	[sflag:s8] =	ssyncset.s32 @!p0 $0xFFFFF086;
	s6 =	sadd.s32 @!p0 s3, s7;
	s7 =	simm.s32 @!p0 $0x108  }
0x21: {  	s3 =	sadd.s32 s3, s9;
	s6 =	sadd.s32 @!p0 $0x88, s6;
	s7 =	simm.s32 @p2 $0x1082  }
0x22: {  	[simem:s7], [sflag:s8] =	dma.local @!p0 [hbm:s6], $0xF7A  }
0x23: {  	s9 =	sor.u32 $0xD0000000, s2;
	s6 =	simm.s32 $0x108;
	_ =	swait.ge @!p0 [sflag:s8], $0x0  }
0x24: {  	s3 =	sadd.s32 $0x88, s3;
	s6 =	simm.s32 @!p1 $0x1082;
	[sflag:s4] =	ssyncset.s32 $0xFFFFF086  }
0x25: {  	[simem:s6], [sflag:s4] =	dma.local [hbm:s3], $0xF7A  }
0x26: {  	[smem:$0x3F94] =	sst s1;
	(tag) =	ssettag s2;
	_ =	strace s9  }
0x27: {  	s1 =	sld [smem:$0x3FA4]  }
0x28: {  	s2 =	sld [smem:$0x3FA5]  }
0x29: {  	s4 =	sld [smem:$0x3FA7]  }
0x2a: {  	p0 =	seq.s32 s5, $0x0;
	s5 =	sld [smem:$0x3FA8]  }
0x2b: {  	s6 =	sld [smem:$0x3FA9]  }
0x2c: {  	s7 =	sld [smem:$0x3FAA]  }
0x2d: {  	s3 =	simm.s32 $0x108;
	s8 =	sld [smem:$0x3FAB]  }
0x2e: {  	s3 =	simm.s32 @!p0 $0x1082;
	s9 =	sld [smem:$0x3FAC]  }
0x2f: {  	lr =	sadd.s32 s0, s3;
	s0 =	sld [smem:$0x3FA3]  }
0x30: {  	s3 =	sld [smem:$0x3FA6]  }
0x31: {  	[smem:$0x3FAF] =	sst s10  }
0x32: {  	s10 =	sld [smem:$0x3FAD];
	_ =	sdelay $0x3  }
0x33: {  	p0 =	seq.s32 s10, $0x1;
	s10 =	sld [smem:$0x3FAF];
	_ =	sdelay $0x3  }
0x34: {  	[smem:$0x3FAF] =	sst s10  }
0x35: {  	s10 =	sld [smem:$0x3FAE];
	_ =	sdelay $0x3  }
0x36: {  	p1 =	seq.s32 s10, $0x1;
	s10 =	sld [smem:$0x3FAF];
	_ =	sdelay $0x3  }
0x37: {  	[smem:$0x3FAF] =	sst s10  }
0x38: {  	s10 =	sld [smem:$0x3FB0]  }
0x39: {  	_ = 	snop;
	(pc) =	sbr.ind lr, $3  }
0x3a: {  	_ = 	snop  }
0x3b: {  	_ = 	snop  }
0x3c: {  	p2 =	seq.s32 s10, $0x1;
	s10 =	sld [smem:$0x3FAF]  }
0x3d: {  	_ =	shalt  }
0x3e: {  	_ =	shalt  }
0x3f: {  	_ =	shalt  }
0x40: {  	_ =	shalt  }
0x41: {  	_ =	shalt  }
0x42: {  	_ =	shalt  }
0x43: {  	_ =	shalt  }
0x44: {  	_ =	shalt  }
0x45: {  	_ =	shalt  }
0x46: {  	_ =	shalt  }
0x47: {  	_ =	shalt  }
0x48: {  	_ =	shalt  }
0x49: {  	_ =	shalt  }
0x4a: {  	_ =	shalt  }
0x4b: {  	_ =	shalt  }
0x4c: {  	_ =	shalt  }
0x4d: {  	_ =	shalt  }
0x4e: {  	_ =	shalt  }
0x4f: {  	_ =	shalt  }
0x50: {  	_ =	shalt  }
0x51: {  	_ =	shalt  }
0x52: {  	_ =	shalt  }
0x53: {  	_ =	shalt  }
0x54: {  	_ =	shalt  }
0x55: {  	_ =	shalt  }
0x56: {  	_ =	shalt  }
0x57: {  	_ =	shalt  }
0x58: {  	_ =	shalt  }
0x59: {  	_ =	shalt  }
0x5a: {  	_ =	shalt  }
0x5b: {  	_ =	shalt  }
0x5c: {  	_ =	shalt  }
0x5d: {  	_ =	shalt  }
0x5e: {  	_ =	shalt  }
0x5f: {  	_ =	shalt  }
0x60: {  	_ =	shalt  }
0x61: {  	_ =	shalt  }
0x62: {  	_ =	shalt  }
0x63: {  	_ =	shalt  }
0x64: {  	_ =	shalt  }
0x65: {  	_ =	shalt  }
0x66: {  	_ =	shalt  }
0x67: {  	_ =	shalt  }
0x68: {  	_ =	shalt  }
0x69: {  	_ =	shalt  }
0x6a: {  	_ =	shalt  }
0x6b: {  	_ =	shalt  }
0x6c: {  	_ =	shalt  }
0x6d: {  	_ =	shalt  }
0x6e: {  	_ =	shalt  }
0x6f: {  	_ =	shalt  }
0x70: {  	_ =	shalt  }
0x71: {  	_ =	shalt  }
0x72: {  	_ =	shalt  }
0x73: {  	_ =	shalt  }
0x74: {  	_ =	shalt  }
0x75: {  	_ =	shalt  }
0x76: {  	_ =	shalt  }
0x77: {  	_ =	shalt  }
0x78: {  	_ =	shalt  }
0x79: {  	_ =	shalt  }
0x7a: {  	_ =	shalt  }
0x7b: {  	_ =	shalt  }
0x7c: {  	_ =	shalt  }
0x7d: {  	_ =	shalt  }
0x7e: {  	_ =	shalt  }
0x7f: {  	_ =	shalt  }
0x80: {  	_ =	shalt  }
0x81: {  	_ =	shalt  }
0x82: {  	_ =	shalt  }
0x83: {  	_ =	shalt  }
0x84: {  	_ =	shalt  }
0x85: {  	_ =	shalt  }
0x86: {  	_ =	shalt  }
0x87: {  	_ =	shalt  }
.Lfunc_end0:
.L_simem_size_0:
called_computation.3_lowered:
.L_overlay_start_0:
0x88: {  	s2 =	sld [smem:$0x3FD9]  }
0x89: {  	s3 =	sld [smem:$0x3FFE];
	_ =	sdelay $0x1  }
0x8a: {  	s1 =	srdreg.scid  }
0x8b: {  	s0 =	sand.u32 $0x1, s1  }
0x8c: {  	s16 =	sshll.u32 s0, $0xA;
	s2 =	sadd.s32 s3, s2  }
0x8d: {  	s2 =	sadd.s32 s2, s16  }
0x8e: {  	[smem:$0x3FBB] =	sst s2  }
0x8f: {  	_ = 	snop  }
0x90: {  	(tm) =	ssettm $0x1  }
0x91: {  	s17 =	sld [smem:$0x3FFB];
	_ =	sdelay $0x3  }
0x92: {  	_ =	strace s17  }
0x93: {  	s2 =	sld [smem:$0x3FFC];
	_ =	sdelay $0x3  }
0x94: {  	_ =	strace s2  }
0x95: {  	s2 =	sld [smem:$0x3FFD];
	_ =	sdelay $0x3  }
0x96: {  	_ =	strace s2  }
0x97: {  	_ =	strace $0x8FFFFFFF  }
0x98: {  	s18 =	sld [smem:$0x3FDB];
	_ =	sdelay $0x1  }
0x99: {  	s19 =	simm.s32 $_scs_section_size  }
0x9a: {  	s4 =	simm.s32 $_size__tile_overlayer_lowered;
	s5 =	simm.s32 $_tile_overlayer_lowered  }
0x9b: {  	s22 =	simm.s32 $0x1BFF;
	s21 =	sshll.u32 s5, $0x1;
	s2 =	sadd.s32 s19, s18  }
0x9c: {  	s6 =	simm.s32 $0x0;
	s20 =	sshll.u32 s4, $0x1;
	s4 =	sadd.s32 s21, s2  }
0x9d: {  	[timem:s6], [sflag:s22] =	dma.local [hbm:s4], s20  }
0x9e: {  	_ =	swait.ge [sflag:s22], s20  }
0x9f: {  	s3 =	ssub.s32 $0x0, s20;
	[sflag:s22] =	ssyncset.done $0x0  }
0xa0: {  	[sflag:s22] =	ssyncadd.s32 s3;
	_ =	sdelay $0x1  }
0xa1: {  	s23 =	simm.s32 $0x1B8B  }
0xa2: {  	_ =	swait.ge [sflag:s23], $0x1  }
0xa3: {  	[sflag:s23] =	ssyncset.done $0x0  }
0xa4: {  	s25 =	simm.s32 $0x1B8E;
	s24 =	sld [smem:$0x3FFE];
	[sflag:s23] =	ssyncadd.s32 $0xFFFFFFFF  }
0xa5: {  	s26 =	simm.s32 $execute0_lowered;
	[smem:$0x3FD2] =	sst s25  }
0xa6: {  	s4 =	sshll.u32 s26, $0x1;
	_ =	strace $0x8000004C;
	[dreg:$0x1] =	wrdreg $0xFFFFFFFF  }
0xa7: {  	s28 =	simm.s32 $_size_execute0_lowered;
	s2 =	sadd.s32 s2, s4;
	[dreg:$0x0] =	wrdreg $0x0  }
0xa8: {  	s4 =	sshll.u32 s28, $0x1;
	[dreg:$0x2] =	wrdreg s2  }
0xa9: {  	[dreg:$0x3] =	wrdreg s4  }
0xaa: {  	[dreg:$0x4] =	wrdreg $0xC0  }
0xab: {  	_ =	task [dreg:s6], $0x5FFFF  }
0xac: {  	[dreg:$0x1] =	wrdreg $0xFFFFFFFF  }
0xad: {  	[dreg:$0x0] =	wrdreg $0x60  }
0xae: {  	[dreg:$0x2] =	wrdreg s24  }
0xaf: {  	[dreg:$0x3] =	wrdreg $0x160000  }
0xb0: {  	[dreg:$0x4] =	wrdreg $0x9  }
0xb1: {  	_ =	task.clear_ibuf [dreg:s6], $0x5FFFF;
	_ =	strace $0x9000004C  }
0xb2: {  	s29 =	simm.s32 $0x9;
	_ =	strace $0x8000004E  }
0xb3: {  	_ =	swait.ge [sflag:s29], $0x1  }
0xb4: {  	[sflag:s29] =	ssyncadd.s32 $0xFFFFFFFF  }
0xb5: {  	_ =	strace $0x9000004E  }
0xb6: {  	_ =	sfence  }
0xb7: {  	s30 =	sld [smem:$0x0];
	_ =	sdelay $0x2  }
0xb8: {  	s31 =	sshll.u32 s1, $0xD;
	s1 =	sshrl.u32 s1, $0x2  }
0xb9: {  	s3 =	sand.u32 $0x4000, s31;
	s1 =	sadd.s32 s1, s30  }
0xba: {  	s0 =	sor.u32 s3, s0;
	s1 =	sshll.u32 s1, $0x11  }
0xbb: {  	s0 =	sor.u32 s1, s0  }
0xbc: {  	s0 =	sadd.s32 $0x8F2B, s0  }
0xbd: {  	[sflag:s0] =	ssyncadd.remote.s32 $0x1  }
0xbe: {  	_ =	sfence.sel $0xFFFF  }
0xbf: {  	[dreg:$0x0] =	wrdreg $0xFFFFFFFF;
	(pc) =	sbr.abs _section_cstart, $3  }
0xc0: {  	[dreg:$0x1] =	wrdreg $0xFFFFFFFF  }
0xc1: {  	_ =	task.clear_ibuf [dreg:s6], $0x2FFFF;
	_ =	strace $0x9FFFFFFF  }
0xc2: {  	(tm) =	ssettm $0x7FFFFFFF  }
0xc3: {  	_ =	shalt  }
tec
execute0_lowered:
.L_overlay_start_1:
0x0: {  	(tag) =	ssettag $0x1  }
0x1: {  	s0 =	rddreg [dreg:$0x0];
	s1 =	srdreg.scid  }
0x2: {  	s11 =	stileid.u32;
	s2 =	rddreg [dreg:$0x1]  }
0x3: {  	s3 =	simm.s32 $0x0;
	s28 =	simm.s32 $0x12000;
	s29 =	simm.s32 $0x80  }
0x4: {  	s30 =	simm.s32 $0xA000;
	s31 =	simm.s32 $0xE000;
	s8 =	smul.u32 $0x28000, s11  }
0x5: {  	s1 =	sand.u32 $0x1, s1;
	s4 =	sshll.u32 s11, $0x1;
	s10 =	smul.u32 $0x138, s11  }
0x6: {  	[smem:$0x7FF] =	sst s3;
	s21 =	smul.u32 $0x27000, s11;
	s26 =	sadd.s32 $0x9C000, s2  }
0x7: {  	p0 =	sne.s32 s11, $0xF;
	s4 =	sor.u32 s1, s4;
	s6 =	smul.u32 $0x13C0, s1  }
0x8: {  	_ =	strace $0x8000004D;
	s7 =	ssub.s32 $0x2, s1;
	s1 =	smul.u32 $0x9E000, s1  }
0x9: {  	[dreg:$0x7] =	wrdreg s26;
	s26 =	simm.s32 $0x14000;
	s5 =	smul.u32 $0xA00, s4  }
0xa: {  	s4 =	sadd.s32 $0x1A200, s0;
	s9 =	sshrl.u32 s7, $0x1;
	s22 =	sshrl.u32 s8, $0x2  }
0xb: {  	s23 =	sshrl.u32 s21, $0x2;
	s9 =	ssub.s32 s7, s9;
	s10 =	sadd.s32 s10, s6  }
0xc: {  	s7 =	sadd.s32 s22, s2;
	s8 =	sadd.s32 s23, s2;
	s1 =	sshrl.u32 s1, $0x3  }
0xd: {  	s5 =	sadd.s32 s5, s0;
	s0 =	sadd.s32 $0x55A00, s0;
	s24 =	sshll.u32 s10, $0x4  }
0xe: {  	s25 =	sadd.s32 $0x8000, s8;
	s14 =	smax.u32 s9, $0x1;
	s15 =	sadd.s32 $0x2000, s7  }
0xf: {  	s16 =	sadd.s32 $0x4000, s7;
	s17 =	sadd.s32 $0x6000, s7;
	s18 =	sadd.s32 $0x8000, s7  }
0x10: {  	s19 =	sadd.s32 $0x2000, s8;
	s21 =	sadd.s32 $0x4000, s8;
	s23 =	sadd.s32 $0x6000, s8  }
0x11: {  	s12 =	sadd.s32 $0x41A00, s5;
	s5 =	sadd.s32 $0x6200, s5;
	[dreg:$0x5] =	wrdreg s25  }
0x12: {  	s10 =	sadd.s32 s0, s24;
	s0 =	sadd.s32 s0, s1;
	[dreg:$0x3] =	wrdreg s12  }
0x13: {  	s25 =	simm.s32 $0x3;
	s1 =	simm.s32 $0x1;
	[dreg:$0x4] =	wrdreg s5  }
0x14: {  	s5 =	sadd.s32 $0x1000, s10;
	s0 =	sadd.s32 $0x13800, s0;
	s20 =	sadd.s32 $0x400, s10  }
0x15: {  	s22 =	sadd.s32 $0x800, s10;
	s24 =	sadd.s32 $0xC00, s10;
	[dreg:$0x6] =	wrdreg s5  }
0x16: {  	v1 =	vimm.f32 $0.0e+00;
	v0 =	vmov s6;
	[dreg:$0x8] =	wrdreg s0;
	s0 =	simm.s32 $0x2;
	s5 =	simm.s32 $0x0  }
.LBB2_1:
0x17: {  	s6 =	rddreg [dreg:$0x3]  }
0x18: {  	[tilespmem:s3], [sflag:$0x3] =	stream.linear.gather [hbm4b:s6+s3], $0x4E80, $0x38;
	v63 =	vld [tilespmem:$0x0]  }
0x19: {  	_ =	swait.ge [sflag:s25], $0x4E80  }
0x1a: {  	[sflag:s25] =	ssyncset.done $0x0  }
0x1b: {  	s9 =	simm.s32 $0x5000;
	s13 =	rddreg [dreg:$0x4];
	[sflag:s25] =	ssyncadd.s32 $0xFFFFB180  }
0x1c: {  	[tilespmem:s9], [sflag:$0x3] =	stream.linear.gather [hbm4b:s13+s3], $0x4E80, $0x38;
	v63 =	vld [tilespmem:$0x0]  }
0x1d: {  	_ =	swait.ge [sflag:s25], $0x4E80  }
0x1e: {  	[sflag:s25] =	ssyncset.done $0x0  }
0x1f: {  	s6 =	simm.s32 $0x0;
	s9 =	simm.s32 $0x200;
	[sflag:s25] =	ssyncadd.s32 $0xFFFFB180  }
.LBB2_2:
0x20: {  	p1 =	sne.s32 s9, $0x7E00;
	[tilespmem:s6+$0x12070] =	vst v1  }
0x21: {  	[tilespmem:s6+$0x12000] =	vst v1  }
0x22: {  	[tilespmem:s6+$0x12010] =	vst v1  }
.Ltmp0:
0x23: {  	[tilespmem:s6+$0x12020] =	vst v1;
	(pc) =	sbr.rel @p1 .LBB2_2-.Ltmp0, $4  }
0x24: {  	[tilespmem:s6+$0x12030] =	vst v1  }
0x25: {  	[tilespmem:s6+$0x12040] =	vst v1  }
0x26: {  	[tilespmem:s6+$0x12050] =	vst v1  }
0x27: {  	[tilespmem:s6+$0x12060] =	vst v1;
	s6 =	sshra.s32 s9, $0x2;
	s9 =	sadd.s32 $0x200, s9  }
0x28: {  	[tilespmem:s6+$0x12070] =	vst v1  }
0x29: {  	[tilespmem:s6+$0x12000] =	vst v1  }
0x2a: {  	[tilespmem:s6+$0x12010] =	vst v1  }
0x2b: {  	[tilespmem:s6+$0x12020] =	vst v1  }
0x2c: {  	[tilespmem:s6+$0x12030] =	vst v1  }
0x2d: {  	[tilespmem:s6+$0x12040] =	vst v1  }
0x2e: {  	[tilespmem:s6+$0x12050] =	vst v1  }
0x2f: {  	[tilespmem:s6+$0x12060] =	vst v1;
	s6 =	simm.s32 $0x70  }
0x30: {  	v2 =	vld [tilespmem:s6+$0x4F90]  }
0x31: {  	v3 =	vld [tilespmem:s6+$0x4FA0];
	_ =	sdelay $0x2  }
0x32: {  	v4 =	vld [tilespmem:s6+$0x4FB0]  }
0x33: {  	v9 =	vld [tilespmem:s6+$0x4FC0]  }
0x34: {  	v5 =	vsub.s32 v2, v0;
	v2 =	vand.u32 $0x3F, v2;
	v7 =	vsub.s32 v3, v0  }
0x35: {  	v6 =	vld [tilespmem:s6+$0x4FD0];
	v3 =	vand.u32 $0x3F, v3;
	vm0 =	vlt.u32 v5, $0x13C0;
	v2 =	vor.u32 $0x13C0, v2  }
0x36: {  	v5 =	vsel vm0, v5, v2;
	vm0 =	vlt.u32 v7, $0x13C0;
	v2 =	vor.u32 $0x13C0, v3  }
0x37: {  	v3 =	vsel vm0, v7, v2;
	v7 =	vsub.s32 v4, v0;
	v2 =	vand.u32 $0x3F, v4;
	v4 =	vld [tilespmem:s6+$0x4FE0]  }
0x38: {  	v8 =	vsub.s32 v9, v0;
	vm0 =	vlt.u32 v7, $0x13C0;
	v10 =	vor.u32 $0x13C0, v2;
	v2 =	vld [tilespmem:s6+$0x4FF0]  }
0x39: {  	s9 =	simm.s32 $0x3C0;
	v9 =	vand.u32 $0x3F, v9;
	v7 =	vsel vm0, v7, v10;
	vm0 =	vlt.u32 v8, $0x13C0  }
.LBB2_4:
0x3a: {  	p1 =	sne.s32 s9, $0x139C0;
	v9 =	vor.u32 $0x13C0, v9;
	v10 =	vsub.s32 v6, v0;
	v6 =	vand.u32 $0x3F, v6;
	v11 =	vld [tilespmem:s6+$0x5000]  }
0x3b: {  	s11 =	sshra.s32 s9, $0x2;
	[tilespmem:s6+$0x4F90] =	vst v5;
	v5 =	vsel vm0, v8, v9;
	vm0 =	vlt.u32 v10, $0x13C0;
	v6 =	vor.u32 $0x13C0, v6  }
0x3c: {  	v8 =	vld [tilespmem:s11+$0x4F90];
	[tilespmem:s6+$0x4FA0] =	vst v3;
	v3 =	vsel vm0, v10, v6;
	v6 =	vsub.s32 v4, v0;
	v4 =	vand.u32 $0x3F, v4  }
0x3d: {  	[tilespmem:s6+$0x4FB0] =	vst v7;
	vm0 =	vlt.u32 v6, $0x13C0;
	v4 =	vor.u32 $0x13C0, v4;
	v7 =	vsub.s32 v2, v0  }
0x3e: {  	v2 =	vand.u32 $0x3F, v2;
	v9 =	vld [tilespmem:s11+$0x4FA0];
	[tilespmem:s6+$0x4FC0] =	vst v5;
	v4 =	vsel vm0, v6, v4;
	vm0 =	vlt.u32 v7, $0x13C0  }
0x3f: {  	v2 =	vor.u32 $0x13C0, v2;
	[tilespmem:s6+$0x4FD0] =	vst v3;
	v3 =	vsub.s32 v11, v0;
	v5 =	vand.u32 $0x3F, v11  }
0x40: {  	v2 =	vsel vm0, v7, v2;
	v10 =	vld [tilespmem:s11+$0x4FB0];
	[tilespmem:s6+$0x4FE0] =	vst v4;
	vm0 =	vlt.u32 v3, $0x13C0;
	v4 =	vor.u32 $0x13C0, v5  }
0x41: {  	v5 =	vsub.s32 v8, v0;
	v11 =	vld [tilespmem:s11+$0x4FC0];
	[tilespmem:s6+$0x4FF0] =	vst v2;
	v2 =	vsel vm0, v3, v4  }
0x42: {  	v3 =	vand.u32 $0x3F, v8;
	vm0 =	vlt.u32 v5, $0x13C0;
	[tilespmem:s6+$0x5000] =	vst v2;
	s6 =	smov.u32 s11  }
.Ltmp1:
0x43: {  	v2 =	vor.u32 $0x13C0, v3;
	v3 =	vsub.s32 v9, v0;
	v4 =	vand.u32 $0x3F, v9;
	v6 =	vld [tilespmem:s6+$0x4FD0];
	(pc) =	sbr.rel @p1 .LBB2_4-.Ltmp1, $4  }
0x44: {  	v5 =	vsel vm0, v5, v2;
	vm0 =	vlt.u32 v3, $0x13C0;
	v2 =	vor.u32 $0x13C0, v4  }
0x45: {  	v3 =	vsel vm0, v3, v2;
	v7 =	vsub.s32 v10, v0;
	v2 =	vand.u32 $0x3F, v10;
	v4 =	vld [tilespmem:s6+$0x4FE0]  }
0x46: {  	vm0 =	vlt.u32 v7, $0x13C0;
	v9 =	vor.u32 $0x13C0, v2;
	v8 =	vsub.s32 v11, v0;
	v2 =	vld [tilespmem:s6+$0x4FF0]  }
0x47: {  	s9 =	sadd.s32 $0x200, s9;
	v7 =	vsel vm0, v7, v9;
	vm0 =	vlt.u32 v8, $0x13C0;
	v9 =	vand.u32 $0x3F, v11  }
0x48: {  	v9 =	vor.u32 $0x13C0, v9;
	v10 =	vsub.s32 v6, v0;
	v56 =	vand.u32 $0x3F, v6;
	v11 =	vld [tilespmem:s6+$0x5000]  }
0x49: {  	[tilespmem:s6+$0x4F90] =	vst v5;
	v57 =	vsel vm0, v8, v9;
	vm12 =	vlt.u32 v10, $0x13C0;
	v6 =	vor.u32 $0x13C0, v56  }
0x4a: {  	[tilespmem:s6+$0x4FA0] =	vst v3;
	v3 =	vsel vm12, v10, v6;
	v58 =	vsub.s32 v4, v0;
	v59 =	vand.u32 $0x3F, v4  }
0x4b: {  	[tilespmem:s6+$0x4FB0] =	vst v7;
	vm13 =	vlt.u32 v58, $0x13C0;
	v4 =	vor.u32 $0x13C0, v59;
	v60 =	vsub.s32 v2, v0  }
0x4c: {  	[tilespmem:s6+$0x4FC0] =	vst v57;
	v2 =	vand.u32 $0x3F, v2;
	v4 =	vsel vm13, v58, v4;
	vm14 =	vlt.u32 v60, $0x13C0  }
0x4d: {  	[tilespmem:s6+$0x4FD0] =	vst v3;
	v2 =	vor.u32 $0x13C0, v2;
	v3 =	vsub.s32 v11, v0;
	v61 =	vand.u32 $0x3F, v11  }
0x4e: {  	[tilespmem:s6+$0x4FE0] =	vst v4;
	v2 =	vsel vm14, v60, v2;
	vm15 =	vlt.u32 v3, $0x13C0;
	v62 =	vor.u32 $0x13C0, v61  }
0x4f: {  	[tilespmem:s6+$0x4FF0] =	vst v2;
	v2 =	vsel vm15, v3, v62  }
0x50: {  	[tilespmem:s6+$0x5000] =	vst v2  }
0x51: {  	[spmem:s7] =	stream.linear.scatter [tilespmem:s28], [sflag:$0x3], $0x2000, $0x38;
	v63 =	vld [tilespmem:$0x0]  }
0x52: {  	_ =	swait.ge [sflag:s25], $0x2000  }
0x53: {  	[sflag:s25] =	ssyncset.done $0x0  }
0x54: {  	[sflag:s25] =	ssyncadd.s32 $0xFFFFE000  }
0x55: {  	[spmem:s15] =	stream.linear.scatter [tilespmem:s28], [sflag:$0x3], $0x2000, $0x38;
	v63 =	vld [tilespmem:$0x0]  }
0x56: {  	_ =	swait.ge [sflag:s25], $0x2000  }
0x57: {  	[sflag:s25] =	ssyncset.done $0x0  }
0x58: {  	[sflag:s25] =	ssyncadd.s32 $0xFFFFE000  }
0x59: {  	[spmem:s16] =	stream.linear.scatter [tilespmem:s28], [sflag:$0x3], $0x2000, $0x38;
	v63 =	vld [tilespmem:$0x0]  }
0x5a: {  	_ =	swait.ge [sflag:s25], $0x2000  }
0x5b: {  	[sflag:s25] =	ssyncset.done $0x0  }
0x5c: {  	[sflag:s25] =	ssyncadd.s32 $0xFFFFE000  }
0x5d: {  	[spmem:s17] =	stream.linear.scatter [tilespmem:s28], [sflag:$0x3], $0x2000, $0x38;
	v63 =	vld [tilespmem:$0x0]  }
0x5e: {  	_ =	swait.ge [sflag:s25], $0x2000  }
0x5f: {  	[sflag:s25] =	ssyncset.done $0x0  }
0x60: {  	[sflag:s25] =	ssyncadd.s32 $0xFFFFE000  }
0x61: {  	[spmem:s18] =	stream.linear.scatter [tilespmem:s28], [sflag:$0x3], $0x2000, $0x38;
	v63 =	vld [tilespmem:$0x0]  }
0x62: {  	_ =	swait.ge [sflag:s25], $0x2000  }
0x63: {  	[sflag:s25] =	ssyncset.done $0x0  }
0x64: {  	[sflag:s25] =	ssyncadd.s32 $0xFFFFE000  }
0x65: {  	s13 =	simm.s32 $0x0;
	[bflag:$0x0] =	sbarrier.arrive $0xFFFF  }
0x66: {  	[tilespmem:s30], [sflag:$0x1] =	stream.indirect.gather [hbm4b:s4+s29], $0x80, s13, s29, $0xb8;
	v63 =	vld [tilespmem:$0x0]  }
0x67: {  	s9 =	simm.s32 $0x80  }
0x68: {  	[tilespmem:s31], [sflag:$0x2] =	stream.indirect.gather [hbm4b:s4+s29], $0x80, s9, s29, $0xb8;
	v63 =	vld [tilespmem:$0x0]  }
0x69: {  	_ =	swait.ge [sflag:s1], $0x4000  }
0x6a: {  	[sflag:s1] =	ssyncset.done $0x0  }
0x6b: {  	s11 =	simm.s32 $0x5000;
	[sflag:s1] =	ssyncadd.s32 $0xFFFFC000  }
0x6c: {  	[spmem:s2] =	stream.indirect.scatter.add.f32 [tilespmem:s30], [sflag:$0x3], $0x80, s11, s29, $0xb8;
	v63 =	vld [tilespmem:$0x0]  }
0x6d: {  	_ =	swait.ge [sflag:s25], $0x4000  }
0x6e: {  	[sflag:s25] =	ssyncset.done $0x0  }
0x6f: {  	s12 =	simm.s32 $0x100;
	[sflag:s25] =	ssyncadd.s32 $0xFFFFC000  }
0x70: {  	[tilespmem:s30], [sflag:$0x1] =	stream.indirect.gather [hbm4b:s4+s29], $0x80, s12, s29, $0xb8;
	v63 =	vld [tilespmem:$0x0]  }
0x71: {  	_ =	swait.ge [sflag:s0], $0x4000  }
0x72: {  	[sflag:s0] =	ssyncset.done $0x0  }
0x73: {  	s13 =	simm.s32 $0x5080;
	[sflag:s0] =	ssyncadd.s32 $0xFFFFC000  }
0x74: {  	[spmem:s2] =	stream.indirect.scatter.add.f32 [tilespmem:s31], [sflag:$0x3], $0x80, s13, s29, $0xb8;
	v63 =	vld [tilespmem:$0x0]  }
0x75: {  	_ =	swait.ge [sflag:s25], $0x4000  }
0x76: {  	s6 =	simm.s32 $0x100;
	s9 =	simm.s32 $0x800;
	[sflag:s25] =	ssyncset.done $0x0  }
.LBB2_6:
0x77: {  	s11 =	sadd.s32 $0x80, s6  }
0x78: {  	[sflag:s25] =	ssyncadd.s32 $0xFFFFC000;
	s12 =	smov.u32 s9;
	s13 =	sadd.s32 $0x400, s9  }
0x79: {  	[tilespmem:s31], [sflag:$0x2] =	stream.indirect.gather [hbm4b:s4+s29], $0x80, s11, s29, $0xb8;
	v63 =	vld [tilespmem:$0x0]  }
0x7a: {  	p1 =	sne.s32 s9, $0x13400;
	_ =	swait.ge [sflag:s1], $0x4000  }
0x7b: {  	[sflag:s1] =	ssyncset.done $0x0  }
0x7c: {  	s9 =	sadd.s32 $0x5000, s6;
	[sflag:s1] =	ssyncadd.s32 $0xFFFFC000  }
0x7d: {  	[spmem:s2] =	stream.indirect.scatter.add.f32 [tilespmem:s30], [sflag:$0x3], $0x80, s9, s29, $0xb8;
	v63 =	vld [tilespmem:$0x0]  }
0x7e: {  	_ =	swait.ge [sflag:s25], $0x4000  }
0x7f: {  	[sflag:s25] =	ssyncset.done $0x0  }
0x80: {  	s9 =	sadd.s32 $0x100, s6;
	[sflag:s25] =	ssyncadd.s32 $0xFFFFC000  }
0x81: {  	[tilespmem:s30], [sflag:$0x1] =	stream.indirect.gather [hbm4b:s4+s29], $0x80, s9, s29, $0xb8;
	v63 =	vld [tilespmem:$0x0]  }
0x82: {  	_ =	swait.ge [sflag:s0], $0x4000  }
.Ltmp2:
0x83: {  	[sflag:s0] =	ssyncset.done $0x0;
	(pc) =	sbr.rel @p1 .LBB2_6-.Ltmp2, $4  }
0x84: {  	s6 =	sadd.s32 $0x5080, s6;
	[sflag:s0] =	ssyncadd.s32 $0xFFFFC000  }
0x85: {  	[spmem:s2] =	stream.indirect.scatter.add.f32 [tilespmem:s31], [sflag:$0x3], $0x80, s6, s29, $0xb8;
	v63 =	vld [tilespmem:$0x0]  }
0x86: {  	_ =	swait.ge [sflag:s25], $0x4000  }
0x87: {  	s9 =	smov.u32 s13;
	s6 =	sshra.s32 s12, $0x2;
	[sflag:s25] =	ssyncset.done $0x0  }
0x88: {  	s9 =	sadd.s32 $0x80, s6;
	[sflag:s25] =	ssyncadd.s32 $0xFFFFC000  }
0x89: {  	[tilespmem:s31], [sflag:$0x2] =	stream.indirect.gather [hbm4b:s4+s29], $0x80, s9, s29, $0xb8;
	v63 =	vld [tilespmem:$0x0]  }
0x8a: {  	_ =	swait.ge [sflag:s1], $0x4000  }
0x8b: {  	[sflag:s1] =	ssyncset.done $0x0  }
0x8c: {  	s12 =	sadd.s32 $0x5000, s6;
	[sflag:s1] =	ssyncadd.s32 $0xFFFFC000  }
0x8d: {  	[spmem:s2] =	stream.indirect.scatter.add.f32 [tilespmem:s30], [sflag:$0x3], $0x80, s12, s29, $0xb8;
	v63 =	vld [tilespmem:$0x0]  }
0x8e: {  	_ =	swait.ge [sflag:s25], $0x4000  }
0x8f: {  	[sflag:s25] =	ssyncset.done $0x0  }
0x90: {  	s13 =	sadd.s32 $0x100, s6;
	[sflag:s25] =	ssyncadd.s32 $0xFFFFC000  }
0x91: {  	[tilespmem:s30], [sflag:$0x1] =	stream.indirect.gather [hbm4b:s4+s29], $0x80, s13, s29, $0xb8;
	v63 =	vld [tilespmem:$0x0]  }
0x92: {  	_ =	swait.ge [sflag:s0], $0x4000  }
0x93: {  	[sflag:s0] =	ssyncset.done $0x0  }
0x94: {  	s9 =	sadd.s32 $0x5080, s6;
	[sflag:s0] =	ssyncadd.s32 $0xFFFFC000  }
0x95: {  	[spmem:s2] =	stream.indirect.scatter.add.f32 [tilespmem:s31], [sflag:$0x3], $0x80, s9, s29, $0xb8;
	v63 =	vld [tilespmem:$0x0]  }
0x96: {  	_ =	swait.ge [sflag:s25], $0x4000  }
0x97: {  	[sflag:s25] =	ssyncset.done $0x0  }
0x98: {  	[sflag:s25] =	ssyncadd.s32 $0xFFFFC000  }
0x99: {  	_ =	swait.ge [sflag:s1], $0x4000  }
0x9a: {  	[sflag:s1] =	ssyncset.done $0x0  }
0x9b: {  	s11 =	simm.s32 $0x9E00;
	[sflag:s1] =	ssyncadd.s32 $0xFFFFC000  }
0x9c: {  	[spmem:s2] =	stream.indirect.scatter.add.f32 [tilespmem:s30], [sflag:$0x3], $0x80, s11, s29, $0xb8;
	v63 =	vld [tilespmem:$0x0]  }
0x9d: {  	_ =	swait.ge [sflag:s25], $0x4000  }
0x9e: {  	[sflag:s25] =	ssyncset.done $0x0  }
0x9f: {  	[sflag:s25] =	ssyncadd.s32 $0xFFFFC000  }
0xa0: {  	[bflag:$0x0] =	sbarrier.arrive $0xFFFF  }
0xa1: {  	[tilespmem:s26], [sflag:$0x3] =	stream.linear.gather [spmem:s8], $0x2000, $0x38;
	v63 =	vld [tilespmem:$0x0]  }
0xa2: {  	_ =	swait.ge [sflag:s25], $0x2000  }
0xa3: {  	[sflag:s25] =	ssyncset.done $0x0  }
0xa4: {  	[sflag:s25] =	ssyncadd.s32 $0xFFFFE000  }
0xa5: {  	[hbm4b:s10+s3] =	stream.linear.scatter [tilespmem:s26], [sflag:$0x3], $0x2000, $0x38;
	v63 =	vld [tilespmem:$0x0]  }
0xa6: {  	_ =	swait.ge [sflag:s25], $0x2000  }
0xa7: {  	[sflag:s25] =	ssyncset.done $0x0  }
0xa8: {  	[sflag:s25] =	ssyncadd.s32 $0xFFFFE000  }
0xa9: {  	[tilespmem:s26], [sflag:$0x3] =	stream.linear.gather [spmem:s19], $0x2000, $0x38;
	v63 =	vld [tilespmem:$0x0]  }
0xaa: {  	_ =	swait.ge [sflag:s25], $0x2000  }
0xab: {  	[sflag:s25] =	ssyncset.done $0x0  }
0xac: {  	[sflag:s25] =	ssyncadd.s32 $0xFFFFE000  }
0xad: {  	[hbm4b:s20+s3] =	stream.linear.scatter [tilespmem:s26], [sflag:$0x3], $0x2000, $0x38;
	v63 =	vld [tilespmem:$0x0]  }
0xae: {  	_ =	swait.ge [sflag:s25], $0x2000  }
0xaf: {  	[sflag:s25] =	ssyncset.done $0x0  }
0xb0: {  	[sflag:s25] =	ssyncadd.s32 $0xFFFFE000  }
0xb1: {  	[tilespmem:s26], [sflag:$0x3] =	stream.linear.gather [spmem:s21], $0x2000, $0x38;
	v63 =	vld [tilespmem:$0x0]  }
0xb2: {  	_ =	swait.ge [sflag:s25], $0x2000  }
0xb3: {  	[sflag:s25] =	ssyncset.done $0x0  }
0xb4: {  	[sflag:s25] =	ssyncadd.s32 $0xFFFFE000  }
0xb5: {  	[hbm4b:s22+s3] =	stream.linear.scatter [tilespmem:s26], [sflag:$0x3], $0x2000, $0x38;
	v63 =	vld [tilespmem:$0x0]  }
0xb6: {  	_ =	swait.ge [sflag:s25], $0x2000  }
0xb7: {  	[sflag:s25] =	ssyncset.done $0x0  }
0xb8: {  	[sflag:s25] =	ssyncadd.s32 $0xFFFFE000  }
0xb9: {  	[tilespmem:s26], [sflag:$0x3] =	stream.linear.gather [spmem:s23], $0x2000, $0x38;
	v63 =	vld [tilespmem:$0x0]  }
0xba: {  	_ =	swait.ge [sflag:s25], $0x2000  }
0xbb: {  	[sflag:s25] =	ssyncset.done $0x0  }
0xbc: {  	[sflag:s25] =	ssyncadd.s32 $0xFFFFE000  }
0xbd: {  	[hbm4b:s24+s3] =	stream.linear.scatter [tilespmem:s26], [sflag:$0x3], $0x2000, $0x38;
	v63 =	vld [tilespmem:$0x0]  }
0xbe: {  	_ =	swait.ge [sflag:s25], $0x2000  }
0xbf: {  	[sflag:s25] =	ssyncset.done $0x0  }
0xc0: {  	s12 =	rddreg [dreg:$0x5];
	[sflag:s25] =	ssyncadd.s32 $0xFFFFE000  }
0xc1: {  	[tilespmem:s26], [sflag:$0x3] =	stream.linear.gather [spmem:s12], $0x1C00, $0x38;
	v63 =	vld [tilespmem:$0x0]  }
0xc2: {  	_ =	swait.ge [sflag:s25], $0x1C00  }
0xc3: {  	[sflag:s25] =	ssyncset.done $0x0  }
0xc4: {  	s13 =	rddreg [dreg:$0x6];
	[sflag:s25] =	ssyncadd.s32 $0xFFFFE400  }
0xc5: {  	[hbm4b:s13+s3] =	stream.linear.scatter [tilespmem:s26], [sflag:$0x3], $0x1C00, $0x38;
	v63 =	vld [tilespmem:$0x0]  }
0xc6: {  	_ =	swait.ge [sflag:s25], $0x1C00  }
0xc7: {  	[sflag:s25] =	ssyncset.done $0x0  }
0xc8: {  	s6 =	simm.s32 @!p0 $0x14000;
	s9 =	rddreg [dreg:$0x7];
	[sflag:s25] =	ssyncadd.s32 $0xFFFFE400  }
0xc9: {  	[tilespmem:s6], [sflag:$0x3] =	stream.linear.gather @!p0 [spmem:s9], $0x2000, $0x38;
	v63 =	vld [tilespmem:$0x0]  }
0xca: {  	s9 =	simm.s32 @!p0 $0x3  }
0xcb: {  	s5 =	sadd.s32 $0x1, s5;
	_ =	swait.ge @!p0 [sflag:s9], $0x2000  }
0xcc: {  	p1 =	sne.s32 s5, s14;
	s11 =	simm.s32 @!p0 $0x0;
	[sflag:s9] =	ssyncset.done @!p0 $0x0  }
.Ltmp3:
0xcd: {  	s12 =	rddreg [dreg:$0x8];
	[sflag:s9] =	ssyncadd.s32 @!p0 $0xFFFFE000;
	(pc) =	sbr.rel @p1 .LBB2_1-.Ltmp3, $4  }
0xce: {  	[hbm4b:s12+s11] =	stream.linear.scatter @!p0 [tilespmem:s6], [sflag:$0x3], $0x2000, $0x38;
	v63 =	vld [tilespmem:$0x0]  }
0xcf: {  	_ =	swait.ge @!p0 [sflag:s9], $0x2000  }
0xd0: {  	[sflag:s9] =	ssyncset.done @!p0 $0x0  }
0xd1: {  	[sflag:s9] =	ssyncadd.s32 @!p0 $0xFFFFE000  }
0xd2: {  	_ =	sfence.sel $0x180000  }
0xd3: {  	[bflag:$0x0] =	sbarrier.arrive $0xFFFF  }
0xd4: {  	_ =	strace $0x9000004D  }
0xd5: {  	s0 =	stileid.u32;
	[bflag:$0x2] =	sbarrier.arrive $0xFFFF  }
0xd6: {  	p0 =	sne.s32 s0, $0x0;
	s0 =	rddreg [dreg:$0x2]  }
0xd7: {  	s0 =	sadd.s32 @!p0 $0x100000, s0  }
0xd8: {  	[sflag:s0] =	ssyncadd.tile.s32 @!p0 $0x1;
	_ =	shalt  }
.Lfunc_end2:
_tile_overlayer_lowered:
.L_overlay_start_2:
0xd9: {  	(tag) =	ssettag $0x2  }
0xda: {  	s0 =	rddreg [dreg:$0x0];
	s2 =	stileid.u32  }
0xdb: {  	s1 =	rddreg [dreg:$0x1];
	p0 =	sne.s32 s2, $0x0  }
0xdc: {  	s3 =	rddreg [dreg:$0x2];
	[bflag:$0x3] =	sbarrier.arrive $0xFFFF;
	s2 =	simm.s32 @!p0 $0x1C03  }
0xdd: {  	[timem:s3], [sflag:s2] =	dma.local @!p0 [hbm:s0], s1  }
0xde: {  	s0 =	simm.s32 @!p0 $0x3  }
0xdf: {  	_ =	swait.ge @!p0 [sflag:s0], s1  }
0xe0: {  	s1 =	ssub.s32 @!p0 $0x0, s1;
	[sflag:s0] =	ssyncset.done @!p0 $0x0  }
0xe1: {  	[sflag:s0] =	ssyncadd.s32 @!p0 s1  }
0xe2: {  	[bflag:$0x3] =	sbarrier.arrive $0xFFFF  }
0xe3: {  	_ =	shalt  }

// kernel: kernel.24.cloned.1.call-start
scs
__scs_entry_jumppad:
0x0: {  	(pc) =	sbr.rel $0x88, $3  }
0x1: {  	(tag) =	ssettag $0x0;
	lr =	simm.s32 $0x1  }
0x2: {  	[smem:$0x3F94] =	sst lr;
	_ =	strace $0xD0000000  }
0x3: {  	_ = 	snop  }
0x4: {  	_ = 	snop  }
0x5: {  	_ = 	snop  }
0x6: {  	_ = 	snop  }
0x7: {  	_ = 	snop  }
__scs_overlays_trampoline_lowered:
0x8: {  	[smem:$0x3FA3] =	sst s0  }
0x9: {  	[smem:$0x3FA4] =	sst s1  }
0xa: {  	[smem:$0x3FA5] =	sst s2  }
0xb: {  	[smem:$0x3FA6] =	sst s3  }
0xc: {  	[smem:$0x3FA7] =	sst s4  }
0xd: {  	[smem:$0x3FA8] =	sst s5  }
0xe: {  	[smem:$0x3FA9] =	sst s6  }
0xf: {  	[smem:$0x3FAA] =	sst s7  }
0x10: {  	[smem:$0x3FAB] =	sst s8  }
0x11: {  	[smem:$0x3FAC] =	sst s9;
	s0 =	simm.s32 @!p0 $0x0  }
0x12: {  	s1 =	sld [smem:$0x3F92];
	s0 =	simm.s32 @p0 $0x1  }
0x13: {  	[smem:$0x3FAD] =	sst s0;
	s0 =	simm.s32 @!p1 $0x0  }
0x14: {  	s2 =	sld [smem:$0x3F91];
	s0 =	simm.s32 @p1 $0x1  }
0x15: {  	[smem:$0x3FAE] =	sst s0;
	s0 =	simm.s32 @!p2 $0x0  }
0x16: {  	s3 =	sld [smem:$0x3FDB];
	s0 =	simm.s32 @p2 $0x1  }
0x17: {  	s4 =	simm.s32 $0x1BF5;
	[smem:$0x3FB0] =	sst s0  }
0x18: {  	s0 =	sld [smem:$0x3F93];
	_ =	swait.ge [sflag:s4], $0x0  }
0x19: {  	s7 =	sld [smem:$0x3F94]  }
0x1a: {  	s8 =	sadd.s32 $0xFFFFE003, lr  }
0x1b: {  	s9 =	sadd.s32 $0xFFFFFEF7, lr;
	s5 =	simm.s32 $0xFFFFFFFF;
	p2 =	slt.u32 s8, $0xFFFFF086  }
0x1c: {  	p1 =	slt.u32 s9, $0xF7A;
	s5 =	simm.s32 @!p2 $0x0  }
0x1d: {  	s5 =	simm.s32 @p1 $0x1;
	p0 =	seq.s32 s7, s2  }
0x1e: {  	s7 =	smul.u32 @!p0 $0xF7A, s2;
	p2 =	seq.s32 @!p0 s5, $0x0  }
0x1f: {  	s9 =	smul.u32 $0xF7A, s1;
	s8 =	simm.s32 @!p0 $0x1BF5;
	p2 =	por !p2, p0  }
0x20: {  	[sflag:s8] =	ssyncset.s32 @!p0 $0xFFFFF086;
	s6 =	sadd.s32 @!p0 s3, s7;
	s7 =	simm.s32 @!p0 $0x108  }
0x21: {  	s3 =	sadd.s32 s3, s9;
	s6 =	sadd.s32 @!p0 $0x88, s6;
	s7 =	simm.s32 @p2 $0x1082  }
0x22: {  	[simem:s7], [sflag:s8] =	dma.local @!p0 [hbm:s6], $0xF7A  }
0x23: {  	s9 =	sor.u32 $0xD0000000, s2;
	s6 =	simm.s32 $0x108;
	_ =	swait.ge @!p0 [sflag:s8], $0x0  }
0x24: {  	s3 =	sadd.s32 $0x88, s3;
	s6 =	simm.s32 @!p1 $0x1082;
	[sflag:s4] =	ssyncset.s32 $0xFFFFF086  }
0x25: {  	[simem:s6], [sflag:s4] =	dma.local [hbm:s3], $0xF7A  }
0x26: {  	[smem:$0x3F94] =	sst s1;
	(tag) =	ssettag s2;
	_ =	strace s9  }
0x27: {  	s1 =	sld [smem:$0x3FA4]  }
0x28: {  	s2 =	sld [smem:$0x3FA5]  }
0x29: {  	s4 =	sld [smem:$0x3FA7]  }
0x2a: {  	p0 =	seq.s32 s5, $0x0;
	s5 =	sld [smem:$0x3FA8]  }
0x2b: {  	s6 =	sld [smem:$0x3FA9]  }
0x2c: {  	s7 =	sld [smem:$0x3FAA]  }
0x2d: {  	s3 =	simm.s32 $0x108;
	s8 =	sld [smem:$0x3FAB]  }
0x2e: {  	s3 =	simm.s32 @!p0 $0x1082;
	s9 =	sld [smem:$0x3FAC]  }
0x2f: {  	lr =	sadd.s32 s0, s3;
	s0 =	sld [smem:$0x3FA3]  }
0x30: {  	s3 =	sld [smem:$0x3FA6]  }
0x31: {  	[smem:$0x3FAF] =	sst s10  }
0x32: {  	s10 =	sld [smem:$0x3FAD];
	_ =	sdelay $0x3  }
0x33: {  	p0 =	seq.s32 s10, $0x1;
	s10 =	sld [smem:$0x3FAF];
	_ =	sdelay $0x3  }
0x34: {  	[smem:$0x3FAF] =	sst s10  }
0x35: {  	s10 =	sld [smem:$0x3FAE];
	_ =	sdelay $0x3  }
0x36: {  	p1 =	seq.s32 s10, $0x1;
	s10 =	sld [smem:$0x3FAF];
	_ =	sdelay $0x3  }
0x37: {  	[smem:$0x3FAF] =	sst s10  }
0x38: {  	s10 =	sld [smem:$0x3FB0]  }
0x39: {  	_ = 	snop;
	(pc) =	sbr.ind lr, $3  }
0x3a: {  	_ = 	snop  }
0x3b: {  	_ = 	snop  }
0x3c: {  	p2 =	seq.s32 s10, $0x1;
	s10 =	sld [smem:$0x3FAF]  }
0x3d: {  	_ =	shalt  }
0x3e: {  	_ =	shalt  }
0x3f: {  	_ =	shalt  }
0x40: {  	_ =	shalt  }
0x41: {  	_ =	shalt  }
0x42: {  	_ =	shalt  }
0x43: {  	_ =	shalt  }
0x44: {  	_ =	shalt  }
0x45: {  	_ =	shalt  }
0x46: {  	_ =	shalt  }
0x47: {  	_ =	shalt  }
0x48: {  	_ =	shalt  }
0x49: {  	_ =	shalt  }
0x4a: {  	_ =	shalt  }
0x4b: {  	_ =	shalt  }
0x4c: {  	_ =	shalt  }
0x4d: {  	_ =	shalt  }
0x4e: {  	_ =	shalt  }
0x4f: {  	_ =	shalt  }
0x50: {  	_ =	shalt  }
0x51: {  	_ =	shalt  }
0x52: {  	_ =	shalt  }
0x53: {  	_ =	shalt  }
0x54: {  	_ =	shalt  }
0x55: {  	_ =	shalt  }
0x56: {  	_ =	shalt  }
0x57: {  	_ =	shalt  }
0x58: {  	_ =	shalt  }
0x59: {  	_ =	shalt  }
0x5a: {  	_ =	shalt  }
0x5b: {  	_ =	shalt  }
0x5c: {  	_ =	shalt  }
0x5d: {  	_ =	shalt  }
0x5e: {  	_ =	shalt  }
0x5f: {  	_ =	shalt  }
0x60: {  	_ =	shalt  }
0x61: {  	_ =	shalt  }
0x62: {  	_ =	shalt  }
0x63: {  	_ =	shalt  }
0x64: {  	_ =	shalt  }
0x65: {  	_ =	shalt  }
0x66: {  	_ =	shalt  }
0x67: {  	_ =	shalt  }
0x68: {  	_ =	shalt  }
0x69: {  	_ =	shalt  }
0x6a: {  	_ =	shalt  }
0x6b: {  	_ =	shalt  }
0x6c: {  	_ =	shalt  }
0x6d: {  	_ =	shalt  }
0x6e: {  	_ =	shalt  }
0x6f: {  	_ =	shalt  }
0x70: {  	_ =	shalt  }
0x71: {  	_ =	shalt  }
0x72: {  	_ =	shalt  }
0x73: {  	_ =	shalt  }
0x74: {  	_ =	shalt  }
0x75: {  	_ =	shalt  }
0x76: {  	_ =	shalt  }
0x77: {  	_ =	shalt  }
0x78: {  	_ =	shalt  }
0x79: {  	_ =	shalt  }
0x7a: {  	_ =	shalt  }
0x7b: {  	_ =	shalt  }
0x7c: {  	_ =	shalt  }
0x7d: {  	_ =	shalt  }
0x7e: {  	_ =	shalt  }
0x7f: {  	_ =	shalt  }
0x80: {  	_ =	shalt  }
0x81: {  	_ =	shalt  }
0x82: {  	_ =	shalt  }
0x83: {  	_ =	shalt  }
0x84: {  	_ =	shalt  }
0x85: {  	_ =	shalt  }
0x86: {  	_ =	shalt  }
0x87: {  	_ =	shalt  }
.Lfunc_end0:
.L_simem_size_0:
called_computation.4_lowered:
.L_overlay_start_0:
0x88: {  	s2 =	sld [smem:$0x3FD9]  }
0x89: {  	s3 =	sld [smem:$0x3FFE];
	_ =	sdelay $0x1  }
0x8a: {  	s1 =	srdreg.scid  }
0x8b: {  	s0 =	sand.u32 $0x1, s1  }
0x8c: {  	s16 =	sshll.u32 s0, $0xA;
	s2 =	sadd.s32 s3, s2  }
0x8d: {  	s2 =	sadd.s32 s2, s16  }
0x8e: {  	[smem:$0x3FBB] =	sst s2  }
0x8f: {  	_ = 	snop  }
0x90: {  	(tm) =	ssettm $0x1  }
0x91: {  	s17 =	sld [smem:$0x3FFB];
	_ =	sdelay $0x3  }
0x92: {  	_ =	strace s17  }
0x93: {  	s2 =	sld [smem:$0x3FFC];
	_ =	sdelay $0x3  }
0x94: {  	_ =	strace s2  }
0x95: {  	s2 =	sld [smem:$0x3FFD];
	_ =	sdelay $0x3  }
0x96: {  	_ =	strace s2  }
0x97: {  	_ =	strace $0x8FFFFFFF  }
0x98: {  	s18 =	sld [smem:$0x3FDB];
	_ =	sdelay $0x1  }
0x99: {  	s19 =	simm.s32 $_scs_section_size  }
0x9a: {  	s4 =	simm.s32 $_size__tile_overlayer_lowered;
	s5 =	simm.s32 $_tile_overlayer_lowered  }
0x9b: {  	s22 =	simm.s32 $0x1BFF;
	s21 =	sshll.u32 s5, $0x1;
	s2 =	sadd.s32 s19, s18  }
0x9c: {  	s6 =	simm.s32 $0x0;
	s20 =	sshll.u32 s4, $0x1;
	s4 =	sadd.s32 s21, s2  }
0x9d: {  	[timem:s6], [sflag:s22] =	dma.local [hbm:s4], s20  }
0x9e: {  	_ =	swait.ge [sflag:s22], s20  }
0x9f: {  	s3 =	ssub.s32 $0x0, s20;
	[sflag:s22] =	ssyncset.done $0x0  }
0xa0: {  	[sflag:s22] =	ssyncadd.s32 s3;
	_ =	sdelay $0x1  }
0xa1: {  	s23 =	simm.s32 $0x1B8B  }
0xa2: {  	_ =	swait.ge [sflag:s23], $0x1  }
0xa3: {  	[sflag:s23] =	ssyncset.done $0x0  }
0xa4: {  	s25 =	simm.s32 $0x1B8E;
	s24 =	sld [smem:$0x3FFE];
	[sflag:s23] =	ssyncadd.s32 $0xFFFFFFFF  }
0xa5: {  	s26 =	simm.s32 $execute0_lowered;
	[smem:$0x3FD2] =	sst s25  }
0xa6: {  	s4 =	sshll.u32 s26, $0x1;
	_ =	strace $0x8000004F;
	[dreg:$0x1] =	wrdreg $0xFFFFFFFF  }
0xa7: {  	s28 =	simm.s32 $_size_execute0_lowered;
	s2 =	sadd.s32 s2, s4;
	[dreg:$0x0] =	wrdreg $0x0  }
0xa8: {  	s4 =	sshll.u32 s28, $0x1;
	[dreg:$0x2] =	wrdreg s2  }
0xa9: {  	[dreg:$0x3] =	wrdreg s4  }
0xaa: {  	[dreg:$0x4] =	wrdreg $0xC0  }
0xab: {  	_ =	task [dreg:s6], $0x5FFFF  }
0xac: {  	[dreg:$0x1] =	wrdreg $0xFFFFFFFF  }
0xad: {  	[dreg:$0x0] =	wrdreg $0x60  }
0xae: {  	[dreg:$0x2] =	wrdreg s24  }
0xaf: {  	[dreg:$0x3] =	wrdreg $0x160000  }
0xb0: {  	[dreg:$0x4] =	wrdreg $0xA  }
0xb1: {  	_ =	task.clear_ibuf [dreg:s6], $0x5FFFF;
	_ =	strace $0x9000004F  }
0xb2: {  	s29 =	simm.s32 $0xA;
	_ =	strace $0x80000051  }
0xb3: {  	_ =	swait.ge [sflag:s29], $0x1  }
0xb4: {  	[sflag:s29] =	ssyncadd.s32 $0xFFFFFFFF  }
0xb5: {  	_ =	strace $0x90000051  }
0xb6: {  	_ =	sfence  }
0xb7: {  	s30 =	sld [smem:$0x0];
	_ =	sdelay $0x2  }
0xb8: {  	s31 =	sshll.u32 s1, $0xD;
	s1 =	sshrl.u32 s1, $0x2  }
0xb9: {  	s3 =	sand.u32 $0x4000, s31;
	s1 =	sadd.s32 s1, s30  }
0xba: {  	s0 =	sor.u32 s3, s0;
	s1 =	sshll.u32 s1, $0x11  }
0xbb: {  	s0 =	sor.u32 s1, s0  }
0xbc: {  	s0 =	sadd.s32 $0x8F2B, s0  }
0xbd: {  	[sflag:s0] =	ssyncadd.remote.s32 $0x1  }
0xbe: {  	_ =	sfence.sel $0xFFFF  }
0xbf: {  	[dreg:$0x0] =	wrdreg $0xFFFFFFFF;
	(pc) =	sbr.abs _section_cstart, $3  }
0xc0: {  	[dreg:$0x1] =	wrdreg $0xFFFFFFFF  }
0xc1: {  	_ =	task.clear_ibuf [dreg:s6], $0x2FFFF;
	_ =	strace $0x9FFFFFFF  }
0xc2: {  	(tm) =	ssettm $0x7FFFFFFF  }
0xc3: {  	_ =	shalt  }
tec
execute0_lowered:
.L_overlay_start_1:
0x0: {  	(tag) =	ssettag $0x1  }
0x1: {  	s0 =	rddreg [dreg:$0x0]  }
0x2: {  	s2 =	rddreg [dreg:$0x1]  }
0x3: {  	s1 =	srdreg.scid;
	s13 =	stileid.u32;
	s3 =	simm.s32 $0x0  }
0x4: {  	s15 =	simm.s32 $0x14000;
	s1 =	sand.u32 $0x1, s1;
	s8 =	smul.u32 $0x28000, s13  }
0x5: {  	s4 =	sshll.u32 s13, $0x1;
	[smem:$0x7FF] =	sst s3;
	s19 =	smul.u32 $0x27000, s13  }
0x6: {  	s10 =	sadd.s32 $0xA3C00, s0;
	s20 =	smul.u32 $0x138, s13;
	p0 =	sne.s32 s13, $0xF  }
0x7: {  	s13 =	simm.s32 $0x2;
	s4 =	sor.u32 s1, s4;
	s14 =	smul.u32 $0x13C0, s1  }
0x8: {  	_ =	strace $0x80000050;
	s6 =	ssub.s32 $0x2, s1;
	s1 =	smul.u32 $0x9E000, s1  }
0x9: {  	s5 =	smul.u32 $0xA00, s4;
	s4 =	sadd.s32 $0x55A00, s0;
	s7 =	sshrl.u32 s6, $0x1  }
0xa: {  	s8 =	sshrl.u32 s8, $0x2;
	s21 =	sshrl.u32 s19, $0x2;
	s6 =	ssub.s32 s6, s7  }
0xb: {  	s7 =	sadd.s32 s8, s2;
	s8 =	sadd.s32 s21, s2;
	s1 =	sshrl.u32 s1, $0x3  }
0xc: {  	s5 =	sadd.s32 s5, s0;
	s0 =	sadd.s32 $0xA4C00, s0;
	s1 =	sadd.s32 s10, s1  }
0xd: {  	s24 =	smax.u32 s6, $0x1;
	s16 =	sadd.s32 $0x2000, s7;
	s17 =	sadd.s32 $0x4000, s7  }
0xe: {  	s18 =	sadd.s32 $0x6000, s7;
	s19 =	sadd.s32 $0x8000, s7;
	s21 =	sadd.s32 $0x2000, s8  }
0xf: {  	s6 =	simm.s32 $0xA000;
	s9 =	sadd.s32 $0x41A00, s5;
	[dreg:$0x9] =	wrdreg s24  }
0x10: {  	s5 =	sadd.s32 $0x6200, s5;
	s12 =	sadd.s32 $0x13800, s1;
	[dreg:$0x3] =	wrdreg s9  }
0x11: {  	s23 =	sadd.s32 $0x3B000, s1;
	s24 =	sadd.s32 $0x4000, s8;
	[dreg:$0x4] =	wrdreg s5  }
0x12: {  	s1 =	simm.s32 $0x12000;
	s5 =	sadd.s32 s20, s14;
	[dreg:$0x6] =	wrdreg s12  }
0x13: {  	s9 =	sadd.s32 $0x8000, s8;
	[dreg:$0x8] =	wrdreg s23;
	s5 =	sshll.u32 s5, $0x4  }
0x14: {  	s12 =	simm.s32 $0x1;
	s11 =	sadd.s32 s5, s0;
	s22 =	sadd.s32 $0x27800, s5  }
0x15: {  	s20 =	sadd.s32 s10, s5;
	[dreg:$0x5] =	wrdreg s11;
	s0 =	sadd.s32 s22, s0  }
0x16: {  	v0 =	vmov s14;
	s14 =	simm.s32 $0x9E00;
	s25 =	sadd.s32 $0x400, s20;
	[dreg:$0x7] =	wrdreg s0  }
0x17: {  	s5 =	simm.s32 $0x80;
	s26 =	sadd.s32 $0x800, s20;
	[dreg:$0xa] =	wrdreg s25  }
0x18: {  	s23 =	sadd.s32 s10, s22;
	s28 =	sadd.s32 $0xC00, s20;
	[dreg:$0xb] =	wrdreg s26  }
0x19: {  	s11 =	sadd.s32 $0x9C000, s2;
	[dreg:$0xc] =	wrdreg s28;
	s29 =	sadd.s32 $0x400, s23  }
0x1a: {  	s10 =	simm.s32 $0xE000;
	s30 =	sadd.s32 $0x800, s23;
	[dreg:$0xd] =	wrdreg s29  }
0x1b: {  	s22 =	simm.s32 $0x0;
	s31 =	sadd.s32 $0xC00, s23;
	[dreg:$0xe] =	wrdreg s30  }
0x1c: {  	v1 =	vimm.f32 $0.0e+00;
	s26 =	sadd.s32 $0x6000, s8;
	s0 =	simm.s32 $0x3;
	[dreg:$0xf] =	wrdreg s31  }
.LBB2_1:
0x1d: {  	s25 =	rddreg [dreg:$0x3]  }
0x1e: {  	[tilespmem:s3], [sflag:$0x3] =	stream.linear.gather [hbm4b:s25+s3], $0x4E80, $0x38;
	v63 =	vld [tilespmem:$0x0]  }
0x1f: {  	_ =	swait.ge [sflag:s0], $0x4E80  }
0x20: {  	[sflag:s0] =	ssyncset.done $0x0  }
0x21: {  	s28 =	simm.s32 $0x5000;
	s31 =	rddreg [dreg:$0x4];
	[sflag:s0] =	ssyncadd.s32 $0xFFFFB180  }
0x22: {  	[tilespmem:s28], [sflag:$0x3] =	stream.linear.gather [hbm4b:s31+s3], $0x4E80, $0x38;
	v63 =	vld [tilespmem:$0x0]  }
0x23: {  	_ =	swait.ge [sflag:s0], $0x4E80  }
0x24: {  	[sflag:s0] =	ssyncset.done $0x0  }
0x25: {  	s25 =	simm.s32 $0x0;
	s28 =	simm.s32 $0x200;
	[sflag:s0] =	ssyncadd.s32 $0xFFFFB180  }
.LBB2_2:
0x26: {  	p1 =	sne.s32 s28, $0x7E00;
	[tilespmem:s25+$0x12070] =	vst v1  }
0x27: {  	[tilespmem:s25+$0x12000] =	vst v1  }
0x28: {  	[tilespmem:s25+$0x12010] =	vst v1  }
.Ltmp0:
0x29: {  	[tilespmem:s25+$0x12020] =	vst v1;
	(pc) =	sbr.rel @p1 .LBB2_2-.Ltmp0, $4  }
0x2a: {  	[tilespmem:s25+$0x12030] =	vst v1  }
0x2b: {  	[tilespmem:s25+$0x12040] =	vst v1  }
0x2c: {  	[tilespmem:s25+$0x12050] =	vst v1  }
0x2d: {  	[tilespmem:s25+$0x12060] =	vst v1;
	s25 =	sshra.s32 s28, $0x2;
	s28 =	sadd.s32 $0x200, s28  }
0x2e: {  	[tilespmem:s25+$0x12070] =	vst v1  }
0x2f: {  	[tilespmem:s25+$0x12000] =	vst v1  }
0x30: {  	[tilespmem:s25+$0x12010] =	vst v1  }
0x31: {  	[tilespmem:s25+$0x12020] =	vst v1  }
0x32: {  	[tilespmem:s25+$0x12030] =	vst v1  }
0x33: {  	[tilespmem:s25+$0x12040] =	vst v1  }
0x34: {  	[tilespmem:s25+$0x12050] =	vst v1  }
0x35: {  	[tilespmem:s25+$0x12060] =	vst v1;
	s25 =	simm.s32 $0x70  }
0x36: {  	v2 =	vld [tilespmem:s25+$0x4F90]  }
0x37: {  	v3 =	vld [tilespmem:s25+$0x4FA0];
	_ =	sdelay $0x2  }
0x38: {  	v4 =	vld [tilespmem:s25+$0x4FB0]  }
0x39: {  	v9 =	vld [tilespmem:s25+$0x4FC0]  }
0x3a: {  	v5 =	vsub.s32 v2, v0;
	v2 =	vand.u32 $0x3F, v2;
	v7 =	vsub.s32 v3, v0  }
0x3b: {  	v6 =	vld [tilespmem:s25+$0x4FD0];
	v3 =	vand.u32 $0x3F, v3;
	vm0 =	vlt.u32 v5, $0x13C0;
	v2 =	vor.u32 $0x13C0, v2  }
0x3c: {  	v5 =	vsel vm0, v5, v2;
	vm0 =	vlt.u32 v7, $0x13C0;
	v2 =	vor.u32 $0x13C0, v3  }
0x3d: {  	v3 =	vsel vm0, v7, v2;
	v7 =	vsub.s32 v4, v0;
	v2 =	vand.u32 $0x3F, v4;
	v4 =	vld [tilespmem:s25+$0x4FE0]  }
0x3e: {  	v8 =	vsub.s32 v9, v0;
	vm0 =	vlt.u32 v7, $0x13C0;
	v10 =	vor.u32 $0x13C0, v2;
	v2 =	vld [tilespmem:s25+$0x4FF0]  }
0x3f: {  	s28 =	simm.s32 $0x3C0;
	v9 =	vand.u32 $0x3F, v9;
	v7 =	vsel vm0, v7, v10;
	vm0 =	vlt.u32 v8, $0x13C0  }
.LBB2_4:
0x40: {  	p1 =	sne.s32 s28, $0x139C0;
	v9 =	vor.u32 $0x13C0, v9;
	v10 =	vsub.s32 v6, v0;
	v6 =	vand.u32 $0x3F, v6;
	v11 =	vld [tilespmem:s25+$0x5000]  }
0x41: {  	s29 =	sshra.s32 s28, $0x2;
	[tilespmem:s25+$0x4F90] =	vst v5;
	v5 =	vsel vm0, v8, v9;
	vm0 =	vlt.u32 v10, $0x13C0;
	v6 =	vor.u32 $0x13C0, v6  }
0x42: {  	v8 =	vld [tilespmem:s29+$0x4F90];
	[tilespmem:s25+$0x4FA0] =	vst v3;
	v3 =	vsel vm0, v10, v6;
	v6 =	vsub.s32 v4, v0;
	v4 =	vand.u32 $0x3F, v4  }
0x43: {  	[tilespmem:s25+$0x4FB0] =	vst v7;
	vm0 =	vlt.u32 v6, $0x13C0;
	v4 =	vor.u32 $0x13C0, v4;
	v7 =	vsub.s32 v2, v0  }
0x44: {  	v2 =	vand.u32 $0x3F, v2;
	v9 =	vld [tilespmem:s29+$0x4FA0];
	[tilespmem:s25+$0x4FC0] =	vst v5;
	v4 =	vsel vm0, v6, v4;
	vm0 =	vlt.u32 v7, $0x13C0  }
0x45: {  	v2 =	vor.u32 $0x13C0, v2;
	[tilespmem:s25+$0x4FD0] =	vst v3;
	v3 =	vsub.s32 v11, v0;
	v5 =	vand.u32 $0x3F, v11  }
0x46: {  	v2 =	vsel vm0, v7, v2;
	v10 =	vld [tilespmem:s29+$0x4FB0];
	[tilespmem:s25+$0x4FE0] =	vst v4;
	vm0 =	vlt.u32 v3, $0x13C0;
	v4 =	vor.u32 $0x13C0, v5  }
0x47: {  	v5 =	vsub.s32 v8, v0;
	v11 =	vld [tilespmem:s29+$0x4FC0];
	[tilespmem:s25+$0x4FF0] =	vst v2;
	v2 =	vsel vm0, v3, v4  }
0x48: {  	v3 =	vand.u32 $0x3F, v8;
	vm0 =	vlt.u32 v5, $0x13C0;
	[tilespmem:s25+$0x5000] =	vst v2;
	s25 =	smov.u32 s29  }
.Ltmp1:
0x49: {  	v2 =	vor.u32 $0x13C0, v3;
	v3 =	vsub.s32 v9, v0;
	v4 =	vand.u32 $0x3F, v9;
	v6 =	vld [tilespmem:s25+$0x4FD0];
	(pc) =	sbr.rel @p1 .LBB2_4-.Ltmp1, $4  }
0x4a: {  	v5 =	vsel vm0, v5, v2;
	vm0 =	vlt.u32 v3, $0x13C0;
	v2 =	vor.u32 $0x13C0, v4  }
0x4b: {  	v3 =	vsel vm0, v3, v2;
	v7 =	vsub.s32 v10, v0;
	v2 =	vand.u32 $0x3F, v10;
	v4 =	vld [tilespmem:s25+$0x4FE0]  }
0x4c: {  	vm0 =	vlt.u32 v7, $0x13C0;
	v9 =	vor.u32 $0x13C0, v2;
	v8 =	vsub.s32 v11, v0;
	v2 =	vld [tilespmem:s25+$0x4FF0]  }
0x4d: {  	s28 =	sadd.s32 $0x200, s28;
	v7 =	vsel vm0, v7, v9;
	vm0 =	vlt.u32 v8, $0x13C0;
	v9 =	vand.u32 $0x3F, v11  }
0x4e: {  	v9 =	vor.u32 $0x13C0, v9;
	v10 =	vsub.s32 v6, v0;
	v56 =	vand.u32 $0x3F, v6;
	v11 =	vld [tilespmem:s25+$0x5000]  }
0x4f: {  	[tilespmem:s25+$0x4F90] =	vst v5;
	v57 =	vsel vm0, v8, v9;
	vm12 =	vlt.u32 v10, $0x13C0;
	v6 =	vor.u32 $0x13C0, v56  }
0x50: {  	[tilespmem:s25+$0x4FA0] =	vst v3;
	v3 =	vsel vm12, v10, v6;
	v58 =	vsub.s32 v4, v0;
	v59 =	vand.u32 $0x3F, v4  }
0x51: {  	[tilespmem:s25+$0x4FB0] =	vst v7;
	vm13 =	vlt.u32 v58, $0x13C0;
	v4 =	vor.u32 $0x13C0, v59;
	v60 =	vsub.s32 v2, v0  }
0x52: {  	[tilespmem:s25+$0x4FC0] =	vst v57;
	v2 =	vand.u32 $0x3F, v2;
	v4 =	vsel vm13, v58, v4;
	vm14 =	vlt.u32 v60, $0x13C0  }
0x53: {  	[tilespmem:s25+$0x4FD0] =	vst v3;
	v2 =	vor.u32 $0x13C0, v2;
	v3 =	vsub.s32 v11, v0;
	v61 =	vand.u32 $0x3F, v11  }
0x54: {  	[tilespmem:s25+$0x4FE0] =	vst v4;
	v2 =	vsel vm14, v60, v2;
	vm15 =	vlt.u32 v3, $0x13C0;
	v62 =	vor.u32 $0x13C0, v61  }
0x55: {  	[tilespmem:s25+$0x4FF0] =	vst v2;
	v2 =	vsel vm15, v3, v62  }
0x56: {  	[tilespmem:s25+$0x5000] =	vst v2  }
0x57: {  	[spmem:s7] =	stream.linear.scatter [tilespmem:s1], [sflag:$0x3], $0x2000, $0x38;
	v63 =	vld [tilespmem:$0x0]  }
0x58: {  	_ =	swait.ge [sflag:s0], $0x2000  }
0x59: {  	[sflag:s0] =	ssyncset.done $0x0  }
0x5a: {  	[sflag:s0] =	ssyncadd.s32 $0xFFFFE000  }
0x5b: {  	[spmem:s16] =	stream.linear.scatter [tilespmem:s1], [sflag:$0x3], $0x2000, $0x38;
	v63 =	vld [tilespmem:$0x0]  }
0x5c: {  	_ =	swait.ge [sflag:s0], $0x2000  }
0x5d: {  	[sflag:s0] =	ssyncset.done $0x0  }
0x5e: {  	[sflag:s0] =	ssyncadd.s32 $0xFFFFE000  }
0x5f: {  	[spmem:s17] =	stream.linear.scatter [tilespmem:s1], [sflag:$0x3], $0x2000, $0x38;
	v63 =	vld [tilespmem:$0x0]  }
0x60: {  	_ =	swait.ge [sflag:s0], $0x2000  }
0x61: {  	[sflag:s0] =	ssyncset.done $0x0  }
0x62: {  	[sflag:s0] =	ssyncadd.s32 $0xFFFFE000  }
0x63: {  	[spmem:s18] =	stream.linear.scatter [tilespmem:s1], [sflag:$0x3], $0x2000, $0x38;
	v63 =	vld [tilespmem:$0x0]  }
0x64: {  	_ =	swait.ge [sflag:s0], $0x2000  }
0x65: {  	[sflag:s0] =	ssyncset.done $0x0  }
0x66: {  	[sflag:s0] =	ssyncadd.s32 $0xFFFFE000  }
0x67: {  	[spmem:s19] =	stream.linear.scatter [tilespmem:s1], [sflag:$0x3], $0x2000, $0x38;
	v63 =	vld [tilespmem:$0x0]  }
0x68: {  	_ =	swait.ge [sflag:s0], $0x2000  }
0x69: {  	[sflag:s0] =	ssyncset.done $0x0  }
0x6a: {  	[sflag:s0] =	ssyncadd.s32 $0xFFFFE000  }
0x6b: {  	s30 =	simm.s32 $0x0;
	[bflag:$0x0] =	sbarrier.arrive $0xFFFF  }
0x6c: {  	[tilespmem:s6], [sflag:$0x1] =	stream.indirect.gather [hbm4b:s4+s5], $0x80, s30, s5, $0xb8;
	v63 =	vld [tilespmem:$0x0]  }
0x6d: {  	s31 =	simm.s32 $0x80  }
0x6e: {  	[tilespmem:s10], [sflag:$0x2] =	stream.indirect.gather [hbm4b:s4+s5], $0x80, s31, s5, $0xb8;
	v63 =	vld [tilespmem:$0x0]  }
0x6f: {  	_ =	swait.ge [sflag:s12], $0x4000  }
0x70: {  	[sflag:s12] =	ssyncset.done $0x0  }
0x71: {  	s29 =	simm.s32 $0x5000;
	[sflag:s12] =	ssyncadd.s32 $0xFFFFC000  }
0x72: {  	[spmem:s2] =	stream.indirect.scatter.add.f32 [tilespmem:s6], [sflag:$0x3], $0x80, s29, s5, $0xb8;
	v63 =	vld [tilespmem:$0x0]  }
0x73: {  	_ =	swait.ge [sflag:s0], $0x4000  }
0x74: {  	[sflag:s0] =	ssyncset.done $0x0  }
0x75: {  	s30 =	simm.s32 $0x100;
	[sflag:s0] =	ssyncadd.s32 $0xFFFFC000  }
0x76: {  	[tilespmem:s6], [sflag:$0x1] =	stream.indirect.gather [hbm4b:s4+s5], $0x80, s30, s5, $0xb8;
	v63 =	vld [tilespmem:$0x0]  }
0x77: {  	_ =	swait.ge [sflag:s13], $0x4000  }
0x78: {  	[sflag:s13] =	ssyncset.done $0x0  }
0x79: {  	s31 =	simm.s32 $0x5080;
	[sflag:s13] =	ssyncadd.s32 $0xFFFFC000  }
0x7a: {  	[spmem:s2] =	stream.indirect.scatter.add.f32 [tilespmem:s10], [sflag:$0x3], $0x80, s31, s5, $0xb8;
	v63 =	vld [tilespmem:$0x0]  }
0x7b: {  	_ =	swait.ge [sflag:s0], $0x4000  }
0x7c: {  	s28 =	simm.s32 $0x800;
	s25 =	simm.s32 $0x100;
	[sflag:s0] =	ssyncset.done $0x0  }
.LBB2_6:
0x7d: {  	s29 =	sadd.s32 $0x80, s25  }
0x7e: {  	[sflag:s0] =	ssyncadd.s32 $0xFFFFC000;
	s30 =	smov.u32 s28;
	s31 =	sadd.s32 $0x400, s28  }
0x7f: {  	[tilespmem:s10], [sflag:$0x2] =	stream.indirect.gather [hbm4b:s4+s5], $0x80, s29, s5, $0xb8;
	v63 =	vld [tilespmem:$0x0]  }
0x80: {  	p1 =	sne.s32 s28, $0x13400;
	_ =	swait.ge [sflag:s12], $0x4000  }
0x81: {  	[sflag:s12] =	ssyncset.done $0x0  }
0x82: {  	s28 =	sadd.s32 $0x5000, s25;
	[sflag:s12] =	ssyncadd.s32 $0xFFFFC000  }
0x83: {  	[spmem:s2] =	stream.indirect.scatter.add.f32 [tilespmem:s6], [sflag:$0x3], $0x80, s28, s5, $0xb8;
	v63 =	vld [tilespmem:$0x0]  }
0x84: {  	_ =	swait.ge [sflag:s0], $0x4000  }
0x85: {  	[sflag:s0] =	ssyncset.done $0x0  }
0x86: {  	s28 =	sadd.s32 $0x100, s25;
	[sflag:s0] =	ssyncadd.s32 $0xFFFFC000  }
0x87: {  	[tilespmem:s6], [sflag:$0x1] =	stream.indirect.gather [hbm4b:s4+s5], $0x80, s28, s5, $0xb8;
	v63 =	vld [tilespmem:$0x0]  }
0x88: {  	_ =	swait.ge [sflag:s13], $0x4000  }
.Ltmp2:
0x89: {  	[sflag:s13] =	ssyncset.done $0x0;
	(pc) =	sbr.rel @p1 .LBB2_6-.Ltmp2, $4  }
0x8a: {  	s25 =	sadd.s32 $0x5080, s25;
	[sflag:s13] =	ssyncadd.s32 $0xFFFFC000  }
0x8b: {  	[spmem:s2] =	stream.indirect.scatter.add.f32 [tilespmem:s10], [sflag:$0x3], $0x80, s25, s5, $0xb8;
	v63 =	vld [tilespmem:$0x0]  }
0x8c: {  	_ =	swait.ge [sflag:s0], $0x4000  }
0x8d: {  	s28 =	smov.u32 s31;
	s25 =	sshra.s32 s30, $0x2;
	[sflag:s0] =	ssyncset.done $0x0  }
0x8e: {  	s28 =	sadd.s32 $0x80, s25;
	[sflag:s0] =	ssyncadd.s32 $0xFFFFC000  }
0x8f: {  	[tilespmem:s10], [sflag:$0x2] =	stream.indirect.gather [hbm4b:s4+s5], $0x80, s28, s5, $0xb8;
	v63 =	vld [tilespmem:$0x0]  }
0x90: {  	_ =	swait.ge [sflag:s12], $0x4000  }
0x91: {  	[sflag:s12] =	ssyncset.done $0x0  }
0x92: {  	s28 =	sadd.s32 $0x5000, s25;
	[sflag:s12] =	ssyncadd.s32 $0xFFFFC000  }
0x93: {  	[spmem:s2] =	stream.indirect.scatter.add.f32 [tilespmem:s6], [sflag:$0x3], $0x80, s28, s5, $0xb8;
	v63 =	vld [tilespmem:$0x0]  }
0x94: {  	_ =	swait.ge [sflag:s0], $0x4000  }
0x95: {  	[sflag:s0] =	ssyncset.done $0x0  }
0x96: {  	s28 =	sadd.s32 $0x100, s25;
	[sflag:s0] =	ssyncadd.s32 $0xFFFFC000  }
0x97: {  	[tilespmem:s6], [sflag:$0x1] =	stream.indirect.gather [hbm4b:s4+s5], $0x80, s28, s5, $0xb8;
	v63 =	vld [tilespmem:$0x0]  }
0x98: {  	_ =	swait.ge [sflag:s13], $0x4000  }
0x99: {  	[sflag:s13] =	ssyncset.done $0x0  }
0x9a: {  	s30 =	sadd.s32 $0x5080, s25;
	[sflag:s13] =	ssyncadd.s32 $0xFFFFC000  }
0x9b: {  	[spmem:s2] =	stream.indirect.scatter.add.f32 [tilespmem:s10], [sflag:$0x3], $0x80, s30, s5, $0xb8;
	v63 =	vld [tilespmem:$0x0]  }
0x9c: {  	_ =	swait.ge [sflag:s0], $0x4000  }
0x9d: {  	[sflag:s0] =	ssyncset.done $0x0  }
0x9e: {  	[sflag:s0] =	ssyncadd.s32 $0xFFFFC000  }
0x9f: {  	_ =	swait.ge [sflag:s12], $0x4000  }
0xa0: {  	[sflag:s12] =	ssyncset.done $0x0  }
0xa1: {  	[sflag:s12] =	ssyncadd.s32 $0xFFFFC000  }
0xa2: {  	[spmem:s2] =	stream.indirect.scatter.add.f32 [tilespmem:s6], [sflag:$0x3], $0x80, s14, s5, $0xb8;
	v63 =	vld [tilespmem:$0x0]  }
0xa3: {  	_ =	swait.ge [sflag:s0], $0x4000  }
0xa4: {  	[sflag:s0] =	ssyncset.done $0x0  }
0xa5: {  	[sflag:s0] =	ssyncadd.s32 $0xFFFFC000  }
0xa6: {  	[bflag:$0x0] =	sbarrier.arrive $0xFFFF  }
0xa7: {  	[tilespmem:s15], [sflag:$0x3] =	stream.linear.gather [spmem:s8], $0x2000, $0x38;
	v63 =	vld [tilespmem:$0x0]  }
0xa8: {  	_ =	swait.ge [sflag:s0], $0x2000  }
0xa9: {  	[sflag:s0] =	ssyncset.done $0x0  }
0xaa: {  	[sflag:s0] =	ssyncadd.s32 $0xFFFFE000  }
0xab: {  	[hbm4b:s20+s3] =	stream.linear.scatter [tilespmem:s15], [sflag:$0x3], $0x2000, $0x38;
	v63 =	vld [tilespmem:$0x0]  }
0xac: {  	_ =	swait.ge [sflag:s0], $0x2000  }
0xad: {  	[sflag:s0] =	ssyncset.done $0x0  }
0xae: {  	[sflag:s0] =	ssyncadd.s32 $0xFFFFE000  }
0xaf: {  	[tilespmem:s15], [sflag:$0x3] =	stream.linear.gather [spmem:s21], $0x2000, $0x38;
	v63 =	vld [tilespmem:$0x0]  }
0xb0: {  	_ =	swait.ge [sflag:s0], $0x2000  }
0xb1: {  	[sflag:s0] =	ssyncset.done $0x0  }
0xb2: {  	s31 =	rddreg [dreg:$0xa];
	[sflag:s0] =	ssyncadd.s32 $0xFFFFE000  }
0xb3: {  	[hbm4b:s31+s3] =	stream.linear.scatter [tilespmem:s15], [sflag:$0x3], $0x2000, $0x38;
	v63 =	vld [tilespmem:$0x0]  }
0xb4: {  	_ =	swait.ge [sflag:s0], $0x2000  }
0xb5: {  	[sflag:s0] =	ssyncset.done $0x0  }
0xb6: {  	[sflag:s0] =	ssyncadd.s32 $0xFFFFE000  }
0xb7: {  	[tilespmem:s15], [sflag:$0x3] =	stream.linear.gather [spmem:s24], $0x2000, $0x38;
	v63 =	vld [tilespmem:$0x0]  }
0xb8: {  	_ =	swait.ge [sflag:s0], $0x2000  }
0xb9: {  	[sflag:s0] =	ssyncset.done $0x0  }
0xba: {  	s29 =	rddreg [dreg:$0xb];
	[sflag:s0] =	ssyncadd.s32 $0xFFFFE000  }
0xbb: {  	[hbm4b:s29+s3] =	stream.linear.scatter [tilespmem:s15], [sflag:$0x3], $0x2000, $0x38;
	v63 =	vld [tilespmem:$0x0]  }
0xbc: {  	_ =	swait.ge [sflag:s0], $0x2000  }
0xbd: {  	[sflag:s0] =	ssyncset.done $0x0  }
0xbe: {  	[sflag:s0] =	ssyncadd.s32 $0xFFFFE000  }
0xbf: {  	[tilespmem:s15], [sflag:$0x3] =	stream.linear.gather [spmem:s26], $0x2000, $0x38;
	v63 =	vld [tilespmem:$0x0]  }
0xc0: {  	_ =	swait.ge [sflag:s0], $0x2000  }
0xc1: {  	[sflag:s0] =	ssyncset.done $0x0  }
0xc2: {  	s30 =	rddreg [dreg:$0xc];
	[sflag:s0] =	ssyncadd.s32 $0xFFFFE000  }
0xc3: {  	[hbm4b:s30+s3] =	stream.linear.scatter [tilespmem:s15], [sflag:$0x3], $0x2000, $0x38;
	v63 =	vld [tilespmem:$0x0]  }
0xc4: {  	_ =	swait.ge [sflag:s0], $0x2000  }
0xc5: {  	[sflag:s0] =	ssyncset.done $0x0  }
0xc6: {  	[sflag:s0] =	ssyncadd.s32 $0xFFFFE000  }
0xc7: {  	[tilespmem:s15], [sflag:$0x3] =	stream.linear.gather [spmem:s9], $0x1C00, $0x38;
	v63 =	vld [tilespmem:$0x0]  }
0xc8: {  	_ =	swait.ge [sflag:s0], $0x1C00  }
0xc9: {  	[sflag:s0] =	ssyncset.done $0x0  }
0xca: {  	s31 =	rddreg [dreg:$0x5];
	[sflag:s0] =	ssyncadd.s32 $0xFFFFE400  }
0xcb: {  	[hbm4b:s31+s3] =	stream.linear.scatter [tilespmem:s15], [sflag:$0x3], $0x1C00, $0x38;
	v63 =	vld [tilespmem:$0x0]  }
0xcc: {  	_ =	swait.ge [sflag:s0], $0x1C00  }
0xcd: {  	[sflag:s0] =	ssyncset.done $0x0  }
0xce: {  	s25 =	simm.s32 @!p0 $0x14000;
	s28 =	simm.s32 @!p0 $0x3;
	[sflag:s0] =	ssyncadd.s32 $0xFFFFE400  }
0xcf: {  	[tilespmem:s25], [sflag:$0x3] =	stream.linear.gather @!p0 [spmem:s11], $0x2000, $0x38;
	v63 =	vld [tilespmem:$0x0]  }
0xd0: {  	_ =	swait.ge @!p0 [sflag:s28], $0x2000  }
0xd1: {  	[sflag:s28] =	ssyncset.done @!p0 $0x0  }
0xd2: {  	s29 =	simm.s32 @!p0 $0x0;
	s30 =	rddreg [dreg:$0x6];
	[sflag:s28] =	ssyncadd.s32 @!p0 $0xFFFFE000  }
0xd3: {  	[hbm4b:s30+s29] =	stream.linear.scatter @!p0 [tilespmem:s25], [sflag:$0x3], $0x2000, $0x38;
	v63 =	vld [tilespmem:$0x0]  }
0xd4: {  	_ =	swait.ge @!p0 [sflag:s28], $0x2000  }
0xd5: {  	[sflag:s28] =	ssyncset.done @!p0 $0x0  }
0xd6: {  	[sflag:s28] =	ssyncadd.s32 @!p0 $0xFFFFE000  }
0xd7: {  	s25 =	simm.s32 $0x70;
	[bflag:$0x0] =	sbarrier.arrive $0xFFFF  }
0xd8: {  	v4 =	vld [tilespmem:s25+$0xFFFFFF90]  }
0xd9: {  	v6 =	vld [tilespmem:s25+$0xFFFFFFA0]  }
0xda: {  	v5 =	vld [tilespmem:s25+$0xFFFFFFB0]  }
0xdb: {  	v3 =	vld [tilespmem:s25+$0xFFFFFFC0]  }
0xdc: {  	v2 =	vld [tilespmem:s25+$0xFFFFFFD0]  }
0xdd: {  	s28 =	simm.s32 $0x3C0;
	v7 =	vadd.s32 $0x2710, v4;
	v4 =	vld [tilespmem:s25+$0xFFFFFFE0]  }
.LBB2_8:
0xde: {  	p1 =	sne.s32 s28, $0x139C0;
	[tilespmem:s25+$0xFFFFFF90] =	vst v7;
	v6 =	vadd.s32 $0x2710, v6;
	v7 =	vld [tilespmem:s25+$0x0]  }
0xdf: {  	s29 =	sshra.s32 s28, $0x2;
	[tilespmem:s25+$0xFFFFFFA0] =	vst v6;
	v5 =	vadd.s32 $0x2710, v5;
	v8 =	vld [tilespmem:s25+$0xFFFFFFF0]  }
0xe0: {  	v9 =	vld [tilespmem:s29+$0xFFFFFF90];
	[tilespmem:s25+$0xFFFFFFB0] =	vst v5;
	v3 =	vadd.s32 $0x2710, v3  }
.Ltmp3:
0xe1: {  	v6 =	vld [tilespmem:s29+$0xFFFFFFA0];
	[tilespmem:s25+$0xFFFFFFC0] =	vst v3;
	v2 =	vadd.s32 $0x2710, v2;
	(pc) =	sbr.rel @p1 .LBB2_8-.Ltmp3, $4  }
0xe2: {  	v5 =	vld [tilespmem:s29+$0xFFFFFFB0];
	[tilespmem:s25+$0xFFFFFFD0] =	vst v2;
	v2 =	vadd.s32 $0x2710, v4  }
0xe3: {  	v3 =	vld [tilespmem:s29+$0xFFFFFFC0];
	[tilespmem:s25+$0xFFFFFFE0] =	vst v2;
	v4 =	vadd.s32 $0x2710, v7  }
0xe4: {  	v2 =	vld [tilespmem:s29+$0xFFFFFFD0];
	v8 =	vadd.s32 $0x2710, v8;
	[tilespmem:s25+$0x0] =	vst v4  }
0xe5: {  	s28 =	sadd.s32 $0x200, s28;
	v7 =	vadd.s32 $0x2710, v9;
	v4 =	vld [tilespmem:s29+$0xFFFFFFE0];
	[tilespmem:s25+$0xFFFFFFF0] =	vst v8;
	s25 =	smov.u32 s29  }
0xe6: {  	[tilespmem:s25+$0xFFFFFF90] =	vst v7;
	v6 =	vadd.s32 $0x2710, v6;
	v61 =	vld [tilespmem:s25+$0x0]  }
0xe7: {  	v62 =	vld [tilespmem:s25+$0xFFFFFFF0];
	[tilespmem:s25+$0xFFFFFFA0] =	vst v6;
	v5 =	vadd.s32 $0x2710, v5  }
0xe8: {  	[tilespmem:s25+$0xFFFFFFB0] =	vst v5;
	v3 =	vadd.s32 $0x2710, v3  }
0xe9: {  	[tilespmem:s25+$0xFFFFFFC0] =	vst v3;
	v2 =	vadd.s32 $0x2710, v2  }
0xea: {  	[tilespmem:s25+$0xFFFFFFD0] =	vst v2;
	v2 =	vadd.s32 $0x2710, v4  }
0xeb: {  	[tilespmem:s25+$0xFFFFFFE0] =	vst v2;
	v2 =	vadd.s32 $0x2710, v61  }
0xec: {  	v3 =	vadd.s32 $0x2710, v62;
	[tilespmem:s25+$0x0] =	vst v2  }
0xed: {  	[tilespmem:s25+$0xFFFFFFF0] =	vst v3  }
0xee: {  	[spmem:s7] =	stream.linear.scatter [tilespmem:s1], [sflag:$0x3], $0x2000, $0x38;
	v63 =	vld [tilespmem:$0x0]  }
0xef: {  	_ =	swait.ge [sflag:s0], $0x2000  }
0xf0: {  	[sflag:s0] =	ssyncset.done $0x0  }
0xf1: {  	[sflag:s0] =	ssyncadd.s32 $0xFFFFE000  }
0xf2: {  	[spmem:s16] =	stream.linear.scatter [tilespmem:s1], [sflag:$0x3], $0x2000, $0x38;
	v63 =	vld [tilespmem:$0x0]  }
0xf3: {  	_ =	swait.ge [sflag:s0], $0x2000  }
0xf4: {  	[sflag:s0] =	ssyncset.done $0x0  }
0xf5: {  	[sflag:s0] =	ssyncadd.s32 $0xFFFFE000  }
0xf6: {  	[spmem:s17] =	stream.linear.scatter [tilespmem:s1], [sflag:$0x3], $0x2000, $0x38;
	v63 =	vld [tilespmem:$0x0]  }
0xf7: {  	_ =	swait.ge [sflag:s0], $0x2000  }
0xf8: {  	[sflag:s0] =	ssyncset.done $0x0  }
0xf9: {  	[sflag:s0] =	ssyncadd.s32 $0xFFFFE000  }
0xfa: {  	[spmem:s18] =	stream.linear.scatter [tilespmem:s1], [sflag:$0x3], $0x2000, $0x38;
	v63 =	vld [tilespmem:$0x0]  }
0xfb: {  	_ =	swait.ge [sflag:s0], $0x2000  }
0xfc: {  	[sflag:s0] =	ssyncset.done $0x0  }
0xfd: {  	[sflag:s0] =	ssyncadd.s32 $0xFFFFE000  }
0xfe: {  	[spmem:s19] =	stream.linear.scatter [tilespmem:s1], [sflag:$0x3], $0x2000, $0x38;
	v63 =	vld [tilespmem:$0x0]  }
0xff: {  	_ =	swait.ge [sflag:s0], $0x2000  }
0x100: {  	[sflag:s0] =	ssyncset.done $0x0  }
0x101: {  	[sflag:s0] =	ssyncadd.s32 $0xFFFFE000  }
0x102: {  	s30 =	simm.s32 $0x0;
	[bflag:$0x0] =	sbarrier.arrive $0xFFFF  }
0x103: {  	[tilespmem:s6], [sflag:$0x1] =	stream.indirect.gather [hbm4b:s4+s5], $0x80, s30, s5, $0xb8;
	v63 =	vld [tilespmem:$0x0]  }
0x104: {  	s31 =	simm.s32 $0x80  }
0x105: {  	[tilespmem:s10], [sflag:$0x2] =	stream.indirect.gather [hbm4b:s4+s5], $0x80, s31, s5, $0xb8;
	v63 =	vld [tilespmem:$0x0]  }
0x106: {  	_ =	swait.ge [sflag:s12], $0x4000  }
0x107: {  	[sflag:s12] =	ssyncset.done $0x0  }
0x108: {  	s29 =	simm.s32 $0x5000;
	[sflag:s12] =	ssyncadd.s32 $0xFFFFC000  }
0x109: {  	[spmem:s2] =	stream.indirect.scatter.add.f32 [tilespmem:s6], [sflag:$0x3], $0x80, s29, s5, $0xb8;
	v63 =	vld [tilespmem:$0x0]  }
0x10a: {  	_ =	swait.ge [sflag:s0], $0x4000  }
0x10b: {  	[sflag:s0] =	ssyncset.done $0x0  }
0x10c: {  	s30 =	simm.s32 $0x100;
	[sflag:s0] =	ssyncadd.s32 $0xFFFFC000  }
0x10d: {  	[tilespmem:s6], [sflag:$0x1] =	stream.indirect.gather [hbm4b:s4+s5], $0x80, s30, s5, $0xb8;
	v63 =	vld [tilespmem:$0x0]  }
0x10e: {  	_ =	swait.ge [sflag:s13], $0x4000  }
0x10f: {  	[sflag:s13] =	ssyncset.done $0x0  }
0x110: {  	s31 =	simm.s32 $0x5080;
	[sflag:s13] =	ssyncadd.s32 $0xFFFFC000  }
0x111: {  	[spmem:s2] =	stream.indirect.scatter.add.f32 [tilespmem:s10], [sflag:$0x3], $0x80, s31, s5, $0xb8;
	v63 =	vld [tilespmem:$0x0]  }
0x112: {  	_ =	swait.ge [sflag:s0], $0x4000  }
0x113: {  	s28 =	simm.s32 $0x800;
	s25 =	simm.s32 $0x100;
	[sflag:s0] =	ssyncset.done $0x0  }
.LBB2_10:
0x114: {  	s29 =	sadd.s32 $0x80, s25  }
0x115: {  	[sflag:s0] =	ssyncadd.s32 $0xFFFFC000;
	s30 =	smov.u32 s28;
	s31 =	sadd.s32 $0x400, s28  }
0x116: {  	[tilespmem:s10], [sflag:$0x2] =	stream.indirect.gather [hbm4b:s4+s5], $0x80, s29, s5, $0xb8;
	v63 =	vld [tilespmem:$0x0]  }
0x117: {  	p1 =	sne.s32 s28, $0x13400;
	_ =	swait.ge [sflag:s12], $0x4000  }
0x118: {  	[sflag:s12] =	ssyncset.done $0x0  }
0x119: {  	s28 =	sadd.s32 $0x5000, s25;
	[sflag:s12] =	ssyncadd.s32 $0xFFFFC000  }
0x11a: {  	[spmem:s2] =	stream.indirect.scatter.add.f32 [tilespmem:s6], [sflag:$0x3], $0x80, s28, s5, $0xb8;
	v63 =	vld [tilespmem:$0x0]  }
0x11b: {  	_ =	swait.ge [sflag:s0], $0x4000  }
0x11c: {  	[sflag:s0] =	ssyncset.done $0x0  }
0x11d: {  	s28 =	sadd.s32 $0x100, s25;
	[sflag:s0] =	ssyncadd.s32 $0xFFFFC000  }
0x11e: {  	[tilespmem:s6], [sflag:$0x1] =	stream.indirect.gather [hbm4b:s4+s5], $0x80, s28, s5, $0xb8;
	v63 =	vld [tilespmem:$0x0]  }
0x11f: {  	_ =	swait.ge [sflag:s13], $0x4000  }
.Ltmp4:
0x120: {  	[sflag:s13] =	ssyncset.done $0x0;
	(pc) =	sbr.rel @p1 .LBB2_10-.Ltmp4, $4  }
0x121: {  	s25 =	sadd.s32 $0x5080, s25;
	[sflag:s13] =	ssyncadd.s32 $0xFFFFC000  }
0x122: {  	[spmem:s2] =	stream.indirect.scatter.add.f32 [tilespmem:s10], [sflag:$0x3], $0x80, s25, s5, $0xb8;
	v63 =	vld [tilespmem:$0x0]  }
0x123: {  	_ =	swait.ge [sflag:s0], $0x4000  }
0x124: {  	s28 =	smov.u32 s31;
	s25 =	sshra.s32 s30, $0x2;
	[sflag:s0] =	ssyncset.done $0x0  }
0x125: {  	s28 =	sadd.s32 $0x80, s25;
	[sflag:s0] =	ssyncadd.s32 $0xFFFFC000  }
0x126: {  	[tilespmem:s10], [sflag:$0x2] =	stream.indirect.gather [hbm4b:s4+s5], $0x80, s28, s5, $0xb8;
	v63 =	vld [tilespmem:$0x0]  }
0x127: {  	_ =	swait.ge [sflag:s12], $0x4000  }
0x128: {  	[sflag:s12] =	ssyncset.done $0x0  }
0x129: {  	s31 =	sadd.s32 $0x5000, s25;
	[sflag:s12] =	ssyncadd.s32 $0xFFFFC000  }
0x12a: {  	[spmem:s2] =	stream.indirect.scatter.add.f32 [tilespmem:s6], [sflag:$0x3], $0x80, s31, s5, $0xb8;
	v63 =	vld [tilespmem:$0x0]  }
0x12b: {  	_ =	swait.ge [sflag:s0], $0x4000  }
0x12c: {  	[sflag:s0] =	ssyncset.done $0x0  }
0x12d: {  	s29 =	sadd.s32 $0x100, s25;
	[sflag:s0] =	ssyncadd.s32 $0xFFFFC000  }
0x12e: {  	[tilespmem:s6], [sflag:$0x1] =	stream.indirect.gather [hbm4b:s4+s5], $0x80, s29, s5, $0xb8;
	v63 =	vld [tilespmem:$0x0]  }
0x12f: {  	_ =	swait.ge [sflag:s13], $0x4000  }
0x130: {  	[sflag:s13] =	ssyncset.done $0x0  }
0x131: {  	s30 =	sadd.s32 $0x5080, s25;
	[sflag:s13] =	ssyncadd.s32 $0xFFFFC000  }
0x132: {  	[spmem:s2] =	stream.indirect.scatter.add.f32 [tilespmem:s10], [sflag:$0x3], $0x80, s30, s5, $0xb8;
	v63 =	vld [tilespmem:$0x0]  }
0x133: {  	_ =	swait.ge [sflag:s0], $0x4000  }
0x134: {  	[sflag:s0] =	ssyncset.done $0x0  }
0x135: {  	[sflag:s0] =	ssyncadd.s32 $0xFFFFC000  }
0x136: {  	_ =	swait.ge [sflag:s12], $0x4000  }
0x137: {  	[sflag:s12] =	ssyncset.done $0x0  }
0x138: {  	[sflag:s12] =	ssyncadd.s32 $0xFFFFC000  }
0x139: {  	[spmem:s2] =	stream.indirect.scatter.add.f32 [tilespmem:s6], [sflag:$0x3], $0x80, s14, s5, $0xb8;
	v63 =	vld [tilespmem:$0x0]  }
0x13a: {  	_ =	swait.ge [sflag:s0], $0x4000  }
0x13b: {  	[sflag:s0] =	ssyncset.done $0x0  }
0x13c: {  	[sflag:s0] =	ssyncadd.s32 $0xFFFFC000  }
0x13d: {  	[bflag:$0x0] =	sbarrier.arrive $0xFFFF  }
0x13e: {  	[tilespmem:s15], [sflag:$0x3] =	stream.linear.gather [spmem:s8], $0x2000, $0x38;
	v63 =	vld [tilespmem:$0x0]  }
0x13f: {  	_ =	swait.ge [sflag:s0], $0x2000  }
0x140: {  	[sflag:s0] =	ssyncset.done $0x0  }
0x141: {  	[sflag:s0] =	ssyncadd.s32 $0xFFFFE000  }
0x142: {  	[hbm4b:s23+s3] =	stream.linear.scatter [tilespmem:s15], [sflag:$0x3], $0x2000, $0x38;
	v63 =	vld [tilespmem:$0x0]  }
0x143: {  	_ =	swait.ge [sflag:s0], $0x2000  }
0x144: {  	[sflag:s0] =	ssyncset.done $0x0  }
0x145: {  	[sflag:s0] =	ssyncadd.s32 $0xFFFFE000  }
0x146: {  	[tilespmem:s15], [sflag:$0x3] =	stream.linear.gather [spmem:s21], $0x2000, $0x38;
	v63 =	vld [tilespmem:$0x0]  }
0x147: {  	_ =	swait.ge [sflag:s0], $0x2000  }
0x148: {  	[sflag:s0] =	ssyncset.done $0x0  }
0x149: {  	s31 =	rddreg [dreg:$0xd];
	[sflag:s0] =	ssyncadd.s32 $0xFFFFE000  }
0x14a: {  	[hbm4b:s31+s3] =	stream.linear.scatter [tilespmem:s15], [sflag:$0x3], $0x2000, $0x38;
	v63 =	vld [tilespmem:$0x0]  }
0x14b: {  	_ =	swait.ge [sflag:s0], $0x2000  }
0x14c: {  	[sflag:s0] =	ssyncset.done $0x0  }
0x14d: {  	[sflag:s0] =	ssyncadd.s32 $0xFFFFE000  }
0x14e: {  	[tilespmem:s15], [sflag:$0x3] =	stream.linear.gather [spmem:s24], $0x2000, $0x38;
	v63 =	vld [tilespmem:$0x0]  }
0x14f: {  	_ =	swait.ge [sflag:s0], $0x2000  }
0x150: {  	[sflag:s0] =	ssyncset.done $0x0  }
0x151: {  	s28 =	rddreg [dreg:$0xe];
	[sflag:s0] =	ssyncadd.s32 $0xFFFFE000  }
0x152: {  	[hbm4b:s28+s3] =	stream.linear.scatter [tilespmem:s15], [sflag:$0x3], $0x2000, $0x38;
	v63 =	vld [tilespmem:$0x0]  }
0x153: {  	_ =	swait.ge [sflag:s0], $0x2000  }
0x154: {  	[sflag:s0] =	ssyncset.done $0x0  }
0x155: {  	[sflag:s0] =	ssyncadd.s32 $0xFFFFE000  }
0x156: {  	[tilespmem:s15], [sflag:$0x3] =	stream.linear.gather [spmem:s26], $0x2000, $0x38;
	v63 =	vld [tilespmem:$0x0]  }
0x157: {  	_ =	swait.ge [sflag:s0], $0x2000  }
0x158: {  	[sflag:s0] =	ssyncset.done $0x0  }
0x159: {  	s29 =	rddreg [dreg:$0xf];
	[sflag:s0] =	ssyncadd.s32 $0xFFFFE000  }
0x15a: {  	[hbm4b:s29+s3] =	stream.linear.scatter [tilespmem:s15], [sflag:$0x3], $0x2000, $0x38;
	v63 =	vld [tilespmem:$0x0]  }
0x15b: {  	_ =	swait.ge [sflag:s0], $0x2000  }
0x15c: {  	[sflag:s0] =	ssyncset.done $0x0  }
0x15d: {  	[sflag:s0] =	ssyncadd.s32 $0xFFFFE000  }
0x15e: {  	[tilespmem:s15], [sflag:$0x3] =	stream.linear.gather [spmem:s9], $0x1C00, $0x38;
	v63 =	vld [tilespmem:$0x0]  }
0x15f: {  	_ =	swait.ge [sflag:s0], $0x1C00  }
0x160: {  	[sflag:s0] =	ssyncset.done $0x0  }
0x161: {  	s30 =	rddreg [dreg:$0x7];
	[sflag:s0] =	ssyncadd.s32 $0xFFFFE400  }
0x162: {  	[hbm4b:s30+s3] =	stream.linear.scatter [tilespmem:s15], [sflag:$0x3], $0x1C00, $0x38;
	v63 =	vld [tilespmem:$0x0]  }
0x163: {  	_ =	swait.ge [sflag:s0], $0x1C00  }
0x164: {  	[sflag:s0] =	ssyncset.done $0x0  }
0x165: {  	s25 =	simm.s32 @!p0 $0x14000;
	s28 =	simm.s32 @!p0 $0x3;
	[sflag:s0] =	ssyncadd.s32 $0xFFFFE400  }
0x166: {  	[tilespmem:s25], [sflag:$0x3] =	stream.linear.gather @!p0 [spmem:s11], $0x2000, $0x38;
	v63 =	vld [tilespmem:$0x0]  }
0x167: {  	_ =	swait.ge @!p0 [sflag:s28], $0x2000  }
0x168: {  	[sflag:s28] =	ssyncset.done @!p0 $0x0  }
0x169: {  	s29 =	simm.s32 @!p0 $0x0;
	s30 =	rddreg [dreg:$0x8];
	[sflag:s28] =	ssyncadd.s32 @!p0 $0xFFFFE000  }
0x16a: {  	[hbm4b:s30+s29] =	stream.linear.scatter @!p0 [tilespmem:s25], [sflag:$0x3], $0x2000, $0x38;
	v63 =	vld [tilespmem:$0x0]  }
0x16b: {  	_ =	swait.ge @!p0 [sflag:s28], $0x2000  }
0x16c: {  	s22 =	sadd.s32 $0x1, s22;
	s31 =	rddreg [dreg:$0x9]  }
0x16d: {  	p1 =	sne.s32 s22, s31  }
.Ltmp5:
0x16e: {  	_ = 	snop;
	(pc) =	sbr.rel @p1 .LBB2_1-.Ltmp5, $3  }
0x16f: {  	_ =	sdelay $0x1  }
0x170: {  	[sflag:s28] =	ssyncset.done @!p0 $0x0  }
0x171: {  	[sflag:s28] =	ssyncadd.s32 @!p0 $0xFFFFE000  }
0x172: {  	_ =	sfence.sel $0x180000  }
0x173: {  	[bflag:$0x0] =	sbarrier.arrive $0xFFFF  }
0x174: {  	_ =	strace $0x90000050  }
0x175: {  	s0 =	stileid.u32;
	[bflag:$0x2] =	sbarrier.arrive $0xFFFF  }
0x176: {  	p0 =	sne.s32 s0, $0x0;
	s0 =	rddreg [dreg:$0x2]  }
0x177: {  	s0 =	sadd.s32 @!p0 $0x100000, s0  }
0x178: {  	[sflag:s0] =	ssyncadd.tile.s32 @!p0 $0x1;
	_ =	shalt  }
.Lfunc_end2:
_tile_overlayer_lowered:
.L_overlay_start_2:
0x179: {  	(tag) =	ssettag $0x2  }
0x17a: {  	s0 =	rddreg [dreg:$0x0];
	s2 =	stileid.u32  }
0x17b: {  	s1 =	rddreg [dreg:$0x1];
	p0 =	sne.s32 s2, $0x0  }
0x17c: {  	s3 =	rddreg [dreg:$0x2];
	[bflag:$0x3] =	sbarrier.arrive $0xFFFF;
	s2 =	simm.s32 @!p0 $0x1C03  }
0x17d: {  	[timem:s3], [sflag:s2] =	dma.local @!p0 [hbm:s0], s1  }
0x17e: {  	s0 =	simm.s32 @!p0 $0x3  }
0x17f: {  	_ =	swait.ge @!p0 [sflag:s0], s1  }
0x180: {  	s1 =	ssub.s32 @!p0 $0x0, s1;
	[sflag:s0] =	ssyncset.done @!p0 $0x0  }
0x181: {  	[sflag:s0] =	ssyncadd.s32 @!p0 s1  }
0x182: {  	[bflag:$0x3] =	sbarrier.arrive $0xFFFF  }
0x183: {  	_ =	shalt  }

// kernel: kernel.27.cloned.1.call-start
scs
__scs_entry_jumppad:
0x0: {  	(pc) =	sbr.rel $0x88, $3  }
0x1: {  	(tag) =	ssettag $0x0;
	lr =	simm.s32 $0x1  }
0x2: {  	[smem:$0x3F94] =	sst lr;
	_ =	strace $0xD0000000  }
0x3: {  	_ = 	snop  }
0x4: {  	_ = 	snop  }
0x5: {  	_ = 	snop  }
0x6: {  	_ = 	snop  }
0x7: {  	_ = 	snop  }
__scs_overlays_trampoline_lowered:
0x8: {  	[smem:$0x3FA3] =	sst s0  }
0x9: {  	[smem:$0x3FA4] =	sst s1  }
0xa: {  	[smem:$0x3FA5] =	sst s2  }
0xb: {  	[smem:$0x3FA6] =	sst s3  }
0xc: {  	[smem:$0x3FA7] =	sst s4  }
0xd: {  	[smem:$0x3FA8] =	sst s5  }
0xe: {  	[smem:$0x3FA9] =	sst s6  }
0xf: {  	[smem:$0x3FAA] =	sst s7  }
0x10: {  	[smem:$0x3FAB] =	sst s8  }
0x11: {  	[smem:$0x3FAC] =	sst s9;
	s0 =	simm.s32 @!p0 $0x0  }
0x12: {  	s1 =	sld [smem:$0x3F92];
	s0 =	simm.s32 @p0 $0x1  }
0x13: {  	[smem:$0x3FAD] =	sst s0;
	s0 =	simm.s32 @!p1 $0x0  }
0x14: {  	s2 =	sld [smem:$0x3F91];
	s0 =	simm.s32 @p1 $0x1  }
0x15: {  	[smem:$0x3FAE] =	sst s0;
	s0 =	simm.s32 @!p2 $0x0  }
0x16: {  	s3 =	sld [smem:$0x3FDB];
	s0 =	simm.s32 @p2 $0x1  }
0x17: {  	s4 =	simm.s32 $0x1BF5;
	[smem:$0x3FB0] =	sst s0  }
0x18: {  	s0 =	sld [smem:$0x3F93];
	_ =	swait.ge [sflag:s4], $0x0  }
0x19: {  	s7 =	sld [smem:$0x3F94]  }
0x1a: {  	s8 =	sadd.s32 $0xFFFFE003, lr  }
0x1b: {  	s9 =	sadd.s32 $0xFFFFFEF7, lr;
	s5 =	simm.s32 $0xFFFFFFFF;
	p2 =	slt.u32 s8, $0xFFFFF086  }
0x1c: {  	p1 =	slt.u32 s9, $0xF7A;
	s5 =	simm.s32 @!p2 $0x0  }
0x1d: {  	s5 =	simm.s32 @p1 $0x1;
	p0 =	seq.s32 s7, s2  }
0x1e: {  	s7 =	smul.u32 @!p0 $0xF7A, s2;
	p2 =	seq.s32 @!p0 s5, $0x0  }
0x1f: {  	s9 =	smul.u32 $0xF7A, s1;
	s8 =	simm.s32 @!p0 $0x1BF5;
	p2 =	por !p2, p0  }
0x20: {  	[sflag:s8] =	ssyncset.s32 @!p0 $0xFFFFF086;
	s6 =	sadd.s32 @!p0 s3, s7;
	s7 =	simm.s32 @!p0 $0x108  }
0x21: {  	s3 =	sadd.s32 s3, s9;
	s6 =	sadd.s32 @!p0 $0x88, s6;
	s7 =	simm.s32 @p2 $0x1082  }
0x22: {  	[simem:s7], [sflag:s8] =	dma.local @!p0 [hbm:s6], $0xF7A  }
0x23: {  	s9 =	sor.u32 $0xD0000000, s2;
	s6 =	simm.s32 $0x108;
	_ =	swait.ge @!p0 [sflag:s8], $0x0  }
0x24: {  	s3 =	sadd.s32 $0x88, s3;
	s6 =	simm.s32 @!p1 $0x1082;
	[sflag:s4] =	ssyncset.s32 $0xFFFFF086  }
0x25: {  	[simem:s6], [sflag:s4] =	dma.local [hbm:s3], $0xF7A  }
0x26: {  	[smem:$0x3F94] =	sst s1;
	(tag) =	ssettag s2;
	_ =	strace s9  }
0x27: {  	s1 =	sld [smem:$0x3FA4]  }
0x28: {  	s2 =	sld [smem:$0x3FA5]  }
0x29: {  	s4 =	sld [smem:$0x3FA7]  }
0x2a: {  	p0 =	seq.s32 s5, $0x0;
	s5 =	sld [smem:$0x3FA8]  }
0x2b: {  	s6 =	sld [smem:$0x3FA9]  }
0x2c: {  	s7 =	sld [smem:$0x3FAA]  }
0x2d: {  	s3 =	simm.s32 $0x108;
	s8 =	sld [smem:$0x3FAB]  }
0x2e: {  	s3 =	simm.s32 @!p0 $0x1082;
	s9 =	sld [smem:$0x3FAC]  }
0x2f: {  	lr =	sadd.s32 s0, s3;
	s0 =	sld [smem:$0x3FA3]  }
0x30: {  	s3 =	sld [smem:$0x3FA6]  }
0x31: {  	[smem:$0x3FAF] =	sst s10  }
0x32: {  	s10 =	sld [smem:$0x3FAD];
	_ =	sdelay $0x3  }
0x33: {  	p0 =	seq.s32 s10, $0x1;
	s10 =	sld [smem:$0x3FAF];
	_ =	sdelay $0x3  }
0x34: {  	[smem:$0x3FAF] =	sst s10  }
0x35: {  	s10 =	sld [smem:$0x3FAE];
	_ =	sdelay $0x3  }
0x36: {  	p1 =	seq.s32 s10, $0x1;
	s10 =	sld [smem:$0x3FAF];
	_ =	sdelay $0x3  }
0x37: {  	[smem:$0x3FAF] =	sst s10  }
0x38: {  	s10 =	sld [smem:$0x3FB0]  }
0x39: {  	_ = 	snop;
	(pc) =	sbr.ind lr, $3  }
0x3a: {  	_ = 	snop  }
0x3b: {  	_ = 	snop  }
0x3c: {  	p2 =	seq.s32 s10, $0x1;
	s10 =	sld [smem:$0x3FAF]  }
0x3d: {  	_ =	shalt  }
0x3e: {  	_ =	shalt  }
0x3f: {  	_ =	shalt  }
0x40: {  	_ =	shalt  }
0x41: {  	_ =	shalt  }
0x42: {  	_ =	shalt  }
0x43: {  	_ =	shalt  }
0x44: {  	_ =	shalt  }
0x45: {  	_ =	shalt  }
0x46: {  	_ =	shalt  }
0x47: {  	_ =	shalt  }
0x48: {  	_ =	shalt  }
0x49: {  	_ =	shalt  }
0x4a: {  	_ =	shalt  }
0x4b: {  	_ =	shalt  }
0x4c: {  	_ =	shalt  }
0x4d: {  	_ =	shalt  }
0x4e: {  	_ =	shalt  }
0x4f: {  	_ =	shalt  }
0x50: {  	_ =	shalt  }
0x51: {  	_ =	shalt  }
0x52: {  	_ =	shalt  }
0x53: {  	_ =	shalt  }
0x54: {  	_ =	shalt  }
0x55: {  	_ =	shalt  }
0x56: {  	_ =	shalt  }
0x57: {  	_ =	shalt  }
0x58: {  	_ =	shalt  }
0x59: {  	_ =	shalt  }
0x5a: {  	_ =	shalt  }
0x5b: {  	_ =	shalt  }
0x5c: {  	_ =	shalt  }
0x5d: {  	_ =	shalt  }
0x5e: {  	_ =	shalt  }
0x5f: {  	_ =	shalt  }
0x60: {  	_ =	shalt  }
0x61: {  	_ =	shalt  }
0x62: {  	_ =	shalt  }
0x63: {  	_ =	shalt  }
0x64: {  	_ =	shalt  }
0x65: {  	_ =	shalt  }
0x66: {  	_ =	shalt  }
0x67: {  	_ =	shalt  }
0x68: {  	_ =	shalt  }
0x69: {  	_ =	shalt  }
0x6a: {  	_ =	shalt  }
0x6b: {  	_ =	shalt  }
0x6c: {  	_ =	shalt  }
0x6d: {  	_ =	shalt  }
0x6e: {  	_ =	shalt  }
0x6f: {  	_ =	shalt  }
0x70: {  	_ =	shalt  }
0x71: {  	_ =	shalt  }
0x72: {  	_ =	shalt  }
0x73: {  	_ =	shalt  }
0x74: {  	_ =	shalt  }
0x75: {  	_ =	shalt  }
0x76: {  	_ =	shalt  }
0x77: {  	_ =	shalt  }
0x78: {  	_ =	shalt  }
0x79: {  	_ =	shalt  }
0x7a: {  	_ =	shalt  }
0x7b: {  	_ =	shalt  }
0x7c: {  	_ =	shalt  }
0x7d: {  	_ =	shalt  }
0x7e: {  	_ =	shalt  }
0x7f: {  	_ =	shalt  }
0x80: {  	_ =	shalt  }
0x81: {  	_ =	shalt  }
0x82: {  	_ =	shalt  }
0x83: {  	_ =	shalt  }
0x84: {  	_ =	shalt  }
0x85: {  	_ =	shalt  }
0x86: {  	_ =	shalt  }
0x87: {  	_ =	shalt  }
.Lfunc_end0:
.L_simem_size_0:
called_computation.5_lowered:
.L_overlay_start_0:
0x88: {  	s2 =	sld [smem:$0x3FD9]  }
0x89: {  	s3 =	sld [smem:$0x3FFE];
	_ =	sdelay $0x1  }
0x8a: {  	s1 =	srdreg.scid  }
0x8b: {  	s0 =	sand.u32 $0x1, s1  }
0x8c: {  	s17 =	sshll.u32 s0, $0xA;
	s2 =	sadd.s32 s3, s2  }
0x8d: {  	s2 =	sadd.s32 s2, s17  }
0x8e: {  	[smem:$0x3FBB] =	sst s2  }
0x8f: {  	_ = 	snop  }
0x90: {  	(tm) =	ssettm $0x1  }
0x91: {  	s18 =	sld [smem:$0x3FFB];
	_ =	sdelay $0x3  }
0x92: {  	_ =	strace s18  }
0x93: {  	s2 =	sld [smem:$0x3FFC];
	_ =	sdelay $0x3  }
0x94: {  	_ =	strace s2  }
0x95: {  	s2 =	sld [smem:$0x3FFD];
	_ =	sdelay $0x3  }
0x96: {  	_ =	strace s2  }
0x97: {  	_ =	strace $0x8FFFFFFF  }
0x98: {  	s19 =	sld [smem:$0x3FDB];
	_ =	sdelay $0x1  }
0x99: {  	s20 =	simm.s32 $_scs_section_size  }
0x9a: {  	s4 =	simm.s32 $_size__tile_overlayer_lowered;
	s5 =	simm.s32 $_tile_overlayer_lowered  }
0x9b: {  	s6 =	simm.s32 $0x1BFF;
	s21 =	sshll.u32 s5, $0x1;
	s3 =	sadd.s32 s20, s19  }
0x9c: {  	s22 =	simm.s32 $0x0;
	s4 =	sshll.u32 s4, $0x1;
	s5 =	sadd.s32 s21, s3  }
0x9d: {  	[timem:s22], [sflag:s6] =	dma.local [hbm:s5], s4  }
0x9e: {  	_ =	swait.ge [sflag:s6], s4  }
0x9f: {  	s4 =	ssub.s32 $0x0, s4;
	[sflag:s6] =	ssyncset.done $0x0  }
0xa0: {  	[sflag:s6] =	ssyncadd.s32 s4;
	_ =	sdelay $0x1  }
0xa1: {  	s23 =	simm.s32 $0x1B8B  }
0xa2: {  	_ =	swait.ge [sflag:s23], $0x1  }
0xa3: {  	[sflag:s23] =	ssyncset.done $0x0  }
0xa4: {  	[sflag:s23] =	ssyncadd.s32 $0xFFFFFFFF  }
0xa5: {  	s4 =	sld [smem:$0x0]  }
0xa6: {  	s5 =	sand.u32 $0xFFFFFFFE, s1  }
0xa7: {  	p0 =	sne.s32 s1, s5  }
0xa8: {  	s5 =	sshll.u32 @p0 s5, $0xE  }
0xa9: {  	s5 =	sadd.s32 @p0 $0x11B8D, s5;
	s6 =	sshll.u32 @p0 s4, $0x11  }
0xaa: {  	s5 =	sor.u32 @p0 s6, s5  }
0xab: {  	[sflag:s5] =	ssyncadd.remote.s32 @p0 $0x1;
	_ =	sdelay $0x1  }
0xac: {  	s5 =	simm.s32 @p0 $0x1B8D  }
0xad: {  	_ =	swait.eq @p0 [sflag:s5], $0x1  }
0xae: {  	[sflag:s5] =	ssyncadd.s32 @p0 $0xFFFFFFFF  }
0xaf: {  	s6 =	sshll.u32 @!p0 s1, $0xE  }
0xb0: {  	s6 =	sor.u32 @!p0 $0x4000, s6;
	s5 =	simm.s32 @!p0 $0x1B8D  }
0xb1: {  	s4 =	sshll.u32 @!p0 s4, $0x11;
	s6 =	sadd.s32 @!p0 $0x11B8D, s6;
	_ =	swait.eq @!p0 [sflag:s5], $0x1  }
0xb2: {  	s4 =	sor.u32 @!p0 s4, s6;
	[sflag:s5] =	ssyncadd.s32 @!p0 $0xFFFFFFFF  }
0xb3: {  	s25 =	simm.s32 $0x1B8E;
	s24 =	sld [smem:$0x3FFE];
	[sflag:s4] =	ssyncadd.remote.s32 @!p0 $0x1  }
0xb4: {  	s26 =	simm.s32 $execute0_lowered;
	[smem:$0x3FD2] =	sst s25  }
0xb5: {  	s5 =	sshll.u32 s26, $0x1;
	_ =	strace $0x80000055;
	[dreg:$0x1] =	wrdreg $0xFFFFFFFF  }
0xb6: {  	s28 =	simm.s32 $_size_execute0_lowered;
	s3 =	sadd.s32 s3, s5;
	[dreg:$0x0] =	wrdreg $0x0  }
0xb7: {  	s5 =	sshll.u32 s28, $0x1;
	[dreg:$0x2] =	wrdreg s3  }
0xb8: {  	[dreg:$0x3] =	wrdreg s5  }
0xb9: {  	[dreg:$0x4] =	wrdreg $0xC0  }
0xba: {  	_ =	task [dreg:s22], $0x5FFFF  }
0xbb: {  	[dreg:$0x1] =	wrdreg $0xFFFFFFFF  }
0xbc: {  	[dreg:$0x0] =	wrdreg $0x60  }
0xbd: {  	[dreg:$0x2] =	wrdreg s24  }
0xbe: {  	[dreg:$0x3] =	wrdreg $0x160000  }
0xbf: {  	[dreg:$0x4] =	wrdreg $0xA  }
0xc0: {  	_ =	task.clear_ibuf [dreg:s22], $0x5FFFF;
	_ =	strace $0x90000055  }
0xc1: {  	s29 =	simm.s32 $0xA;
	_ =	strace $0x80000057  }
0xc2: {  	_ =	swait.ge [sflag:s29], $0x1  }
0xc3: {  	[sflag:s29] =	ssyncadd.s32 $0xFFFFFFFF  }
0xc4: {  	_ =	strace $0x90000057  }
0xc5: {  	_ =	sfence  }
0xc6: {  	s30 =	sld [smem:$0x0];
	_ =	sdelay $0x2  }
0xc7: {  	s31 =	sshll.u32 s1, $0xD;
	s1 =	sshrl.u32 s1, $0x2  }
0xc8: {  	s4 =	sand.u32 $0x4000, s31;
	s1 =	sadd.s32 s1, s30  }
0xc9: {  	s0 =	sor.u32 s4, s0;
	s1 =	sshll.u32 s1, $0x11  }
0xca: {  	s0 =	sor.u32 s1, s0  }
0xcb: {  	s0 =	sadd.s32 $0x8F2B, s0  }
0xcc: {  	[sflag:s0] =	ssyncadd.remote.s32 $0x1  }
0xcd: {  	_ =	sfence.sel $0xFFFF  }
0xce: {  	[dreg:$0x0] =	wrdreg $0xFFFFFFFF;
	(pc) =	sbr.abs _section_cstart, $3  }
0xcf: {  	[dreg:$0x1] =	wrdreg $0xFFFFFFFF  }
0xd0: {  	_ =	task.clear_ibuf [dreg:s22], $0x2FFFF;
	_ =	strace $0x9FFFFFFF  }
0xd1: {  	(tm) =	ssettm $0x7FFFFFFF  }
tec
execute0_lowered:
.L_overlay_start_1:
0x0: {  	(tag) =	ssettag $0x1  }
0x1: {  	s0 =	rddreg [dreg:$0x0];
	s1 =	srdreg.scid  }
0x2: {  	s11 =	stileid.u32;
	s2 =	rddreg [dreg:$0x1]  }
0x3: {  	s3 =	simm.s32 $0x0;
	s28 =	simm.s32 $0x12000;
	s29 =	simm.s32 $0x80  }
0x4: {  	s30 =	simm.s32 $0xA000;
	s31 =	simm.s32 $0xE000;
	s8 =	smul.u32 $0x28000, s11  }
0x5: {  	s1 =	sand.u32 $0x1, s1;
	s4 =	sshll.u32 s11, $0x1;
	s10 =	smul.u32 $0x138, s11  }
0x6: {  	[smem:$0x7FF] =	sst s3;
	s21 =	smul.u32 $0x27000, s11;
	s26 =	sadd.s32 $0x9C000, s2  }
0x7: {  	p0 =	sne.s32 s11, $0xF;
	s4 =	sor.u32 s1, s4;
	s6 =	smul.u32 $0x13C0, s1  }
0x8: {  	_ =	strace $0x80000056;
	s7 =	ssub.s32 $0x2, s1;
	s1 =	smul.u32 $0x9E000, s1  }
0x9: {  	[dreg:$0x7] =	wrdreg s26;
	s26 =	simm.s32 $0x14000;
	s5 =	smul.u32 $0xA00, s4  }
0xa: {  	s4 =	sadd.s32 $0x55A00, s0;
	s9 =	sshrl.u32 s7, $0x1;
	s22 =	sshrl.u32 s8, $0x2  }
0xb: {  	s23 =	sshrl.u32 s21, $0x2;
	s9 =	ssub.s32 s7, s9;
	s10 =	sadd.s32 s10, s6  }
0xc: {  	s7 =	sadd.s32 s22, s2;
	s8 =	sadd.s32 s23, s2;
	s1 =	sshrl.u32 s1, $0x3  }
0xd: {  	s5 =	sadd.s32 s5, s0;
	s0 =	sadd.s32 $0x7CC00, s0;
	s24 =	sshll.u32 s10, $0x4  }
0xe: {  	s25 =	sadd.s32 $0x8000, s8;
	s14 =	smax.u32 s9, $0x1;
	s15 =	sadd.s32 $0x2000, s7  }
0xf: {  	s16 =	sadd.s32 $0x4000, s7;
	s17 =	sadd.s32 $0x6000, s7;
	s18 =	sadd.s32 $0x8000, s7  }
0x10: {  	s19 =	sadd.s32 $0x2000, s8;
	s21 =	sadd.s32 $0x4000, s8;
	s23 =	sadd.s32 $0x6000, s8  }
0x11: {  	s12 =	sadd.s32 $0x41A00, s5;
	s5 =	sadd.s32 $0x6200, s5;
	[dreg:$0x5] =	wrdreg s25  }
0x12: {  	s10 =	sadd.s32 s0, s24;
	s0 =	sadd.s32 s0, s1;
	[dreg:$0x3] =	wrdreg s12  }
0x13: {  	s25 =	simm.s32 $0x3;
	s1 =	simm.s32 $0x1;
	[dreg:$0x4] =	wrdreg s5  }
0x14: {  	s5 =	sadd.s32 $0x1000, s10;
	s0 =	sadd.s32 $0x13800, s0;
	s20 =	sadd.s32 $0x400, s10  }
0x15: {  	s22 =	sadd.s32 $0x800, s10;
	s24 =	sadd.s32 $0xC00, s10;
	[dreg:$0x6] =	wrdreg s5  }
0x16: {  	v1 =	vimm.f32 $0.0e+00;
	v0 =	vmov s6;
	[dreg:$0x8] =	wrdreg s0;
	s0 =	simm.s32 $0x2;
	s5 =	simm.s32 $0x0  }
.LBB2_1:
0x17: {  	s6 =	rddreg [dreg:$0x3]  }
0x18: {  	[tilespmem:s3], [sflag:$0x3] =	stream.linear.gather [hbm4b:s6+s3], $0x4E80, $0x38;
	v63 =	vld [tilespmem:$0x0]  }
0x19: {  	_ =	swait.ge [sflag:s25], $0x4E80  }
0x1a: {  	[sflag:s25] =	ssyncset.done $0x0  }
0x1b: {  	s9 =	simm.s32 $0x5000;
	s13 =	rddreg [dreg:$0x4];
	[sflag:s25] =	ssyncadd.s32 $0xFFFFB180  }
0x1c: {  	[tilespmem:s9], [sflag:$0x3] =	stream.linear.gather [hbm4b:s13+s3], $0x4E80, $0x38;
	v63 =	vld [tilespmem:$0x0]  }
0x1d: {  	_ =	swait.ge [sflag:s25], $0x4E80  }
0x1e: {  	[sflag:s25] =	ssyncset.done $0x0  }
0x1f: {  	s6 =	simm.s32 $0x0;
	s9 =	simm.s32 $0x200;
	[sflag:s25] =	ssyncadd.s32 $0xFFFFB180  }
.LBB2_2:
0x20: {  	p1 =	sne.s32 s9, $0x7E00;
	[tilespmem:s6+$0x12070] =	vst v1  }
0x21: {  	[tilespmem:s6+$0x12000] =	vst v1  }
0x22: {  	[tilespmem:s6+$0x12010] =	vst v1  }
.Ltmp0:
0x23: {  	[tilespmem:s6+$0x12020] =	vst v1;
	(pc) =	sbr.rel @p1 .LBB2_2-.Ltmp0, $4  }
0x24: {  	[tilespmem:s6+$0x12030] =	vst v1  }
0x25: {  	[tilespmem:s6+$0x12040] =	vst v1  }
0x26: {  	[tilespmem:s6+$0x12050] =	vst v1  }
0x27: {  	[tilespmem:s6+$0x12060] =	vst v1;
	s6 =	sshra.s32 s9, $0x2;
	s9 =	sadd.s32 $0x200, s9  }
0x28: {  	[tilespmem:s6+$0x12070] =	vst v1  }
0x29: {  	[tilespmem:s6+$0x12000] =	vst v1  }
0x2a: {  	[tilespmem:s6+$0x12010] =	vst v1  }
0x2b: {  	[tilespmem:s6+$0x12020] =	vst v1  }
0x2c: {  	[tilespmem:s6+$0x12030] =	vst v1  }
0x2d: {  	[tilespmem:s6+$0x12040] =	vst v1  }
0x2e: {  	[tilespmem:s6+$0x12050] =	vst v1  }
0x2f: {  	[tilespmem:s6+$0x12060] =	vst v1;
	s6 =	simm.s32 $0x70  }
0x30: {  	v2 =	vld [tilespmem:s6+$0x4F90]  }
0x31: {  	v3 =	vld [tilespmem:s6+$0x4FA0];
	_ =	sdelay $0x2  }
0x32: {  	v4 =	vld [tilespmem:s6+$0x4FB0]  }
0x33: {  	v9 =	vld [tilespmem:s6+$0x4FC0]  }
0x34: {  	v5 =	vsub.s32 v2, v0;
	v2 =	vand.u32 $0x3F, v2;
	v7 =	vsub.s32 v3, v0  }
0x35: {  	v6 =	vld [tilespmem:s6+$0x4FD0];
	v3 =	vand.u32 $0x3F, v3;
	vm0 =	vlt.u32 v5, $0x13C0;
	v2 =	vor.u32 $0x13C0, v2  }
0x36: {  	v5 =	vsel vm0, v5, v2;
	vm0 =	vlt.u32 v7, $0x13C0;
	v2 =	vor.u32 $0x13C0, v3  }
0x37: {  	v3 =	vsel vm0, v7, v2;
	v7 =	vsub.s32 v4, v0;
	v2 =	vand.u32 $0x3F, v4;
	v4 =	vld [tilespmem:s6+$0x4FE0]  }
0x38: {  	v8 =	vsub.s32 v9, v0;
	vm0 =	vlt.u32 v7, $0x13C0;
	v10 =	vor.u32 $0x13C0, v2;
	v2 =	vld [tilespmem:s6+$0x4FF0]  }
0x39: {  	s9 =	simm.s32 $0x3C0;
	v9 =	vand.u32 $0x3F, v9;
	v7 =	vsel vm0, v7, v10;
	vm0 =	vlt.u32 v8, $0x13C0  }
.LBB2_4:
0x3a: {  	p1 =	sne.s32 s9, $0x139C0;
	v9 =	vor.u32 $0x13C0, v9;
	v10 =	vsub.s32 v6, v0;
	v6 =	vand.u32 $0x3F, v6;
	v11 =	vld [tilespmem:s6+$0x5000]  }
0x3b: {  	s11 =	sshra.s32 s9, $0x2;
	[tilespmem:s6+$0x4F90] =	vst v5;
	v5 =	vsel vm0, v8, v9;
	vm0 =	vlt.u32 v10, $0x13C0;
	v6 =	vor.u32 $0x13C0, v6  }
0x3c: {  	v8 =	vld [tilespmem:s11+$0x4F90];
	[tilespmem:s6+$0x4FA0] =	vst v3;
	v3 =	vsel vm0, v10, v6;
	v6 =	vsub.s32 v4, v0;
	v4 =	vand.u32 $0x3F, v4  }
0x3d: {  	[tilespmem:s6+$0x4FB0] =	vst v7;
	vm0 =	vlt.u32 v6, $0x13C0;
	v4 =	vor.u32 $0x13C0, v4;
	v7 =	vsub.s32 v2, v0  }
0x3e: {  	v2 =	vand.u32 $0x3F, v2;
	v9 =	vld [tilespmem:s11+$0x4FA0];
	[tilespmem:s6+$0x4FC0] =	vst v5;
	v4 =	vsel vm0, v6, v4;
	vm0 =	vlt.u32 v7, $0x13C0  }
0x3f: {  	v2 =	vor.u32 $0x13C0, v2;
	[tilespmem:s6+$0x4FD0] =	vst v3;
	v3 =	vsub.s32 v11, v0;
	v5 =	vand.u32 $0x3F, v11  }
0x40: {  	v2 =	vsel vm0, v7, v2;
	v10 =	vld [tilespmem:s11+$0x4FB0];
	[tilespmem:s6+$0x4FE0] =	vst v4;
	vm0 =	vlt.u32 v3, $0x13C0;
	v4 =	vor.u32 $0x13C0, v5  }
0x41: {  	v5 =	vsub.s32 v8, v0;
	v11 =	vld [tilespmem:s11+$0x4FC0];
	[tilespmem:s6+$0x4FF0] =	vst v2;
	v2 =	vsel vm0, v3, v4  }
0x42: {  	v3 =	vand.u32 $0x3F, v8;
	vm0 =	vlt.u32 v5, $0x13C0;
	[tilespmem:s6+$0x5000] =	vst v2;
	s6 =	smov.u32 s11  }
.Ltmp1:
0x43: {  	v2 =	vor.u32 $0x13C0, v3;
	v3 =	vsub.s32 v9, v0;
	v4 =	vand.u32 $0x3F, v9;
	v6 =	vld [tilespmem:s6+$0x4FD0];
	(pc) =	sbr.rel @p1 .LBB2_4-.Ltmp1, $4  }
0x44: {  	v5 =	vsel vm0, v5, v2;
	vm0 =	vlt.u32 v3, $0x13C0;
	v2 =	vor.u32 $0x13C0, v4  }
0x45: {  	v3 =	vsel vm0, v3, v2;
	v7 =	vsub.s32 v10, v0;
	v2 =	vand.u32 $0x3F, v10;
	v4 =	vld [tilespmem:s6+$0x4FE0]  }
0x46: {  	vm0 =	vlt.u32 v7, $0x13C0;
	v9 =	vor.u32 $0x13C0, v2;
	v8 =	vsub.s32 v11, v0;
	v2 =	vld [tilespmem:s6+$0x4FF0]  }
0x47: {  	s9 =	sadd.s32 $0x200, s9;
	v7 =	vsel vm0, v7, v9;
	vm0 =	vlt.u32 v8, $0x13C0;
	v9 =	vand.u32 $0x3F, v11  }
0x48: {  	v9 =	vor.u32 $0x13C0, v9;
	v10 =	vsub.s32 v6, v0;
	v56 =	vand.u32 $0x3F, v6;
	v11 =	vld [tilespmem:s6+$0x5000]  }
0x49: {  	[tilespmem:s6+$0x4F90] =	vst v5;
	v57 =	vsel vm0, v8, v9;
	vm12 =	vlt.u32 v10, $0x13C0;
	v6 =	vor.u32 $0x13C0, v56  }
0x4a: {  	[tilespmem:s6+$0x4FA0] =	vst v3;
	v3 =	vsel vm12, v10, v6;
	v58 =	vsub.s32 v4, v0;
	v59 =	vand.u32 $0x3F, v4  }
0x4b: {  	[tilespmem:s6+$0x4FB0] =	vst v7;
	vm13 =	vlt.u32 v58, $0x13C0;
	v4 =	vor.u32 $0x13C0, v59;
	v60 =	vsub.s32 v2, v0  }
0x4c: {  	[tilespmem:s6+$0x4FC0] =	vst v57;
	v2 =	vand.u32 $0x3F, v2;
	v4 =	vsel vm13, v58, v4;
	vm14 =	vlt.u32 v60, $0x13C0  }
0x4d: {  	[tilespmem:s6+$0x4FD0] =	vst v3;
	v2 =	vor.u32 $0x13C0, v2;
	v3 =	vsub.s32 v11, v0;
	v61 =	vand.u32 $0x3F, v11  }
0x4e: {  	[tilespmem:s6+$0x4FE0] =	vst v4;
	v2 =	vsel vm14, v60, v2;
	vm15 =	vlt.u32 v3, $0x13C0;
	v62 =	vor.u32 $0x13C0, v61  }
0x4f: {  	[tilespmem:s6+$0x4FF0] =	vst v2;
	v2 =	vsel vm15, v3, v62  }
0x50: {  	[tilespmem:s6+$0x5000] =	vst v2  }
0x51: {  	[spmem:s7] =	stream.linear.scatter [tilespmem:s28], [sflag:$0x3], $0x2000, $0x38;
	v63 =	vld [tilespmem:$0x0]  }
0x52: {  	_ =	swait.ge [sflag:s25], $0x2000  }
0x53: {  	[sflag:s25] =	ssyncset.done $0x0  }
0x54: {  	[sflag:s25] =	ssyncadd.s32 $0xFFFFE000  }
0x55: {  	[spmem:s15] =	stream.linear.scatter [tilespmem:s28], [sflag:$0x3], $0x2000, $0x38;
	v63 =	vld [tilespmem:$0x0]  }
0x56: {  	_ =	swait.ge [sflag:s25], $0x2000  }
0x57: {  	[sflag:s25] =	ssyncset.done $0x0  }
0x58: {  	[sflag:s25] =	ssyncadd.s32 $0xFFFFE000  }
0x59: {  	[spmem:s16] =	stream.linear.scatter [tilespmem:s28], [sflag:$0x3], $0x2000, $0x38;
	v63 =	vld [tilespmem:$0x0]  }
0x5a: {  	_ =	swait.ge [sflag:s25], $0x2000  }
0x5b: {  	[sflag:s25] =	ssyncset.done $0x0  }
0x5c: {  	[sflag:s25] =	ssyncadd.s32 $0xFFFFE000  }
0x5d: {  	[spmem:s17] =	stream.linear.scatter [tilespmem:s28], [sflag:$0x3], $0x2000, $0x38;
	v63 =	vld [tilespmem:$0x0]  }
0x5e: {  	_ =	swait.ge [sflag:s25], $0x2000  }
0x5f: {  	[sflag:s25] =	ssyncset.done $0x0  }
0x60: {  	[sflag:s25] =	ssyncadd.s32 $0xFFFFE000  }
0x61: {  	[spmem:s18] =	stream.linear.scatter [tilespmem:s28], [sflag:$0x3], $0x2000, $0x38;
	v63 =	vld [tilespmem:$0x0]  }
0x62: {  	_ =	swait.ge [sflag:s25], $0x2000  }
0x63: {  	[sflag:s25] =	ssyncset.done $0x0  }
0x64: {  	[sflag:s25] =	ssyncadd.s32 $0xFFFFE000  }
0x65: {  	s13 =	simm.s32 $0x0;
	[bflag:$0x0] =	sbarrier.arrive $0xFFFF  }
0x66: {  	[tilespmem:s30], [sflag:$0x1] =	stream.indirect.gather [hbm4b:s4+s29], $0x80, s13, s29, $0xb8;
	v63 =	vld [tilespmem:$0x0]  }
0x67: {  	s9 =	simm.s32 $0x80  }
0x68: {  	[tilespmem:s31], [sflag:$0x2] =	stream.indirect.gather [hbm4b:s4+s29], $0x80, s9, s29, $0xb8;
	v63 =	vld [tilespmem:$0x0]  }
0x69: {  	_ =	swait.ge [sflag:s1], $0x4000  }
0x6a: {  	[sflag:s1] =	ssyncset.done $0x0  }
0x6b: {  	s11 =	simm.s32 $0x5000;
	[sflag:s1] =	ssyncadd.s32 $0xFFFFC000  }
0x6c: {  	[spmem:s2] =	stream.indirect.scatter.add.f32 [tilespmem:s30], [sflag:$0x3], $0x80, s11, s29, $0xb8;
	v63 =	vld [tilespmem:$0x0]  }
0x6d: {  	_ =	swait.ge [sflag:s25], $0x4000  }
0x6e: {  	[sflag:s25] =	ssyncset.done $0x0  }
0x6f: {  	s12 =	simm.s32 $0x100;
	[sflag:s25] =	ssyncadd.s32 $0xFFFFC000  }
0x70: {  	[tilespmem:s30], [sflag:$0x1] =	stream.indirect.gather [hbm4b:s4+s29], $0x80, s12, s29, $0xb8;
	v63 =	vld [tilespmem:$0x0]  }
0x71: {  	_ =	swait.ge [sflag:s0], $0x4000  }
0x72: {  	[sflag:s0] =	ssyncset.done $0x0  }
0x73: {  	s13 =	simm.s32 $0x5080;
	[sflag:s0] =	ssyncadd.s32 $0xFFFFC000  }
0x74: {  	[spmem:s2] =	stream.indirect.scatter.add.f32 [tilespmem:s31], [sflag:$0x3], $0x80, s13, s29, $0xb8;
	v63 =	vld [tilespmem:$0x0]  }
0x75: {  	_ =	swait.ge [sflag:s25], $0x4000  }
0x76: {  	s6 =	simm.s32 $0x100;
	s9 =	simm.s32 $0x800;
	[sflag:s25] =	ssyncset.done $0x0  }
.LBB2_6:
0x77: {  	s11 =	sadd.s32 $0x80, s6  }
0x78: {  	[sflag:s25] =	ssyncadd.s32 $0xFFFFC000;
	s12 =	smov.u32 s9;
	s13 =	sadd.s32 $0x400, s9  }
0x79: {  	[tilespmem:s31], [sflag:$0x2] =	stream.indirect.gather [hbm4b:s4+s29], $0x80, s11, s29, $0xb8;
	v63 =	vld [tilespmem:$0x0]  }
0x7a: {  	p1 =	sne.s32 s9, $0x13400;
	_ =	swait.ge [sflag:s1], $0x4000  }
0x7b: {  	[sflag:s1] =	ssyncset.done $0x0  }
0x7c: {  	s9 =	sadd.s32 $0x5000, s6;
	[sflag:s1] =	ssyncadd.s32 $0xFFFFC000  }
0x7d: {  	[spmem:s2] =	stream.indirect.scatter.add.f32 [tilespmem:s30], [sflag:$0x3], $0x80, s9, s29, $0xb8;
	v63 =	vld [tilespmem:$0x0]  }
0x7e: {  	_ =	swait.ge [sflag:s25], $0x4000  }
0x7f: {  	[sflag:s25] =	ssyncset.done $0x0  }
0x80: {  	s9 =	sadd.s32 $0x100, s6;
	[sflag:s25] =	ssyncadd.s32 $0xFFFFC000  }
0x81: {  	[tilespmem:s30], [sflag:$0x1] =	stream.indirect.gather [hbm4b:s4+s29], $0x80, s9, s29, $0xb8;
	v63 =	vld [tilespmem:$0x0]  }
0x82: {  	_ =	swait.ge [sflag:s0], $0x4000  }
.Ltmp2:
0x83: {  	[sflag:s0] =	ssyncset.done $0x0;
	(pc) =	sbr.rel @p1 .LBB2_6-.Ltmp2, $4  }
0x84: {  	s6 =	sadd.s32 $0x5080, s6;
	[sflag:s0] =	ssyncadd.s32 $0xFFFFC000  }
0x85: {  	[spmem:s2] =	stream.indirect.scatter.add.f32 [tilespmem:s31], [sflag:$0x3], $0x80, s6, s29, $0xb8;
	v63 =	vld [tilespmem:$0x0]  }
0x86: {  	_ =	swait.ge [sflag:s25], $0x4000  }
0x87: {  	s9 =	smov.u32 s13;
	s6 =	sshra.s32 s12, $0x2;
	[sflag:s25] =	ssyncset.done $0x0  }
0x88: {  	s9 =	sadd.s32 $0x80, s6;
	[sflag:s25] =	ssyncadd.s32 $0xFFFFC000  }
0x89: {  	[tilespmem:s31], [sflag:$0x2] =	stream.indirect.gather [hbm4b:s4+s29], $0x80, s9, s29, $0xb8;
	v63 =	vld [tilespmem:$0x0]  }
0x8a: {  	_ =	swait.ge [sflag:s1], $0x4000  }
0x8b: {  	[sflag:s1] =	ssyncset.done $0x0  }
0x8c: {  	s12 =	sadd.s32 $0x5000, s6;
	[sflag:s1] =	ssyncadd.s32 $0xFFFFC000  }
0x8d: {  	[spmem:s2] =	stream.indirect.scatter.add.f32 [tilespmem:s30], [sflag:$0x3], $0x80, s12, s29, $0xb8;
	v63 =	vld [tilespmem:$0x0]  }
0x8e: {  	_ =	swait.ge [sflag:s25], $0x4000  }
0x8f: {  	[sflag:s25] =	ssyncset.done $0x0  }
0x90: {  	s13 =	sadd.s32 $0x100, s6;
	[sflag:s25] =	ssyncadd.s32 $0xFFFFC000  }
0x91: {  	[tilespmem:s30], [sflag:$0x1] =	stream.indirect.gather [hbm4b:s4+s29], $0x80, s13, s29, $0xb8;
	v63 =	vld [tilespmem:$0x0]  }
0x92: {  	_ =	swait.ge [sflag:s0], $0x4000  }
0x93: {  	[sflag:s0] =	ssyncset.done $0x0  }
0x94: {  	s9 =	sadd.s32 $0x5080, s6;
	[sflag:s0] =	ssyncadd.s32 $0xFFFFC000  }
0x95: {  	[spmem:s2] =	stream.indirect.scatter.add.f32 [tilespmem:s31], [sflag:$0x3], $0x80, s9, s29, $0xb8;
	v63 =	vld [tilespmem:$0x0]  }
0x96: {  	_ =	swait.ge [sflag:s25], $0x4000  }
0x97: {  	[sflag:s25] =	ssyncset.done $0x0  }
0x98: {  	[sflag:s25] =	ssyncadd.s32 $0xFFFFC000  }
0x99: {  	_ =	swait.ge [sflag:s1], $0x4000  }
0x9a: {  	[sflag:s1] =	ssyncset.done $0x0  }
0x9b: {  	s11 =	simm.s32 $0x9E00;
	[sflag:s1] =	ssyncadd.s32 $0xFFFFC000  }
0x9c: {  	[spmem:s2] =	stream.indirect.scatter.add.f32 [tilespmem:s30], [sflag:$0x3], $0x80, s11, s29, $0xb8;
	v63 =	vld [tilespmem:$0x0]  }
0x9d: {  	_ =	swait.ge [sflag:s25], $0x4000  }
0x9e: {  	[sflag:s25] =	ssyncset.done $0x0  }
0x9f: {  	[sflag:s25] =	ssyncadd.s32 $0xFFFFC000  }
0xa0: {  	[bflag:$0x0] =	sbarrier.arrive $0xFFFF  }
0xa1: {  	[tilespmem:s26], [sflag:$0x3] =	stream.linear.gather [spmem:s8], $0x2000, $0x38;
	v63 =	vld [tilespmem:$0x0]  }
0xa2: {  	_ =	swait.ge [sflag:s25], $0x2000  }
0xa3: {  	[sflag:s25] =	ssyncset.done $0x0  }
0xa4: {  	[sflag:s25] =	ssyncadd.s32 $0xFFFFE000  }
0xa5: {  	[hbm4b:s10+s3] =	stream.linear.scatter [tilespmem:s26], [sflag:$0x3], $0x2000, $0x38;
	v63 =	vld [tilespmem:$0x0]  }
0xa6: {  	_ =	swait.ge [sflag:s25], $0x2000  }
0xa7: {  	[sflag:s25] =	ssyncset.done $0x0  }
0xa8: {  	[sflag:s25] =	ssyncadd.s32 $0xFFFFE000  }
0xa9: {  	[tilespmem:s26], [sflag:$0x3] =	stream.linear.gather [spmem:s19], $0x2000, $0x38;
	v63 =	vld [tilespmem:$0x0]  }
0xaa: {  	_ =	swait.ge [sflag:s25], $0x2000  }
0xab: {  	[sflag:s25] =	ssyncset.done $0x0  }
0xac: {  	[sflag:s25] =	ssyncadd.s32 $0xFFFFE000  }
0xad: {  	[hbm4b:s20+s3] =	stream.linear.scatter [tilespmem:s26], [sflag:$0x3], $0x2000, $0x38;
	v63 =	vld [tilespmem:$0x0]  }
0xae: {  	_ =	swait.ge [sflag:s25], $0x2000  }
0xaf: {  	[sflag:s25] =	ssyncset.done $0x0  }
0xb0: {  	[sflag:s25] =	ssyncadd.s32 $0xFFFFE000  }
0xb1: {  	[tilespmem:s26], [sflag:$0x3] =	stream.linear.gather [spmem:s21], $0x2000, $0x38;
	v63 =	vld [tilespmem:$0x0]  }
0xb2: {  	_ =	swait.ge [sflag:s25], $0x2000  }
0xb3: {  	[sflag:s25] =	ssyncset.done $0x0  }
0xb4: {  	[sflag:s25] =	ssyncadd.s32 $0xFFFFE000  }
0xb5: {  	[hbm4b:s22+s3] =	stream.linear.scatter [tilespmem:s26], [sflag:$0x3], $0x2000, $0x38;
	v63 =	vld [tilespmem:$0x0]  }
0xb6: {  	_ =	swait.ge [sflag:s25], $0x2000  }
0xb7: {  	[sflag:s25] =	ssyncset.done $0x0  }
0xb8: {  	[sflag:s25] =	ssyncadd.s32 $0xFFFFE000  }
0xb9: {  	[tilespmem:s26], [sflag:$0x3] =	stream.linear.gather [spmem:s23], $0x2000, $0x38;
	v63 =	vld [tilespmem:$0x0]  }
0xba: {  	_ =	swait.ge [sflag:s25], $0x2000  }
0xbb: {  	[sflag:s25] =	ssyncset.done $0x0  }
0xbc: {  	[sflag:s25] =	ssyncadd.s32 $0xFFFFE000  }
0xbd: {  	[hbm4b:s24+s3] =	stream.linear.scatter [tilespmem:s26], [sflag:$0x3], $0x2000, $0x38;
	v63 =	vld [tilespmem:$0x0]  }
0xbe: {  	_ =	swait.ge [sflag:s25], $0x2000  }
0xbf: {  	[sflag:s25] =	ssyncset.done $0x0  }
0xc0: {  	s12 =	rddreg [dreg:$0x5];
	[sflag:s25] =	ssyncadd.s32 $0xFFFFE000  }
0xc1: {  	[tilespmem:s26], [sflag:$0x3] =	stream.linear.gather [spmem:s12], $0x1C00, $0x38;
	v63 =	vld [tilespmem:$0x0]  }
0xc2: {  	_ =	swait.ge [sflag:s25], $0x1C00  }
0xc3: {  	[sflag:s25] =	ssyncset.done $0x0  }
0xc4: {  	s13 =	rddreg [dreg:$0x6];
	[sflag:s25] =	ssyncadd.s32 $0xFFFFE400  }
0xc5: {  	[hbm4b:s13+s3] =	stream.linear.scatter [tilespmem:s26], [sflag:$0x3], $0x1C00, $0x38;
	v63 =	vld [tilespmem:$0x0]  }
0xc6: {  	_ =	swait.ge [sflag:s25], $0x1C00  }
0xc7: {  	[sflag:s25] =	ssyncset.done $0x0  }
0xc8: {  	s6 =	simm.s32 @!p0 $0x14000;
	s9 =	rddreg [dreg:$0x7];
	[sflag:s25] =	ssyncadd.s32 $0xFFFFE400  }
0xc9: {  	[tilespmem:s6], [sflag:$0x3] =	stream.linear.gather @!p0 [spmem:s9], $0x2000, $0x38;
	v63 =	vld [tilespmem:$0x0]  }
0xca: {  	s9 =	simm.s32 @!p0 $0x3  }
0xcb: {  	s5 =	sadd.s32 $0x1, s5;
	_ =	swait.ge @!p0 [sflag:s9], $0x2000  }
0xcc: {  	p1 =	sne.s32 s5, s14;
	s11 =	simm.s32 @!p0 $0x0;
	[sflag:s9] =	ssyncset.done @!p0 $0x0  }
.Ltmp3:
0xcd: {  	s12 =	rddreg [dreg:$0x8];
	[sflag:s9] =	ssyncadd.s32 @!p0 $0xFFFFE000;
	(pc) =	sbr.rel @p1 .LBB2_1-.Ltmp3, $4  }
0xce: {  	[hbm4b:s12+s11] =	stream.linear.scatter @!p0 [tilespmem:s6], [sflag:$0x3], $0x2000, $0x38;
	v63 =	vld [tilespmem:$0x0]  }
0xcf: {  	_ =	swait.ge @!p0 [sflag:s9], $0x2000  }
0xd0: {  	[sflag:s9] =	ssyncset.done @!p0 $0x0  }
0xd1: {  	[sflag:s9] =	ssyncadd.s32 @!p0 $0xFFFFE000  }
0xd2: {  	_ =	sfence.sel $0x180000  }
0xd3: {  	[bflag:$0x0] =	sbarrier.arrive $0xFFFF  }
0xd4: {  	_ =	strace $0x90000056  }
0xd5: {  	s0 =	stileid.u32;
	[bflag:$0x2] =	sbarrier.arrive $0xFFFF  }
0xd6: {  	p0 =	sne.s32 s0, $0x0;
	s0 =	rddreg [dreg:$0x2]  }
0xd7: {  	s0 =	sadd.s32 @!p0 $0x100000, s0  }
0xd8: {  	[sflag:s0] =	ssyncadd.tile.s32 @!p0 $0x1;
	_ =	shalt  }
.Lfunc_end2:
_tile_overlayer_lowered:
.L_overlay_start_2:
0xd9: {  	(tag) =	ssettag $0x2  }
0xda: {  	s0 =	rddreg [dreg:$0x0];
	s2 =	stileid.u32  }
0xdb: {  	s1 =	rddreg [dreg:$0x1];
	p0 =	sne.s32 s2, $0x0  }
0xdc: {  	s3 =	rddreg [dreg:$0x2];
	[bflag:$0x3] =	sbarrier.arrive $0xFFFF;
	s2 =	simm.s32 @!p0 $0x1C03  }
0xdd: {  	[timem:s3], [sflag:s2] =	dma.local @!p0 [hbm:s0], s1  }
0xde: {  	s0 =	simm.s32 @!p0 $0x3  }
0xdf: {  	_ =	swait.ge @!p0 [sflag:s0], s1  }
0xe0: {  	s1 =	ssub.s32 @!p0 $0x0, s1;
	[sflag:s0] =	ssyncset.done @!p0 $0x0  }
0xe1: {  	[sflag:s0] =	ssyncadd.s32 @!p0 s1  }
0xe2: {  	[bflag:$0x3] =	sbarrier.arrive $0xFFFF  }
0xe3: {  	_ =	shalt  }

// kernel: kernel.30.cloned.1.call-start
scs
__scs_entry_jumppad:
0x0: {  	(pc) =	sbr.rel $0x88, $3  }
0x1: {  	(tag) =	ssettag $0x0;
	lr =	simm.s32 $0x1  }
0x2: {  	[smem:$0x3F94] =	sst lr;
	_ =	strace $0xD0000000  }
0x3: {  	_ = 	snop  }
0x4: {  	_ = 	snop  }
0x5: {  	_ = 	snop  }
0x6: {  	_ = 	snop  }
0x7: {  	_ = 	snop  }
__scs_overlays_trampoline_lowered:
0x8: {  	[smem:$0x3FA3] =	sst s0  }
0x9: {  	[smem:$0x3FA4] =	sst s1  }
0xa: {  	[smem:$0x3FA5] =	sst s2  }
0xb: {  	[smem:$0x3FA6] =	sst s3  }
0xc: {  	[smem:$0x3FA7] =	sst s4  }
0xd: {  	[smem:$0x3FA8] =	sst s5  }
0xe: {  	[smem:$0x3FA9] =	sst s6  }
0xf: {  	[smem:$0x3FAA] =	sst s7  }
0x10: {  	[smem:$0x3FAB] =	sst s8  }
0x11: {  	[smem:$0x3FAC] =	sst s9;
	s0 =	simm.s32 @!p0 $0x0  }
0x12: {  	s1 =	sld [smem:$0x3F92];
	s0 =	simm.s32 @p0 $0x1  }
0x13: {  	[smem:$0x3FAD] =	sst s0;
	s0 =	simm.s32 @!p1 $0x0  }
0x14: {  	s2 =	sld [smem:$0x3F91];
	s0 =	simm.s32 @p1 $0x1  }
0x15: {  	[smem:$0x3FAE] =	sst s0;
	s0 =	simm.s32 @!p2 $0x0  }
0x16: {  	s3 =	sld [smem:$0x3FDB];
	s0 =	simm.s32 @p2 $0x1  }
0x17: {  	s4 =	simm.s32 $0x1BF5;
	[smem:$0x3FB0] =	sst s0  }
0x18: {  	s0 =	sld [smem:$0x3F93];
	_ =	swait.ge [sflag:s4], $0x0  }
0x19: {  	s7 =	sld [smem:$0x3F94]  }
0x1a: {  	s8 =	sadd.s32 $0xFFFFE003, lr  }
0x1b: {  	s9 =	sadd.s32 $0xFFFFFEF7, lr;
	s5 =	simm.s32 $0xFFFFFFFF;
	p2 =	slt.u32 s8, $0xFFFFF086  }
0x1c: {  	p1 =	slt.u32 s9, $0xF7A;
	s5 =	simm.s32 @!p2 $0x0  }
0x1d: {  	s5 =	simm.s32 @p1 $0x1;
	p0 =	seq.s32 s7, s2  }
0x1e: {  	s7 =	smul.u32 @!p0 $0xF7A, s2;
	p2 =	seq.s32 @!p0 s5, $0x0  }
0x1f: {  	s9 =	smul.u32 $0xF7A, s1;
	s8 =	simm.s32 @!p0 $0x1BF5;
	p2 =	por !p2, p0  }
0x20: {  	[sflag:s8] =	ssyncset.s32 @!p0 $0xFFFFF086;
	s6 =	sadd.s32 @!p0 s3, s7;
	s7 =	simm.s32 @!p0 $0x108  }
0x21: {  	s3 =	sadd.s32 s3, s9;
	s6 =	sadd.s32 @!p0 $0x88, s6;
	s7 =	simm.s32 @p2 $0x1082  }
0x22: {  	[simem:s7], [sflag:s8] =	dma.local @!p0 [hbm:s6], $0xF7A  }
0x23: {  	s9 =	sor.u32 $0xD0000000, s2;
	s6 =	simm.s32 $0x108;
	_ =	swait.ge @!p0 [sflag:s8], $0x0  }
0x24: {  	s3 =	sadd.s32 $0x88, s3;
	s6 =	simm.s32 @!p1 $0x1082;
	[sflag:s4] =	ssyncset.s32 $0xFFFFF086  }
0x25: {  	[simem:s6], [sflag:s4] =	dma.local [hbm:s3], $0xF7A  }
0x26: {  	[smem:$0x3F94] =	sst s1;
	(tag) =	ssettag s2;
	_ =	strace s9  }
0x27: {  	s1 =	sld [smem:$0x3FA4]  }
0x28: {  	s2 =	sld [smem:$0x3FA5]  }
0x29: {  	s4 =	sld [smem:$0x3FA7]  }
0x2a: {  	p0 =	seq.s32 s5, $0x0;
	s5 =	sld [smem:$0x3FA8]  }
0x2b: {  	s6 =	sld [smem:$0x3FA9]  }
0x2c: {  	s7 =	sld [smem:$0x3FAA]  }
0x2d: {  	s3 =	simm.s32 $0x108;
	s8 =	sld [smem:$0x3FAB]  }
0x2e: {  	s3 =	simm.s32 @!p0 $0x1082;
	s9 =	sld [smem:$0x3FAC]  }
0x2f: {  	lr =	sadd.s32 s0, s3;
	s0 =	sld [smem:$0x3FA3]  }
0x30: {  	s3 =	sld [smem:$0x3FA6]  }
0x31: {  	[smem:$0x3FAF] =	sst s10  }
0x32: {  	s10 =	sld [smem:$0x3FAD];
	_ =	sdelay $0x3  }
0x33: {  	p0 =	seq.s32 s10, $0x1;
	s10 =	sld [smem:$0x3FAF];
	_ =	sdelay $0x3  }
0x34: {  	[smem:$0x3FAF] =	sst s10  }
0x35: {  	s10 =	sld [smem:$0x3FAE];
	_ =	sdelay $0x3  }
0x36: {  	p1 =	seq.s32 s10, $0x1;
	s10 =	sld [smem:$0x3FAF];
	_ =	sdelay $0x3  }
0x37: {  	[smem:$0x3FAF] =	sst s10  }
0x38: {  	s10 =	sld [smem:$0x3FB0]  }
0x39: {  	_ = 	snop;
	(pc) =	sbr.ind lr, $3  }
0x3a: {  	_ = 	snop  }
0x3b: {  	_ = 	snop  }
0x3c: {  	p2 =	seq.s32 s10, $0x1;
	s10 =	sld [smem:$0x3FAF]  }
0x3d: {  	_ =	shalt  }
0x3e: {  	_ =	shalt  }
0x3f: {  	_ =	shalt  }
0x40: {  	_ =	shalt  }
0x41: {  	_ =	shalt  }
0x42: {  	_ =	shalt  }
0x43: {  	_ =	shalt  }
0x44: {  	_ =	shalt  }
0x45: {  	_ =	shalt  }
0x46: {  	_ =	shalt  }
0x47: {  	_ =	shalt  }
0x48: {  	_ =	shalt  }
0x49: {  	_ =	shalt  }
0x4a: {  	_ =	shalt  }
0x4b: {  	_ =	shalt  }
0x4c: {  	_ =	shalt  }
0x4d: {  	_ =	shalt  }
0x4e: {  	_ =	shalt  }
0x4f: {  	_ =	shalt  }
0x50: {  	_ =	shalt  }
0x51: {  	_ =	shalt  }
0x52: {  	_ =	shalt  }
0x53: {  	_ =	shalt  }
0x54: {  	_ =	shalt  }
0x55: {  	_ =	shalt  }
0x56: {  	_ =	shalt  }
0x57: {  	_ =	shalt  }
0x58: {  	_ =	shalt  }
0x59: {  	_ =	shalt  }
0x5a: {  	_ =	shalt  }
0x5b: {  	_ =	shalt  }
0x5c: {  	_ =	shalt  }
0x5d: {  	_ =	shalt  }
0x5e: {  	_ =	shalt  }
0x5f: {  	_ =	shalt  }
0x60: {  	_ =	shalt  }
0x61: {  	_ =	shalt  }
0x62: {  	_ =	shalt  }
0x63: {  	_ =	shalt  }
0x64: {  	_ =	shalt  }
0x65: {  	_ =	shalt  }
0x66: {  	_ =	shalt  }
0x67: {  	_ =	shalt  }
0x68: {  	_ =	shalt  }
0x69: {  	_ =	shalt  }
0x6a: {  	_ =	shalt  }
0x6b: {  	_ =	shalt  }
0x6c: {  	_ =	shalt  }
0x6d: {  	_ =	shalt  }
0x6e: {  	_ =	shalt  }
0x6f: {  	_ =	shalt  }
0x70: {  	_ =	shalt  }
0x71: {  	_ =	shalt  }
0x72: {  	_ =	shalt  }
0x73: {  	_ =	shalt  }
0x74: {  	_ =	shalt  }
0x75: {  	_ =	shalt  }
0x76: {  	_ =	shalt  }
0x77: {  	_ =	shalt  }
0x78: {  	_ =	shalt  }
0x79: {  	_ =	shalt  }
0x7a: {  	_ =	shalt  }
0x7b: {  	_ =	shalt  }
0x7c: {  	_ =	shalt  }
0x7d: {  	_ =	shalt  }
0x7e: {  	_ =	shalt  }
0x7f: {  	_ =	shalt  }
0x80: {  	_ =	shalt  }
0x81: {  	_ =	shalt  }
0x82: {  	_ =	shalt  }
0x83: {  	_ =	shalt  }
0x84: {  	_ =	shalt  }
0x85: {  	_ =	shalt  }
0x86: {  	_ =	shalt  }
0x87: {  	_ =	shalt  }
.Lfunc_end0:
.L_simem_size_0:
called_computation.6_lowered:
.L_overlay_start_0:
0x88: {  	s2 =	sld [smem:$0x3FD9]  }
0x89: {  	s3 =	sld [smem:$0x3FFE];
	_ =	sdelay $0x1  }
0x8a: {  	s1 =	srdreg.scid  }
0x8b: {  	s0 =	sand.u32 $0x1, s1  }
0x8c: {  	s16 =	sshll.u32 s0, $0xA;
	s2 =	sadd.s32 s3, s2  }
0x8d: {  	s2 =	sadd.s32 s2, s16  }
0x8e: {  	[smem:$0x3FBB] =	sst s2  }
0x8f: {  	_ = 	snop  }
0x90: {  	(tm) =	ssettm $0x1  }
0x91: {  	s17 =	sld [smem:$0x3FFB];
	_ =	sdelay $0x3  }
0x92: {  	_ =	strace s17  }
0x93: {  	s2 =	sld [smem:$0x3FFC];
	_ =	sdelay $0x3  }
0x94: {  	_ =	strace s2  }
0x95: {  	s2 =	sld [smem:$0x3FFD];
	_ =	sdelay $0x3  }
0x96: {  	_ =	strace s2  }
0x97: {  	_ =	strace $0x8FFFFFFF  }
0x98: {  	s18 =	sld [smem:$0x3FDB];
	_ =	sdelay $0x1  }
0x99: {  	s19 =	simm.s32 $_scs_section_size  }
0x9a: {  	s4 =	simm.s32 $_size__tile_overlayer_lowered;
	s5 =	simm.s32 $_tile_overlayer_lowered  }
0x9b: {  	s22 =	simm.s32 $0x1BFF;
	s21 =	sshll.u32 s5, $0x1;
	s2 =	sadd.s32 s19, s18  }
0x9c: {  	s6 =	simm.s32 $0x0;
	s20 =	sshll.u32 s4, $0x1;
	s4 =	sadd.s32 s21, s2  }
0x9d: {  	[timem:s6], [sflag:s22] =	dma.local [hbm:s4], s20  }
0x9e: {  	_ =	swait.ge [sflag:s22], s20  }
0x9f: {  	s3 =	ssub.s32 $0x0, s20;
	[sflag:s22] =	ssyncset.done $0x0  }
0xa0: {  	[sflag:s22] =	ssyncadd.s32 s3;
	_ =	sdelay $0x1  }
0xa1: {  	s23 =	simm.s32 $0x1B8B  }
0xa2: {  	_ =	swait.ge [sflag:s23], $0x1  }
0xa3: {  	[sflag:s23] =	ssyncset.done $0x0  }
0xa4: {  	s25 =	simm.s32 $0x1B8E;
	s24 =	sld [smem:$0x3FFE];
	[sflag:s23] =	ssyncadd.s32 $0xFFFFFFFF  }
0xa5: {  	s26 =	simm.s32 $execute0_lowered;
	[smem:$0x3FD2] =	sst s25  }
0xa6: {  	s4 =	sshll.u32 s26, $0x1;
	_ =	strace $0x80000058;
	[dreg:$0x1] =	wrdreg $0xFFFFFFFF  }
0xa7: {  	s28 =	simm.s32 $_size_execute0_lowered;
	s2 =	sadd.s32 s2, s4;
	[dreg:$0x0] =	wrdreg $0x0  }
0xa8: {  	s4 =	sshll.u32 s28, $0x1;
	[dreg:$0x2] =	wrdreg s2  }
0xa9: {  	[dreg:$0x3] =	wrdreg s4  }
0xaa: {  	[dreg:$0x4] =	wrdreg $0xC0  }
0xab: {  	_ =	task [dreg:s6], $0x5FFFF  }
0xac: {  	[dreg:$0x1] =	wrdreg $0xFFFFFFFF  }
0xad: {  	[dreg:$0x0] =	wrdreg $0x60  }
0xae: {  	[dreg:$0x2] =	wrdreg s24  }
0xaf: {  	[dreg:$0x3] =	wrdreg $0xA2000  }
0xb0: {  	[dreg:$0x4] =	wrdreg $0xA6000  }
0xb1: {  	[dreg:$0x5] =	wrdreg $0x9  }
0xb2: {  	_ =	task.clear_ibuf [dreg:s6], $0x6FFFF;
	_ =	strace $0x90000058  }
0xb3: {  	s29 =	simm.s32 $0x9;
	_ =	strace $0x8000005A  }
0xb4: {  	_ =	swait.ge [sflag:s29], $0x1  }
0xb5: {  	[sflag:s29] =	ssyncadd.s32 $0xFFFFFFFF  }
0xb6: {  	_ =	strace $0x9000005A  }
0xb7: {  	_ =	sfence  }
0xb8: {  	s30 =	sld [smem:$0x0];
	_ =	sdelay $0x2  }
0xb9: {  	s31 =	sshll.u32 s1, $0xD;
	s1 =	sshrl.u32 s1, $0x2  }
0xba: {  	s3 =	sand.u32 $0x4000, s31;
	s1 =	sadd.s32 s1, s30  }
0xbb: {  	s0 =	sor.u32 s3, s0;
	s1 =	sshll.u32 s1, $0x11  }
0xbc: {  	s0 =	sor.u32 s1, s0  }
0xbd: {  	s0 =	sadd.s32 $0x8F2B, s0  }
0xbe: {  	[sflag:s0] =	ssyncadd.remote.s32 $0x1  }
0xbf: {  	_ =	sfence.sel $0xFFFF  }
0xc0: {  	[dreg:$0x0] =	wrdreg $0xFFFFFFFF;
	(pc) =	sbr.abs _section_cstart, $3  }
0xc1: {  	[dreg:$0x1] =	wrdreg $0xFFFFFFFF  }
0xc2: {  	_ =	task.clear_ibuf [dreg:s6], $0x2FFFF;
	_ =	strace $0x9FFFFFFF  }
0xc3: {  	(tm) =	ssettm $0x7FFFFFFF  }
tec
execute0_lowered:
.L_overlay_start_1:
0x0: {  	(tag) =	ssettag $0x1  }
0x1: {  	s4 =	rddreg [dreg:$0x0]  }
0x2: {  	s0 =	srdreg.scid;
	s1 =	rddreg [dreg:$0x1]  }
0x3: {  	s14 =	stileid.u32;
	s2 =	rddreg [dreg:$0x2];
	s3 =	simm.s32 $0x0  }
0x4: {  	s13 =	simm.s32 $0x1;
	s15 =	simm.s32 $0x200;
	s16 =	simm.s32 $0x80  }
0x5: {  	s17 =	simm.s32 $0x4200;
	s18 =	simm.s32 $0x100;
	s19 =	simm.s32 $0x0  }
0x6: {  	s5 =	sand.u32 $0x1, s0;
	s28 =	sshll.u32 s14, $0x1;
	s0 =	rddreg [dreg:$0x3]  }
0x7: {  	[smem:$0x7FF] =	sst s3;
	s31 =	sshll.u32 s14, $0xA;
	p0 =	sne.s32 s14, $0x0  }
0x8: {  	s14 =	simm.s32 $0x8200;
	s6 =	sor.u32 s5, s28;
	_ =	strace $0x80000059  }
0x9: {  	s29 =	sshll.u32 s5, $0xA;
	s5 =	ssub.s32 $0x2, s5;
	s7 =	smul.u32 $0x1380, s6  }
0xa: {  	s6 =	sshll.u32 s6, $0x6;
	s8 =	sadd.s32 s29, s4;
	s30 =	sshrl.u32 s5, $0x1  }
0xb: {  	s6 =	sadd.s32 s6, s4;
	s9 =	ssub.s32 s5, s30;
	s5 =	sadd.s32 s31, s1  }
0xc: {  	s12 =	sadd.s32 s7, s4;
	s4 =	sadd.s32 $0x1A200, s6;
	s6 =	sadd.s32 s31, s2  }
0xd: {  	s7 =	sadd.s32 $0x6200, s8;
	s8 =	sadd.s32 $0x6A00, s8;
	s9 =	smax.u32 s9, $0x1  }
0xe: {  	v0 =	vimm.f32 $1.000000000e+00;
	v1 =	vimm.f32 $0.0e+00;
	s10 =	sadd.s32 $0x1AA00, s12;
	s11 =	sadd.s32 $0x1B200, s12;
	s12 =	sadd.s32 $0x1BA00, s12  }
.LBB2_1:
0xf: {  	[tilespmem:s3], [sflag:$0x1] =	stream.linear.gather [hbm4b:s4+s3], $0x180, $0x38;
	[tilespmem:$0xAA00] =	vst v63  }
0x10: {  	_ =	swait.ge [sflag:s13], $0x180  }
0x11: {  	[sflag:s13] =	ssyncset.done $0x0  }
0x12: {  	s20 =	simm.s32 $0x0;
	s21 =	simm.s32 $0x200;
	[sflag:s13] =	ssyncadd.s32 $0xFFFFFE80  }
.LBB2_2:
0x13: {  	p1 =	sne.s32 s21, $0xFE00;
	[tilespmem:s20+$0x4270] =	vst v0  }
0x14: {  	[tilespmem:s20+$0x4200] =	vst v0  }
0x15: {  	[tilespmem:s20+$0x4210] =	vst v0  }
.Ltmp0:
0x16: {  	[tilespmem:s20+$0x4220] =	vst v0;
	(pc) =	sbr.rel @p1 .LBB2_2-.Ltmp0, $4  }
0x17: {  	[tilespmem:s20+$0x4230] =	vst v0  }
0x18: {  	[tilespmem:s20+$0x4240] =	vst v0  }
0x19: {  	[tilespmem:s20+$0x4250] =	vst v0  }
0x1a: {  	[tilespmem:s20+$0x4260] =	vst v0;
	s20 =	sshra.s32 s21, $0x2;
	s21 =	sadd.s32 $0x200, s21  }
0x1b: {  	[tilespmem:s20+$0x4270] =	vst v0  }
0x1c: {  	[tilespmem:s20+$0x4200] =	vst v0  }
0x1d: {  	[tilespmem:s20+$0x4210] =	vst v0  }
0x1e: {  	[tilespmem:s20+$0x4220] =	vst v0  }
0x1f: {  	[tilespmem:s20+$0x4230] =	vst v0  }
0x20: {  	[tilespmem:s20+$0x4240] =	vst v0  }
0x21: {  	[tilespmem:s20+$0x4250] =	vst v0  }
0x22: {  	[tilespmem:s20+$0x4260] =	vst v0;
	s20 =	simm.s32 $0x0;
	s21 =	simm.s32 $0x200  }
.LBB2_4:
0x23: {  	p1 =	sne.s32 s21, $0x7E00;
	[tilespmem:s20+$0x8270] =	vst v1  }
0x24: {  	[tilespmem:s20+$0x8200] =	vst v1  }
0x25: {  	[tilespmem:s20+$0x8210] =	vst v1  }
.Ltmp1:
0x26: {  	[tilespmem:s20+$0x8220] =	vst v1;
	(pc) =	sbr.rel @p1 .LBB2_4-.Ltmp1, $4  }
0x27: {  	[tilespmem:s20+$0x8230] =	vst v1  }
0x28: {  	[tilespmem:s20+$0x8240] =	vst v1  }
0x29: {  	[tilespmem:s20+$0x8250] =	vst v1  }
0x2a: {  	[tilespmem:s20+$0x8260] =	vst v1;
	s20 =	sshra.s32 s21, $0x2;
	s21 =	sadd.s32 $0x200, s21  }
0x2b: {  	[tilespmem:s20+$0x8270] =	vst v1  }
0x2c: {  	[tilespmem:s20+$0x8200] =	vst v1  }
0x2d: {  	[tilespmem:s20+$0x8210] =	vst v1  }
0x2e: {  	[tilespmem:s20+$0x8220] =	vst v1  }
0x2f: {  	[tilespmem:s20+$0x8230] =	vst v1  }
0x30: {  	[tilespmem:s20+$0x8240] =	vst v1  }
0x31: {  	[tilespmem:s20+$0x8250] =	vst v1  }
0x32: {  	[tilespmem:s20+$0x8260] =	vst v1  }
0x33: {  	[spmem:s5] =	stream.linear.scatter [tilespmem:s14], [sflag:$0x1], $0x400, $0x38;
	[tilespmem:$0xAA00] =	vst v63  }
0x34: {  	_ =	swait.ge [sflag:s13], $0x400  }
0x35: {  	[sflag:s13] =	ssyncset.done $0x0  }
0x36: {  	[sflag:s13] =	ssyncadd.s32 $0xFFFFFC00  }
0x37: {  	[spmem:s6] =	stream.linear.scatter [tilespmem:s14], [sflag:$0x1], $0x400, $0x38;
	[tilespmem:$0xAA00] =	vst v63  }
0x38: {  	_ =	swait.ge [sflag:s13], $0x400  }
0x39: {  	[sflag:s13] =	ssyncset.done $0x0  }
0x3a: {  	[sflag:s13] =	ssyncadd.s32 $0xFFFFFC00  }
0x3b: {  	[bflag:$0x0] =	sbarrier.arrive $0xFFFF  }
0x3c: {  	[tilespmem:s15], [sflag:$0x1] =	stream.linear.gather [hbm4b:s10+s3], $0x4000, $0x38;
	[tilespmem:$0xAA00] =	vst v63  }
0x3d: {  	_ =	swait.ge [sflag:s13], $0x4000  }
0x3e: {  	[sflag:s13] =	ssyncset.done $0x0  }
0x3f: {  	[sflag:s13] =	ssyncadd.s32 $0xFFFFC000  }
0x40: {  	[spmem:s1] =	stream.indirect.scatter.add.f32 [tilespmem:s15], [sflag:$0x1], $0x80, s3, s16, $0xb8;
	[tilespmem:$0xAA00] =	vst v63  }
0x41: {  	_ =	swait.ge [sflag:s13], $0x4000  }
0x42: {  	[sflag:s13] =	ssyncset.done $0x0  }
0x43: {  	[sflag:s13] =	ssyncadd.s32 $0xFFFFC000  }
0x44: {  	[spmem:s2] =	stream.indirect.scatter.add.f32 [tilespmem:s17], [sflag:$0x1], $0x80, s3, s16, $0xb8;
	[tilespmem:$0xAA00] =	vst v63  }
0x45: {  	_ =	swait.ge [sflag:s13], $0x4000  }
0x46: {  	[sflag:s13] =	ssyncset.done $0x0  }
0x47: {  	[sflag:s13] =	ssyncadd.s32 $0xFFFFC000  }
0x48: {  	[tilespmem:s15], [sflag:$0x1] =	stream.linear.gather [hbm4b:s11+s3], $0x4000, $0x38;
	[tilespmem:$0xAA00] =	vst v63  }
0x49: {  	_ =	swait.ge [sflag:s13], $0x4000  }
0x4a: {  	[sflag:s13] =	ssyncset.done $0x0  }
0x4b: {  	[sflag:s13] =	ssyncadd.s32 $0xFFFFC000  }
0x4c: {  	[spmem:s1] =	stream.indirect.scatter.add.f32 [tilespmem:s15], [sflag:$0x1], $0x80, s16, s16, $0xb8;
	[tilespmem:$0xAA00] =	vst v63  }
0x4d: {  	_ =	swait.ge [sflag:s13], $0x4000  }
0x4e: {  	[sflag:s13] =	ssyncset.done $0x0  }
0x4f: {  	[sflag:s13] =	ssyncadd.s32 $0xFFFFC000  }
0x50: {  	[spmem:s2] =	stream.indirect.scatter.add.f32 [tilespmem:s17], [sflag:$0x1], $0x80, s16, s16, $0xb8;
	[tilespmem:$0xAA00] =	vst v63  }
0x51: {  	_ =	swait.ge [sflag:s13], $0x4000  }
0x52: {  	[sflag:s13] =	ssyncset.done $0x0  }
0x53: {  	[sflag:s13] =	ssyncadd.s32 $0xFFFFC000  }
0x54: {  	[tilespmem:s15], [sflag:$0x1] =	stream.linear.gather [hbm4b:s12+s3], $0x4000, $0x38;
	[tilespmem:$0xAA00] =	vst v63  }
0x55: {  	_ =	swait.ge [sflag:s13], $0x4000  }
0x56: {  	[sflag:s13] =	ssyncset.done $0x0  }
0x57: {  	[sflag:s13] =	ssyncadd.s32 $0xFFFFC000  }
0x58: {  	[spmem:s1] =	stream.indirect.scatter.add.f32 [tilespmem:s15], [sflag:$0x1], $0x80, s18, s16, $0xb8;
	[tilespmem:$0xAA00] =	vst v63  }
0x59: {  	_ =	swait.ge [sflag:s13], $0x4000  }
0x5a: {  	[sflag:s13] =	ssyncset.done $0x0  }
0x5b: {  	[sflag:s13] =	ssyncadd.s32 $0xFFFFC000  }
0x5c: {  	[spmem:s2] =	stream.indirect.scatter.add.f32 [tilespmem:s17], [sflag:$0x1], $0x80, s18, s16, $0xb8;
	[tilespmem:$0xAA00] =	vst v63  }
0x5d: {  	_ =	swait.ge [sflag:s13], $0x4000  }
0x5e: {  	[sflag:s13] =	ssyncset.done $0x0  }
0x5f: {  	[sflag:s13] =	ssyncadd.s32 $0xFFFFC000  }
0x60: {  	s20 =	simm.s32 @!p0 $0x8200;
	s21 =	simm.s32 @!p0 $0x1;
	[bflag:$0x0] =	sbarrier.arrive $0xFFFF  }
0x61: {  	[tilespmem:s20], [sflag:$0x1] =	stream.linear.gather @!p0 [spmem:s1], $0x2000, $0x38;
	[tilespmem:$0xAA00] =	vst v63  }
0x62: {  	_ =	swait.ge @!p0 [sflag:s21], $0x2000  }
0x63: {  	[sflag:s21] =	ssyncset.done @!p0 $0x0  }
0x64: {  	s22 =	simm.s32 @!p0 $0x0;
	[sflag:s21] =	ssyncadd.s32 @!p0 $0xFFFFE000  }
0x65: {  	[hbm4b:s7+s22] =	stream.linear.scatter @!p0 [tilespmem:s20], [sflag:$0x1], $0x2000, $0x38;
	[tilespmem:$0xAA00] =	vst v63  }
0x66: {  	_ =	swait.ge @!p0 [sflag:s21], $0x2000  }
0x67: {  	[sflag:s21] =	ssyncset.done @!p0 $0x0  }
0x68: {  	[sflag:s21] =	ssyncadd.s32 @!p0 $0xFFFFE000  }
0x69: {  	[tilespmem:s20], [sflag:$0x1] =	stream.linear.gather @!p0 [spmem:s2], $0x2000, $0x38;
	[tilespmem:$0xAA00] =	vst v63  }
0x6a: {  	s19 =	sadd.s32 $0x1, s19;
	_ =	swait.ge @!p0 [sflag:s21], $0x2000  }
0x6b: {  	p1 =	sne.s32 s19, s9;
	[sflag:s21] =	ssyncset.done @!p0 $0x0  }
.Ltmp2:
0x6c: {  	[sflag:s21] =	ssyncadd.s32 @!p0 $0xFFFFE000;
	(pc) =	sbr.rel @p1 .LBB2_1-.Ltmp2, $4  }
0x6d: {  	[hbm4b:s8+s22] =	stream.linear.scatter @!p0 [tilespmem:s20], [sflag:$0x1], $0x2000, $0x38;
	[tilespmem:$0xAA00] =	vst v63  }
0x6e: {  	_ =	swait.ge @!p0 [sflag:s21], $0x2000  }
0x6f: {  	[sflag:s21] =	ssyncset.done @!p0 $0x0  }
0x70: {  	[sflag:s21] =	ssyncadd.s32 @!p0 $0xFFFFE000  }
0x71: {  	_ =	sfence.sel $0x180000  }
0x72: {  	[bflag:$0x0] =	sbarrier.arrive $0xFFFF  }
0x73: {  	_ =	strace $0x90000059  }
0x74: {  	s0 =	sadd.s32 @!p0 $0x100000, s0;
	[bflag:$0x2] =	sbarrier.arrive $0xFFFF  }
0x75: {  	[sflag:s0] =	ssyncadd.tile.s32 @!p0 $0x1;
	_ =	shalt  }
.Lfunc_end2:
_tile_overlayer_lowered:
.L_overlay_start_2:
0x76: {  	(tag) =	ssettag $0x2  }
0x77: {  	s0 =	rddreg [dreg:$0x0];
	s2 =	stileid.u32  }
0x78: {  	s1 =	rddreg [dreg:$0x1];
	p0 =	sne.s32 s2, $0x0  }
0x79: {  	s3 =	rddreg [dreg:$0x2];
	[bflag:$0x3] =	sbarrier.arrive $0xFFFF;
	s2 =	simm.s32 @!p0 $0x1C01  }
0x7a: {  	[timem:s3], [sflag:s2] =	dma.local @!p0 [hbm:s0], s1  }
0x7b: {  	s0 =	simm.s32 @!p0 $0x1  }
0x7c: {  	_ =	swait.ge @!p0 [sflag:s0], s1  }
0x7d: {  	s1 =	ssub.s32 @!p0 $0x0, s1;
	[sflag:s0] =	ssyncset.done @!p0 $0x0  }
0x7e: {  	[sflag:s0] =	ssyncadd.s32 @!p0 s1  }
0x7f: {  	[bflag:$0x3] =	sbarrier.arrive $0xFFFF  }
0x80: {  	_ =	shalt  }

</sc_bundles>
